<compile_context>
chip_gen: v7x
topology: tpu7x:2x2x1
jax: 0.10.2.dev20260603
libtpu: 0.0.44.dev20260713+nightly
codegen_flags: <defaults>
</compile_context>

<pallas_src>
import functools

import jax
import jax.numpy as jnp
from jax import lax
from jax.experimental import pallas as pl
from jax.experimental.pallas import tpu as pltpu
from jax.experimental.pallas import tpu_sc as plsc

_EPS = 1e-8
_BIG = 3.4e38


def _feat_body(x1_ref, w1_ref, x2_ref, w2_ref,
               z1_ref, z2_ref, s1_ref, q1_ref, s2_ref, q2_ref):
    b = pl.program_id(0)
    z1 = jax.lax.dot_general(x1_ref[0], w1_ref[...], (((0,), (1,)), ((), ())),
                             preferred_element_type=jnp.float32)
    z1_ref[0] = z1
    z2 = jax.lax.dot_general(w2_ref[...], x2_ref[0], (((1,), (0,)), ((), ())),
                             preferred_element_type=jnp.float32)
    z2_ref[0] = z2
    s1 = jnp.sum(z1, axis=0, keepdims=True)
    q1 = jnp.sum(z1 * z1, axis=0, keepdims=True)
    s2 = jnp.sum(z2, axis=1, keepdims=True)
    q2 = jnp.sum(z2 * z2, axis=1, keepdims=True)

    @pl.when(b == 0)
    def _init():
        s1_ref[...] = s1
        q1_ref[...] = q1
        s2_ref[...] = s2
        q2_ref[...] = q2

    @pl.when(b != 0)
    def _acc():
        s1_ref[...] += s1
        q1_ref[...] += q1
        s2_ref[...] += s2
        q2_ref[...] += q2


def _knn_idx_body(n1, tn2, nt2, p1_ref, p2_ref, z1_ref, ab1_ref,
                  idx_ref, wexp_ref, f1n_ref, f1n_scr, p1sq_ref):
    @pl.when(pl.program_id(0) == 0)
    def _prep():
        a1 = ab1_ref[0:1, :]
        b1 = ab1_ref[1:2, :]
        f1n_scr[...] = jnp.maximum(z1_ref[0] * a1 + b1, 0.0)
        f1n_ref[0] = f1n_scr[...]
        p1 = p1_ref[0]
        ones = jnp.ones((1, 3), jnp.float32)
        p1sq_ref[...] = jax.lax.dot_general(
            ones, p1 * p1, (((1,), (1,)), ((), ())),
            precision=jax.lax.Precision.HIGHEST,
            preferred_element_type=jnp.float32)

    p2t = p2_ref[0]
    p2sq = jnp.sum(p2t * p2t, axis=1, keepdims=True)
    dd = jax.lax.dot_general(p2t, p1_ref[0], (((1,), (1,)), ((), ())),
                             preferred_element_type=jnp.float32)
    d = p2sq + p1sq_ref[...] - 2.0 * dd

    big = jnp.full((tn2, 128), _BIG, jnp.float32)
    r1, r2, r3 = big, big, big
    for c in range(n1 // 128):
        x = d[:, c * 128:(c + 1) * 128]
        hi1 = jnp.maximum(r1, x)
        r1 = jnp.minimum(r1, x)
        hi2 = jnp.maximum(r2, hi1)
        r2 = jnp.minimum(r2, hi1)
        r3 = jnp.minimum(r3, hi2)
    r = jnp.concatenate([r1, r2, r3], axis=1)
    io = jax.lax.broadcasted_iota(jnp.int32, (tn2, 384), 1)
    ms = []
    for _ in range(3):
        m = jnp.min(r, axis=1, keepdims=True)
        i = jnp.min(jnp.where(r == m, io, 384), axis=1, keepdims=True)
        ms.append(m)
        r = jnp.where(io == i, _BIG, r)

    lane128 = jax.lax.broadcasted_iota(jnp.int32, (tn2, 128), 1)
    nfull = jnp.full((tn2, 128), n1, jnp.int32)
    j1, j2, j3 = nfull, nfull, nfull
    for c in range(n1 // 128):
        x = d[:, c * 128:(c + 1) * 128]
        lc = lane128 + (c * 128)
        j1 = jnp.minimum(j1, jnp.where(x == ms[0], lc, n1))
        j2 = jnp.minimum(j2, jnp.where(x == ms[1], lc, n1))
        j3 = jnp.minimum(j3, jnp.where(x == ms[2], lc, n1))
    i1 = jnp.min(j1, axis=1, keepdims=True)
    i2 = jnp.min(j2, axis=1, keepdims=True)
    i3 = jnp.min(j3, axis=1, keepdims=True)

    gidx = jnp.concatenate([i1, i2, i3], axis=1)
    idx_ref[0] = gidx.T

    dup = jnp.any((ms[1] == ms[0]) | (ms[2] == ms[1]))

    @pl.when(dup)
    def _fix_dups():
        lane = jax.lax.broadcasted_iota(jnp.int32, (tn2, n1), 1)
        thr2 = jnp.where(ms[1] == ms[0], i1, -1)
        g2 = jnp.min(jnp.where((d == ms[1]) & (lane > thr2), lane, n1),
                     axis=1, keepdims=True)
        thr3 = jnp.where(ms[2] == ms[1], g2, -1)
        g3 = jnp.min(jnp.where((d == ms[2]) & (lane > thr3), lane, n1),
                     axis=1, keepdims=True)
        idx_ref[0] = jnp.concatenate([i1, g2, g3], axis=1).T

    w1 = 1.0 / (jnp.maximum(ms[0], 0.0) + _EPS)
    w2 = 1.0 / (jnp.maximum(ms[1], 0.0) + _EPS)
    w3 = 1.0 / (jnp.maximum(ms[2], 0.0) + _EPS)
    norm = w1 + w2 + w3
    wexp_ref[0] = jnp.concatenate(
        [jnp.broadcast_to(w1 / norm, (tn2, 16)),
         jnp.broadcast_to(w2 / norm, (tn2, 16)),
         jnp.broadcast_to(w3 / norm, (tn2, 16))], axis=1)


def _skip_add_body(z2_ref, ab2_ref, up_ref, y_ref):
    a2 = ab2_ref[:, 0:1]
    b2 = ab2_ref[:, 1:2]
    f2 = jnp.maximum(z2_ref[0] * a2 + b2, 0.0)
    y_ref[0] = f2 + up_ref[0].T


def _sc_interp(table, idx, wexp, qtot, tn2, cout):
    nblk = idx.shape[0]
    info = plsc.get_sparse_core_info()
    nw = info.num_cores * info.num_subcores
    blk_per_w = nblk // nw
    nh = tn2 // 128
    mesh = plsc.VectorSubcoreMesh(core_axis_name="c", subcore_axis_name="s")
    iw = 3 * tn2
    ww = tn2 * 48
    ow = tn2 * cout

    @functools.partial(
        pl.kernel, mesh=mesh,
        out_type=jax.ShapeDtypeStruct((qtot * cout,), jnp.float32),
        scratch_types=[
            pltpu.VMEM((iw,), jnp.int32),
            pltpu.VMEM((ww,), jnp.float32),
            pltpu.VMEM((128, cout), jnp.float32),
            pltpu.VMEM((ow,), jnp.float32),
            pltpu.SemaphoreType.DMA,
        ],
    )
    def k(table_hbm, idx_hbm, wexp_hbm, out_hbm, idx_v, w_v, rows_v, acc_v, sem):
        wid = lax.axis_index("s") * info.num_cores + lax.axis_index("c")
        ci = lax.iota(jnp.int32, 16)
        for blk in range(blk_per_w):
            bt = wid * blk_per_w + blk
            pltpu.sync_copy(idx_hbm.at[pl.ds(bt * iw, iw)], idx_v)
            pltpu.sync_copy(wexp_hbm.at[pl.ds(bt * ww, ww)], w_v)
            for kk in range(3):
                for h in range(nh):
                    pltpu.async_copy(
                        table_hbm.at[idx_v.at[pl.ds(kk * tn2 + h * 128, 128)]],
                        rows_v, sem).wait()

                    def qbody(q, _):
                        wv = w_v[pl.ds((h * 128 + q) * 48 + kk * 16, 16)]
                        for g in range(cout // 16):
                            seg = rows_v[q, pl.ds(g * 16, 16)] * wv
                            o = (h * 128 + q) * cout + g * 16
                            if kk == 0:
                                acc_v[pl.ds(o, 16)] = seg
                            else:
                                acc_v[pl.ds(o, 16)] += seg
                        return 0

                    lax.fori_loop(0, 128, qbody, 0)
            pltpu.sync_copy(acc_v, out_hbm.at[pl.ds(bt * ow, ow)])

    return k(table, idx.reshape(-1), wexp.reshape(-1))


def kernel(p1, x1, p2, x2, W1, gamma1, beta1, W2, gamma2, beta2):
    B, N1, _ = p1.shape
    _, Cin, _ = x1.shape
    _, Cskip, N2 = x2.shape
    Cout = W1.shape[0]
    TN2 = 128
    nt2 = N2 // TN2

    z1, z2, s1, q1, s2, q2 = pl.pallas_call(
        _feat_body,
        grid=(B,),
        in_specs=[
            pl.BlockSpec((1, Cin, N1), lambda b: (b, 0, 0)),
            pl.BlockSpec((Cout, Cin), lambda b: (0, 0)),
            pl.BlockSpec((1, Cskip, N2), lambda b: (b, 0, 0)),
            pl.BlockSpec((Cout, Cskip), lambda b: (0, 0)),
        ],
        out_specs=[
            pl.BlockSpec((1, N1, Cout), lambda b: (b, 0, 0)),
            pl.BlockSpec((1, Cout, N2), lambda b: (b, 0, 0)),
            pl.BlockSpec((1, Cout), lambda b: (0, 0)),
            pl.BlockSpec((1, Cout), lambda b: (0, 0)),
            pl.BlockSpec((Cout, 1), lambda b: (0, 0)),
            pl.BlockSpec((Cout, 1), lambda b: (0, 0)),
        ],
        out_shape=[
            jax.ShapeDtypeStruct((B, N1, Cout), jnp.float32),
            jax.ShapeDtypeStruct((B, Cout, N2), jnp.float32),
            jax.ShapeDtypeStruct((1, Cout), jnp.float32),
            jax.ShapeDtypeStruct((1, Cout), jnp.float32),
            jax.ShapeDtypeStruct((Cout, 1), jnp.float32),
            jax.ShapeDtypeStruct((Cout, 1), jnp.float32),
        ],
    )(x1, W1, x2, W2)

    cnt1 = jnp.float32(B * N1)
    mean1 = s1 / cnt1
    var1 = q1 / cnt1 - mean1 * mean1
    a1 = gamma1[None, :] / jnp.sqrt(var1 + 1e-5)
    b1 = beta1[None, :] - mean1 * a1
    ab1 = jnp.concatenate([a1, b1], axis=0)

    cnt2 = jnp.float32(B * N2)
    mean2 = s2 / cnt2
    var2 = q2 / cnt2 - mean2 * mean2
    a2 = gamma2[:, None] / jnp.sqrt(var2 + 1e-5)
    b2 = beta2[:, None] - mean2 * a2
    ab2 = jnp.concatenate([a2, b2], axis=1)

    ys = []
    for bb in range(B):
        idx, wexp, f1n = pl.pallas_call(
            functools.partial(_knn_idx_body, N1, TN2, nt2),
            grid=(nt2,),
            in_specs=[
                pl.BlockSpec((1, N1, 3), lambda t, bb=bb: (bb, 0, 0)),
                pl.BlockSpec((1, TN2, 3), lambda t, bb=bb: (bb, t, 0)),
                pl.BlockSpec((1, N1, Cout), lambda t, bb=bb: (bb, 0, 0)),
                pl.BlockSpec((2, Cout), lambda t: (0, 0)),
            ],
            out_specs=[
                pl.BlockSpec((1, 3, TN2), lambda t: (t, 0, 0)),
                pl.BlockSpec((1, TN2, 48), lambda t: (t, 0, 0)),
                pl.BlockSpec((1, N1, Cout), lambda t: (0, 0, 0)),
            ],
            out_shape=[
                jax.ShapeDtypeStruct((nt2, 3, TN2), jnp.int32),
                jax.ShapeDtypeStruct((nt2, TN2, 48), jnp.float32),
                jax.ShapeDtypeStruct((1, N1, Cout), jnp.float32),
            ],
            scratch_shapes=[pltpu.VMEM((N1, Cout), jnp.float32),
                            pltpu.VMEM((1, N1), jnp.float32)],
        )(p1, p2, z1, ab1)

        up = _sc_interp(f1n.reshape(N1, Cout), idx, wexp,
                        N2, TN2, Cout)

        yb = pl.pallas_call(
            _skip_add_body,
            grid=(nt2,),
            in_specs=[
                pl.BlockSpec((1, Cout, TN2), lambda t, bb=bb: (bb, 0, t)),
                pl.BlockSpec((Cout, 2), lambda t: (0, 0)),
                pl.BlockSpec((1, TN2, Cout), lambda t: (t, 0, 0)),
            ],
            out_specs=pl.BlockSpec((1, Cout, TN2), lambda t: (0, 0, t)),
            out_shape=jax.ShapeDtypeStruct((1, Cout, N2), jnp.float32),
        )(z2, ab2, up.reshape(nt2, TN2, Cout))
        ys.append(yb)

    y = jnp.concatenate(ys, axis=0)
    return (p2, y)

# --- scband reference (transcript-rebuilt; emitter-appended) ---
"""Pipeline reference for scband-transition-up-18923625906663 (READ-ONLY COPY).

The authoritative reference and input builder live on the scoring server;
editing this copy changes nothing except your own understanding.
"""

import jax, jax.numpy as jnp
import numpy as np

EPS = 1e-8

def _bn_relu(x, gamma, beta):
    # BatchNorm1d in training mode (batch statistics over batch+spatial dims) + ReLU
    mean = jnp.mean(x, axis=(0, 2), keepdims=True)
    var = jnp.var(x, axis=(0, 2), keepdims=True)
    xn = (x - mean) / jnp.sqrt(var + 1e-5)
    return jnp.maximum(xn * gamma[None, :, None] + beta[None, :, None], 0.0)

def _knn3(p2, p1):
    # squared euclidean distances via gemm trick; 3 nearest neighbors of each p2 point in p1
    d = (jnp.sum(p2 * p2, axis=-1)[:, :, None]
         + jnp.sum(p1 * p1, axis=-1)[:, None, :]
         - 2.0 * jnp.einsum('bnd,bmd->bnm', p2, p1))
    neg, idx = jax.lax.top_k(-d, 3)
    return jnp.maximum(-neg, 0.0), idx

def setup_inputs(seed: int = 0):
    key = jax.random.key(seed)
    ks = jax.random.split(key, 6)
    B, N1, N2 = 2, 4096, 8192
    Cin, Cskip, Cout = 256, 128, 128
    return {
        'p1': jax.random.normal(ks[0], (B, N1, 3), jnp.float32),
        'x1': jax.random.normal(ks[1], (B, Cin, N1), jnp.float32),
        'p2': jax.random.normal(ks[2], (B, N2, 3), jnp.float32),
        'x2': jax.random.normal(ks[3], (B, Cskip, N2), jnp.float32),
        'W1': jax.random.normal(ks[4], (Cout, Cin), jnp.float32) * 0.02,
        'gamma1': jnp.ones((Cout,), jnp.float32),
        'beta1': jnp.zeros((Cout,), jnp.float32),
        'W2': jax.random.normal(ks[5], (Cout, Cskip), jnp.float32) * 0.02,
        'gamma2': jnp.ones((Cout,), jnp.float32),
        'beta2': jnp.zeros((Cout,), jnp.float32),
    }

def reference(p1, x1, p2, x2, W1, gamma1, beta1, W2, gamma2, beta2):
    dist, idx = _knn3(p2, p1)                      # [B, N2, 3]
    dist_recip = 1.0 / (dist + EPS)
    norm = jnp.sum(dist_recip, axis=2, keepdims=True)
    weight = dist_recip / norm                     # [B, N2, 3]
    # linear1: Conv1d k=1 (no bias) + BN + ReLU on coarse features
    f1 = _bn_relu(jnp.einsum('oi,bin->bon', W1, x1), gamma1, beta1)   # [B, Cout, N1]
    B, N2, K = idx.shape
    C = f1.shape[1]
    idx_flat = jnp.broadcast_to(idx.reshape(B, 1, N2 * K), (B, C, N2 * K))
    gathered = jnp.take_along_axis(f1, idx_flat, axis=2).reshape(B, C, N2, K)
    up_x1 = jnp.sum(gathered * weight[:, None, :, :], axis=-1)        # [B, Cout, N2]
    f2 = _bn_relu(jnp.einsum('oi,bin->bon', W2, x2), gamma2, beta2)   # [B, Cout, N2]
    y = f2 + up_x1
    return (p2, y)

if __name__ == "__main__":
    import jax
    _d = setup_inputs()
    print(jax.jit(kernel)(*tuple(_d.values())))

</pallas_src>

<mosaic_0001>
#map = affine_map<(d0, d1) -> (0, 0)>
#map1 = affine_map<(d0, d1) -> (0)>
module attributes {stable_mosaic.version = 14 : i64} {
  func.func @k(%arg0: i32, %arg1: i32, %arg2: memref<4096x128xf32, #tpu.memory_space<hbm>>, %arg3: memref<24576xi32, #tpu.memory_space<hbm>>, %arg4: memref<393216xf32, #tpu.memory_space<hbm>>, %arg5: memref<1048576xf32, #tpu.memory_space<hbm>>, %arg6: memref<384xi32, #tpu.memory_space<vmem>>, %arg7: memref<6144xf32, #tpu.memory_space<vmem>>, %arg8: memref<128x128xf32, #tpu.memory_space<vmem>>, %arg9: memref<16384xf32, #tpu.memory_space<vmem>>, %arg10: memref<!tpu.dma_semaphore, #tpu.memory_space<semaphore_mem>>) attributes {dimension_semantics = [#tpu.dimension_semantics<core_parallel>, #tpu.dimension_semantics<subcore_parallel>], iteration_bounds = array<i64: 2, 16>, scalar_prefetch = 0 : i64, scratch_operands = 5 : i64, tpu.core_type = #tpu.core_type<sc_vector_subcore>, window_params = [{transform_indices = #map}, {transform_indices = #map1}, {transform_indices = #map1}, {transform_indices = #map1}]} {
    %mul3A = arith.constant 2 : i32
    %mul3A_0 = arith.muli %arg1, %mul3A : i32
    %add3A = arith.addi %mul3A_0, %arg0 : i32
    %iota3A = tpu.iota {dimensions = array<i32: 0>} : vector<16xi32>
    %mul3A_1 = arith.constant 2 : i32
    %mul3A_2 = arith.muli %add3A, %mul3A_1 : i32
    %add3A_3 = arith.constant 0 : i32
    %add3A_4 = arith.addi %mul3A_2, %add3A_3 : i32
    %mul3A_5 = arith.constant 384 : i32
    %mul3A_6 = arith.muli %add3A_4, %mul3A_5 : i32
    "tpu.region"() ({
      %run_scoped3A = tpu.sem_alloc : memref<!tpu.dma_semaphore, #tpu.memory_space<semaphore_mem>>
      %dma_start3A_120 = tpu.memref_slice %arg3[%mul3A_6] : memref<24576xi32, #tpu.memory_space<hbm>> -> memref<384xi32, #tpu.memory_space<hbm>>
      %dma_start3A_121 = tpu.memref_slice %arg3[%mul3A_6] : memref<24576xi32, #tpu.memory_space<hbm>> -> memref<384xi32, #tpu.memory_space<hbm>>
      tpu.enqueue_dma source(%dma_start3A_121 : memref<384xi32, #tpu.memory_space<hbm>>) target(%arg6 : memref<384xi32, #tpu.memory_space<vmem>>) target_semaphore(%run_scoped3A : memref<!tpu.dma_semaphore, #tpu.memory_space<semaphore_mem>>)
      %dma_wait3A_122 = tpu.memref_slice %arg3[%mul3A_6] : memref<24576xi32, #tpu.memory_space<hbm>> -> memref<384xi32, #tpu.memory_space<hbm>>
      %dma_wait3A_123 = tpu.memref_slice %arg3[%mul3A_6] : memref<24576xi32, #tpu.memory_space<hbm>> -> memref<384xi32, #tpu.memory_space<hbm>>
      tpu.wait_dma2 semaphore(%run_scoped3A : memref<!tpu.dma_semaphore, #tpu.memory_space<semaphore_mem>>) src(%dma_wait3A_123 : memref<384xi32, #tpu.memory_space<hbm>>) dst(%arg6 : memref<384xi32, #tpu.memory_space<vmem>>)
      tpu.yield
    }) : () -> ()
    %mul3A_7 = arith.constant 6144 : i32
    %mul3A_8 = arith.muli %add3A_4, %mul3A_7 : i32
    "tpu.region"() ({
      %run_scoped3A = tpu.sem_alloc : memref<!tpu.dma_semaphore, #tpu.memory_space<semaphore_mem>>
      %dma_start3A_120 = tpu.memref_slice %arg4[%mul3A_8] : memref<393216xf32, #tpu.memory_space<hbm>> -> memref<6144xf32, #tpu.memory_space<hbm>>
      %dma_start3A_121 = tpu.memref_slice %arg4[%mul3A_8] : memref<393216xf32, #tpu.memory_space<hbm>> -> memref<6144xf32, #tpu.memory_space<hbm>>
      tpu.enqueue_dma source(%dma_start3A_121 : memref<6144xf32, #tpu.memory_space<hbm>>) target(%arg7 : memref<6144xf32, #tpu.memory_space<vmem>>) target_semaphore(%run_scoped3A : memref<!tpu.dma_semaphore, #tpu.memory_space<semaphore_mem>>)
      %dma_wait3A_122 = tpu.memref_slice %arg4[%mul3A_8] : memref<393216xf32, #tpu.memory_space<hbm>> -> memref<6144xf32, #tpu.memory_space<hbm>>
      %dma_wait3A_123 = tpu.memref_slice %arg4[%mul3A_8] : memref<393216xf32, #tpu.memory_space<hbm>> -> memref<6144xf32, #tpu.memory_space<hbm>>
      tpu.wait_dma2 semaphore(%run_scoped3A : memref<!tpu.dma_semaphore, #tpu.memory_space<semaphore_mem>>) src(%dma_wait3A_123 : memref<6144xf32, #tpu.memory_space<hbm>>) dst(%arg7 : memref<6144xf32, #tpu.memory_space<vmem>>)
      tpu.yield
    }) : () -> ()
    %dma_start3A = arith.constant 0 : i32
    %dma_start3A_9 = tpu.memref_slice %arg6[%dma_start3A] : memref<384xi32, #tpu.memory_space<vmem>> -> memref<128xi32, #tpu.memory_space<vmem>>
    %dma_start3A_10 = arith.constant 0 : i32
    %dma_start3A_11 = arith.constant 0 : i32
    %dma_start3A_12 = tpu.memref_slice %arg2[%dma_start3A_10, %dma_start3A_11] : memref<4096x128xf32, #tpu.memory_space<hbm>> -> memref<4096x128xf32, #tpu.memory_space<hbm>>
    tpu.enqueue_indirect_dma source(%dma_start3A_12 : memref<4096x128xf32, #tpu.memory_space<hbm>>) target(%arg8 : memref<128x128xf32, #tpu.memory_space<vmem>>) offsets(%dma_start3A_9 : memref<128xi32, #tpu.memory_space<vmem>>) semaphore(%arg10 : memref<!tpu.dma_semaphore, #tpu.memory_space<semaphore_mem>>)
    %dma_wait3A = arith.constant 0 : i32
    %dma_wait3A_13 = tpu.memref_slice %arg6[%dma_wait3A] : memref<384xi32, #tpu.memory_space<vmem>> -> memref<128xi32, #tpu.memory_space<vmem>>
    %dma_wait3A_14 = arith.constant 0 : i32
    %dma_wait3A_15 = arith.constant 0 : i32
    %dma_wait3A_16 = tpu.memref_slice %arg2[%dma_wait3A_14, %dma_wait3A_15] : memref<4096x128xf32, #tpu.memory_space<hbm>> -> memref<4096x128xf32, #tpu.memory_space<hbm>>
    tpu.wait_indirect_dma semaphore(%arg10 : memref<!tpu.dma_semaphore, #tpu.memory_space<semaphore_mem>>) src(%dma_wait3A_16 : memref<4096x128xf32, #tpu.memory_space<hbm>>) dst(%arg8 : memref<128x128xf32, #tpu.memory_space<vmem>>)
    %scan3A = arith.constant 0 : i32
    %scan3A_17 = arith.constant 0 : i32
    %scan3A_18 = arith.constant 128 : i32
    %scan3A_19 = arith.addi %scan3A_17, %scan3A_18 : i32
    %scan3A_20 = arith.constant 1 : i32
    %scan3A_21 = scf.for %scan3A_120 = %scan3A_17 to %scan3A_19 step %scan3A_20 iter_args(%scan3A_121 = %scan3A) -> (i32)  : i32 {
      %add3A_122 = arith.constant 0 : i32
      %add3A_123 = arith.addi %add3A_122, %scan3A_120 : i32
      %mul3A_124 = arith.constant 48 : i32
      %mul3A_125 = arith.muli %add3A_123, %mul3A_124 : i32
      %add3A_126 = arith.constant 0 : i32
      %add3A_127 = arith.addi %mul3A_125, %add3A_126 : i32
      %get3A = arith.index_cast %add3A_127 : i32 to index
      %get3A_128 = tpu.vector_load %arg7[%get3A] {strides = array<i32>} : memref<6144xf32, #tpu.memory_space<vmem>>, vector<16xf32>,
      %get3A_129 = vector.shape_cast %get3A_128 : vector<16xf32> to vector<16xf32>
      %get3A_130 = arith.index_cast %scan3A_120 : i32 to index
      %get3A_131 = arith.constant 0 : index
      %get3A_132 = tpu.vector_load %arg8[%get3A_130, %get3A_131] {strides = array<i32>} : memref<128x128xf32, #tpu.memory_space<vmem>>, vector<1x16xf32>,
      %get3A_133 = vector.shape_cast %get3A_132 : vector<1x16xf32> to vector<16xf32>
      %mul3A_134 = arith.mulf %get3A_133, %get3A_129 : vector<16xf32>
      %add3A_135 = arith.constant 0 : i32
      %add3A_136 = arith.addi %add3A_135, %scan3A_120 : i32
      %mul3A_137 = arith.constant 128 : i32
      %mul3A_138 = arith.muli %add3A_136, %mul3A_137 : i32
      %add3A_139 = arith.constant 0 : i32
      %add3A_140 = arith.addi %mul3A_138, %add3A_139 : i32
      %swap3A = arith.index_cast %add3A_140 : i32 to index
      %swap3A_141 = tpu.vector_load %arg9[%swap3A] {strides = array<i32>} : memref<16384xf32, #tpu.memory_space<vmem>>, vector<16xf32>,
      %swap3A_142 = vector.shape_cast %swap3A_141 : vector<16xf32> to vector<16xf32>
      %swap3A_143 = vector.shape_cast %mul3A_134 : vector<16xf32> to vector<16xf32>
      tpu.vector_store %arg9[%swap3A], %swap3A_143 {strides = array<i32>} : memref<16384xf32, #tpu.memory_space<vmem>>, vector<16xf32>,
      %get3A_144 = arith.index_cast %scan3A_120 : i32 to index
      %get3A_145 = arith.constant 16 : index
      %get3A_146 = tpu.vector_load %arg8[%get3A_144, %get3A_145] {strides = array<i32>} : memref<128x128xf32, #tpu.memory_space<vmem>>, vector<1x16xf32>,
      %get3A_147 = vector.shape_cast %get3A_146 : vector<1x16xf32> to vector<16xf32>
      %mul3A_148 = arith.mulf %get3A_147, %get3A_129 : vector<16xf32>
      %add3A_149 = arith.constant 0 : i32
      %add3A_150 = arith.addi %add3A_149, %scan3A_120 : i32
      %mul3A_151 = arith.constant 128 : i32
      %mul3A_152 = arith.muli %add3A_150, %mul3A_151 : i32
      %add3A_153 = arith.constant 16 : i32
      %add3A_154 = arith.addi %mul3A_152, %add3A_153 : i32
      %swap3A_155 = arith.index_cast %add3A_154 : i32 to index
      %swap3A_156 = tpu.vector_load %arg9[%swap3A_155] {strides = array<i32>} : memref<16384xf32, #tpu.memory_space<vmem>>, vector<16xf32>,
      %swap3A_157 = vector.shape_cast %swap3A_156 : vector<16xf32> to vector<16xf32>
      %swap3A_158 = vector.shape_cast %mul3A_148 : vector<16xf32> to vector<16xf32>
      tpu.vector_store %arg9[%swap3A_155], %swap3A_158 {strides = array<i32>} : memref<16384xf32, #tpu.memory_space<vmem>>, vector<16xf32>,
      %get3A_159 = arith.index_cast %scan3A_120 : i32 to index
      %get3A_160 = arith.constant 32 : index
      %get3A_161 = tpu.vector_load %arg8[%get3A_159, %get3A_160] {strides = array<i32>} : memref<128x128xf32, #tpu.memory_space<vmem>>, vector<1x16xf32>,
      %get3A_162 = vector.shape_cast %get3A_161 : vector<1x16xf32> to vector<16xf32>
      %mul3A_163 = arith.mulf %get3A_162, %get3A_129 : vector<16xf32>
      %add3A_164 = arith.constant 0 : i32
      %add3A_165 = arith.addi %add3A_164, %scan3A_120 : i32
      %mul3A_166 = arith.constant 128 : i32
      %mul3A_167 = arith.muli %add3A_165, %mul3A_166 : i32
      %add3A_168 = arith.constant 32 : i32
      %add3A_169 = arith.addi %mul3A_167, %add3A_168 : i32
      %swap3A_170 = arith.index_cast %add3A_169 : i32 to index
      %swap3A_171 = tpu.vector_load %arg9[%swap3A_170] {strides = array<i32>} : memref<16384xf32, #tpu.memory_space<vmem>>, vector<16xf32>,
      %swap3A_172 = vector.shape_cast %swap3A_171 : vector<16xf32> to vector<16xf32>
      %swap3A_173 = vector.shape_cast %mul3A_163 : vector<16xf32> to vector<16xf32>
      tpu.vector_store %arg9[%swap3A_170], %swap3A_173 {strides = array<i32>} : memref<16384xf32, #tpu.memory_space<vmem>>, vector<16xf32>,
      %get3A_174 = arith.index_cast %scan3A_120 : i32 to index
      %get3A_175 = arith.constant 48 : index
      %get3A_176 = tpu.vector_load %arg8[%get3A_174, %get3A_175] {strides = array<i32>} : memref<128x128xf32, #tpu.memory_space<vmem>>, vector<1x16xf32>,
      %get3A_177 = vector.shape_cast %get3A_176 : vector<1x16xf32> to vector<16xf32>
      %mul3A_178 = arith.mulf %get3A_177, %get3A_129 : vector<16xf32>
      %add3A_179 = arith.constant 0 : i32
      %add3A_180 = arith.addi %add3A_179, %scan3A_120 : i32
      %mul3A_181 = arith.constant 128 : i32
      %mul3A_182 = arith.muli %add3A_180, %mul3A_181 : i32
      %add3A_183 = arith.constant 48 : i32
      %add3A_184 = arith.addi %mul3A_182, %add3A_183 : i32
      %swap3A_185 = arith.index_cast %add3A_184 : i32 to index
      %swap3A_186 = tpu.vector_load %arg9[%swap3A_185] {strides = array<i32>} : memref<16384xf32, #tpu.memory_space<vmem>>, vector<16xf32>,
      %swap3A_187 = vector.shape_cast %swap3A_186 : vector<16xf32> to vector<16xf32>
      %swap3A_188 = vector.shape_cast %mul3A_178 : vector<16xf32> to vector<16xf32>
      tpu.vector_store %arg9[%swap3A_185], %swap3A_188 {strides = array<i32>} : memref<16384xf32, #tpu.memory_space<vmem>>, vector<16xf32>,
      %get3A_189 = arith.index_cast %scan3A_120 : i32 to index
      %get3A_190 = arith.constant 64 : index
      %get3A_191 = tpu.vector_load %arg8[%get3A_189, %get3A_190] {strides = array<i32>} : memref<128x128xf32, #tpu.memory_space<vmem>>, vector<1x16xf32>,
      %get3A_192 = vector.shape_cast %get3A_191 : vector<1x16xf32> to vector<16xf32>
      %mul3A_193 = arith.mulf %get3A_192, %get3A_129 : vector<16xf32>
      %add3A_194 = arith.constant 0 : i32
      %add3A_195 = arith.addi %add3A_194, %scan3A_120 : i32
      %mul3A_196 = arith.constant 128 : i32
      %mul3A_197 = arith.muli %add3A_195, %mul3A_196 : i32
      %add3A_198 = arith.constant 64 : i32
      %add3A_199 = arith.addi %mul3A_197, %add3A_198 : i32
      %swap3A_200 = arith.index_cast %add3A_199 : i32 to index
      %swap3A_201 = tpu.vector_load %arg9[%swap3A_200] {strides = array<i32>} : memref<16384xf32, #tpu.memory_space<vmem>>, vector<16xf32>,
      %swap3A_202 = vector.shape_cast %swap3A_201 : vector<16xf32> to vector<16xf32>
      %swap3A_203 = vector.shape_cast %mul3A_193 : vector<16xf32> to vector<16xf32>
      tpu.vector_store %arg9[%swap3A_200], %swap3A_203 {strides = array<i32>} : memref<16384xf32, #tpu.memory_space<vmem>>, vector<16xf32>,
      %get3A_204 = arith.index_cast %scan3A_120 : i32 to index
      %get3A_205 = arith.constant 80 : index
      %get3A_206 = tpu.vector_load %arg8[%get3A_204, %get3A_205] {strides = array<i32>} : memref<128x128xf32, #tpu.memory_space<vmem>>, vector<1x16xf32>,
      %get3A_207 = vector.shape_cast %get3A_206 : vector<1x16xf32> to vector<16xf32>
      %mul3A_208 = arith.mulf %get3A_207, %get3A_129 : vector<16xf32>
      %add3A_209 = arith.constant 0 : i32
      %add3A_210 = arith.addi %add3A_209, %scan3A_120 : i32
      %mul3A_211 = arith.constant 128 : i32
      %mul3A_212 = arith.muli %add3A_210, %mul3A_211 : i32
      %add3A_213 = arith.constant 80 : i32
      %add3A_214 = arith.addi %mul3A_212, %add3A_213 : i32
      %swap3A_215 = arith.index_cast %add3A_214 : i32 to index
      %swap3A_216 = tpu.vector_load %arg9[%swap3A_215] {strides = array<i32>} : memref<16384xf32, #tpu.memory_space<vmem>>, vector<16xf32>,
      %swap3A_217 = vector.shape_cast %swap3A_216 : vector<16xf32> to vector<16xf32>
      %swap3A_218 = vector.shape_cast %mul3A_208 : vector<16xf32> to vector<16xf32>
      tpu.vector_store %arg9[%swap3A_215], %swap3A_218 {strides = array<i32>} : memref<16384xf32, #tpu.memory_space<vmem>>, vector<16xf32>,
      %get3A_219 = arith.index_cast %scan3A_120 : i32 to index
      %get3A_220 = arith.constant 96 : index
      %get3A_221 = tpu.vector_load %arg8[%get3A_219, %get3A_220] {strides = array<i32>} : memref<128x128xf32, #tpu.memory_space<vmem>>, vector<1x16xf32>,
      %get3A_222 = vector.shape_cast %get3A_221 : vector<1x16xf32> to vector<16xf32>
      %mul3A_223 = arith.mulf %get3A_222, %get3A_129 : vector<16xf32>
      %add3A_224 = arith.constant 0 : i32
      %add3A_225 = arith.addi %add3A_224, %scan3A_120 : i32
      %mul3A_226 = arith.constant 128 : i32
      %mul3A_227 = arith.muli %add3A_225, %mul3A_226 : i32
      %add3A_228 = arith.constant 96 : i32
      %add3A_229 = arith.addi %mul3A_227, %add3A_228 : i32
      %swap3A_230 = arith.index_cast %add3A_229 : i32 to index
      %swap3A_231 = tpu.vector_load %arg9[%swap3A_230] {strides = array<i32>} : memref<16384xf32, #tpu.memory_space<vmem>>, vector<16xf32>,
      %swap3A_232 = vector.shape_cast %swap3A_231 : vector<16xf32> to vector<16xf32>
      %swap3A_233 = vector.shape_cast %mul3A_223 : vector<16xf32> to vector<16xf32>
      tpu.vector_store %arg9[%swap3A_230], %swap3A_233 {strides = array<i32>} : memref<16384xf32, #tpu.memory_space<vmem>>, vector<16xf32>,
      %get3A_234 = arith.index_cast %scan3A_120 : i32 to index
      %get3A_235 = arith.constant 112 : index
      %get3A_236 = tpu.vector_load %arg8[%get3A_234, %get3A_235] {strides = array<i32>} : memref<128x128xf32, #tpu.memory_space<vmem>>, vector<1x16xf32>,
      %get3A_237 = vector.shape_cast %get3A_236 : vector<1x16xf32> to vector<16xf32>
      %mul3A_238 = arith.mulf %get3A_237, %get3A_129 : vector<16xf32>
      %add3A_239 = arith.constant 0 : i32
      %add3A_240 = arith.addi %add3A_239, %scan3A_120 : i32
      %mul3A_241 = arith.constant 128 : i32
      %mul3A_242 = arith.muli %add3A_240, %mul3A_241 : i32
      %add3A_243 = arith.constant 112 : i32
      %add3A_244 = arith.addi %mul3A_242, %add3A_243 : i32
      %swap3A_245 = arith.index_cast %add3A_244 : i32 to index
      %swap3A_246 = tpu.vector_load %arg9[%swap3A_245] {strides = array<i32>} : memref<16384xf32, #tpu.memory_space<vmem>>, vector<16xf32>,
      %swap3A_247 = vector.shape_cast %swap3A_246 : vector<16xf32> to vector<16xf32>
      %swap3A_248 = vector.shape_cast %mul3A_238 : vector<16xf32> to vector<16xf32>
      tpu.vector_store %arg9[%swap3A_245], %swap3A_248 {strides = array<i32>} : memref<16384xf32, #tpu.memory_space<vmem>>, vector<16xf32>,
      %scan3A_249 = arith.constant 0 : i32
      scf.yield %scan3A_249 : i32
    }
    %scan3A_22 = arith.constant 128 : i32
    %dma_start3A_23 = arith.constant 128 : i32
    %dma_start3A_24 = tpu.memref_slice %arg6[%dma_start3A_23] : memref<384xi32, #tpu.memory_space<vmem>> -> memref<128xi32, #tpu.memory_space<vmem>>
    %dma_start3A_25 = arith.constant 0 : i32
    %dma_start3A_26 = arith.constant 0 : i32
    %dma_start3A_27 = tpu.memref_slice %arg2[%dma_start3A_25, %dma_start3A_26] : memref<4096x128xf32, #tpu.memory_space<hbm>> -> memref<4096x128xf32, #tpu.memory_space<hbm>>
    tpu.enqueue_indirect_dma source(%dma_start3A_27 : memref<4096x128xf32, #tpu.memory_space<hbm>>) target(%arg8 : memref<128x128xf32, #tpu.memory_space<vmem>>) offsets(%dma_start3A_24 : memref<128xi32, #tpu.memory_space<vmem>>) semaphore(%arg10 : memref<!tpu.dma_semaphore, #tpu.memory_space<semaphore_mem>>)
    %dma_wait3A_28 = arith.constant 128 : i32
    %dma_wait3A_29 = tpu.memref_slice %arg6[%dma_wait3A_28] : memref<384xi32, #tpu.memory_space<vmem>> -> memref<128xi32, #tpu.memory_space<vmem>>
    %dma_wait3A_30 = arith.constant 0 : i32
    %dma_wait3A_31 = arith.constant 0 : i32
    %dma_wait3A_32 = tpu.memref_slice %arg2[%dma_wait3A_30, %dma_wait3A_31] : memref<4096x128xf32, #tpu.memory_space<hbm>> -> memref<4096x128xf32, #tpu.memory_space<hbm>>
    tpu.wait_indirect_dma semaphore(%arg10 : memref<!tpu.dma_semaphore, #tpu.memory_space<semaphore_mem>>) src(%dma_wait3A_32 : memref<4096x128xf32, #tpu.memory_space<hbm>>) dst(%arg8 : memref<128x128xf32, #tpu.memory_space<vmem>>)
    %scan3A_33 = arith.constant 0 : i32
    %scan3A_34 = arith.constant 0 : i32
    %scan3A_35 = arith.constant 128 : i32
    %scan3A_36 = arith.addi %scan3A_34, %scan3A_35 : i32
    %scan3A_37 = arith.constant 1 : i32
    %scan3A_38 = scf.for %scan3A_120 = %scan3A_34 to %scan3A_36 step %scan3A_37 iter_args(%scan3A_121 = %scan3A_33) -> (i32)  : i32 {
      %add3A_122 = arith.constant 0 : i32
      %add3A_123 = arith.addi %add3A_122, %scan3A_120 : i32
      %mul3A_124 = arith.constant 48 : i32
      %mul3A_125 = arith.muli %add3A_123, %mul3A_124 : i32
      %add3A_126 = arith.constant 16 : i32
      %add3A_127 = arith.addi %mul3A_125, %add3A_126 : i32
      %get3A = arith.index_cast %add3A_127 : i32 to index
      %get3A_128 = tpu.vector_load %arg7[%get3A] {strides = array<i32>} : memref<6144xf32, #tpu.memory_space<vmem>>, vector<16xf32>,
      %get3A_129 = vector.shape_cast %get3A_128 : vector<16xf32> to vector<16xf32>
      %get3A_130 = arith.index_cast %scan3A_120 : i32 to index
      %get3A_131 = arith.constant 0 : index
      %get3A_132 = tpu.vector_load %arg8[%get3A_130, %get3A_131] {strides = array<i32>} : memref<128x128xf32, #tpu.memory_space<vmem>>, vector<1x16xf32>,
      %get3A_133 = vector.shape_cast %get3A_132 : vector<1x16xf32> to vector<16xf32>
      %mul3A_134 = arith.mulf %get3A_133, %get3A_129 : vector<16xf32>
      %add3A_135 = arith.constant 0 : i32
      %add3A_136 = arith.addi %add3A_135, %scan3A_120 : i32
      %mul3A_137 = arith.constant 128 : i32
      %mul3A_138 = arith.muli %add3A_136, %mul3A_137 : i32
      %add3A_139 = arith.constant 0 : i32
      %add3A_140 = arith.addi %mul3A_138, %add3A_139 : i32
      %get3A_141 = arith.index_cast %add3A_140 : i32 to index
      %get3A_142 = tpu.vector_load %arg9[%get3A_141] {strides = array<i32>} : memref<16384xf32, #tpu.memory_space<vmem>>, vector<16xf32>,
      %get3A_143 = vector.shape_cast %get3A_142 : vector<16xf32> to vector<16xf32>
      %add3A_144 = arith.addf %get3A_143, %mul3A_134 : vector<16xf32>
      %swap3A = arith.index_cast %add3A_140 : i32 to index
      %swap3A_145 = tpu.vector_load %arg9[%swap3A] {strides = array<i32>} : memref<16384xf32, #tpu.memory_space<vmem>>, vector<16xf32>,
      %swap3A_146 = vector.shape_cast %swap3A_145 : vector<16xf32> to vector<16xf32>
      %swap3A_147 = vector.shape_cast %add3A_144 : vector<16xf32> to vector<16xf32>
      tpu.vector_store %arg9[%swap3A], %swap3A_147 {strides = array<i32>} : memref<16384xf32, #tpu.memory_space<vmem>>, vector<16xf32>,
      %get3A_148 = arith.index_cast %scan3A_120 : i32 to index
      %get3A_149 = arith.constant 16 : index
      %get3A_150 = tpu.vector_load %arg8[%get3A_148, %get3A_149] {strides = array<i32>} : memref<128x128xf32, #tpu.memory_space<vmem>>, vector<1x16xf32>,
      %get3A_151 = vector.shape_cast %get3A_150 : vector<1x16xf32> to vector<16xf32>
      %mul3A_152 = arith.mulf %get3A_151, %get3A_129 : vector<16xf32>
      %add3A_153 = arith.constant 0 : i32
      %add3A_154 = arith.addi %add3A_153, %scan3A_120 : i32
      %mul3A_155 = arith.constant 128 : i32
      %mul3A_156 = arith.muli %add3A_154, %mul3A_155 : i32
      %add3A_157 = arith.constant 16 : i32
      %add3A_158 = arith.addi %mul3A_156, %add3A_157 : i32
      %get3A_159 = arith.index_cast %add3A_158 : i32 to index
      %get3A_160 = tpu.vector_load %arg9[%get3A_159] {strides = array<i32>} : memref<16384xf32, #tpu.memory_space<vmem>>, vector<16xf32>,
      %get3A_161 = vector.shape_cast %get3A_160 : vector<16xf32> to vector<16xf32>
      %add3A_162 = arith.addf %get3A_161, %mul3A_152 : vector<16xf32>
      %swap3A_163 = arith.index_cast %add3A_158 : i32 to index
      %swap3A_164 = tpu.vector_load %arg9[%swap3A_163] {strides = array<i32>} : memref<16384xf32, #tpu.memory_space<vmem>>, vector<16xf32>,
      %swap3A_165 = vector.shape_cast %swap3A_164 : vector<16xf32> to vector<16xf32>
      %swap3A_166 = vector.shape_cast %add3A_162 : vector<16xf32> to vector<16xf32>
      tpu.vector_store %arg9[%swap3A_163], %swap3A_166 {strides = array<i32>} : memref<16384xf32, #tpu.memory_space<vmem>>, vector<16xf32>,
      %get3A_167 = arith.index_cast %scan3A_120 : i32 to index
      %get3A_168 = arith.constant 32 : index
      %get3A_169 = tpu.vector_load %arg8[%get3A_167, %get3A_168] {strides = array<i32>} : memref<128x128xf32, #tpu.memory_space<vmem>>, vector<1x16xf32>,
      %get3A_170 = vector.shape_cast %get3A_169 : vector<1x16xf32> to vector<16xf32>
      %mul3A_171 = arith.mulf %get3A_170, %get3A_129 : vector<16xf32>
      %add3A_172 = arith.constant 0 : i32
      %add3A_173 = arith.addi %add3A_172, %scan3A_120 : i32
      %mul3A_174 = arith.constant 128 : i32
      %mul3A_175 = arith.muli %add3A_173, %mul3A_174 : i32
      %add3A_176 = arith.constant 32 : i32
      %add3A_177 = arith.addi %mul3A_175, %add3A_176 : i32
      %get3A_178 = arith.index_cast %add3A_177 : i32 to index
      %get3A_179 = tpu.vector_load %arg9[%get3A_178] {strides = array<i32>} : memref<16384xf32, #tpu.memory_space<vmem>>, vector<16xf32>,
      %get3A_180 = vector.shape_cast %get3A_179 : vector<16xf32> to vector<16xf32>
      %add3A_181 = arith.addf %get3A_180, %mul3A_171 : vector<16xf32>
      %swap3A_182 = arith.index_cast %add3A_177 : i32 to index
      %swap3A_183 = tpu.vector_load %arg9[%swap3A_182] {strides = array<i32>} : memref<16384xf32, #tpu.memory_space<vmem>>, vector<16xf32>,
      %swap3A_184 = vector.shape_cast %swap3A_183 : vector<16xf32> to vector<16xf32>
      %swap3A_185 = vector.shape_cast %add3A_181 : vector<16xf32> to vector<16xf32>
      tpu.vector_store %arg9[%swap3A_182], %swap3A_185 {strides = array<i32>} : memref<16384xf32, #tpu.memory_space<vmem>>, vector<16xf32>,
      %get3A_186 = arith.index_cast %scan3A_120 : i32 to index
      %get3A_187 = arith.constant 48 : index
      %get3A_188 = tpu.vector_load %arg8[%get3A_186, %get3A_187] {strides = array<i32>} : memref<128x128xf32, #tpu.memory_space<vmem>>, vector<1x16xf32>,
      %get3A_189 = vector.shape_cast %get3A_188 : vector<1x16xf32> to vector<16xf32>
      %mul3A_190 = arith.mulf %get3A_189, %get3A_129 : vector<16xf32>
      %add3A_191 = arith.constant 0 : i32
      %add3A_192 = arith.addi %add3A_191, %scan3A_120 : i32
      %mul3A_193 = arith.constant 128 : i32
      %mul3A_194 = arith.muli %add3A_192, %mul3A_193 : i32
      %add3A_195 = arith.constant 48 : i32
      %add3A_196 = arith.addi %mul3A_194, %add3A_195 : i32
      %get3A_197 = arith.index_cast %add3A_196 : i32 to index
      %get3A_198 = tpu.vector_load %arg9[%get3A_197] {strides = array<i32>} : memref<16384xf32, #tpu.memory_space<vmem>>, vector<16xf32>,
      %get3A_199 = vector.shape_cast %get3A_198 : vector<16xf32> to vector<16xf32>
      %add3A_200 = arith.addf %get3A_199, %mul3A_190 : vector<16xf32>
      %swap3A_201 = arith.index_cast %add3A_196 : i32 to index
      %swap3A_202 = tpu.vector_load %arg9[%swap3A_201] {strides = array<i32>} : memref<16384xf32, #tpu.memory_space<vmem>>, vector<16xf32>,
      %swap3A_203 = vector.shape_cast %swap3A_202 : vector<16xf32> to vector<16xf32>
      %swap3A_204 = vector.shape_cast %add3A_200 : vector<16xf32> to vector<16xf32>
      tpu.vector_store %arg9[%swap3A_201], %swap3A_204 {strides = array<i32>} : memref<16384xf32, #tpu.memory_space<vmem>>, vector<16xf32>,
      %get3A_205 = arith.index_cast %scan3A_120 : i32 to index
      %get3A_206 = arith.constant 64 : index
      %get3A_207 = tpu.vector_load %arg8[%get3A_205, %get3A_206] {strides = array<i32>} : memref<128x128xf32, #tpu.memory_space<vmem>>, vector<1x16xf32>,
      %get3A_208 = vector.shape_cast %get3A_207 : vector<1x16xf32> to vector<16xf32>
      %mul3A_209 = arith.mulf %get3A_208, %get3A_129 : vector<16xf32>
      %add3A_210 = arith.constant 0 : i32
      %add3A_211 = arith.addi %add3A_210, %scan3A_120 : i32
      %mul3A_212 = arith.constant 128 : i32
      %mul3A_213 = arith.muli %add3A_211, %mul3A_212 : i32
      %add3A_214 = arith.constant 64 : i32
      %add3A_215 = arith.addi %mul3A_213, %add3A_214 : i32
      %get3A_216 = arith.index_cast %add3A_215 : i32 to index
      %get3A_217 = tpu.vector_load %arg9[%get3A_216] {strides = array<i32>} : memref<16384xf32, #tpu.memory_space<vmem>>, vector<16xf32>,
      %get3A_218 = vector.shape_cast %get3A_217 : vector<16xf32> to vector<16xf32>
      %add3A_219 = arith.addf %get3A_218, %mul3A_209 : vector<16xf32>
      %swap3A_220 = arith.index_cast %add3A_215 : i32 to index
      %swap3A_221 = tpu.vector_load %arg9[%swap3A_220] {strides = array<i32>} : memref<16384xf32, #tpu.memory_space<vmem>>, vector<16xf32>,
      %swap3A_222 = vector.shape_cast %swap3A_221 : vector<16xf32> to vector<16xf32>
      %swap3A_223 = vector.shape_cast %add3A_219 : vector<16xf32> to vector<16xf32>
      tpu.vector_store %arg9[%swap3A_220], %swap3A_223 {strides = array<i32>} : memref<16384xf32, #tpu.memory_space<vmem>>, vector<16xf32>,
      %get3A_224 = arith.index_cast %scan3A_120 : i32 to index
      %get3A_225 = arith.constant 80 : index
      %get3A_226 = tpu.vector_load %arg8[%get3A_224, %get3A_225] {strides = array<i32>} : memref<128x128xf32, #tpu.memory_space<vmem>>, vector<1x16xf32>,
      %get3A_227 = vector.shape_cast %get3A_226 : vector<1x16xf32> to vector<16xf32>
      %mul3A_228 = arith.mulf %get3A_227, %get3A_129 : vector<16xf32>
      %add3A_229 = arith.constant 0 : i32
      %add3A_230 = arith.addi %add3A_229, %scan3A_120 : i32
      %mul3A_231 = arith.constant 128 : i32
      %mul3A_232 = arith.muli %add3A_230, %mul3A_231 : i32
      %add3A_233 = arith.constant 80 : i32
      %add3A_234 = arith.addi %mul3A_232, %add3A_233 : i32
      %get3A_235 = arith.index_cast %add3A_234 : i32 to index
      %get3A_236 = tpu.vector_load %arg9[%get3A_235] {strides = array<i32>} : memref<16384xf32, #tpu.memory_space<vmem>>, vector<16xf32>,
      %get3A_237 = vector.shape_cast %get3A_236 : vector<16xf32> to vector<16xf32>
      %add3A_238 = arith.addf %get3A_237, %mul3A_228 : vector<16xf32>
      %swap3A_239 = arith.index_cast %add3A_234 : i32 to index
      %swap3A_240 = tpu.vector_load %arg9[%swap3A_239] {strides = array<i32>} : memref<16384xf32, #tpu.memory_space<vmem>>, vector<16xf32>,
      %swap3A_241 = vector.shape_cast %swap3A_240 : vector<16xf32> to vector<16xf32>
      %swap3A_242 = vector.shape_cast %add3A_238 : vector<16xf32> to vector<16xf32>
      tpu.vector_store %arg9[%swap3A_239], %swap3A_242 {strides = array<i32>} : memref<16384xf32, #tpu.memory_space<vmem>>, vector<16xf32>,
      %get3A_243 = arith.index_cast %scan3A_120 : i32 to index
      %get3A_244 = arith.constant 96 : index
      %get3A_245 = tpu.vector_load %arg8[%get3A_243, %get3A_244] {strides = array<i32>} : memref<128x128xf32, #tpu.memory_space<vmem>>, vector<1x16xf32>,
      %get3A_246 = vector.shape_cast %get3A_245 : vector<1x16xf32> to vector<16xf32>
      %mul3A_247 = arith.mulf %get3A_246, %get3A_129 : vector<16xf32>
      %add3A_248 = arith.constant 0 : i32
      %add3A_249 = arith.addi %add3A_248, %scan3A_120 : i32
      %mul3A_250 = arith.constant 128 : i32
      %mul3A_251 = arith.muli %add3A_249, %mul3A_250 : i32
      %add3A_252 = arith.constant 96 : i32
      %add3A_253 = arith.addi %mul3A_251, %add3A_252 : i32
      %get3A_254 = arith.index_cast %add3A_253 : i32 to index
      %get3A_255 = tpu.vector_load %arg9[%get3A_254] {strides = array<i32>} : memref<16384xf32, #tpu.memory_space<vmem>>, vector<16xf32>,
      %get3A_256 = vector.shape_cast %get3A_255 : vector<16xf32> to vector<16xf32>
      %add3A_257 = arith.addf %get3A_256, %mul3A_247 : vector<16xf32>
      %swap3A_258 = arith.index_cast %add3A_253 : i32 to index
      %swap3A_259 = tpu.vector_load %arg9[%swap3A_258] {strides = array<i32>} : memref<16384xf32, #tpu.memory_space<vmem>>, vector<16xf32>,
      %swap3A_260 = vector.shape_cast %swap3A_259 : vector<16xf32> to vector<16xf32>
      %swap3A_261 = vector.shape_cast %add3A_257 : vector<16xf32> to vector<16xf32>
      tpu.vector_store %arg9[%swap3A_258], %swap3A_261 {strides = array<i32>} : memref<16384xf32, #tpu.memory_space<vmem>>, vector<16xf32>,
      %get3A_262 = arith.index_cast %scan3A_120 : i32 to index
      %get3A_263 = arith.constant 112 : index
      %get3A_264 = tpu.vector_load %arg8[%get3A_262, %get3A_263] {strides = array<i32>} : memref<128x128xf32, #tpu.memory_space<vmem>>, vector<1x16xf32>,
      %get3A_265 = vector.shape_cast %get3A_264 : vector<1x16xf32> to vector<16xf32>
      %mul3A_266 = arith.mulf %get3A_265, %get3A_129 : vector<16xf32>
      %add3A_267 = arith.constant 0 : i32
      %add3A_268 = arith.addi %add3A_267, %scan3A_120 : i32
      %mul3A_269 = arith.constant 128 : i32
      %mul3A_270 = arith.muli %add3A_268, %mul3A_269 : i32
      %add3A_271 = arith.constant 112 : i32
      %add3A_272 = arith.addi %mul3A_270, %add3A_271 : i32
      %get3A_273 = arith.index_cast %add3A_272 : i32 to index
      %get3A_274 = tpu.vector_load %arg9[%get3A_273] {strides = array<i32>} : memref<16384xf32, #tpu.memory_space<vmem>>, vector<16xf32>,
      %get3A_275 = vector.shape_cast %get3A_274 : vector<16xf32> to vector<16xf32>
      %add3A_276 = arith.addf %get3A_275, %mul3A_266 : vector<16xf32>
      %swap3A_277 = arith.index_cast %add3A_272 : i32 to index
      %swap3A_278 = tpu.vector_load %arg9[%swap3A_277] {strides = array<i32>} : memref<16384xf32, #tpu.memory_space<vmem>>, vector<16xf32>,
      %swap3A_279 = vector.shape_cast %swap3A_278 : vector<16xf32> to vector<16xf32>
      %swap3A_280 = vector.shape_cast %add3A_276 : vector<16xf32> to vector<16xf32>
      tpu.vector_store %arg9[%swap3A_277], %swap3A_280 {strides = array<i32>} : memref<16384xf32, #tpu.memory_space<vmem>>, vector<16xf32>,
      %scan3A_281 = arith.constant 0 : i32
      scf.yield %scan3A_281 : i32
    }
    %scan3A_39 = arith.constant 128 : i32
    %dma_start3A_40 = arith.constant 256 : i32
    %dma_start3A_41 = tpu.memref_slice %arg6[%dma_start3A_40] : memref<384xi32, #tpu.memory_space<vmem>> -> memref<128xi32, #tpu.memory_space<vmem>>
    %dma_start3A_42 = arith.constant 0 : i32
    %dma_start3A_43 = arith.constant 0 : i32
    %dma_start3A_44 = tpu.memref_slice %arg2[%dma_start3A_42, %dma_start3A_43] : memref<4096x128xf32, #tpu.memory_space<hbm>> -> memref<4096x128xf32, #tpu.memory_space<hbm>>
    tpu.enqueue_indirect_dma source(%dma_start3A_44 : memref<4096x128xf32, #tpu.memory_space<hbm>>) target(%arg8 : memref<128x128xf32, #tpu.memory_space<vmem>>) offsets(%dma_start3A_41 : memref<128xi32, #tpu.memory_space<vmem>>) semaphore(%arg10 : memref<!tpu.dma_semaphore, #tpu.memory_space<semaphore_mem>>)
    %dma_wait3A_45 = arith.constant 256 : i32
    %dma_wait3A_46 = tpu.memref_slice %arg6[%dma_wait3A_45] : memref<384xi32, #tpu.memory_space<vmem>> -> memref<128xi32, #tpu.memory_space<vmem>>
    %dma_wait3A_47 = arith.constant 0 : i32
    %dma_wait3A_48 = arith.constant 0 : i32
    %dma_wait3A_49 = tpu.memref_slice %arg2[%dma_wait3A_47, %dma_wait3A_48] : memref<4096x128xf32, #tpu.memory_space<hbm>> -> memref<4096x128xf32, #tpu.memory_space<hbm>>
    tpu.wait_indirect_dma semaphore(%arg10 : memref<!tpu.dma_semaphore, #tpu.memory_space<semaphore_mem>>) src(%dma_wait3A_49 : memref<4096x128xf32, #tpu.memory_space<hbm>>) dst(%arg8 : memref<128x128xf32, #tpu.memory_space<vmem>>)
    %scan3A_50 = arith.constant 0 : i32
    %scan3A_51 = arith.constant 0 : i32
    %scan3A_52 = arith.constant 128 : i32
    %scan3A_53 = arith.addi %scan3A_51, %scan3A_52 : i32
    %scan3A_54 = arith.constant 1 : i32
    %scan3A_55 = scf.for %scan3A_120 = %scan3A_51 to %scan3A_53 step %scan3A_54 iter_args(%scan3A_121 = %scan3A_50) -> (i32)  : i32 {
      %add3A_122 = arith.constant 0 : i32
      %add3A_123 = arith.addi %add3A_122, %scan3A_120 : i32
      %mul3A_124 = arith.constant 48 : i32
      %mul3A_125 = arith.muli %add3A_123, %mul3A_124 : i32
      %add3A_126 = arith.constant 32 : i32
      %add3A_127 = arith.addi %mul3A_125, %add3A_126 : i32
      %get3A = arith.index_cast %add3A_127 : i32 to index
      %get3A_128 = tpu.vector_load %arg7[%get3A] {strides = array<i32>} : memref<6144xf32, #tpu.memory_space<vmem>>, vector<16xf32>,
      %get3A_129 = vector.shape_cast %get3A_128 : vector<16xf32> to vector<16xf32>
      %get3A_130 = arith.index_cast %scan3A_120 : i32 to index
      %get3A_131 = arith.constant 0 : index
      %get3A_132 = tpu.vector_load %arg8[%get3A_130, %get3A_131] {strides = array<i32>} : memref<128x128xf32, #tpu.memory_space<vmem>>, vector<1x16xf32>,
      %get3A_133 = vector.shape_cast %get3A_132 : vector<1x16xf32> to vector<16xf32>
      %mul3A_134 = arith.mulf %get3A_133, %get3A_129 : vector<16xf32>
      %add3A_135 = arith.constant 0 : i32
      %add3A_136 = arith.addi %add3A_135, %scan3A_120 : i32
      %mul3A_137 = arith.constant 128 : i32
      %mul3A_138 = arith.muli %add3A_136, %mul3A_137 : i32
      %add3A_139 = arith.constant 0 : i32
      %add3A_140 = arith.addi %mul3A_138, %add3A_139 : i32
      %get3A_141 = arith.index_cast %add3A_140 : i32 to index
      %get3A_142 = tpu.vector_load %arg9[%get3A_141] {strides = array<i32>} : memref<16384xf32, #tpu.memory_space<vmem>>, vector<16xf32>,
      %get3A_143 = vector.shape_cast %get3A_142 : vector<16xf32> to vector<16xf32>
      %add3A_144 = arith.addf %get3A_143, %mul3A_134 : vector<16xf32>
      %swap3A = arith.index_cast %add3A_140 : i32 to index
      %swap3A_145 = tpu.vector_load %arg9[%swap3A] {strides = array<i32>} : memref<16384xf32, #tpu.memory_space<vmem>>, vector<16xf32>,
      %swap3A_146 = vector.shape_cast %swap3A_145 : vector<16xf32> to vector<16xf32>
      %swap3A_147 = vector.shape_cast %add3A_144 : vector<16xf32> to vector<16xf32>
      tpu.vector_store %arg9[%swap3A], %swap3A_147 {strides = array<i32>} : memref<16384xf32, #tpu.memory_space<vmem>>, vector<16xf32>,
      %get3A_148 = arith.index_cast %scan3A_120 : i32 to index
      %get3A_149 = arith.constant 16 : index
      %get3A_150 = tpu.vector_load %arg8[%get3A_148, %get3A_149] {strides = array<i32>} : memref<128x128xf32, #tpu.memory_space<vmem>>, vector<1x16xf32>,
      %get3A_151 = vector.shape_cast %get3A_150 : vector<1x16xf32> to vector<16xf32>
      %mul3A_152 = arith.mulf %get3A_151, %get3A_129 : vector<16xf32>
      %add3A_153 = arith.constant 0 : i32
      %add3A_154 = arith.addi %add3A_153, %scan3A_120 : i32
      %mul3A_155 = arith.constant 128 : i32
      %mul3A_156 = arith.muli %add3A_154, %mul3A_155 : i32
      %add3A_157 = arith.constant 16 : i32
      %add3A_158 = arith.addi %mul3A_156, %add3A_157 : i32
      %get3A_159 = arith.index_cast %add3A_158 : i32 to index
      %get3A_160 = tpu.vector_load %arg9[%get3A_159] {strides = array<i32>} : memref<16384xf32, #tpu.memory_space<vmem>>, vector<16xf32>,
      %get3A_161 = vector.shape_cast %get3A_160 : vector<16xf32> to vector<16xf32>
      %add3A_162 = arith.addf %get3A_161, %mul3A_152 : vector<16xf32>
      %swap3A_163 = arith.index_cast %add3A_158 : i32 to index
      %swap3A_164 = tpu.vector_load %arg9[%swap3A_163] {strides = array<i32>} : memref<16384xf32, #tpu.memory_space<vmem>>, vector<16xf32>,
      %swap3A_165 = vector.shape_cast %swap3A_164 : vector<16xf32> to vector<16xf32>
      %swap3A_166 = vector.shape_cast %add3A_162 : vector<16xf32> to vector<16xf32>
      tpu.vector_store %arg9[%swap3A_163], %swap3A_166 {strides = array<i32>} : memref<16384xf32, #tpu.memory_space<vmem>>, vector<16xf32>,
      %get3A_167 = arith.index_cast %scan3A_120 : i32 to index
      %get3A_168 = arith.constant 32 : index
      %get3A_169 = tpu.vector_load %arg8[%get3A_167, %get3A_168] {strides = array<i32>} : memref<128x128xf32, #tpu.memory_space<vmem>>, vector<1x16xf32>,
      %get3A_170 = vector.shape_cast %get3A_169 : vector<1x16xf32> to vector<16xf32>
      %mul3A_171 = arith.mulf %get3A_170, %get3A_129 : vector<16xf32>
      %add3A_172 = arith.constant 0 : i32
      %add3A_173 = arith.addi %add3A_172, %scan3A_120 : i32
      %mul3A_174 = arith.constant 128 : i32
      %mul3A_175 = arith.muli %add3A_173, %mul3A_174 : i32
      %add3A_176 = arith.constant 32 : i32
      %add3A_177 = arith.addi %mul3A_175, %add3A_176 : i32
      %get3A_178 = arith.index_cast %add3A_177 : i32 to index
      %get3A_179 = tpu.vector_load %arg9[%get3A_178] {strides = array<i32>} : memref<16384xf32, #tpu.memory_space<vmem>>, vector<16xf32>,
      %get3A_180 = vector.shape_cast %get3A_179 : vector<16xf32> to vector<16xf32>
      %add3A_181 = arith.addf %get3A_180, %mul3A_171 : vector<16xf32>
      %swap3A_182 = arith.index_cast %add3A_177 : i32 to index
      %swap3A_183 = tpu.vector_load %arg9[%swap3A_182] {strides = array<i32>} : memref<16384xf32, #tpu.memory_space<vmem>>, vector<16xf32>,
      %swap3A_184 = vector.shape_cast %swap3A_183 : vector<16xf32> to vector<16xf32>
      %swap3A_185 = vector.shape_cast %add3A_181 : vector<16xf32> to vector<16xf32>
      tpu.vector_store %arg9[%swap3A_182], %swap3A_185 {strides = array<i32>} : memref<16384xf32, #tpu.memory_space<vmem>>, vector<16xf32>,
      %get3A_186 = arith.index_cast %scan3A_120 : i32 to index
      %get3A_187 = arith.constant 48 : index
      %get3A_188 = tpu.vector_load %arg8[%get3A_186, %get3A_187] {strides = array<i32>} : memref<128x128xf32, #tpu.memory_space<vmem>>, vector<1x16xf32>,
      %get3A_189 = vector.shape_cast %get3A_188 : vector<1x16xf32> to vector<16xf32>
      %mul3A_190 = arith.mulf %get3A_189, %get3A_129 : vector<16xf32>
      %add3A_191 = arith.constant 0 : i32
      %add3A_192 = arith.addi %add3A_191, %scan3A_120 : i32
      %mul3A_193 = arith.constant 128 : i32
      %mul3A_194 = arith.muli %add3A_192, %mul3A_193 : i32
      %add3A_195 = arith.constant 48 : i32
      %add3A_196 = arith.addi %mul3A_194, %add3A_195 : i32
      %get3A_197 = arith.index_cast %add3A_196 : i32 to index
      %get3A_198 = tpu.vector_load %arg9[%get3A_197] {strides = array<i32>} : memref<16384xf32, #tpu.memory_space<vmem>>, vector<16xf32>,
      %get3A_199 = vector.shape_cast %get3A_198 : vector<16xf32> to vector<16xf32>
      %add3A_200 = arith.addf %get3A_199, %mul3A_190 : vector<16xf32>
      %swap3A_201 = arith.index_cast %add3A_196 : i32 to index
      %swap3A_202 = tpu.vector_load %arg9[%swap3A_201] {strides = array<i32>} : memref<16384xf32, #tpu.memory_space<vmem>>, vector<16xf32>,
      %swap3A_203 = vector.shape_cast %swap3A_202 : vector<16xf32> to vector<16xf32>
      %swap3A_204 = vector.shape_cast %add3A_200 : vector<16xf32> to vector<16xf32>
      tpu.vector_store %arg9[%swap3A_201], %swap3A_204 {strides = array<i32>} : memref<16384xf32, #tpu.memory_space<vmem>>, vector<16xf32>,
      %get3A_205 = arith.index_cast %scan3A_120 : i32 to index
      %get3A_206 = arith.constant 64 : index
      %get3A_207 = tpu.vector_load %arg8[%get3A_205, %get3A_206] {strides = array<i32>} : memref<128x128xf32, #tpu.memory_space<vmem>>, vector<1x16xf32>,
      %get3A_208 = vector.shape_cast %get3A_207 : vector<1x16xf32> to vector<16xf32>
      %mul3A_209 = arith.mulf %get3A_208, %get3A_129 : vector<16xf32>
      %add3A_210 = arith.constant 0 : i32
      %add3A_211 = arith.addi %add3A_210, %scan3A_120 : i32
      %mul3A_212 = arith.constant 128 : i32
      %mul3A_213 = arith.muli %add3A_211, %mul3A_212 : i32
      %add3A_214 = arith.constant 64 : i32
      %add3A_215 = arith.addi %mul3A_213, %add3A_214 : i32
      %get3A_216 = arith.index_cast %add3A_215 : i32 to index
      %get3A_217 = tpu.vector_load %arg9[%get3A_216] {strides = array<i32>} : memref<16384xf32, #tpu.memory_space<vmem>>, vector<16xf32>,
      %get3A_218 = vector.shape_cast %get3A_217 : vector<16xf32> to vector<16xf32>
      %add3A_219 = arith.addf %get3A_218, %mul3A_209 : vector<16xf32>
      %swap3A_220 = arith.index_cast %add3A_215 : i32 to index
      %swap3A_221 = tpu.vector_load %arg9[%swap3A_220] {strides = array<i32>} : memref<16384xf32, #tpu.memory_space<vmem>>, vector<16xf32>,
      %swap3A_222 = vector.shape_cast %swap3A_221 : vector<16xf32> to vector<16xf32>
      %swap3A_223 = vector.shape_cast %add3A_219 : vector<16xf32> to vector<16xf32>
      tpu.vector_store %arg9[%swap3A_220], %swap3A_223 {strides = array<i32>} : memref<16384xf32, #tpu.memory_space<vmem>>, vector<16xf32>,
      %get3A_224 = arith.index_cast %scan3A_120 : i32 to index
      %get3A_225 = arith.constant 80 : index
      %get3A_226 = tpu.vector_load %arg8[%get3A_224, %get3A_225] {strides = array<i32>} : memref<128x128xf32, #tpu.memory_space<vmem>>, vector<1x16xf32>,
      %get3A_227 = vector.shape_cast %get3A_226 : vector<1x16xf32> to vector<16xf32>
      %mul3A_228 = arith.mulf %get3A_227, %get3A_129 : vector<16xf32>
      %add3A_229 = arith.constant 0 : i32
      %add3A_230 = arith.addi %add3A_229, %scan3A_120 : i32
      %mul3A_231 = arith.constant 128 : i32
      %mul3A_232 = arith.muli %add3A_230, %mul3A_231 : i32
      %add3A_233 = arith.constant 80 : i32
      %add3A_234 = arith.addi %mul3A_232, %add3A_233 : i32
      %get3A_235 = arith.index_cast %add3A_234 : i32 to index
      %get3A_236 = tpu.vector_load %arg9[%get3A_235] {strides = array<i32>} : memref<16384xf32, #tpu.memory_space<vmem>>, vector<16xf32>,
      %get3A_237 = vector.shape_cast %get3A_236 : vector<16xf32> to vector<16xf32>
      %add3A_238 = arith.addf %get3A_237, %mul3A_228 : vector<16xf32>
      %swap3A_239 = arith.index_cast %add3A_234 : i32 to index
      %swap3A_240 = tpu.vector_load %arg9[%swap3A_239] {strides = array<i32>} : memref<16384xf32, #tpu.memory_space<vmem>>, vector<16xf32>,
      %swap3A_241 = vector.shape_cast %swap3A_240 : vector<16xf32> to vector<16xf32>
      %swap3A_242 = vector.shape_cast %add3A_238 : vector<16xf32> to vector<16xf32>
      tpu.vector_store %arg9[%swap3A_239], %swap3A_242 {strides = array<i32>} : memref<16384xf32, #tpu.memory_space<vmem>>, vector<16xf32>,
      %get3A_243 = arith.index_cast %scan3A_120 : i32 to index
      %get3A_244 = arith.constant 96 : index
      %get3A_245 = tpu.vector_load %arg8[%get3A_243, %get3A_244] {strides = array<i32>} : memref<128x128xf32, #tpu.memory_space<vmem>>, vector<1x16xf32>,
      %get3A_246 = vector.shape_cast %get3A_245 : vector<1x16xf32> to vector<16xf32>
      %mul3A_247 = arith.mulf %get3A_246, %get3A_129 : vector<16xf32>
      %add3A_248 = arith.constant 0 : i32
      %add3A_249 = arith.addi %add3A_248, %scan3A_120 : i32
      %mul3A_250 = arith.constant 128 : i32
      %mul3A_251 = arith.muli %add3A_249, %mul3A_250 : i32
      %add3A_252 = arith.constant 96 : i32
      %add3A_253 = arith.addi %mul3A_251, %add3A_252 : i32
      %get3A_254 = arith.index_cast %add3A_253 : i32 to index
      %get3A_255 = tpu.vector_load %arg9[%get3A_254] {strides = array<i32>} : memref<16384xf32, #tpu.memory_space<vmem>>, vector<16xf32>,
      %get3A_256 = vector.shape_cast %get3A_255 : vector<16xf32> to vector<16xf32>
      %add3A_257 = arith.addf %get3A_256, %mul3A_247 : vector<16xf32>
      %swap3A_258 = arith.index_cast %add3A_253 : i32 to index
      %swap3A_259 = tpu.vector_load %arg9[%swap3A_258] {strides = array<i32>} : memref<16384xf32, #tpu.memory_space<vmem>>, vector<16xf32>,
      %swap3A_260 = vector.shape_cast %swap3A_259 : vector<16xf32> to vector<16xf32>
      %swap3A_261 = vector.shape_cast %add3A_257 : vector<16xf32> to vector<16xf32>
      tpu.vector_store %arg9[%swap3A_258], %swap3A_261 {strides = array<i32>} : memref<16384xf32, #tpu.memory_space<vmem>>, vector<16xf32>,
      %get3A_262 = arith.index_cast %scan3A_120 : i32 to index
      %get3A_263 = arith.constant 112 : index
      %get3A_264 = tpu.vector_load %arg8[%get3A_262, %get3A_263] {strides = array<i32>} : memref<128x128xf32, #tpu.memory_space<vmem>>, vector<1x16xf32>,
      %get3A_265 = vector.shape_cast %get3A_264 : vector<1x16xf32> to vector<16xf32>
      %mul3A_266 = arith.mulf %get3A_265, %get3A_129 : vector<16xf32>
      %add3A_267 = arith.constant 0 : i32
      %add3A_268 = arith.addi %add3A_267, %scan3A_120 : i32
      %mul3A_269 = arith.constant 128 : i32
      %mul3A_270 = arith.muli %add3A_268, %mul3A_269 : i32
      %add3A_271 = arith.constant 112 : i32
      %add3A_272 = arith.addi %mul3A_270, %add3A_271 : i32
      %get3A_273 = arith.index_cast %add3A_272 : i32 to index
      %get3A_274 = tpu.vector_load %arg9[%get3A_273] {strides = array<i32>} : memref<16384xf32, #tpu.memory_space<vmem>>, vector<16xf32>,
      %get3A_275 = vector.shape_cast %get3A_274 : vector<16xf32> to vector<16xf32>
      %add3A_276 = arith.addf %get3A_275, %mul3A_266 : vector<16xf32>
      %swap3A_277 = arith.index_cast %add3A_272 : i32 to index
      %swap3A_278 = tpu.vector_load %arg9[%swap3A_277] {strides = array<i32>} : memref<16384xf32, #tpu.memory_space<vmem>>, vector<16xf32>,
      %swap3A_279 = vector.shape_cast %swap3A_278 : vector<16xf32> to vector<16xf32>
      %swap3A_280 = vector.shape_cast %add3A_276 : vector<16xf32> to vector<16xf32>
      tpu.vector_store %arg9[%swap3A_277], %swap3A_280 {strides = array<i32>} : memref<16384xf32, #tpu.memory_space<vmem>>, vector<16xf32>,
      %scan3A_281 = arith.constant 0 : i32
      scf.yield %scan3A_281 : i32
    }
    %scan3A_56 = arith.constant 128 : i32
    %mul3A_57 = arith.constant 16384 : i32
    %mul3A_58 = arith.muli %add3A_4, %mul3A_57 : i32
    "tpu.region"() ({
      %run_scoped3A = tpu.sem_alloc : memref<!tpu.dma_semaphore, #tpu.memory_space<semaphore_mem>>
      %dma_start3A_120 = tpu.memref_slice %arg5[%mul3A_58] : memref<1048576xf32, #tpu.memory_space<hbm>> -> memref<16384xf32, #tpu.memory_space<hbm>>
      %dma_start3A_121 = tpu.memref_slice %arg5[%mul3A_58] : memref<1048576xf32, #tpu.memory_space<hbm>> -> memref<16384xf32, #tpu.memory_space<hbm>>
      tpu.enqueue_dma source(%arg9 : memref<16384xf32, #tpu.memory_space<vmem>>) target(%dma_start3A_121 : memref<16384xf32, #tpu.memory_space<hbm>>) target_semaphore(%run_scoped3A : memref<!tpu.dma_semaphore, #tpu.memory_space<semaphore_mem>>)
      %dma_wait3A_122 = tpu.memref_slice %arg5[%mul3A_58] : memref<1048576xf32, #tpu.memory_space<hbm>> -> memref<16384xf32, #tpu.memory_space<hbm>>
      %dma_wait3A_123 = tpu.memref_slice %arg5[%mul3A_58] : memref<1048576xf32, #tpu.memory_space<hbm>> -> memref<16384xf32, #tpu.memory_space<hbm>>
      tpu.wait_dma2 semaphore(%run_scoped3A : memref<!tpu.dma_semaphore, #tpu.memory_space<semaphore_mem>>) src(%arg9 : memref<16384xf32, #tpu.memory_space<vmem>>) dst(%dma_wait3A_123 : memref<16384xf32, #tpu.memory_space<hbm>>)
      tpu.yield
    }) : () -> ()
    %mul3A_59 = arith.constant 2 : i32
    %mul3A_60 = arith.muli %add3A, %mul3A_59 : i32
    %add3A_61 = arith.constant 1 : i32
    %add3A_62 = arith.addi %mul3A_60, %add3A_61 : i32
    %mul3A_63 = arith.constant 384 : i32
    %mul3A_64 = arith.muli %add3A_62, %mul3A_63 : i32
    "tpu.region"() ({
      %run_scoped3A = tpu.sem_alloc : memref<!tpu.dma_semaphore, #tpu.memory_space<semaphore_mem>>
      %dma_start3A_120 = tpu.memref_slice %arg3[%mul3A_64] : memref<24576xi32, #tpu.memory_space<hbm>> -> memref<384xi32, #tpu.memory_space<hbm>>
      %dma_start3A_121 = tpu.memref_slice %arg3[%mul3A_64] : memref<24576xi32, #tpu.memory_space<hbm>> -> memref<384xi32, #tpu.memory_space<hbm>>
      tpu.enqueue_dma source(%dma_start3A_121 : memref<384xi32, #tpu.memory_space<hbm>>) target(%arg6 : memref<384xi32, #tpu.memory_space<vmem>>) target_semaphore(%run_scoped3A : memref<!tpu.dma_semaphore, #tpu.memory_space<semaphore_mem>>)
      %dma_wait3A_122 = tpu.memref_slice %arg3[%mul3A_64] : memref<24576xi32, #tpu.memory_space<hbm>> -> memref<384xi32, #tpu.memory_space<hbm>>
      %dma_wait3A_123 = tpu.memref_slice %arg3[%mul3A_64] : memref<24576xi32, #tpu.memory_space<hbm>> -> memref<384xi32, #tpu.memory_space<hbm>>
      tpu.wait_dma2 semaphore(%run_scoped3A : memref<!tpu.dma_semaphore, #tpu.memory_space<semaphore_mem>>) src(%dma_wait3A_123 : memref<384xi32, #tpu.memory_space<hbm>>) dst(%arg6 : memref<384xi32, #tpu.memory_space<vmem>>)
      tpu.yield
    }) : () -> ()
    %mul3A_65 = arith.constant 6144 : i32
    %mul3A_66 = arith.muli %add3A_62, %mul3A_65 : i32
    "tpu.region"() ({
      %run_scoped3A = tpu.sem_alloc : memref<!tpu.dma_semaphore, #tpu.memory_space<semaphore_mem>>
      %dma_start3A_120 = tpu.memref_slice %arg4[%mul3A_66] : memref<393216xf32, #tpu.memory_space<hbm>> -> memref<6144xf32, #tpu.memory_space<hbm>>
      %dma_start3A_121 = tpu.memref_slice %arg4[%mul3A_66] : memref<393216xf32, #tpu.memory_space<hbm>> -> memref<6144xf32, #tpu.memory_space<hbm>>
      tpu.enqueue_dma source(%dma_start3A_121 : memref<6144xf32, #tpu.memory_space<hbm>>) target(%arg7 : memref<6144xf32, #tpu.memory_space<vmem>>) target_semaphore(%run_scoped3A : memref<!tpu.dma_semaphore, #tpu.memory_space<semaphore_mem>>)
      %dma_wait3A_122 = tpu.memref_slice %arg4[%mul3A_66] : memref<393216xf32, #tpu.memory_space<hbm>> -> memref<6144xf32, #tpu.memory_space<hbm>>
      %dma_wait3A_123 = tpu.memref_slice %arg4[%mul3A_66] : memref<393216xf32, #tpu.memory_space<hbm>> -> memref<6144xf32, #tpu.memory_space<hbm>>
      tpu.wait_dma2 semaphore(%run_scoped3A : memref<!tpu.dma_semaphore, #tpu.memory_space<semaphore_mem>>) src(%dma_wait3A_123 : memref<6144xf32, #tpu.memory_space<hbm>>) dst(%arg7 : memref<6144xf32, #tpu.memory_space<vmem>>)
      tpu.yield
    }) : () -> ()
    %dma_start3A_67 = arith.constant 0 : i32
    %dma_start3A_68 = tpu.memref_slice %arg6[%dma_start3A_67] : memref<384xi32, #tpu.memory_space<vmem>> -> memref<128xi32, #tpu.memory_space<vmem>>
    %dma_start3A_69 = arith.constant 0 : i32
    %dma_start3A_70 = arith.constant 0 : i32
    %dma_start3A_71 = tpu.memref_slice %arg2[%dma_start3A_69, %dma_start3A_70] : memref<4096x128xf32, #tpu.memory_space<hbm>> -> memref<4096x128xf32, #tpu.memory_space<hbm>>
    tpu.enqueue_indirect_dma source(%dma_start3A_71 : memref<4096x128xf32, #tpu.memory_space<hbm>>) target(%arg8 : memref<128x128xf32, #tpu.memory_space<vmem>>) offsets(%dma_start3A_68 : memref<128xi32, #tpu.memory_space<vmem>>) semaphore(%arg10 : memref<!tpu.dma_semaphore, #tpu.memory_space<semaphore_mem>>)
    %dma_wait3A_72 = arith.constant 0 : i32
    %dma_wait3A_73 = tpu.memref_slice %arg6[%dma_wait3A_72] : memref<384xi32, #tpu.memory_space<vmem>> -> memref<128xi32, #tpu.memory_space<vmem>>
    %dma_wait3A_74 = arith.constant 0 : i32
    %dma_wait3A_75 = arith.constant 0 : i32
    %dma_wait3A_76 = tpu.memref_slice %arg2[%dma_wait3A_74, %dma_wait3A_75] : memref<4096x128xf32, #tpu.memory_space<hbm>> -> memref<4096x128xf32, #tpu.memory_space<hbm>>
    tpu.wait_indirect_dma semaphore(%arg10 : memref<!tpu.dma_semaphore, #tpu.memory_space<semaphore_mem>>) src(%dma_wait3A_76 : memref<4096x128xf32, #tpu.memory_space<hbm>>) dst(%arg8 : memref<128x128xf32, #tpu.memory_space<vmem>>)
    %scan3A_77 = arith.constant 0 : i32
    %scan3A_78 = arith.constant 0 : i32
    %scan3A_79 = arith.constant 128 : i32
    %scan3A_80 = arith.addi %scan3A_78, %scan3A_79 : i32
    %scan3A_81 = arith.constant 1 : i32
    %scan3A_82 = scf.for %scan3A_120 = %scan3A_78 to %scan3A_80 step %scan3A_81 iter_args(%scan3A_121 = %scan3A_77) -> (i32)  : i32 {
      %add3A_122 = arith.constant 0 : i32
      %add3A_123 = arith.addi %add3A_122, %scan3A_120 : i32
      %mul3A_124 = arith.constant 48 : i32
      %mul3A_125 = arith.muli %add3A_123, %mul3A_124 : i32
      %add3A_126 = arith.constant 0 : i32
      %add3A_127 = arith.addi %mul3A_125, %add3A_126 : i32
      %get3A = arith.index_cast %add3A_127 : i32 to index
      %get3A_128 = tpu.vector_load %arg7[%get3A] {strides = array<i32>} : memref<6144xf32, #tpu.memory_space<vmem>>, vector<16xf32>,
      %get3A_129 = vector.shape_cast %get3A_128 : vector<16xf32> to vector<16xf32>
      %get3A_130 = arith.index_cast %scan3A_120 : i32 to index
      %get3A_131 = arith.constant 0 : index
      %get3A_132 = tpu.vector_load %arg8[%get3A_130, %get3A_131] {strides = array<i32>} : memref<128x128xf32, #tpu.memory_space<vmem>>, vector<1x16xf32>,
      %get3A_133 = vector.shape_cast %get3A_132 : vector<1x16xf32> to vector<16xf32>
      %mul3A_134 = arith.mulf %get3A_133, %get3A_129 : vector<16xf32>
      %add3A_135 = arith.constant 0 : i32
      %add3A_136 = arith.addi %add3A_135, %scan3A_120 : i32
      %mul3A_137 = arith.constant 128 : i32
      %mul3A_138 = arith.muli %add3A_136, %mul3A_137 : i32
      %add3A_139 = arith.constant 0 : i32
      %add3A_140 = arith.addi %mul3A_138, %add3A_139 : i32
      %swap3A = arith.index_cast %add3A_140 : i32 to index
      %swap3A_141 = tpu.vector_load %arg9[%swap3A] {strides = array<i32>} : memref<16384xf32, #tpu.memory_space<vmem>>, vector<16xf32>,
      %swap3A_142 = vector.shape_cast %swap3A_141 : vector<16xf32> to vector<16xf32>
      %swap3A_143 = vector.shape_cast %mul3A_134 : vector<16xf32> to vector<16xf32>
      tpu.vector_store %arg9[%swap3A], %swap3A_143 {strides = array<i32>} : memref<16384xf32, #tpu.memory_space<vmem>>, vector<16xf32>,
      %get3A_144 = arith.index_cast %scan3A_120 : i32 to index
      %get3A_145 = arith.constant 16 : index
      %get3A_146 = tpu.vector_load %arg8[%get3A_144, %get3A_145] {strides = array<i32>} : memref<128x128xf32, #tpu.memory_space<vmem>>, vector<1x16xf32>,
      %get3A_147 = vector.shape_cast %get3A_146 : vector<1x16xf32> to vector<16xf32>
      %mul3A_148 = arith.mulf %get3A_147, %get3A_129 : vector<16xf32>
      %add3A_149 = arith.constant 0 : i32
      %add3A_150 = arith.addi %add3A_149, %scan3A_120 : i32
      %mul3A_151 = arith.constant 128 : i32
      %mul3A_152 = arith.muli %add3A_150, %mul3A_151 : i32
      %add3A_153 = arith.constant 16 : i32
      %add3A_154 = arith.addi %mul3A_152, %add3A_153 : i32
      %swap3A_155 = arith.index_cast %add3A_154 : i32 to index
      %swap3A_156 = tpu.vector_load %arg9[%swap3A_155] {strides = array<i32>} : memref<16384xf32, #tpu.memory_space<vmem>>, vector<16xf32>,
      %swap3A_157 = vector.shape_cast %swap3A_156 : vector<16xf32> to vector<16xf32>
      %swap3A_158 = vector.shape_cast %mul3A_148 : vector<16xf32> to vector<16xf32>
      tpu.vector_store %arg9[%swap3A_155], %swap3A_158 {strides = array<i32>} : memref<16384xf32, #tpu.memory_space<vmem>>, vector<16xf32>,
      %get3A_159 = arith.index_cast %scan3A_120 : i32 to index
      %get3A_160 = arith.constant 32 : index
      %get3A_161 = tpu.vector_load %arg8[%get3A_159, %get3A_160] {strides = array<i32>} : memref<128x128xf32, #tpu.memory_space<vmem>>, vector<1x16xf32>,
      %get3A_162 = vector.shape_cast %get3A_161 : vector<1x16xf32> to vector<16xf32>
      %mul3A_163 = arith.mulf %get3A_162, %get3A_129 : vector<16xf32>
      %add3A_164 = arith.constant 0 : i32
      %add3A_165 = arith.addi %add3A_164, %scan3A_120 : i32
      %mul3A_166 = arith.constant 128 : i32
      %mul3A_167 = arith.muli %add3A_165, %mul3A_166 : i32
      %add3A_168 = arith.constant 32 : i32
      %add3A_169 = arith.addi %mul3A_167, %add3A_168 : i32
      %swap3A_170 = arith.index_cast %add3A_169 : i32 to index
      %swap3A_171 = tpu.vector_load %arg9[%swap3A_170] {strides = array<i32>} : memref<16384xf32, #tpu.memory_space<vmem>>, vector<16xf32>,
      %swap3A_172 = vector.shape_cast %swap3A_171 : vector<16xf32> to vector<16xf32>
      %swap3A_173 = vector.shape_cast %mul3A_163 : vector<16xf32> to vector<16xf32>
      tpu.vector_store %arg9[%swap3A_170], %swap3A_173 {strides = array<i32>} : memref<16384xf32, #tpu.memory_space<vmem>>, vector<16xf32>,
      %get3A_174 = arith.index_cast %scan3A_120 : i32 to index
      %get3A_175 = arith.constant 48 : index
      %get3A_176 = tpu.vector_load %arg8[%get3A_174, %get3A_175] {strides = array<i32>} : memref<128x128xf32, #tpu.memory_space<vmem>>, vector<1x16xf32>,
      %get3A_177 = vector.shape_cast %get3A_176 : vector<1x16xf32> to vector<16xf32>
      %mul3A_178 = arith.mulf %get3A_177, %get3A_129 : vector<16xf32>
      %add3A_179 = arith.constant 0 : i32
      %add3A_180 = arith.addi %add3A_179, %scan3A_120 : i32
      %mul3A_181 = arith.constant 128 : i32
      %mul3A_182 = arith.muli %add3A_180, %mul3A_181 : i32
      %add3A_183 = arith.constant 48 : i32
      %add3A_184 = arith.addi %mul3A_182, %add3A_183 : i32
      %swap3A_185 = arith.index_cast %add3A_184 : i32 to index
      %swap3A_186 = tpu.vector_load %arg9[%swap3A_185] {strides = array<i32>} : memref<16384xf32, #tpu.memory_space<vmem>>, vector<16xf32>,
      %swap3A_187 = vector.shape_cast %swap3A_186 : vector<16xf32> to vector<16xf32>
      %swap3A_188 = vector.shape_cast %mul3A_178 : vector<16xf32> to vector<16xf32>
      tpu.vector_store %arg9[%swap3A_185], %swap3A_188 {strides = array<i32>} : memref<16384xf32, #tpu.memory_space<vmem>>, vector<16xf32>,
      %get3A_189 = arith.index_cast %scan3A_120 : i32 to index
      %get3A_190 = arith.constant 64 : index
      %get3A_191 = tpu.vector_load %arg8[%get3A_189, %get3A_190] {strides = array<i32>} : memref<128x128xf32, #tpu.memory_space<vmem>>, vector<1x16xf32>,
      %get3A_192 = vector.shape_cast %get3A_191 : vector<1x16xf32> to vector<16xf32>
      %mul3A_193 = arith.mulf %get3A_192, %get3A_129 : vector<16xf32>
      %add3A_194 = arith.constant 0 : i32
      %add3A_195 = arith.addi %add3A_194, %scan3A_120 : i32
      %mul3A_196 = arith.constant 128 : i32
      %mul3A_197 = arith.muli %add3A_195, %mul3A_196 : i32
      %add3A_198 = arith.constant 64 : i32
      %add3A_199 = arith.addi %mul3A_197, %add3A_198 : i32
      %swap3A_200 = arith.index_cast %add3A_199 : i32 to index
      %swap3A_201 = tpu.vector_load %arg9[%swap3A_200] {strides = array<i32>} : memref<16384xf32, #tpu.memory_space<vmem>>, vector<16xf32>,
      %swap3A_202 = vector.shape_cast %swap3A_201 : vector<16xf32> to vector<16xf32>
      %swap3A_203 = vector.shape_cast %mul3A_193 : vector<16xf32> to vector<16xf32>
      tpu.vector_store %arg9[%swap3A_200], %swap3A_203 {strides = array<i32>} : memref<16384xf32, #tpu.memory_space<vmem>>, vector<16xf32>,
      %get3A_204 = arith.index_cast %scan3A_120 : i32 to index
      %get3A_205 = arith.constant 80 : index
      %get3A_206 = tpu.vector_load %arg8[%get3A_204, %get3A_205] {strides = array<i32>} : memref<128x128xf32, #tpu.memory_space<vmem>>, vector<1x16xf32>,
      %get3A_207 = vector.shape_cast %get3A_206 : vector<1x16xf32> to vector<16xf32>
      %mul3A_208 = arith.mulf %get3A_207, %get3A_129 : vector<16xf32>
      %add3A_209 = arith.constant 0 : i32
      %add3A_210 = arith.addi %add3A_209, %scan3A_120 : i32
      %mul3A_211 = arith.constant 128 : i32
      %mul3A_212 = arith.muli %add3A_210, %mul3A_211 : i32
      %add3A_213 = arith.constant 80 : i32
      %add3A_214 = arith.addi %mul3A_212, %add3A_213 : i32
      %swap3A_215 = arith.index_cast %add3A_214 : i32 to index
      %swap3A_216 = tpu.vector_load %arg9[%swap3A_215] {strides = array<i32>} : memref<16384xf32, #tpu.memory_space<vmem>>, vector<16xf32>,
      %swap3A_217 = vector.shape_cast %swap3A_216 : vector<16xf32> to vector<16xf32>
      %swap3A_218 = vector.shape_cast %mul3A_208 : vector<16xf32> to vector<16xf32>
      tpu.vector_store %arg9[%swap3A_215], %swap3A_218 {strides = array<i32>} : memref<16384xf32, #tpu.memory_space<vmem>>, vector<16xf32>,
      %get3A_219 = arith.index_cast %scan3A_120 : i32 to index
      %get3A_220 = arith.constant 96 : index
      %get3A_221 = tpu.vector_load %arg8[%get3A_219, %get3A_220] {strides = array<i32>} : memref<128x128xf32, #tpu.memory_space<vmem>>, vector<1x16xf32>,
      %get3A_222 = vector.shape_cast %get3A_221 : vector<1x16xf32> to vector<16xf32>
      %mul3A_223 = arith.mulf %get3A_222, %get3A_129 : vector<16xf32>
      %add3A_224 = arith.constant 0 : i32
      %add3A_225 = arith.addi %add3A_224, %scan3A_120 : i32
      %mul3A_226 = arith.constant 128 : i32
      %mul3A_227 = arith.muli %add3A_225, %mul3A_226 : i32
      %add3A_228 = arith.constant 96 : i32
      %add3A_229 = arith.addi %mul3A_227, %add3A_228 : i32
      %swap3A_230 = arith.index_cast %add3A_229 : i32 to index
      %swap3A_231 = tpu.vector_load %arg9[%swap3A_230] {strides = array<i32>} : memref<16384xf32, #tpu.memory_space<vmem>>, vector<16xf32>,
      %swap3A_232 = vector.shape_cast %swap3A_231 : vector<16xf32> to vector<16xf32>
      %swap3A_233 = vector.shape_cast %mul3A_223 : vector<16xf32> to vector<16xf32>
      tpu.vector_store %arg9[%swap3A_230], %swap3A_233 {strides = array<i32>} : memref<16384xf32, #tpu.memory_space<vmem>>, vector<16xf32>,
      %get3A_234 = arith.index_cast %scan3A_120 : i32 to index
      %get3A_235 = arith.constant 112 : index
      %get3A_236 = tpu.vector_load %arg8[%get3A_234, %get3A_235] {strides = array<i32>} : memref<128x128xf32, #tpu.memory_space<vmem>>, vector<1x16xf32>,
      %get3A_237 = vector.shape_cast %get3A_236 : vector<1x16xf32> to vector<16xf32>
      %mul3A_238 = arith.mulf %get3A_237, %get3A_129 : vector<16xf32>
      %add3A_239 = arith.constant 0 : i32
      %add3A_240 = arith.addi %add3A_239, %scan3A_120 : i32
      %mul3A_241 = arith.constant 128 : i32
      %mul3A_242 = arith.muli %add3A_240, %mul3A_241 : i32
      %add3A_243 = arith.constant 112 : i32
      %add3A_244 = arith.addi %mul3A_242, %add3A_243 : i32
      %swap3A_245 = arith.index_cast %add3A_244 : i32 to index
      %swap3A_246 = tpu.vector_load %arg9[%swap3A_245] {strides = array<i32>} : memref<16384xf32, #tpu.memory_space<vmem>>, vector<16xf32>,
      %swap3A_247 = vector.shape_cast %swap3A_246 : vector<16xf32> to vector<16xf32>
      %swap3A_248 = vector.shape_cast %mul3A_238 : vector<16xf32> to vector<16xf32>
      tpu.vector_store %arg9[%swap3A_245], %swap3A_248 {strides = array<i32>} : memref<16384xf32, #tpu.memory_space<vmem>>, vector<16xf32>,
      %scan3A_249 = arith.constant 0 : i32
      scf.yield %scan3A_249 : i32
    }
    %scan3A_83 = arith.constant 128 : i32
    %dma_start3A_84 = arith.constant 128 : i32
    %dma_start3A_85 = tpu.memref_slice %arg6[%dma_start3A_84] : memref<384xi32, #tpu.memory_space<vmem>> -> memref<128xi32, #tpu.memory_space<vmem>>
    %dma_start3A_86 = arith.constant 0 : i32
    %dma_start3A_87 = arith.constant 0 : i32
    %dma_start3A_88 = tpu.memref_slice %arg2[%dma_start3A_86, %dma_start3A_87] : memref<4096x128xf32, #tpu.memory_space<hbm>> -> memref<4096x128xf32, #tpu.memory_space<hbm>>
    tpu.enqueue_indirect_dma source(%dma_start3A_88 : memref<4096x128xf32, #tpu.memory_space<hbm>>) target(%arg8 : memref<128x128xf32, #tpu.memory_space<vmem>>) offsets(%dma_start3A_85 : memref<128xi32, #tpu.memory_space<vmem>>) semaphore(%arg10 : memref<!tpu.dma_semaphore, #tpu.memory_space<semaphore_mem>>)
    %dma_wait3A_89 = arith.constant 128 : i32
    %dma_wait3A_90 = tpu.memref_slice %arg6[%dma_wait3A_89] : memref<384xi32, #tpu.memory_space<vmem>> -> memref<128xi32, #tpu.memory_space<vmem>>
    %dma_wait3A_91 = arith.constant 0 : i32
    %dma_wait3A_92 = arith.constant 0 : i32
    %dma_wait3A_93 = tpu.memref_slice %arg2[%dma_wait3A_91, %dma_wait3A_92] : memref<4096x128xf32, #tpu.memory_space<hbm>> -> memref<4096x128xf32, #tpu.memory_space<hbm>>
    tpu.wait_indirect_dma semaphore(%arg10 : memref<!tpu.dma_semaphore, #tpu.memory_space<semaphore_mem>>) src(%dma_wait3A_93 : memref<4096x128xf32, #tpu.memory_space<hbm>>) dst(%arg8 : memref<128x128xf32, #tpu.memory_space<vmem>>)
    %scan3A_94 = arith.constant 0 : i32
    %scan3A_95 = arith.constant 0 : i32
    %scan3A_96 = arith.constant 128 : i32
    %scan3A_97 = arith.addi %scan3A_95, %scan3A_96 : i32
    %scan3A_98 = arith.constant 1 : i32
    %scan3A_99 = scf.for %scan3A_120 = %scan3A_95 to %scan3A_97 step %scan3A_98 iter_args(%scan3A_121 = %scan3A_94) -> (i32)  : i32 {
      %add3A_122 = arith.constant 0 : i32
      %add3A_123 = arith.addi %add3A_122, %scan3A_120 : i32
      %mul3A_124 = arith.constant 48 : i32
      %mul3A_125 = arith.muli %add3A_123, %mul3A_124 : i32
      %add3A_126 = arith.constant 16 : i32
      %add3A_127 = arith.addi %mul3A_125, %add3A_126 : i32
      %get3A = arith.index_cast %add3A_127 : i32 to index
      %get3A_128 = tpu.vector_load %arg7[%get3A] {strides = array<i32>} : memref<6144xf32, #tpu.memory_space<vmem>>, vector<16xf32>,
      %get3A_129 = vector.shape_cast %get3A_128 : vector<16xf32> to vector<16xf32>
      %get3A_130 = arith.index_cast %scan3A_120 : i32 to index
      %get3A_131 = arith.constant 0 : index
      %get3A_132 = tpu.vector_load %arg8[%get3A_130, %get3A_131] {strides = array<i32>} : memref<128x128xf32, #tpu.memory_space<vmem>>, vector<1x16xf32>,
      %get3A_133 = vector.shape_cast %get3A_132 : vector<1x16xf32> to vector<16xf32>
      %mul3A_134 = arith.mulf %get3A_133, %get3A_129 : vector<16xf32>
      %add3A_135 = arith.constant 0 : i32
      %add3A_136 = arith.addi %add3A_135, %scan3A_120 : i32
      %mul3A_137 = arith.constant 128 : i32
      %mul3A_138 = arith.muli %add3A_136, %mul3A_137 : i32
      %add3A_139 = arith.constant 0 : i32
      %add3A_140 = arith.addi %mul3A_138, %add3A_139 : i32
      %get3A_141 = arith.index_cast %add3A_140 : i32 to index
      %get3A_142 = tpu.vector_load %arg9[%get3A_141] {strides = array<i32>} : memref<16384xf32, #tpu.memory_space<vmem>>, vector<16xf32>,
      %get3A_143 = vector.shape_cast %get3A_142 : vector<16xf32> to vector<16xf32>
      %add3A_144 = arith.addf %get3A_143, %mul3A_134 : vector<16xf32>
      %swap3A = arith.index_cast %add3A_140 : i32 to index
      %swap3A_145 = tpu.vector_load %arg9[%swap3A] {strides = array<i32>} : memref<16384xf32, #tpu.memory_space<vmem>>, vector<16xf32>,
      %swap3A_146 = vector.shape_cast %swap3A_145 : vector<16xf32> to vector<16xf32>
      %swap3A_147 = vector.shape_cast %add3A_144 : vector<16xf32> to vector<16xf32>
      tpu.vector_store %arg9[%swap3A], %swap3A_147 {strides = array<i32>} : memref<16384xf32, #tpu.memory_space<vmem>>, vector<16xf32>,
      %get3A_148 = arith.index_cast %scan3A_120 : i32 to index
      %get3A_149 = arith.constant 16 : index
      %get3A_150 = tpu.vector_load %arg8[%get3A_148, %get3A_149] {strides = array<i32>} : memref<128x128xf32, #tpu.memory_space<vmem>>, vector<1x16xf32>,
      %get3A_151 = vector.shape_cast %get3A_150 : vector<1x16xf32> to vector<16xf32>
      %mul3A_152 = arith.mulf %get3A_151, %get3A_129 : vector<16xf32>
      %add3A_153 = arith.constant 0 : i32
      %add3A_154 = arith.addi %add3A_153, %scan3A_120 : i32
      %mul3A_155 = arith.constant 128 : i32
      %mul3A_156 = arith.muli %add3A_154, %mul3A_155 : i32
      %add3A_157 = arith.constant 16 : i32
      %add3A_158 = arith.addi %mul3A_156, %add3A_157 : i32
      %get3A_159 = arith.index_cast %add3A_158 : i32 to index
      %get3A_160 = tpu.vector_load %arg9[%get3A_159] {strides = array<i32>} : memref<16384xf32, #tpu.memory_space<vmem>>, vector<16xf32>,
      %get3A_161 = vector.shape_cast %get3A_160 : vector<16xf32> to vector<16xf32>
      %add3A_162 = arith.addf %get3A_161, %mul3A_152 : vector<16xf32>
      %swap3A_163 = arith.index_cast %add3A_158 : i32 to index
      %swap3A_164 = tpu.vector_load %arg9[%swap3A_163] {strides = array<i32>} : memref<16384xf32, #tpu.memory_space<vmem>>, vector<16xf32>,
      %swap3A_165 = vector.shape_cast %swap3A_164 : vector<16xf32> to vector<16xf32>
      %swap3A_166 = vector.shape_cast %add3A_162 : vector<16xf32> to vector<16xf32>
      tpu.vector_store %arg9[%swap3A_163], %swap3A_166 {strides = array<i32>} : memref<16384xf32, #tpu.memory_space<vmem>>, vector<16xf32>,
      %get3A_167 = arith.index_cast %scan3A_120 : i32 to index
      %get3A_168 = arith.constant 32 : index
      %get3A_169 = tpu.vector_load %arg8[%get3A_167, %get3A_168] {strides = array<i32>} : memref<128x128xf32, #tpu.memory_space<vmem>>, vector<1x16xf32>,
      %get3A_170 = vector.shape_cast %get3A_169 : vector<1x16xf32> to vector<16xf32>
      %mul3A_171 = arith.mulf %get3A_170, %get3A_129 : vector<16xf32>
      %add3A_172 = arith.constant 0 : i32
      %add3A_173 = arith.addi %add3A_172, %scan3A_120 : i32
      %mul3A_174 = arith.constant 128 : i32
      %mul3A_175 = arith.muli %add3A_173, %mul3A_174 : i32
      %add3A_176 = arith.constant 32 : i32
      %add3A_177 = arith.addi %mul3A_175, %add3A_176 : i32
      %get3A_178 = arith.index_cast %add3A_177 : i32 to index
      %get3A_179 = tpu.vector_load %arg9[%get3A_178] {strides = array<i32>} : memref<16384xf32, #tpu.memory_space<vmem>>, vector<16xf32>,
      %get3A_180 = vector.shape_cast %get3A_179 : vector<16xf32> to vector<16xf32>
      %add3A_181 = arith.addf %get3A_180, %mul3A_171 : vector<16xf32>
      %swap3A_182 = arith.index_cast %add3A_177 : i32 to index
      %swap3A_183 = tpu.vector_load %arg9[%swap3A_182] {strides = array<i32>} : memref<16384xf32, #tpu.memory_space<vmem>>, vector<16xf32>,
      %swap3A_184 = vector.shape_cast %swap3A_183 : vector<16xf32> to vector<16xf32>
      %swap3A_185 = vector.shape_cast %add3A_181 : vector<16xf32> to vector<16xf32>
      tpu.vector_store %arg9[%swap3A_182], %swap3A_185 {strides = array<i32>} : memref<16384xf32, #tpu.memory_space<vmem>>, vector<16xf32>,
      %get3A_186 = arith.index_cast %scan3A_120 : i32 to index
      %get3A_187 = arith.constant 48 : index
      %get3A_188 = tpu.vector_load %arg8[%get3A_186, %get3A_187] {strides = array<i32>} : memref<128x128xf32, #tpu.memory_space<vmem>>, vector<1x16xf32>,
      %get3A_189 = vector.shape_cast %get3A_188 : vector<1x16xf32> to vector<16xf32>
      %mul3A_190 = arith.mulf %get3A_189, %get3A_129 : vector<16xf32>
      %add3A_191 = arith.constant 0 : i32
      %add3A_192 = arith.addi %add3A_191, %scan3A_120 : i32
      %mul3A_193 = arith.constant 128 : i32
      %mul3A_194 = arith.muli %add3A_192, %mul3A_193 : i32
      %add3A_195 = arith.constant 48 : i32
      %add3A_196 = arith.addi %mul3A_194, %add3A_195 : i32
      %get3A_197 = arith.index_cast %add3A_196 : i32 to index
      %get3A_198 = tpu.vector_load %arg9[%get3A_197] {strides = array<i32>} : memref<16384xf32, #tpu.memory_space<vmem>>, vector<16xf32>,
      %get3A_199 = vector.shape_cast %get3A_198 : vector<16xf32> to vector<16xf32>
      %add3A_200 = arith.addf %get3A_199, %mul3A_190 : vector<16xf32>
      %swap3A_201 = arith.index_cast %add3A_196 : i32 to index
      %swap3A_202 = tpu.vector_load %arg9[%swap3A_201] {strides = array<i32>} : memref<16384xf32, #tpu.memory_space<vmem>>, vector<16xf32>,
      %swap3A_203 = vector.shape_cast %swap3A_202 : vector<16xf32> to vector<16xf32>
      %swap3A_204 = vector.shape_cast %add3A_200 : vector<16xf32> to vector<16xf32>
      tpu.vector_store %arg9[%swap3A_201], %swap3A_204 {strides = array<i32>} : memref<16384xf32, #tpu.memory_space<vmem>>, vector<16xf32>,
      %get3A_205 = arith.index_cast %scan3A_120 : i32 to index
      %get3A_206 = arith.constant 64 : index
      %get3A_207 = tpu.vector_load %arg8[%get3A_205, %get3A_206] {strides = array<i32>} : memref<128x128xf32, #tpu.memory_space<vmem>>, vector<1x16xf32>,
      %get3A_208 = vector.shape_cast %get3A_207 : vector<1x16xf32> to vector<16xf32>
      %mul3A_209 = arith.mulf %get3A_208, %get3A_129 : vector<16xf32>
      %add3A_210 = arith.constant 0 : i32
      %add3A_211 = arith.addi %add3A_210, %scan3A_120 : i32
      %mul3A_212 = arith.constant 128 : i32
      %mul3A_213 = arith.muli %add3A_211, %mul3A_212 : i32
      %add3A_214 = arith.constant 64 : i32
      %add3A_215 = arith.addi %mul3A_213, %add3A_214 : i32
      %get3A_216 = arith.index_cast %add3A_215 : i32 to index
      %get3A_217 = tpu.vector_load %arg9[%get3A_216] {strides = array<i32>} : memref<16384xf32, #tpu.memory_space<vmem>>, vector<16xf32>,
      %get3A_218 = vector.shape_cast %get3A_217 : vector<16xf32> to vector<16xf32>
      %add3A_219 = arith.addf %get3A_218, %mul3A_209 : vector<16xf32>
      %swap3A_220 = arith.index_cast %add3A_215 : i32 to index
      %swap3A_221 = tpu.vector_load %arg9[%swap3A_220] {strides = array<i32>} : memref<16384xf32, #tpu.memory_space<vmem>>, vector<16xf32>,
      %swap3A_222 = vector.shape_cast %swap3A_221 : vector<16xf32> to vector<16xf32>
      %swap3A_223 = vector.shape_cast %add3A_219 : vector<16xf32> to vector<16xf32>
      tpu.vector_store %arg9[%swap3A_220], %swap3A_223 {strides = array<i32>} : memref<16384xf32, #tpu.memory_space<vmem>>, vector<16xf32>,
      %get3A_224 = arith.index_cast %scan3A_120 : i32 to index
      %get3A_225 = arith.constant 80 : index
      %get3A_226 = tpu.vector_load %arg8[%get3A_224, %get3A_225] {strides = array<i32>} : memref<128x128xf32, #tpu.memory_space<vmem>>, vector<1x16xf32>,
      %get3A_227 = vector.shape_cast %get3A_226 : vector<1x16xf32> to vector<16xf32>
      %mul3A_228 = arith.mulf %get3A_227, %get3A_129 : vector<16xf32>
      %add3A_229 = arith.constant 0 : i32
      %add3A_230 = arith.addi %add3A_229, %scan3A_120 : i32
      %mul3A_231 = arith.constant 128 : i32
      %mul3A_232 = arith.muli %add3A_230, %mul3A_231 : i32
      %add3A_233 = arith.constant 80 : i32
      %add3A_234 = arith.addi %mul3A_232, %add3A_233 : i32
      %get3A_235 = arith.index_cast %add3A_234 : i32 to index
      %get3A_236 = tpu.vector_load %arg9[%get3A_235] {strides = array<i32>} : memref<16384xf32, #tpu.memory_space<vmem>>, vector<16xf32>,
      %get3A_237 = vector.shape_cast %get3A_236 : vector<16xf32> to vector<16xf32>
      %add3A_238 = arith.addf %get3A_237, %mul3A_228 : vector<16xf32>
      %swap3A_239 = arith.index_cast %add3A_234 : i32 to index
      %swap3A_240 = tpu.vector_load %arg9[%swap3A_239] {strides = array<i32>} : memref<16384xf32, #tpu.memory_space<vmem>>, vector<16xf32>,
      %swap3A_241 = vector.shape_cast %swap3A_240 : vector<16xf32> to vector<16xf32>
      %swap3A_242 = vector.shape_cast %add3A_238 : vector<16xf32> to vector<16xf32>
      tpu.vector_store %arg9[%swap3A_239], %swap3A_242 {strides = array<i32>} : memref<16384xf32, #tpu.memory_space<vmem>>, vector<16xf32>,
      %get3A_243 = arith.index_cast %scan3A_120 : i32 to index
      %get3A_244 = arith.constant 96 : index
      %get3A_245 = tpu.vector_load %arg8[%get3A_243, %get3A_244] {strides = array<i32>} : memref<128x128xf32, #tpu.memory_space<vmem>>, vector<1x16xf32>,
      %get3A_246 = vector.shape_cast %get3A_245 : vector<1x16xf32> to vector<16xf32>
      %mul3A_247 = arith.mulf %get3A_246, %get3A_129 : vector<16xf32>
      %add3A_248 = arith.constant 0 : i32
      %add3A_249 = arith.addi %add3A_248, %scan3A_120 : i32
      %mul3A_250 = arith.constant 128 : i32
      %mul3A_251 = arith.muli %add3A_249, %mul3A_250 : i32
      %add3A_252 = arith.constant 96 : i32
      %add3A_253 = arith.addi %mul3A_251, %add3A_252 : i32
      %get3A_254 = arith.index_cast %add3A_253 : i32 to index
      %get3A_255 = tpu.vector_load %arg9[%get3A_254] {strides = array<i32>} : memref<16384xf32, #tpu.memory_space<vmem>>, vector<16xf32>,
      %get3A_256 = vector.shape_cast %get3A_255 : vector<16xf32> to vector<16xf32>
      %add3A_257 = arith.addf %get3A_256, %mul3A_247 : vector<16xf32>
      %swap3A_258 = arith.index_cast %add3A_253 : i32 to index
      %swap3A_259 = tpu.vector_load %arg9[%swap3A_258] {strides = array<i32>} : memref<16384xf32, #tpu.memory_space<vmem>>, vector<16xf32>,
      %swap3A_260 = vector.shape_cast %swap3A_259 : vector<16xf32> to vector<16xf32>
      %swap3A_261 = vector.shape_cast %add3A_257 : vector<16xf32> to vector<16xf32>
      tpu.vector_store %arg9[%swap3A_258], %swap3A_261 {strides = array<i32>} : memref<16384xf32, #tpu.memory_space<vmem>>, vector<16xf32>,
      %get3A_262 = arith.index_cast %scan3A_120 : i32 to index
      %get3A_263 = arith.constant 112 : index
      %get3A_264 = tpu.vector_load %arg8[%get3A_262, %get3A_263] {strides = array<i32>} : memref<128x128xf32, #tpu.memory_space<vmem>>, vector<1x16xf32>,
      %get3A_265 = vector.shape_cast %get3A_264 : vector<1x16xf32> to vector<16xf32>
      %mul3A_266 = arith.mulf %get3A_265, %get3A_129 : vector<16xf32>
      %add3A_267 = arith.constant 0 : i32
      %add3A_268 = arith.addi %add3A_267, %scan3A_120 : i32
      %mul3A_269 = arith.constant 128 : i32
      %mul3A_270 = arith.muli %add3A_268, %mul3A_269 : i32
      %add3A_271 = arith.constant 112 : i32
      %add3A_272 = arith.addi %mul3A_270, %add3A_271 : i32
      %get3A_273 = arith.index_cast %add3A_272 : i32 to index
      %get3A_274 = tpu.vector_load %arg9[%get3A_273] {strides = array<i32>} : memref<16384xf32, #tpu.memory_space<vmem>>, vector<16xf32>,
      %get3A_275 = vector.shape_cast %get3A_274 : vector<16xf32> to vector<16xf32>
      %add3A_276 = arith.addf %get3A_275, %mul3A_266 : vector<16xf32>
      %swap3A_277 = arith.index_cast %add3A_272 : i32 to index
      %swap3A_278 = tpu.vector_load %arg9[%swap3A_277] {strides = array<i32>} : memref<16384xf32, #tpu.memory_space<vmem>>, vector<16xf32>,
      %swap3A_279 = vector.shape_cast %swap3A_278 : vector<16xf32> to vector<16xf32>
      %swap3A_280 = vector.shape_cast %add3A_276 : vector<16xf32> to vector<16xf32>
      tpu.vector_store %arg9[%swap3A_277], %swap3A_280 {strides = array<i32>} : memref<16384xf32, #tpu.memory_space<vmem>>, vector<16xf32>,
      %scan3A_281 = arith.constant 0 : i32
      scf.yield %scan3A_281 : i32
    }
    %scan3A_100 = arith.constant 128 : i32
    %dma_start3A_101 = arith.constant 256 : i32
    %dma_start3A_102 = tpu.memref_slice %arg6[%dma_start3A_101] : memref<384xi32, #tpu.memory_space<vmem>> -> memref<128xi32, #tpu.memory_space<vmem>>
    %dma_start3A_103 = arith.constant 0 : i32
    %dma_start3A_104 = arith.constant 0 : i32
    %dma_start3A_105 = tpu.memref_slice %arg2[%dma_start3A_103, %dma_start3A_104] : memref<4096x128xf32, #tpu.memory_space<hbm>> -> memref<4096x128xf32, #tpu.memory_space<hbm>>
    tpu.enqueue_indirect_dma source(%dma_start3A_105 : memref<4096x128xf32, #tpu.memory_space<hbm>>) target(%arg8 : memref<128x128xf32, #tpu.memory_space<vmem>>) offsets(%dma_start3A_102 : memref<128xi32, #tpu.memory_space<vmem>>) semaphore(%arg10 : memref<!tpu.dma_semaphore, #tpu.memory_space<semaphore_mem>>)
    %dma_wait3A_106 = arith.constant 256 : i32
    %dma_wait3A_107 = tpu.memref_slice %arg6[%dma_wait3A_106] : memref<384xi32, #tpu.memory_space<vmem>> -> memref<128xi32, #tpu.memory_space<vmem>>
    %dma_wait3A_108 = arith.constant 0 : i32
    %dma_wait3A_109 = arith.constant 0 : i32
    %dma_wait3A_110 = tpu.memref_slice %arg2[%dma_wait3A_108, %dma_wait3A_109] : memref<4096x128xf32, #tpu.memory_space<hbm>> -> memref<4096x128xf32, #tpu.memory_space<hbm>>
    tpu.wait_indirect_dma semaphore(%arg10 : memref<!tpu.dma_semaphore, #tpu.memory_space<semaphore_mem>>) src(%dma_wait3A_110 : memref<4096x128xf32, #tpu.memory_space<hbm>>) dst(%arg8 : memref<128x128xf32, #tpu.memory_space<vmem>>)
    %scan3A_111 = arith.constant 0 : i32
    %scan3A_112 = arith.constant 0 : i32
    %scan3A_113 = arith.constant 128 : i32
    %scan3A_114 = arith.addi %scan3A_112, %scan3A_113 : i32
    %scan3A_115 = arith.constant 1 : i32
    %scan3A_116 = scf.for %scan3A_120 = %scan3A_112 to %scan3A_114 step %scan3A_115 iter_args(%scan3A_121 = %scan3A_111) -> (i32)  : i32 {
      %add3A_122 = arith.constant 0 : i32
      %add3A_123 = arith.addi %add3A_122, %scan3A_120 : i32
      %mul3A_124 = arith.constant 48 : i32
      %mul3A_125 = arith.muli %add3A_123, %mul3A_124 : i32
      %add3A_126 = arith.constant 32 : i32
      %add3A_127 = arith.addi %mul3A_125, %add3A_126 : i32
      %get3A = arith.index_cast %add3A_127 : i32 to index
      %get3A_128 = tpu.vector_load %arg7[%get3A] {strides = array<i32>} : memref<6144xf32, #tpu.memory_space<vmem>>, vector<16xf32>,
      %get3A_129 = vector.shape_cast %get3A_128 : vector<16xf32> to vector<16xf32>
      %get3A_130 = arith.index_cast %scan3A_120 : i32 to index
      %get3A_131 = arith.constant 0 : index
      %get3A_132 = tpu.vector_load %arg8[%get3A_130, %get3A_131] {strides = array<i32>} : memref<128x128xf32, #tpu.memory_space<vmem>>, vector<1x16xf32>,
      %get3A_133 = vector.shape_cast %get3A_132 : vector<1x16xf32> to vector<16xf32>
      %mul3A_134 = arith.mulf %get3A_133, %get3A_129 : vector<16xf32>
      %add3A_135 = arith.constant 0 : i32
      %add3A_136 = arith.addi %add3A_135, %scan3A_120 : i32
      %mul3A_137 = arith.constant 128 : i32
      %mul3A_138 = arith.muli %add3A_136, %mul3A_137 : i32
      %add3A_139 = arith.constant 0 : i32
      %add3A_140 = arith.addi %mul3A_138, %add3A_139 : i32
      %get3A_141 = arith.index_cast %add3A_140 : i32 to index
      %get3A_142 = tpu.vector_load %arg9[%get3A_141] {strides = array<i32>} : memref<16384xf32, #tpu.memory_space<vmem>>, vector<16xf32>,
      %get3A_143 = vector.shape_cast %get3A_142 : vector<16xf32> to vector<16xf32>
      %add3A_144 = arith.addf %get3A_143, %mul3A_134 : vector<16xf32>
      %swap3A = arith.index_cast %add3A_140 : i32 to index
      %swap3A_145 = tpu.vector_load %arg9[%swap3A] {strides = array<i32>} : memref<16384xf32, #tpu.memory_space<vmem>>, vector<16xf32>,
      %swap3A_146 = vector.shape_cast %swap3A_145 : vector<16xf32> to vector<16xf32>
      %swap3A_147 = vector.shape_cast %add3A_144 : vector<16xf32> to vector<16xf32>
      tpu.vector_store %arg9[%swap3A], %swap3A_147 {strides = array<i32>} : memref<16384xf32, #tpu.memory_space<vmem>>, vector<16xf32>,
      %get3A_148 = arith.index_cast %scan3A_120 : i32 to index
      %get3A_149 = arith.constant 16 : index
      %get3A_150 = tpu.vector_load %arg8[%get3A_148, %get3A_149] {strides = array<i32>} : memref<128x128xf32, #tpu.memory_space<vmem>>, vector<1x16xf32>,
      %get3A_151 = vector.shape_cast %get3A_150 : vector<1x16xf32> to vector<16xf32>
      %mul3A_152 = arith.mulf %get3A_151, %get3A_129 : vector<16xf32>
      %add3A_153 = arith.constant 0 : i32
      %add3A_154 = arith.addi %add3A_153, %scan3A_120 : i32
      %mul3A_155 = arith.constant 128 : i32
      %mul3A_156 = arith.muli %add3A_154, %mul3A_155 : i32
      %add3A_157 = arith.constant 16 : i32
      %add3A_158 = arith.addi %mul3A_156, %add3A_157 : i32
      %get3A_159 = arith.index_cast %add3A_158 : i32 to index
      %get3A_160 = tpu.vector_load %arg9[%get3A_159] {strides = array<i32>} : memref<16384xf32, #tpu.memory_space<vmem>>, vector<16xf32>,
      %get3A_161 = vector.shape_cast %get3A_160 : vector<16xf32> to vector<16xf32>
      %add3A_162 = arith.addf %get3A_161, %mul3A_152 : vector<16xf32>
      %swap3A_163 = arith.index_cast %add3A_158 : i32 to index
      %swap3A_164 = tpu.vector_load %arg9[%swap3A_163] {strides = array<i32>} : memref<16384xf32, #tpu.memory_space<vmem>>, vector<16xf32>,
      %swap3A_165 = vector.shape_cast %swap3A_164 : vector<16xf32> to vector<16xf32>
      %swap3A_166 = vector.shape_cast %add3A_162 : vector<16xf32> to vector<16xf32>
      tpu.vector_store %arg9[%swap3A_163], %swap3A_166 {strides = array<i32>} : memref<16384xf32, #tpu.memory_space<vmem>>, vector<16xf32>,
      %get3A_167 = arith.index_cast %scan3A_120 : i32 to index
      %get3A_168 = arith.constant 32 : index
      %get3A_169 = tpu.vector_load %arg8[%get3A_167, %get3A_168] {strides = array<i32>} : memref<128x128xf32, #tpu.memory_space<vmem>>, vector<1x16xf32>,
      %get3A_170 = vector.shape_cast %get3A_169 : vector<1x16xf32> to vector<16xf32>
      %mul3A_171 = arith.mulf %get3A_170, %get3A_129 : vector<16xf32>
      %add3A_172 = arith.constant 0 : i32
      %add3A_173 = arith.addi %add3A_172, %scan3A_120 : i32
      %mul3A_174 = arith.constant 128 : i32
      %mul3A_175 = arith.muli %add3A_173, %mul3A_174 : i32
      %add3A_176 = arith.constant 32 : i32
      %add3A_177 = arith.addi %mul3A_175, %add3A_176 : i32
      %get3A_178 = arith.index_cast %add3A_177 : i32 to index
      %get3A_179 = tpu.vector_load %arg9[%get3A_178] {strides = array<i32>} : memref<16384xf32, #tpu.memory_space<vmem>>, vector<16xf32>,
      %get3A_180 = vector.shape_cast %get3A_179 : vector<16xf32> to vector<16xf32>
      %add3A_181 = arith.addf %get3A_180, %mul3A_171 : vector<16xf32>
      %swap3A_182 = arith.index_cast %add3A_177 : i32 to index
      %swap3A_183 = tpu.vector_load %arg9[%swap3A_182] {strides = array<i32>} : memref<16384xf32, #tpu.memory_space<vmem>>, vector<16xf32>,
      %swap3A_184 = vector.shape_cast %swap3A_183 : vector<16xf32> to vector<16xf32>
      %swap3A_185 = vector.shape_cast %add3A_181 : vector<16xf32> to vector<16xf32>
      tpu.vector_store %arg9[%swap3A_182], %swap3A_185 {strides = array<i32>} : memref<16384xf32, #tpu.memory_space<vmem>>, vector<16xf32>,
      %get3A_186 = arith.index_cast %scan3A_120 : i32 to index
      %get3A_187 = arith.constant 48 : index
      %get3A_188 = tpu.vector_load %arg8[%get3A_186, %get3A_187] {strides = array<i32>} : memref<128x128xf32, #tpu.memory_space<vmem>>, vector<1x16xf32>,
      %get3A_189 = vector.shape_cast %get3A_188 : vector<1x16xf32> to vector<16xf32>
      %mul3A_190 = arith.mulf %get3A_189, %get3A_129 : vector<16xf32>
      %add3A_191 = arith.constant 0 : i32
      %add3A_192 = arith.addi %add3A_191, %scan3A_120 : i32
      %mul3A_193 = arith.constant 128 : i32
      %mul3A_194 = arith.muli %add3A_192, %mul3A_193 : i32
      %add3A_195 = arith.constant 48 : i32
      %add3A_196 = arith.addi %mul3A_194, %add3A_195 : i32
      %get3A_197 = arith.index_cast %add3A_196 : i32 to index
      %get3A_198 = tpu.vector_load %arg9[%get3A_197] {strides = array<i32>} : memref<16384xf32, #tpu.memory_space<vmem>>, vector<16xf32>,
      %get3A_199 = vector.shape_cast %get3A_198 : vector<16xf32> to vector<16xf32>
      %add3A_200 = arith.addf %get3A_199, %mul3A_190 : vector<16xf32>
      %swap3A_201 = arith.index_cast %add3A_196 : i32 to index
      %swap3A_202 = tpu.vector_load %arg9[%swap3A_201] {strides = array<i32>} : memref<16384xf32, #tpu.memory_space<vmem>>, vector<16xf32>,
      %swap3A_203 = vector.shape_cast %swap3A_202 : vector<16xf32> to vector<16xf32>
      %swap3A_204 = vector.shape_cast %add3A_200 : vector<16xf32> to vector<16xf32>
      tpu.vector_store %arg9[%swap3A_201], %swap3A_204 {strides = array<i32>} : memref<16384xf32, #tpu.memory_space<vmem>>, vector<16xf32>,
      %get3A_205 = arith.index_cast %scan3A_120 : i32 to index
      %get3A_206 = arith.constant 64 : index
      %get3A_207 = tpu.vector_load %arg8[%get3A_205, %get3A_206] {strides = array<i32>} : memref<128x128xf32, #tpu.memory_space<vmem>>, vector<1x16xf32>,
      %get3A_208 = vector.shape_cast %get3A_207 : vector<1x16xf32> to vector<16xf32>
      %mul3A_209 = arith.mulf %get3A_208, %get3A_129 : vector<16xf32>
      %add3A_210 = arith.constant 0 : i32
      %add3A_211 = arith.addi %add3A_210, %scan3A_120 : i32
      %mul3A_212 = arith.constant 128 : i32
      %mul3A_213 = arith.muli %add3A_211, %mul3A_212 : i32
      %add3A_214 = arith.constant 64 : i32
      %add3A_215 = arith.addi %mul3A_213, %add3A_214 : i32
      %get3A_216 = arith.index_cast %add3A_215 : i32 to index
      %get3A_217 = tpu.vector_load %arg9[%get3A_216] {strides = array<i32>} : memref<16384xf32, #tpu.memory_space<vmem>>, vector<16xf32>,
      %get3A_218 = vector.shape_cast %get3A_217 : vector<16xf32> to vector<16xf32>
      %add3A_219 = arith.addf %get3A_218, %mul3A_209 : vector<16xf32>
      %swap3A_220 = arith.index_cast %add3A_215 : i32 to index
      %swap3A_221 = tpu.vector_load %arg9[%swap3A_220] {strides = array<i32>} : memref<16384xf32, #tpu.memory_space<vmem>>, vector<16xf32>,
      %swap3A_222 = vector.shape_cast %swap3A_221 : vector<16xf32> to vector<16xf32>
      %swap3A_223 = vector.shape_cast %add3A_219 : vector<16xf32> to vector<16xf32>
      tpu.vector_store %arg9[%swap3A_220], %swap3A_223 {strides = array<i32>} : memref<16384xf32, #tpu.memory_space<vmem>>, vector<16xf32>,
      %get3A_224 = arith.index_cast %scan3A_120 : i32 to index
      %get3A_225 = arith.constant 80 : index
      %get3A_226 = tpu.vector_load %arg8[%get3A_224, %get3A_225] {strides = array<i32>} : memref<128x128xf32, #tpu.memory_space<vmem>>, vector<1x16xf32>,
      %get3A_227 = vector.shape_cast %get3A_226 : vector<1x16xf32> to vector<16xf32>
      %mul3A_228 = arith.mulf %get3A_227, %get3A_129 : vector<16xf32>
      %add3A_229 = arith.constant 0 : i32
      %add3A_230 = arith.addi %add3A_229, %scan3A_120 : i32
      %mul3A_231 = arith.constant 128 : i32
      %mul3A_232 = arith.muli %add3A_230, %mul3A_231 : i32
      %add3A_233 = arith.constant 80 : i32
      %add3A_234 = arith.addi %mul3A_232, %add3A_233 : i32
      %get3A_235 = arith.index_cast %add3A_234 : i32 to index
      %get3A_236 = tpu.vector_load %arg9[%get3A_235] {strides = array<i32>} : memref<16384xf32, #tpu.memory_space<vmem>>, vector<16xf32>,
      %get3A_237 = vector.shape_cast %get3A_236 : vector<16xf32> to vector<16xf32>
      %add3A_238 = arith.addf %get3A_237, %mul3A_228 : vector<16xf32>
      %swap3A_239 = arith.index_cast %add3A_234 : i32 to index
      %swap3A_240 = tpu.vector_load %arg9[%swap3A_239] {strides = array<i32>} : memref<16384xf32, #tpu.memory_space<vmem>>, vector<16xf32>,
      %swap3A_241 = vector.shape_cast %swap3A_240 : vector<16xf32> to vector<16xf32>
      %swap3A_242 = vector.shape_cast %add3A_238 : vector<16xf32> to vector<16xf32>
      tpu.vector_store %arg9[%swap3A_239], %swap3A_242 {strides = array<i32>} : memref<16384xf32, #tpu.memory_space<vmem>>, vector<16xf32>,
      %get3A_243 = arith.index_cast %scan3A_120 : i32 to index
      %get3A_244 = arith.constant 96 : index
      %get3A_245 = tpu.vector_load %arg8[%get3A_243, %get3A_244] {strides = array<i32>} : memref<128x128xf32, #tpu.memory_space<vmem>>, vector<1x16xf32>,
      %get3A_246 = vector.shape_cast %get3A_245 : vector<1x16xf32> to vector<16xf32>
      %mul3A_247 = arith.mulf %get3A_246, %get3A_129 : vector<16xf32>
      %add3A_248 = arith.constant 0 : i32
      %add3A_249 = arith.addi %add3A_248, %scan3A_120 : i32
      %mul3A_250 = arith.constant 128 : i32
      %mul3A_251 = arith.muli %add3A_249, %mul3A_250 : i32
      %add3A_252 = arith.constant 96 : i32
      %add3A_253 = arith.addi %mul3A_251, %add3A_252 : i32
      %get3A_254 = arith.index_cast %add3A_253 : i32 to index
      %get3A_255 = tpu.vector_load %arg9[%get3A_254] {strides = array<i32>} : memref<16384xf32, #tpu.memory_space<vmem>>, vector<16xf32>,
      %get3A_256 = vector.shape_cast %get3A_255 : vector<16xf32> to vector<16xf32>
      %add3A_257 = arith.addf %get3A_256, %mul3A_247 : vector<16xf32>
      %swap3A_258 = arith.index_cast %add3A_253 : i32 to index
      %swap3A_259 = tpu.vector_load %arg9[%swap3A_258] {strides = array<i32>} : memref<16384xf32, #tpu.memory_space<vmem>>, vector<16xf32>,
      %swap3A_260 = vector.shape_cast %swap3A_259 : vector<16xf32> to vector<16xf32>
      %swap3A_261 = vector.shape_cast %add3A_257 : vector<16xf32> to vector<16xf32>
      tpu.vector_store %arg9[%swap3A_258], %swap3A_261 {strides = array<i32>} : memref<16384xf32, #tpu.memory_space<vmem>>, vector<16xf32>,
      %get3A_262 = arith.index_cast %scan3A_120 : i32 to index
      %get3A_263 = arith.constant 112 : index
      %get3A_264 = tpu.vector_load %arg8[%get3A_262, %get3A_263] {strides = array<i32>} : memref<128x128xf32, #tpu.memory_space<vmem>>, vector<1x16xf32>,
      %get3A_265 = vector.shape_cast %get3A_264 : vector<1x16xf32> to vector<16xf32>
      %mul3A_266 = arith.mulf %get3A_265, %get3A_129 : vector<16xf32>
      %add3A_267 = arith.constant 0 : i32
      %add3A_268 = arith.addi %add3A_267, %scan3A_120 : i32
      %mul3A_269 = arith.constant 128 : i32
      %mul3A_270 = arith.muli %add3A_268, %mul3A_269 : i32
      %add3A_271 = arith.constant 112 : i32
      %add3A_272 = arith.addi %mul3A_270, %add3A_271 : i32
      %get3A_273 = arith.index_cast %add3A_272 : i32 to index
      %get3A_274 = tpu.vector_load %arg9[%get3A_273] {strides = array<i32>} : memref<16384xf32, #tpu.memory_space<vmem>>, vector<16xf32>,
      %get3A_275 = vector.shape_cast %get3A_274 : vector<16xf32> to vector<16xf32>
      %add3A_276 = arith.addf %get3A_275, %mul3A_266 : vector<16xf32>
      %swap3A_277 = arith.index_cast %add3A_272 : i32 to index
      %swap3A_278 = tpu.vector_load %arg9[%swap3A_277] {strides = array<i32>} : memref<16384xf32, #tpu.memory_space<vmem>>, vector<16xf32>,
      %swap3A_279 = vector.shape_cast %swap3A_278 : vector<16xf32> to vector<16xf32>
      %swap3A_280 = vector.shape_cast %add3A_276 : vector<16xf32> to vector<16xf32>
      tpu.vector_store %arg9[%swap3A_277], %swap3A_280 {strides = array<i32>} : memref<16384xf32, #tpu.memory_space<vmem>>, vector<16xf32>,
      %scan3A_281 = arith.constant 0 : i32
      scf.yield %scan3A_281 : i32
    }
    %scan3A_117 = arith.constant 128 : i32
    %mul3A_118 = arith.constant 16384 : i32
    %mul3A_119 = arith.muli %add3A_62, %mul3A_118 : i32
    "tpu.region"() ({
      %run_scoped3A = tpu.sem_alloc : memref<!tpu.dma_semaphore, #tpu.memory_space<semaphore_mem>>
      %dma_start3A_120 = tpu.memref_slice %arg5[%mul3A_119] : memref<1048576xf32, #tpu.memory_space<hbm>> -> memref<16384xf32, #tpu.memory_space<hbm>>
      %dma_start3A_121 = tpu.memref_slice %arg5[%mul3A_119] : memref<1048576xf32, #tpu.memory_space<hbm>> -> memref<16384xf32, #tpu.memory_space<hbm>>
      tpu.enqueue_dma source(%arg9 : memref<16384xf32, #tpu.memory_space<vmem>>) target(%dma_start3A_121 : memref<16384xf32, #tpu.memory_space<hbm>>) target_semaphore(%run_scoped3A : memref<!tpu.dma_semaphore, #tpu.memory_space<semaphore_mem>>)
      %dma_wait3A_122 = tpu.memref_slice %arg5[%mul3A_119] : memref<1048576xf32, #tpu.memory_space<hbm>> -> memref<16384xf32, #tpu.memory_space<hbm>>
      %dma_wait3A_123 = tpu.memref_slice %arg5[%mul3A_119] : memref<1048576xf32, #tpu.memory_space<hbm>> -> memref<16384xf32, #tpu.memory_space<hbm>>
      tpu.wait_dma2 semaphore(%run_scoped3A : memref<!tpu.dma_semaphore, #tpu.memory_space<semaphore_mem>>) src(%arg9 : memref<16384xf32, #tpu.memory_space<vmem>>) dst(%dma_wait3A_123 : memref<16384xf32, #tpu.memory_space<hbm>>)
      tpu.yield
    }) : () -> ()
    return
  }
}

#map = affine_map<(d0, d1) -> (0, 0)>
#map1 = affine_map<(d0, d1) -> (0)>
module attributes {stable_mosaic.version = 14 : i64} {
  func.func @k(%arg0: i32, %arg1: i32, %arg2: memref<4096x128xf32, #tpu.memory_space<hbm>>, %arg3: memref<24576xi32, #tpu.memory_space<hbm>>, %arg4: memref<393216xf32, #tpu.memory_space<hbm>>, %arg5: memref<1048576xf32, #tpu.memory_space<hbm>>, %arg6: memref<384xi32, #tpu.memory_space<vmem>>, %arg7: memref<6144xf32, #tpu.memory_space<vmem>>, %arg8: memref<128x128xf32, #tpu.memory_space<vmem>>, %arg9: memref<16384xf32, #tpu.memory_space<vmem>>, %arg10: memref<!tpu.dma_semaphore, #tpu.memory_space<semaphore_mem>>) attributes {dimension_semantics = [#tpu.dimension_semantics<core_parallel>, #tpu.dimension_semantics<subcore_parallel>], iteration_bounds = array<i64: 2, 16>, scalar_prefetch = 0 : i64, scratch_operands = 5 : i64, tpu.core_type = #tpu.core_type<sc_vector_subcore>, window_params = [{transform_indices = #map}, {transform_indices = #map1}, {transform_indices = #map1}, {transform_indices = #map1}]} {
    %mul3A = arith.constant 2 : i32
    %mul3A_0 = arith.muli %arg1, %mul3A : i32
    %add3A = arith.addi %mul3A_0, %arg0 : i32
    %iota3A = tpu.iota {dimensions = array<i32: 0>} : vector<16xi32>
    %mul3A_1 = arith.constant 2 : i32
    %mul3A_2 = arith.muli %add3A, %mul3A_1 : i32
    %add3A_3 = arith.constant 0 : i32
    %add3A_4 = arith.addi %mul3A_2, %add3A_3 : i32
    %mul3A_5 = arith.constant 384 : i32
    %mul3A_6 = arith.muli %add3A_4, %mul3A_5 : i32
    "tpu.region"() ({
      %run_scoped3A = tpu.sem_alloc : memref<!tpu.dma_semaphore, #tpu.memory_space<semaphore_mem>>
      %dma_start3A_120 = tpu.memref_slice %arg3[%mul3A_6] : memref<24576xi32, #tpu.memory_space<hbm>> -> memref<384xi32, #tpu.memory_space<hbm>>
      %dma_start3A_121 = tpu.memref_slice %arg3[%mul3A_6] : memref<24576xi32, #tpu.memory_space<hbm>> -> memref<384xi32, #tpu.memory_space<hbm>>
      tpu.enqueue_dma source(%dma_start3A_121 : memref<384xi32, #tpu.memory_space<hbm>>) target(%arg6 : memref<384xi32, #tpu.memory_space<vmem>>) target_semaphore(%run_scoped3A : memref<!tpu.dma_semaphore, #tpu.memory_space<semaphore_mem>>)
      %dma_wait3A_122 = tpu.memref_slice %arg3[%mul3A_6] : memref<24576xi32, #tpu.memory_space<hbm>> -> memref<384xi32, #tpu.memory_space<hbm>>
      %dma_wait3A_123 = tpu.memref_slice %arg3[%mul3A_6] : memref<24576xi32, #tpu.memory_space<hbm>> -> memref<384xi32, #tpu.memory_space<hbm>>
      tpu.wait_dma2 semaphore(%run_scoped3A : memref<!tpu.dma_semaphore, #tpu.memory_space<semaphore_mem>>) src(%dma_wait3A_123 : memref<384xi32, #tpu.memory_space<hbm>>) dst(%arg6 : memref<384xi32, #tpu.memory_space<vmem>>)
      tpu.yield
    }) : () -> ()
    %mul3A_7 = arith.constant 6144 : i32
    %mul3A_8 = arith.muli %add3A_4, %mul3A_7 : i32
    "tpu.region"() ({
      %run_scoped3A = tpu.sem_alloc : memref<!tpu.dma_semaphore, #tpu.memory_space<semaphore_mem>>
      %dma_start3A_120 = tpu.memref_slice %arg4[%mul3A_8] : memref<393216xf32, #tpu.memory_space<hbm>> -> memref<6144xf32, #tpu.memory_space<hbm>>
      %dma_start3A_121 = tpu.memref_slice %arg4[%mul3A_8] : memref<393216xf32, #tpu.memory_space<hbm>> -> memref<6144xf32, #tpu.memory_space<hbm>>
      tpu.enqueue_dma source(%dma_start3A_121 : memref<6144xf32, #tpu.memory_space<hbm>>) target(%arg7 : memref<6144xf32, #tpu.memory_space<vmem>>) target_semaphore(%run_scoped3A : memref<!tpu.dma_semaphore, #tpu.memory_space<semaphore_mem>>)
      %dma_wait3A_122 = tpu.memref_slice %arg4[%mul3A_8] : memref<393216xf32, #tpu.memory_space<hbm>> -> memref<6144xf32, #tpu.memory_space<hbm>>
      %dma_wait3A_123 = tpu.memref_slice %arg4[%mul3A_8] : memref<393216xf32, #tpu.memory_space<hbm>> -> memref<6144xf32, #tpu.memory_space<hbm>>
      tpu.wait_dma2 semaphore(%run_scoped3A : memref<!tpu.dma_semaphore, #tpu.memory_space<semaphore_mem>>) src(%dma_wait3A_123 : memref<6144xf32, #tpu.memory_space<hbm>>) dst(%arg7 : memref<6144xf32, #tpu.memory_space<vmem>>)
      tpu.yield
    }) : () -> ()
    %dma_start3A = arith.constant 0 : i32
    %dma_start3A_9 = tpu.memref_slice %arg6[%dma_start3A] : memref<384xi32, #tpu.memory_space<vmem>> -> memref<128xi32, #tpu.memory_space<vmem>>
    %dma_start3A_10 = arith.constant 0 : i32
    %dma_start3A_11 = arith.constant 0 : i32
    %dma_start3A_12 = tpu.memref_slice %arg2[%dma_start3A_10, %dma_start3A_11] : memref<4096x128xf32, #tpu.memory_space<hbm>> -> memref<4096x128xf32, #tpu.memory_space<hbm>>
    tpu.enqueue_indirect_dma source(%dma_start3A_12 : memref<4096x128xf32, #tpu.memory_space<hbm>>) target(%arg8 : memref<128x128xf32, #tpu.memory_space<vmem>>) offsets(%dma_start3A_9 : memref<128xi32, #tpu.memory_space<vmem>>) semaphore(%arg10 : memref<!tpu.dma_semaphore, #tpu.memory_space<semaphore_mem>>)
    %dma_wait3A = arith.constant 0 : i32
    %dma_wait3A_13 = tpu.memref_slice %arg6[%dma_wait3A] : memref<384xi32, #tpu.memory_space<vmem>> -> memref<128xi32, #tpu.memory_space<vmem>>
    %dma_wait3A_14 = arith.constant 0 : i32
    %dma_wait3A_15 = arith.constant 0 : i32
    %dma_wait3A_16 = tpu.memref_slice %arg2[%dma_wait3A_14, %dma_wait3A_15] : memref<4096x128xf32, #tpu.memory_space<hbm>> -> memref<4096x128xf32, #tpu.memory_space<hbm>>
    tpu.wait_indirect_dma semaphore(%arg10 : memref<!tpu.dma_semaphore, #tpu.memory_space<semaphore_mem>>) src(%dma_wait3A_16 : memref<4096x128xf32, #tpu.memory_space<hbm>>) dst(%arg8 : memref<128x128xf32, #tpu.memory_space<vmem>>)
    %scan3A = arith.constant 0 : i32
    %scan3A_17 = arith.constant 0 : i32
    %scan3A_18 = arith.constant 128 : i32
    %scan3A_19 = arith.addi %scan3A_17, %scan3A_18 : i32
    %scan3A_20 = arith.constant 1 : i32
    %scan3A_21 = scf.for %scan3A_120 = %scan3A_17 to %scan3A_19 step %scan3A_20 iter_args(%scan3A_121 = %scan3A) -> (i32)  : i32 {
      %add3A_122 = arith.constant 0 : i32
      %add3A_123 = arith.addi %add3A_122, %scan3A_120 : i32
      %mul3A_124 = arith.constant 48 : i32
      %mul3A_125 = arith.muli %add3A_123, %mul3A_124 : i32
      %add3A_126 = arith.constant 0 : i32
      %add3A_127 = arith.addi %mul3A_125, %add3A_126 : i32
      %get3A = arith.index_cast %add3A_127 : i32 to index
      %get3A_128 = tpu.vector_load %arg7[%get3A] {strides = array<i32>} : memref<6144xf32, #tpu.memory_space<vmem>>, vector<16xf32>,
      %get3A_129 = vector.shape_cast %get3A_128 : vector<16xf32> to vector<16xf32>
      %get3A_130 = arith.index_cast %scan3A_120 : i32 to index
      %get3A_131 = arith.constant 0 : index
      %get3A_132 = tpu.vector_load %arg8[%get3A_130, %get3A_131] {strides = array<i32>} : memref<128x128xf32, #tpu.memory_space<vmem>>, vector<1x16xf32>,
      %get3A_133 = vector.shape_cast %get3A_132 : vector<1x16xf32> to vector<16xf32>
      %mul3A_134 = arith.mulf %get3A_133, %get3A_129 : vector<16xf32>
      %add3A_135 = arith.constant 0 : i32
      %add3A_136 = arith.addi %add3A_135, %scan3A_120 : i32
      %mul3A_137 = arith.constant 128 : i32
      %mul3A_138 = arith.muli %add3A_136, %mul3A_137 : i32
      %add3A_139 = arith.constant 0 : i32
      %add3A_140 = arith.addi %mul3A_138, %add3A_139 : i32
      %swap3A = arith.index_cast %add3A_140 : i32 to index
      %swap3A_141 = tpu.vector_load %arg9[%swap3A] {strides = array<i32>} : memref<16384xf32, #tpu.memory_space<vmem>>, vector<16xf32>,
      %swap3A_142 = vector.shape_cast %swap3A_141 : vector<16xf32> to vector<16xf32>
      %swap3A_143 = vector.shape_cast %mul3A_134 : vector<16xf32> to vector<16xf32>
      tpu.vector_store %arg9[%swap3A], %swap3A_143 {strides = array<i32>} : memref<16384xf32, #tpu.memory_space<vmem>>, vector<16xf32>,
      %get3A_144 = arith.index_cast %scan3A_120 : i32 to index
      %get3A_145 = arith.constant 16 : index
      %get3A_146 = tpu.vector_load %arg8[%get3A_144, %get3A_145] {strides = array<i32>} : memref<128x128xf32, #tpu.memory_space<vmem>>, vector<1x16xf32>,
      %get3A_147 = vector.shape_cast %get3A_146 : vector<1x16xf32> to vector<16xf32>
      %mul3A_148 = arith.mulf %get3A_147, %get3A_129 : vector<16xf32>
      %add3A_149 = arith.constant 0 : i32
      %add3A_150 = arith.addi %add3A_149, %scan3A_120 : i32
      %mul3A_151 = arith.constant 128 : i32
      %mul3A_152 = arith.muli %add3A_150, %mul3A_151 : i32
      %add3A_153 = arith.constant 16 : i32
      %add3A_154 = arith.addi %mul3A_152, %add3A_153 : i32
      %swap3A_155 = arith.index_cast %add3A_154 : i32 to index
      %swap3A_156 = tpu.vector_load %arg9[%swap3A_155] {strides = array<i32>} : memref<16384xf32, #tpu.memory_space<vmem>>, vector<16xf32>,
      %swap3A_157 = vector.shape_cast %swap3A_156 : vector<16xf32> to vector<16xf32>
      %swap3A_158 = vector.shape_cast %mul3A_148 : vector<16xf32> to vector<16xf32>
      tpu.vector_store %arg9[%swap3A_155], %swap3A_158 {strides = array<i32>} : memref<16384xf32, #tpu.memory_space<vmem>>, vector<16xf32>,
      %get3A_159 = arith.index_cast %scan3A_120 : i32 to index
      %get3A_160 = arith.constant 32 : index
      %get3A_161 = tpu.vector_load %arg8[%get3A_159, %get3A_160] {strides = array<i32>} : memref<128x128xf32, #tpu.memory_space<vmem>>, vector<1x16xf32>,
      %get3A_162 = vector.shape_cast %get3A_161 : vector<1x16xf32> to vector<16xf32>
      %mul3A_163 = arith.mulf %get3A_162, %get3A_129 : vector<16xf32>
      %add3A_164 = arith.constant 0 : i32
      %add3A_165 = arith.addi %add3A_164, %scan3A_120 : i32
      %mul3A_166 = arith.constant 128 : i32
      %mul3A_167 = arith.muli %add3A_165, %mul3A_166 : i32
      %add3A_168 = arith.constant 32 : i32
      %add3A_169 = arith.addi %mul3A_167, %add3A_168 : i32
      %swap3A_170 = arith.index_cast %add3A_169 : i32 to index
      %swap3A_171 = tpu.vector_load %arg9[%swap3A_170] {strides = array<i32>} : memref<16384xf32, #tpu.memory_space<vmem>>, vector<16xf32>,
      %swap3A_172 = vector.shape_cast %swap3A_171 : vector<16xf32> to vector<16xf32>
      %swap3A_173 = vector.shape_cast %mul3A_163 : vector<16xf32> to vector<16xf32>
      tpu.vector_store %arg9[%swap3A_170], %swap3A_173 {strides = array<i32>} : memref<16384xf32, #tpu.memory_space<vmem>>, vector<16xf32>,
      %get3A_174 = arith.index_cast %scan3A_120 : i32 to index
      %get3A_175 = arith.constant 48 : index
      %get3A_176 = tpu.vector_load %arg8[%get3A_174, %get3A_175] {strides = array<i32>} : memref<128x128xf32, #tpu.memory_space<vmem>>, vector<1x16xf32>,
      %get3A_177 = vector.shape_cast %get3A_176 : vector<1x16xf32> to vector<16xf32>
      %mul3A_178 = arith.mulf %get3A_177, %get3A_129 : vector<16xf32>
      %add3A_179 = arith.constant 0 : i32
      %add3A_180 = arith.addi %add3A_179, %scan3A_120 : i32
      %mul3A_181 = arith.constant 128 : i32
      %mul3A_182 = arith.muli %add3A_180, %mul3A_181 : i32
      %add3A_183 = arith.constant 48 : i32
      %add3A_184 = arith.addi %mul3A_182, %add3A_183 : i32
      %swap3A_185 = arith.index_cast %add3A_184 : i32 to index
      %swap3A_186 = tpu.vector_load %arg9[%swap3A_185] {strides = array<i32>} : memref<16384xf32, #tpu.memory_space<vmem>>, vector<16xf32>,
      %swap3A_187 = vector.shape_cast %swap3A_186 : vector<16xf32> to vector<16xf32>
      %swap3A_188 = vector.shape_cast %mul3A_178 : vector<16xf32> to vector<16xf32>
      tpu.vector_store %arg9[%swap3A_185], %swap3A_188 {strides = array<i32>} : memref<16384xf32, #tpu.memory_space<vmem>>, vector<16xf32>,
      %get3A_189 = arith.index_cast %scan3A_120 : i32 to index
      %get3A_190 = arith.constant 64 : index
      %get3A_191 = tpu.vector_load %arg8[%get3A_189, %get3A_190] {strides = array<i32>} : memref<128x128xf32, #tpu.memory_space<vmem>>, vector<1x16xf32>,
      %get3A_192 = vector.shape_cast %get3A_191 : vector<1x16xf32> to vector<16xf32>
      %mul3A_193 = arith.mulf %get3A_192, %get3A_129 : vector<16xf32>
      %add3A_194 = arith.constant 0 : i32
      %add3A_195 = arith.addi %add3A_194, %scan3A_120 : i32
      %mul3A_196 = arith.constant 128 : i32
      %mul3A_197 = arith.muli %add3A_195, %mul3A_196 : i32
      %add3A_198 = arith.constant 64 : i32
      %add3A_199 = arith.addi %mul3A_197, %add3A_198 : i32
      %swap3A_200 = arith.index_cast %add3A_199 : i32 to index
      %swap3A_201 = tpu.vector_load %arg9[%swap3A_200] {strides = array<i32>} : memref<16384xf32, #tpu.memory_space<vmem>>, vector<16xf32>,
      %swap3A_202 = vector.shape_cast %swap3A_201 : vector<16xf32> to vector<16xf32>
      %swap3A_203 = vector.shape_cast %mul3A_193 : vector<16xf32> to vector<16xf32>
      tpu.vector_store %arg9[%swap3A_200], %swap3A_203 {strides = array<i32>} : memref<16384xf32, #tpu.memory_space<vmem>>, vector<16xf32>,
      %get3A_204 = arith.index_cast %scan3A_120 : i32 to index
      %get3A_205 = arith.constant 80 : index
      %get3A_206 = tpu.vector_load %arg8[%get3A_204, %get3A_205] {strides = array<i32>} : memref<128x128xf32, #tpu.memory_space<vmem>>, vector<1x16xf32>,
      %get3A_207 = vector.shape_cast %get3A_206 : vector<1x16xf32> to vector<16xf32>
      %mul3A_208 = arith.mulf %get3A_207, %get3A_129 : vector<16xf32>
      %add3A_209 = arith.constant 0 : i32
      %add3A_210 = arith.addi %add3A_209, %scan3A_120 : i32
      %mul3A_211 = arith.constant 128 : i32
      %mul3A_212 = arith.muli %add3A_210, %mul3A_211 : i32
      %add3A_213 = arith.constant 80 : i32
      %add3A_214 = arith.addi %mul3A_212, %add3A_213 : i32
      %swap3A_215 = arith.index_cast %add3A_214 : i32 to index
      %swap3A_216 = tpu.vector_load %arg9[%swap3A_215] {strides = array<i32>} : memref<16384xf32, #tpu.memory_space<vmem>>, vector<16xf32>,
      %swap3A_217 = vector.shape_cast %swap3A_216 : vector<16xf32> to vector<16xf32>
      %swap3A_218 = vector.shape_cast %mul3A_208 : vector<16xf32> to vector<16xf32>
      tpu.vector_store %arg9[%swap3A_215], %swap3A_218 {strides = array<i32>} : memref<16384xf32, #tpu.memory_space<vmem>>, vector<16xf32>,
      %get3A_219 = arith.index_cast %scan3A_120 : i32 to index
      %get3A_220 = arith.constant 96 : index
      %get3A_221 = tpu.vector_load %arg8[%get3A_219, %get3A_220] {strides = array<i32>} : memref<128x128xf32, #tpu.memory_space<vmem>>, vector<1x16xf32>,
      %get3A_222 = vector.shape_cast %get3A_221 : vector<1x16xf32> to vector<16xf32>
      %mul3A_223 = arith.mulf %get3A_222, %get3A_129 : vector<16xf32>
      %add3A_224 = arith.constant 0 : i32
      %add3A_225 = arith.addi %add3A_224, %scan3A_120 : i32
      %mul3A_226 = arith.constant 128 : i32
      %mul3A_227 = arith.muli %add3A_225, %mul3A_226 : i32
      %add3A_228 = arith.constant 96 : i32
      %add3A_229 = arith.addi %mul3A_227, %add3A_228 : i32
      %swap3A_230 = arith.index_cast %add3A_229 : i32 to index
      %swap3A_231 = tpu.vector_load %arg9[%swap3A_230] {strides = array<i32>} : memref<16384xf32, #tpu.memory_space<vmem>>, vector<16xf32>,
      %swap3A_232 = vector.shape_cast %swap3A_231 : vector<16xf32> to vector<16xf32>
      %swap3A_233 = vector.shape_cast %mul3A_223 : vector<16xf32> to vector<16xf32>
      tpu.vector_store %arg9[%swap3A_230], %swap3A_233 {strides = array<i32>} : memref<16384xf32, #tpu.memory_space<vmem>>, vector<16xf32>,
      %get3A_234 = arith.index_cast %scan3A_120 : i32 to index
      %get3A_235 = arith.constant 112 : index
      %get3A_236 = tpu.vector_load %arg8[%get3A_234, %get3A_235] {strides = array<i32>} : memref<128x128xf32, #tpu.memory_space<vmem>>, vector<1x16xf32>,
      %get3A_237 = vector.shape_cast %get3A_236 : vector<1x16xf32> to vector<16xf32>
      %mul3A_238 = arith.mulf %get3A_237, %get3A_129 : vector<16xf32>
      %add3A_239 = arith.constant 0 : i32
      %add3A_240 = arith.addi %add3A_239, %scan3A_120 : i32
      %mul3A_241 = arith.constant 128 : i32
      %mul3A_242 = arith.muli %add3A_240, %mul3A_241 : i32
      %add3A_243 = arith.constant 112 : i32
      %add3A_244 = arith.addi %mul3A_242, %add3A_243 : i32
      %swap3A_245 = arith.index_cast %add3A_244 : i32 to index
      %swap3A_246 = tpu.vector_load %arg9[%swap3A_245] {strides = array<i32>} : memref<16384xf32, #tpu.memory_space<vmem>>, vector<16xf32>,
      %swap3A_247 = vector.shape_cast %swap3A_246 : vector<16xf32> to vector<16xf32>
      %swap3A_248 = vector.shape_cast %mul3A_238 : vector<16xf32> to vector<16xf32>
      tpu.vector_store %arg9[%swap3A_245], %swap3A_248 {strides = array<i32>} : memref<16384xf32, #tpu.memory_space<vmem>>, vector<16xf32>,
      %scan3A_249 = arith.constant 0 : i32
      scf.yield %scan3A_249 : i32
    }
    %scan3A_22 = arith.constant 128 : i32
    %dma_start3A_23 = arith.constant 128 : i32
    %dma_start3A_24 = tpu.memref_slice %arg6[%dma_start3A_23] : memref<384xi32, #tpu.memory_space<vmem>> -> memref<128xi32, #tpu.memory_space<vmem>>
    %dma_start3A_25 = arith.constant 0 : i32
    %dma_start3A_26 = arith.constant 0 : i32
    %dma_start3A_27 = tpu.memref_slice %arg2[%dma_start3A_25, %dma_start3A_26] : memref<4096x128xf32, #tpu.memory_space<hbm>> -> memref<4096x128xf32, #tpu.memory_space<hbm>>
    tpu.enqueue_indirect_dma source(%dma_start3A_27 : memref<4096x128xf32, #tpu.memory_space<hbm>>) target(%arg8 : memref<128x128xf32, #tpu.memory_space<vmem>>) offsets(%dma_start3A_24 : memref<128xi32, #tpu.memory_space<vmem>>) semaphore(%arg10 : memref<!tpu.dma_semaphore, #tpu.memory_space<semaphore_mem>>)
    %dma_wait3A_28 = arith.constant 128 : i32
    %dma_wait3A_29 = tpu.memref_slice %arg6[%dma_wait3A_28] : memref<384xi32, #tpu.memory_space<vmem>> -> memref<128xi32, #tpu.memory_space<vmem>>
    %dma_wait3A_30 = arith.constant 0 : i32
    %dma_wait3A_31 = arith.constant 0 : i32
    %dma_wait3A_32 = tpu.memref_slice %arg2[%dma_wait3A_30, %dma_wait3A_31] : memref<4096x128xf32, #tpu.memory_space<hbm>> -> memref<4096x128xf32, #tpu.memory_space<hbm>>
    tpu.wait_indirect_dma semaphore(%arg10 : memref<!tpu.dma_semaphore, #tpu.memory_space<semaphore_mem>>) src(%dma_wait3A_32 : memref<4096x128xf32, #tpu.memory_space<hbm>>) dst(%arg8 : memref<128x128xf32, #tpu.memory_space<vmem>>)
    %scan3A_33 = arith.constant 0 : i32
    %scan3A_34 = arith.constant 0 : i32
    %scan3A_35 = arith.constant 128 : i32
    %scan3A_36 = arith.addi %scan3A_34, %scan3A_35 : i32
    %scan3A_37 = arith.constant 1 : i32
    %scan3A_38 = scf.for %scan3A_120 = %scan3A_34 to %scan3A_36 step %scan3A_37 iter_args(%scan3A_121 = %scan3A_33) -> (i32)  : i32 {
      %add3A_122 = arith.constant 0 : i32
      %add3A_123 = arith.addi %add3A_122, %scan3A_120 : i32
      %mul3A_124 = arith.constant 48 : i32
      %mul3A_125 = arith.muli %add3A_123, %mul3A_124 : i32
      %add3A_126 = arith.constant 16 : i32
      %add3A_127 = arith.addi %mul3A_125, %add3A_126 : i32
      %get3A = arith.index_cast %add3A_127 : i32 to index
      %get3A_128 = tpu.vector_load %arg7[%get3A] {strides = array<i32>} : memref<6144xf32, #tpu.memory_space<vmem>>, vector<16xf32>,
      %get3A_129 = vector.shape_cast %get3A_128 : vector<16xf32> to vector<16xf32>
      %get3A_130 = arith.index_cast %scan3A_120 : i32 to index
      %get3A_131 = arith.constant 0 : index
      %get3A_132 = tpu.vector_load %arg8[%get3A_130, %get3A_131] {strides = array<i32>} : memref<128x128xf32, #tpu.memory_space<vmem>>, vector<1x16xf32>,
      %get3A_133 = vector.shape_cast %get3A_132 : vector<1x16xf32> to vector<16xf32>
      %mul3A_134 = arith.mulf %get3A_133, %get3A_129 : vector<16xf32>
      %add3A_135 = arith.constant 0 : i32
      %add3A_136 = arith.addi %add3A_135, %scan3A_120 : i32
      %mul3A_137 = arith.constant 128 : i32
      %mul3A_138 = arith.muli %add3A_136, %mul3A_137 : i32
      %add3A_139 = arith.constant 0 : i32
      %add3A_140 = arith.addi %mul3A_138, %add3A_139 : i32
      %get3A_141 = arith.index_cast %add3A_140 : i32 to index
      %get3A_142 = tpu.vector_load %arg9[%get3A_141] {strides = array<i32>} : memref<16384xf32, #tpu.memory_space<vmem>>, vector<16xf32>,
      %get3A_143 = vector.shape_cast %get3A_142 : vector<16xf32> to vector<16xf32>
      %add3A_144 = arith.addf %get3A_143, %mul3A_134 : vector<16xf32>
      %swap3A = arith.index_cast %add3A_140 : i32 to index
      %swap3A_145 = tpu.vector_load %arg9[%swap3A] {strides = array<i32>} : memref<16384xf32, #tpu.memory_space<vmem>>, vector<16xf32>,
      %swap3A_146 = vector.shape_cast %swap3A_145 : vector<16xf32> to vector<16xf32>
      %swap3A_147 = vector.shape_cast %add3A_144 : vector<16xf32> to vector<16xf32>
      tpu.vector_store %arg9[%swap3A], %swap3A_147 {strides = array<i32>} : memref<16384xf32, #tpu.memory_space<vmem>>, vector<16xf32>,
      %get3A_148 = arith.index_cast %scan3A_120 : i32 to index
      %get3A_149 = arith.constant 16 : index
      %get3A_150 = tpu.vector_load %arg8[%get3A_148, %get3A_149] {strides = array<i32>} : memref<128x128xf32, #tpu.memory_space<vmem>>, vector<1x16xf32>,
      %get3A_151 = vector.shape_cast %get3A_150 : vector<1x16xf32> to vector<16xf32>
      %mul3A_152 = arith.mulf %get3A_151, %get3A_129 : vector<16xf32>
      %add3A_153 = arith.constant 0 : i32
      %add3A_154 = arith.addi %add3A_153, %scan3A_120 : i32
      %mul3A_155 = arith.constant 128 : i32
      %mul3A_156 = arith.muli %add3A_154, %mul3A_155 : i32
      %add3A_157 = arith.constant 16 : i32
      %add3A_158 = arith.addi %mul3A_156, %add3A_157 : i32
      %get3A_159 = arith.index_cast %add3A_158 : i32 to index
      %get3A_160 = tpu.vector_load %arg9[%get3A_159] {strides = array<i32>} : memref<16384xf32, #tpu.memory_space<vmem>>, vector<16xf32>,
      %get3A_161 = vector.shape_cast %get3A_160 : vector<16xf32> to vector<16xf32>
      %add3A_162 = arith.addf %get3A_161, %mul3A_152 : vector<16xf32>
      %swap3A_163 = arith.index_cast %add3A_158 : i32 to index
      %swap3A_164 = tpu.vector_load %arg9[%swap3A_163] {strides = array<i32>} : memref<16384xf32, #tpu.memory_space<vmem>>, vector<16xf32>,
      %swap3A_165 = vector.shape_cast %swap3A_164 : vector<16xf32> to vector<16xf32>
      %swap3A_166 = vector.shape_cast %add3A_162 : vector<16xf32> to vector<16xf32>
      tpu.vector_store %arg9[%swap3A_163], %swap3A_166 {strides = array<i32>} : memref<16384xf32, #tpu.memory_space<vmem>>, vector<16xf32>,
      %get3A_167 = arith.index_cast %scan3A_120 : i32 to index
      %get3A_168 = arith.constant 32 : index
      %get3A_169 = tpu.vector_load %arg8[%get3A_167, %get3A_168] {strides = array<i32>} : memref<128x128xf32, #tpu.memory_space<vmem>>, vector<1x16xf32>,
      %get3A_170 = vector.shape_cast %get3A_169 : vector<1x16xf32> to vector<16xf32>
      %mul3A_171 = arith.mulf %get3A_170, %get3A_129 : vector<16xf32>
      %add3A_172 = arith.constant 0 : i32
      %add3A_173 = arith.addi %add3A_172, %scan3A_120 : i32
      %mul3A_174 = arith.constant 128 : i32
      %mul3A_175 = arith.muli %add3A_173, %mul3A_174 : i32
      %add3A_176 = arith.constant 32 : i32
      %add3A_177 = arith.addi %mul3A_175, %add3A_176 : i32
      %get3A_178 = arith.index_cast %add3A_177 : i32 to index
      %get3A_179 = tpu.vector_load %arg9[%get3A_178] {strides = array<i32>} : memref<16384xf32, #tpu.memory_space<vmem>>, vector<16xf32>,
      %get3A_180 = vector.shape_cast %get3A_179 : vector<16xf32> to vector<16xf32>
      %add3A_181 = arith.addf %get3A_180, %mul3A_171 : vector<16xf32>
      %swap3A_182 = arith.index_cast %add3A_177 : i32 to index
      %swap3A_183 = tpu.vector_load %arg9[%swap3A_182] {strides = array<i32>} : memref<16384xf32, #tpu.memory_space<vmem>>, vector<16xf32>,
      %swap3A_184 = vector.shape_cast %swap3A_183 : vector<16xf32> to vector<16xf32>
      %swap3A_185 = vector.shape_cast %add3A_181 : vector<16xf32> to vector<16xf32>
      tpu.vector_store %arg9[%swap3A_182], %swap3A_185 {strides = array<i32>} : memref<16384xf32, #tpu.memory_space<vmem>>, vector<16xf32>,
      %get3A_186 = arith.index_cast %scan3A_120 : i32 to index
      %get3A_187 = arith.constant 48 : index
      %get3A_188 = tpu.vector_load %arg8[%get3A_186, %get3A_187] {strides = array<i32>} : memref<128x128xf32, #tpu.memory_space<vmem>>, vector<1x16xf32>,
      %get3A_189 = vector.shape_cast %get3A_188 : vector<1x16xf32> to vector<16xf32>
      %mul3A_190 = arith.mulf %get3A_189, %get3A_129 : vector<16xf32>
      %add3A_191 = arith.constant 0 : i32
      %add3A_192 = arith.addi %add3A_191, %scan3A_120 : i32
      %mul3A_193 = arith.constant 128 : i32
      %mul3A_194 = arith.muli %add3A_192, %mul3A_193 : i32
      %add3A_195 = arith.constant 48 : i32
      %add3A_196 = arith.addi %mul3A_194, %add3A_195 : i32
      %get3A_197 = arith.index_cast %add3A_196 : i32 to index
      %get3A_198 = tpu.vector_load %arg9[%get3A_197] {strides = array<i32>} : memref<16384xf32, #tpu.memory_space<vmem>>, vector<16xf32>,
      %get3A_199 = vector.shape_cast %get3A_198 : vector<16xf32> to vector<16xf32>
      %add3A_200 = arith.addf %get3A_199, %mul3A_190 : vector<16xf32>
      %swap3A_201 = arith.index_cast %add3A_196 : i32 to index
      %swap3A_202 = tpu.vector_load %arg9[%swap3A_201] {strides = array<i32>} : memref<16384xf32, #tpu.memory_space<vmem>>, vector<16xf32>,
      %swap3A_203 = vector.shape_cast %swap3A_202 : vector<16xf32> to vector<16xf32>
      %swap3A_204 = vector.shape_cast %add3A_200 : vector<16xf32> to vector<16xf32>
      tpu.vector_store %arg9[%swap3A_201], %swap3A_204 {strides = array<i32>} : memref<16384xf32, #tpu.memory_space<vmem>>, vector<16xf32>,
      %get3A_205 = arith.index_cast %scan3A_120 : i32 to index
      %get3A_206 = arith.constant 64 : index
      %get3A_207 = tpu.vector_load %arg8[%get3A_205, %get3A_206] {strides = array<i32>} : memref<128x128xf32, #tpu.memory_space<vmem>>, vector<1x16xf32>,
      %get3A_208 = vector.shape_cast %get3A_207 : vector<1x16xf32> to vector<16xf32>
      %mul3A_209 = arith.mulf %get3A_208, %get3A_129 : vector<16xf32>
      %add3A_210 = arith.constant 0 : i32
      %add3A_211 = arith.addi %add3A_210, %scan3A_120 : i32
      %mul3A_212 = arith.constant 128 : i32
      %mul3A_213 = arith.muli %add3A_211, %mul3A_212 : i32
      %add3A_214 = arith.constant 64 : i32
      %add3A_215 = arith.addi %mul3A_213, %add3A_214 : i32
      %get3A_216 = arith.index_cast %add3A_215 : i32 to index
      %get3A_217 = tpu.vector_load %arg9[%get3A_216] {strides = array<i32>} : memref<16384xf32, #tpu.memory_space<vmem>>, vector<16xf32>,
      %get3A_218 = vector.shape_cast %get3A_217 : vector<16xf32> to vector<16xf32>
      %add3A_219 = arith.addf %get3A_218, %mul3A_209 : vector<16xf32>
      %swap3A_220 = arith.index_cast %add3A_215 : i32 to index
      %swap3A_221 = tpu.vector_load %arg9[%swap3A_220] {strides = array<i32>} : memref<16384xf32, #tpu.memory_space<vmem>>, vector<16xf32>,
      %swap3A_222 = vector.shape_cast %swap3A_221 : vector<16xf32> to vector<16xf32>
      %swap3A_223 = vector.shape_cast %add3A_219 : vector<16xf32> to vector<16xf32>
      tpu.vector_store %arg9[%swap3A_220], %swap3A_223 {strides = array<i32>} : memref<16384xf32, #tpu.memory_space<vmem>>, vector<16xf32>,
      %get3A_224 = arith.index_cast %scan3A_120 : i32 to index
      %get3A_225 = arith.constant 80 : index
      %get3A_226 = tpu.vector_load %arg8[%get3A_224, %get3A_225] {strides = array<i32>} : memref<128x128xf32, #tpu.memory_space<vmem>>, vector<1x16xf32>,
      %get3A_227 = vector.shape_cast %get3A_226 : vector<1x16xf32> to vector<16xf32>
      %mul3A_228 = arith.mulf %get3A_227, %get3A_129 : vector<16xf32>
      %add3A_229 = arith.constant 0 : i32
      %add3A_230 = arith.addi %add3A_229, %scan3A_120 : i32
      %mul3A_231 = arith.constant 128 : i32
      %mul3A_232 = arith.muli %add3A_230, %mul3A_231 : i32
      %add3A_233 = arith.constant 80 : i32
      %add3A_234 = arith.addi %mul3A_232, %add3A_233 : i32
      %get3A_235 = arith.index_cast %add3A_234 : i32 to index
      %get3A_236 = tpu.vector_load %arg9[%get3A_235] {strides = array<i32>} : memref<16384xf32, #tpu.memory_space<vmem>>, vector<16xf32>,
      %get3A_237 = vector.shape_cast %get3A_236 : vector<16xf32> to vector<16xf32>
      %add3A_238 = arith.addf %get3A_237, %mul3A_228 : vector<16xf32>
      %swap3A_239 = arith.index_cast %add3A_234 : i32 to index
      %swap3A_240 = tpu.vector_load %arg9[%swap3A_239] {strides = array<i32>} : memref<16384xf32, #tpu.memory_space<vmem>>, vector<16xf32>,
      %swap3A_241 = vector.shape_cast %swap3A_240 : vector<16xf32> to vector<16xf32>
      %swap3A_242 = vector.shape_cast %add3A_238 : vector<16xf32> to vector<16xf32>
      tpu.vector_store %arg9[%swap3A_239], %swap3A_242 {strides = array<i32>} : memref<16384xf32, #tpu.memory_space<vmem>>, vector<16xf32>,
      %get3A_243 = arith.index_cast %scan3A_120 : i32 to index
      %get3A_244 = arith.constant 96 : index
      %get3A_245 = tpu.vector_load %arg8[%get3A_243, %get3A_244] {strides = array<i32>} : memref<128x128xf32, #tpu.memory_space<vmem>>, vector<1x16xf32>,
      %get3A_246 = vector.shape_cast %get3A_245 : vector<1x16xf32> to vector<16xf32>
      %mul3A_247 = arith.mulf %get3A_246, %get3A_129 : vector<16xf32>
      %add3A_248 = arith.constant 0 : i32
      %add3A_249 = arith.addi %add3A_248, %scan3A_120 : i32
      %mul3A_250 = arith.constant 128 : i32
      %mul3A_251 = arith.muli %add3A_249, %mul3A_250 : i32
      %add3A_252 = arith.constant 96 : i32
      %add3A_253 = arith.addi %mul3A_251, %add3A_252 : i32
      %get3A_254 = arith.index_cast %add3A_253 : i32 to index
      %get3A_255 = tpu.vector_load %arg9[%get3A_254] {strides = array<i32>} : memref<16384xf32, #tpu.memory_space<vmem>>, vector<16xf32>,
      %get3A_256 = vector.shape_cast %get3A_255 : vector<16xf32> to vector<16xf32>
      %add3A_257 = arith.addf %get3A_256, %mul3A_247 : vector<16xf32>
      %swap3A_258 = arith.index_cast %add3A_253 : i32 to index
      %swap3A_259 = tpu.vector_load %arg9[%swap3A_258] {strides = array<i32>} : memref<16384xf32, #tpu.memory_space<vmem>>, vector<16xf32>,
      %swap3A_260 = vector.shape_cast %swap3A_259 : vector<16xf32> to vector<16xf32>
      %swap3A_261 = vector.shape_cast %add3A_257 : vector<16xf32> to vector<16xf32>
      tpu.vector_store %arg9[%swap3A_258], %swap3A_261 {strides = array<i32>} : memref<16384xf32, #tpu.memory_space<vmem>>, vector<16xf32>,
      %get3A_262 = arith.index_cast %scan3A_120 : i32 to index
      %get3A_263 = arith.constant 112 : index
      %get3A_264 = tpu.vector_load %arg8[%get3A_262, %get3A_263] {strides = array<i32>} : memref<128x128xf32, #tpu.memory_space<vmem>>, vector<1x16xf32>,
      %get3A_265 = vector.shape_cast %get3A_264 : vector<1x16xf32> to vector<16xf32>
      %mul3A_266 = arith.mulf %get3A_265, %get3A_129 : vector<16xf32>
      %add3A_267 = arith.constant 0 : i32
      %add3A_268 = arith.addi %add3A_267, %scan3A_120 : i32
      %mul3A_269 = arith.constant 128 : i32
      %mul3A_270 = arith.muli %add3A_268, %mul3A_269 : i32
      %add3A_271 = arith.constant 112 : i32
      %add3A_272 = arith.addi %mul3A_270, %add3A_271 : i32
      %get3A_273 = arith.index_cast %add3A_272 : i32 to index
      %get3A_274 = tpu.vector_load %arg9[%get3A_273] {strides = array<i32>} : memref<16384xf32, #tpu.memory_space<vmem>>, vector<16xf32>,
      %get3A_275 = vector.shape_cast %get3A_274 : vector<16xf32> to vector<16xf32>
      %add3A_276 = arith.addf %get3A_275, %mul3A_266 : vector<16xf32>
      %swap3A_277 = arith.index_cast %add3A_272 : i32 to index
      %swap3A_278 = tpu.vector_load %arg9[%swap3A_277] {strides = array<i32>} : memref<16384xf32, #tpu.memory_space<vmem>>, vector<16xf32>,
      %swap3A_279 = vector.shape_cast %swap3A_278 : vector<16xf32> to vector<16xf32>
      %swap3A_280 = vector.shape_cast %add3A_276 : vector<16xf32> to vector<16xf32>
      tpu.vector_store %arg9[%swap3A_277], %swap3A_280 {strides = array<i32>} : memref<16384xf32, #tpu.memory_space<vmem>>, vector<16xf32>,
      %scan3A_281 = arith.constant 0 : i32
      scf.yield %scan3A_281 : i32
    }
    %scan3A_39 = arith.constant 128 : i32
    %dma_start3A_40 = arith.constant 256 : i32
    %dma_start3A_41 = tpu.memref_slice %arg6[%dma_start3A_40] : memref<384xi32, #tpu.memory_space<vmem>> -> memref<128xi32, #tpu.memory_space<vmem>>
    %dma_start3A_42 = arith.constant 0 : i32
    %dma_start3A_43 = arith.constant 0 : i32
    %dma_start3A_44 = tpu.memref_slice %arg2[%dma_start3A_42, %dma_start3A_43] : memref<4096x128xf32, #tpu.memory_space<hbm>> -> memref<4096x128xf32, #tpu.memory_space<hbm>>
    tpu.enqueue_indirect_dma source(%dma_start3A_44 : memref<4096x128xf32, #tpu.memory_space<hbm>>) target(%arg8 : memref<128x128xf32, #tpu.memory_space<vmem>>) offsets(%dma_start3A_41 : memref<128xi32, #tpu.memory_space<vmem>>) semaphore(%arg10 : memref<!tpu.dma_semaphore, #tpu.memory_space<semaphore_mem>>)
    %dma_wait3A_45 = arith.constant 256 : i32
    %dma_wait3A_46 = tpu.memref_slice %arg6[%dma_wait3A_45] : memref<384xi32, #tpu.memory_space<vmem>> -> memref<128xi32, #tpu.memory_space<vmem>>
    %dma_wait3A_47 = arith.constant 0 : i32
    %dma_wait3A_48 = arith.constant 0 : i32
    %dma_wait3A_49 = tpu.memref_slice %arg2[%dma_wait3A_47, %dma_wait3A_48] : memref<4096x128xf32, #tpu.memory_space<hbm>> -> memref<4096x128xf32, #tpu.memory_space<hbm>>
    tpu.wait_indirect_dma semaphore(%arg10 : memref<!tpu.dma_semaphore, #tpu.memory_space<semaphore_mem>>) src(%dma_wait3A_49 : memref<4096x128xf32, #tpu.memory_space<hbm>>) dst(%arg8 : memref<128x128xf32, #tpu.memory_space<vmem>>)
    %scan3A_50 = arith.constant 0 : i32
    %scan3A_51 = arith.constant 0 : i32
    %scan3A_52 = arith.constant 128 : i32
    %scan3A_53 = arith.addi %scan3A_51, %scan3A_52 : i32
    %scan3A_54 = arith.constant 1 : i32
    %scan3A_55 = scf.for %scan3A_120 = %scan3A_51 to %scan3A_53 step %scan3A_54 iter_args(%scan3A_121 = %scan3A_50) -> (i32)  : i32 {
      %add3A_122 = arith.constant 0 : i32
      %add3A_123 = arith.addi %add3A_122, %scan3A_120 : i32
      %mul3A_124 = arith.constant 48 : i32
      %mul3A_125 = arith.muli %add3A_123, %mul3A_124 : i32
      %add3A_126 = arith.constant 32 : i32
      %add3A_127 = arith.addi %mul3A_125, %add3A_126 : i32
      %get3A = arith.index_cast %add3A_127 : i32 to index
      %get3A_128 = tpu.vector_load %arg7[%get3A] {strides = array<i32>} : memref<6144xf32, #tpu.memory_space<vmem>>, vector<16xf32>,
      %get3A_129 = vector.shape_cast %get3A_128 : vector<16xf32> to vector<16xf32>
      %get3A_130 = arith.index_cast %scan3A_120 : i32 to index
      %get3A_131 = arith.constant 0 : index
      %get3A_132 = tpu.vector_load %arg8[%get3A_130, %get3A_131] {strides = array<i32>} : memref<128x128xf32, #tpu.memory_space<vmem>>, vector<1x16xf32>,
      %get3A_133 = vector.shape_cast %get3A_132 : vector<1x16xf32> to vector<16xf32>
      %mul3A_134 = arith.mulf %get3A_133, %get3A_129 : vector<16xf32>
      %add3A_135 = arith.constant 0 : i32
      %add3A_136 = arith.addi %add3A_135, %scan3A_120 : i32
      %mul3A_137 = arith.constant 128 : i32
      %mul3A_138 = arith.muli %add3A_136, %mul3A_137 : i32
      %add3A_139 = arith.constant 0 : i32
      %add3A_140 = arith.addi %mul3A_138, %add3A_139 : i32
      %get3A_141 = arith.index_cast %add3A_140 : i32 to index
      %get3A_142 = tpu.vector_load %arg9[%get3A_141] {strides = array<i32>} : memref<16384xf32, #tpu.memory_space<vmem>>, vector<16xf32>,
      %get3A_143 = vector.shape_cast %get3A_142 : vector<16xf32> to vector<16xf32>
      %add3A_144 = arith.addf %get3A_143, %mul3A_134 : vector<16xf32>
      %swap3A = arith.index_cast %add3A_140 : i32 to index
      %swap3A_145 = tpu.vector_load %arg9[%swap3A] {strides = array<i32>} : memref<16384xf32, #tpu.memory_space<vmem>>, vector<16xf32>,
      %swap3A_146 = vector.shape_cast %swap3A_145 : vector<16xf32> to vector<16xf32>
      %swap3A_147 = vector.shape_cast %add3A_144 : vector<16xf32> to vector<16xf32>
      tpu.vector_store %arg9[%swap3A], %swap3A_147 {strides = array<i32>} : memref<16384xf32, #tpu.memory_space<vmem>>, vector<16xf32>,
      %get3A_148 = arith.index_cast %scan3A_120 : i32 to index
      %get3A_149 = arith.constant 16 : index
      %get3A_150 = tpu.vector_load %arg8[%get3A_148, %get3A_149] {strides = array<i32>} : memref<128x128xf32, #tpu.memory_space<vmem>>, vector<1x16xf32>,
      %get3A_151 = vector.shape_cast %get3A_150 : vector<1x16xf32> to vector<16xf32>
      %mul3A_152 = arith.mulf %get3A_151, %get3A_129 : vector<16xf32>
      %add3A_153 = arith.constant 0 : i32
      %add3A_154 = arith.addi %add3A_153, %scan3A_120 : i32
      %mul3A_155 = arith.constant 128 : i32
      %mul3A_156 = arith.muli %add3A_154, %mul3A_155 : i32
      %add3A_157 = arith.constant 16 : i32
      %add3A_158 = arith.addi %mul3A_156, %add3A_157 : i32
      %get3A_159 = arith.index_cast %add3A_158 : i32 to index
      %get3A_160 = tpu.vector_load %arg9[%get3A_159] {strides = array<i32>} : memref<16384xf32, #tpu.memory_space<vmem>>, vector<16xf32>,
      %get3A_161 = vector.shape_cast %get3A_160 : vector<16xf32> to vector<16xf32>
      %add3A_162 = arith.addf %get3A_161, %mul3A_152 : vector<16xf32>
      %swap3A_163 = arith.index_cast %add3A_158 : i32 to index
      %swap3A_164 = tpu.vector_load %arg9[%swap3A_163] {strides = array<i32>} : memref<16384xf32, #tpu.memory_space<vmem>>, vector<16xf32>,
      %swap3A_165 = vector.shape_cast %swap3A_164 : vector<16xf32> to vector<16xf32>
      %swap3A_166 = vector.shape_cast %add3A_162 : vector<16xf32> to vector<16xf32>
      tpu.vector_store %arg9[%swap3A_163], %swap3A_166 {strides = array<i32>} : memref<16384xf32, #tpu.memory_space<vmem>>, vector<16xf32>,
      %get3A_167 = arith.index_cast %scan3A_120 : i32 to index
      %get3A_168 = arith.constant 32 : index
      %get3A_169 = tpu.vector_load %arg8[%get3A_167, %get3A_168] {strides = array<i32>} : memref<128x128xf32, #tpu.memory_space<vmem>>, vector<1x16xf32>,
      %get3A_170 = vector.shape_cast %get3A_169 : vector<1x16xf32> to vector<16xf32>
      %mul3A_171 = arith.mulf %get3A_170, %get3A_129 : vector<16xf32>
      %add3A_172 = arith.constant 0 : i32
      %add3A_173 = arith.addi %add3A_172, %scan3A_120 : i32
      %mul3A_174 = arith.constant 128 : i32
      %mul3A_175 = arith.muli %add3A_173, %mul3A_174 : i32
      %add3A_176 = arith.constant 32 : i32
      %add3A_177 = arith.addi %mul3A_175, %add3A_176 : i32
      %get3A_178 = arith.index_cast %add3A_177 : i32 to index
      %get3A_179 = tpu.vector_load %arg9[%get3A_178] {strides = array<i32>} : memref<16384xf32, #tpu.memory_space<vmem>>, vector<16xf32>,
      %get3A_180 = vector.shape_cast %get3A_179 : vector<16xf32> to vector<16xf32>
      %add3A_181 = arith.addf %get3A_180, %mul3A_171 : vector<16xf32>
      %swap3A_182 = arith.index_cast %add3A_177 : i32 to index
      %swap3A_183 = tpu.vector_load %arg9[%swap3A_182] {strides = array<i32>} : memref<16384xf32, #tpu.memory_space<vmem>>, vector<16xf32>,
      %swap3A_184 = vector.shape_cast %swap3A_183 : vector<16xf32> to vector<16xf32>
      %swap3A_185 = vector.shape_cast %add3A_181 : vector<16xf32> to vector<16xf32>
      tpu.vector_store %arg9[%swap3A_182], %swap3A_185 {strides = array<i32>} : memref<16384xf32, #tpu.memory_space<vmem>>, vector<16xf32>,
      %get3A_186 = arith.index_cast %scan3A_120 : i32 to index
      %get3A_187 = arith.constant 48 : index
      %get3A_188 = tpu.vector_load %arg8[%get3A_186, %get3A_187] {strides = array<i32>} : memref<128x128xf32, #tpu.memory_space<vmem>>, vector<1x16xf32>,
      %get3A_189 = vector.shape_cast %get3A_188 : vector<1x16xf32> to vector<16xf32>
      %mul3A_190 = arith.mulf %get3A_189, %get3A_129 : vector<16xf32>
      %add3A_191 = arith.constant 0 : i32
      %add3A_192 = arith.addi %add3A_191, %scan3A_120 : i32
      %mul3A_193 = arith.constant 128 : i32
      %mul3A_194 = arith.muli %add3A_192, %mul3A_193 : i32
      %add3A_195 = arith.constant 48 : i32
      %add3A_196 = arith.addi %mul3A_194, %add3A_195 : i32
      %get3A_197 = arith.index_cast %add3A_196 : i32 to index
      %get3A_198 = tpu.vector_load %arg9[%get3A_197] {strides = array<i32>} : memref<16384xf32, #tpu.memory_space<vmem>>, vector<16xf32>,
      %get3A_199 = vector.shape_cast %get3A_198 : vector<16xf32> to vector<16xf32>
      %add3A_200 = arith.addf %get3A_199, %mul3A_190 : vector<16xf32>
      %swap3A_201 = arith.index_cast %add3A_196 : i32 to index
      %swap3A_202 = tpu.vector_load %arg9[%swap3A_201] {strides = array<i32>} : memref<16384xf32, #tpu.memory_space<vmem>>, vector<16xf32>,
      %swap3A_203 = vector.shape_cast %swap3A_202 : vector<16xf32> to vector<16xf32>
      %swap3A_204 = vector.shape_cast %add3A_200 : vector<16xf32> to vector<16xf32>
      tpu.vector_store %arg9[%swap3A_201], %swap3A_204 {strides = array<i32>} : memref<16384xf32, #tpu.memory_space<vmem>>, vector<16xf32>,
      %get3A_205 = arith.index_cast %scan3A_120 : i32 to index
      %get3A_206 = arith.constant 64 : index
      %get3A_207 = tpu.vector_load %arg8[%get3A_205, %get3A_206] {strides = array<i32>} : memref<128x128xf32, #tpu.memory_space<vmem>>, vector<1x16xf32>,
      %get3A_208 = vector.shape_cast %get3A_207 : vector<1x16xf32> to vector<16xf32>
      %mul3A_209 = arith.mulf %get3A_208, %get3A_129 : vector<16xf32>
      %add3A_210 = arith.constant 0 : i32
      %add3A_211 = arith.addi %add3A_210, %scan3A_120 : i32
      %mul3A_212 = arith.constant 128 : i32
      %mul3A_213 = arith.muli %add3A_211, %mul3A_212 : i32
      %add3A_214 = arith.constant 64 : i32
      %add3A_215 = arith.addi %mul3A_213, %add3A_214 : i32
      %get3A_216 = arith.index_cast %add3A_215 : i32 to index
      %get3A_217 = tpu.vector_load %arg9[%get3A_216] {strides = array<i32>} : memref<16384xf32, #tpu.memory_space<vmem>>, vector<16xf32>,
      %get3A_218 = vector.shape_cast %get3A_217 : vector<16xf32> to vector<16xf32>
      %add3A_219 = arith.addf %get3A_218, %mul3A_209 : vector<16xf32>
      %swap3A_220 = arith.index_cast %add3A_215 : i32 to index
      %swap3A_221 = tpu.vector_load %arg9[%swap3A_220] {strides = array<i32>} : memref<16384xf32, #tpu.memory_space<vmem>>, vector<16xf32>,
      %swap3A_222 = vector.shape_cast %swap3A_221 : vector<16xf32> to vector<16xf32>
      %swap3A_223 = vector.shape_cast %add3A_219 : vector<16xf32> to vector<16xf32>
      tpu.vector_store %arg9[%swap3A_220], %swap3A_223 {strides = array<i32>} : memref<16384xf32, #tpu.memory_space<vmem>>, vector<16xf32>,
      %get3A_224 = arith.index_cast %scan3A_120 : i32 to index
      %get3A_225 = arith.constant 80 : index
      %get3A_226 = tpu.vector_load %arg8[%get3A_224, %get3A_225] {strides = array<i32>} : memref<128x128xf32, #tpu.memory_space<vmem>>, vector<1x16xf32>,
      %get3A_227 = vector.shape_cast %get3A_226 : vector<1x16xf32> to vector<16xf32>
      %mul3A_228 = arith.mulf %get3A_227, %get3A_129 : vector<16xf32>
      %add3A_229 = arith.constant 0 : i32
      %add3A_230 = arith.addi %add3A_229, %scan3A_120 : i32
      %mul3A_231 = arith.constant 128 : i32
      %mul3A_232 = arith.muli %add3A_230, %mul3A_231 : i32
      %add3A_233 = arith.constant 80 : i32
      %add3A_234 = arith.addi %mul3A_232, %add3A_233 : i32
      %get3A_235 = arith.index_cast %add3A_234 : i32 to index
      %get3A_236 = tpu.vector_load %arg9[%get3A_235] {strides = array<i32>} : memref<16384xf32, #tpu.memory_space<vmem>>, vector<16xf32>,
      %get3A_237 = vector.shape_cast %get3A_236 : vector<16xf32> to vector<16xf32>
      %add3A_238 = arith.addf %get3A_237, %mul3A_228 : vector<16xf32>
      %swap3A_239 = arith.index_cast %add3A_234 : i32 to index
      %swap3A_240 = tpu.vector_load %arg9[%swap3A_239] {strides = array<i32>} : memref<16384xf32, #tpu.memory_space<vmem>>, vector<16xf32>,
      %swap3A_241 = vector.shape_cast %swap3A_240 : vector<16xf32> to vector<16xf32>
      %swap3A_242 = vector.shape_cast %add3A_238 : vector<16xf32> to vector<16xf32>
      tpu.vector_store %arg9[%swap3A_239], %swap3A_242 {strides = array<i32>} : memref<16384xf32, #tpu.memory_space<vmem>>, vector<16xf32>,
      %get3A_243 = arith.index_cast %scan3A_120 : i32 to index
      %get3A_244 = arith.constant 96 : index
      %get3A_245 = tpu.vector_load %arg8[%get3A_243, %get3A_244] {strides = array<i32>} : memref<128x128xf32, #tpu.memory_space<vmem>>, vector<1x16xf32>,
      %get3A_246 = vector.shape_cast %get3A_245 : vector<1x16xf32> to vector<16xf32>
      %mul3A_247 = arith.mulf %get3A_246, %get3A_129 : vector<16xf32>
      %add3A_248 = arith.constant 0 : i32
      %add3A_249 = arith.addi %add3A_248, %scan3A_120 : i32
      %mul3A_250 = arith.constant 128 : i32
      %mul3A_251 = arith.muli %add3A_249, %mul3A_250 : i32
      %add3A_252 = arith.constant 96 : i32
      %add3A_253 = arith.addi %mul3A_251, %add3A_252 : i32
      %get3A_254 = arith.index_cast %add3A_253 : i32 to index
      %get3A_255 = tpu.vector_load %arg9[%get3A_254] {strides = array<i32>} : memref<16384xf32, #tpu.memory_space<vmem>>, vector<16xf32>,
      %get3A_256 = vector.shape_cast %get3A_255 : vector<16xf32> to vector<16xf32>
      %add3A_257 = arith.addf %get3A_256, %mul3A_247 : vector<16xf32>
      %swap3A_258 = arith.index_cast %add3A_253 : i32 to index
      %swap3A_259 = tpu.vector_load %arg9[%swap3A_258] {strides = array<i32>} : memref<16384xf32, #tpu.memory_space<vmem>>, vector<16xf32>,
      %swap3A_260 = vector.shape_cast %swap3A_259 : vector<16xf32> to vector<16xf32>
      %swap3A_261 = vector.shape_cast %add3A_257 : vector<16xf32> to vector<16xf32>
      tpu.vector_store %arg9[%swap3A_258], %swap3A_261 {strides = array<i32>} : memref<16384xf32, #tpu.memory_space<vmem>>, vector<16xf32>,
      %get3A_262 = arith.index_cast %scan3A_120 : i32 to index
      %get3A_263 = arith.constant 112 : index
      %get3A_264 = tpu.vector_load %arg8[%get3A_262, %get3A_263] {strides = array<i32>} : memref<128x128xf32, #tpu.memory_space<vmem>>, vector<1x16xf32>,
      %get3A_265 = vector.shape_cast %get3A_264 : vector<1x16xf32> to vector<16xf32>
      %mul3A_266 = arith.mulf %get3A_265, %get3A_129 : vector<16xf32>
      %add3A_267 = arith.constant 0 : i32
      %add3A_268 = arith.addi %add3A_267, %scan3A_120 : i32
      %mul3A_269 = arith.constant 128 : i32
      %mul3A_270 = arith.muli %add3A_268, %mul3A_269 : i32
      %add3A_271 = arith.constant 112 : i32
      %add3A_272 = arith.addi %mul3A_270, %add3A_271 : i32
      %get3A_273 = arith.index_cast %add3A_272 : i32 to index
      %get3A_274 = tpu.vector_load %arg9[%get3A_273] {strides = array<i32>} : memref<16384xf32, #tpu.memory_space<vmem>>, vector<16xf32>,
      %get3A_275 = vector.shape_cast %get3A_274 : vector<16xf32> to vector<16xf32>
      %add3A_276 = arith.addf %get3A_275, %mul3A_266 : vector<16xf32>
      %swap3A_277 = arith.index_cast %add3A_272 : i32 to index
      %swap3A_278 = tpu.vector_load %arg9[%swap3A_277] {strides = array<i32>} : memref<16384xf32, #tpu.memory_space<vmem>>, vector<16xf32>,
      %swap3A_279 = vector.shape_cast %swap3A_278 : vector<16xf32> to vector<16xf32>
      %swap3A_280 = vector.shape_cast %add3A_276 : vector<16xf32> to vector<16xf32>
      tpu.vector_store %arg9[%swap3A_277], %swap3A_280 {strides = array<i32>} : memref<16384xf32, #tpu.memory_space<vmem>>, vector<16xf32>,
      %scan3A_281 = arith.constant 0 : i32
      scf.yield %scan3A_281 : i32
    }
    %scan3A_56 = arith.constant 128 : i32
    %mul3A_57 = arith.constant 16384 : i32
    %mul3A_58 = arith.muli %add3A_4, %mul3A_57 : i32
    "tpu.region"() ({
      %run_scoped3A = tpu.sem_alloc : memref<!tpu.dma_semaphore, #tpu.memory_space<semaphore_mem>>
      %dma_start3A_120 = tpu.memref_slice %arg5[%mul3A_58] : memref<1048576xf32, #tpu.memory_space<hbm>> -> memref<16384xf32, #tpu.memory_space<hbm>>
      %dma_start3A_121 = tpu.memref_slice %arg5[%mul3A_58] : memref<1048576xf32, #tpu.memory_space<hbm>> -> memref<16384xf32, #tpu.memory_space<hbm>>
      tpu.enqueue_dma source(%arg9 : memref<16384xf32, #tpu.memory_space<vmem>>) target(%dma_start3A_121 : memref<16384xf32, #tpu.memory_space<hbm>>) target_semaphore(%run_scoped3A : memref<!tpu.dma_semaphore, #tpu.memory_space<semaphore_mem>>)
      %dma_wait3A_122 = tpu.memref_slice %arg5[%mul3A_58] : memref<1048576xf32, #tpu.memory_space<hbm>> -> memref<16384xf32, #tpu.memory_space<hbm>>
      %dma_wait3A_123 = tpu.memref_slice %arg5[%mul3A_58] : memref<1048576xf32, #tpu.memory_space<hbm>> -> memref<16384xf32, #tpu.memory_space<hbm>>
      tpu.wait_dma2 semaphore(%run_scoped3A : memref<!tpu.dma_semaphore, #tpu.memory_space<semaphore_mem>>) src(%arg9 : memref<16384xf32, #tpu.memory_space<vmem>>) dst(%dma_wait3A_123 : memref<16384xf32, #tpu.memory_space<hbm>>)
      tpu.yield
    }) : () -> ()
    %mul3A_59 = arith.constant 2 : i32
    %mul3A_60 = arith.muli %add3A, %mul3A_59 : i32
    %add3A_61 = arith.constant 1 : i32
    %add3A_62 = arith.addi %mul3A_60, %add3A_61 : i32
    %mul3A_63 = arith.constant 384 : i32
    %mul3A_64 = arith.muli %add3A_62, %mul3A_63 : i32
    "tpu.region"() ({
      %run_scoped3A = tpu.sem_alloc : memref<!tpu.dma_semaphore, #tpu.memory_space<semaphore_mem>>
      %dma_start3A_120 = tpu.memref_slice %arg3[%mul3A_64] : memref<24576xi32, #tpu.memory_space<hbm>> -> memref<384xi32, #tpu.memory_space<hbm>>
      %dma_start3A_121 = tpu.memref_slice %arg3[%mul3A_64] : memref<24576xi32, #tpu.memory_space<hbm>> -> memref<384xi32, #tpu.memory_space<hbm>>
      tpu.enqueue_dma source(%dma_start3A_121 : memref<384xi32, #tpu.memory_space<hbm>>) target(%arg6 : memref<384xi32, #tpu.memory_space<vmem>>) target_semaphore(%run_scoped3A : memref<!tpu.dma_semaphore, #tpu.memory_space<semaphore_mem>>)
      %dma_wait3A_122 = tpu.memref_slice %arg3[%mul3A_64] : memref<24576xi32, #tpu.memory_space<hbm>> -> memref<384xi32, #tpu.memory_space<hbm>>
      %dma_wait3A_123 = tpu.memref_slice %arg3[%mul3A_64] : memref<24576xi32, #tpu.memory_space<hbm>> -> memref<384xi32, #tpu.memory_space<hbm>>
      tpu.wait_dma2 semaphore(%run_scoped3A : memref<!tpu.dma_semaphore, #tpu.memory_space<semaphore_mem>>) src(%dma_wait3A_123 : memref<384xi32, #tpu.memory_space<hbm>>) dst(%arg6 : memref<384xi32, #tpu.memory_space<vmem>>)
      tpu.yield
    }) : () -> ()
    %mul3A_65 = arith.constant 6144 : i32
    %mul3A_66 = arith.muli %add3A_62, %mul3A_65 : i32
    "tpu.region"() ({
      %run_scoped3A = tpu.sem_alloc : memref<!tpu.dma_semaphore, #tpu.memory_space<semaphore_mem>>
      %dma_start3A_120 = tpu.memref_slice %arg4[%mul3A_66] : memref<393216xf32, #tpu.memory_space<hbm>> -> memref<6144xf32, #tpu.memory_space<hbm>>
      %dma_start3A_121 = tpu.memref_slice %arg4[%mul3A_66] : memref<393216xf32, #tpu.memory_space<hbm>> -> memref<6144xf32, #tpu.memory_space<hbm>>
      tpu.enqueue_dma source(%dma_start3A_121 : memref<6144xf32, #tpu.memory_space<hbm>>) target(%arg7 : memref<6144xf32, #tpu.memory_space<vmem>>) target_semaphore(%run_scoped3A : memref<!tpu.dma_semaphore, #tpu.memory_space<semaphore_mem>>)
      %dma_wait3A_122 = tpu.memref_slice %arg4[%mul3A_66] : memref<393216xf32, #tpu.memory_space<hbm>> -> memref<6144xf32, #tpu.memory_space<hbm>>
      %dma_wait3A_123 = tpu.memref_slice %arg4[%mul3A_66] : memref<393216xf32, #tpu.memory_space<hbm>> -> memref<6144xf32, #tpu.memory_space<hbm>>
      tpu.wait_dma2 semaphore(%run_scoped3A : memref<!tpu.dma_semaphore, #tpu.memory_space<semaphore_mem>>) src(%dma_wait3A_123 : memref<6144xf32, #tpu.memory_space<hbm>>) dst(%arg7 : memref<6144xf32, #tpu.memory_space<vmem>>)
      tpu.yield
    }) : () -> ()
    %dma_start3A_67 = arith.constant 0 : i32
    %dma_start3A_68 = tpu.memref_slice %arg6[%dma_start3A_67] : memref<384xi32, #tpu.memory_space<vmem>> -> memref<128xi32, #tpu.memory_space<vmem>>
    %dma_start3A_69 = arith.constant 0 : i32
    %dma_start3A_70 = arith.constant 0 : i32
    %dma_start3A_71 = tpu.memref_slice %arg2[%dma_start3A_69, %dma_start3A_70] : memref<4096x128xf32, #tpu.memory_space<hbm>> -> memref<4096x128xf32, #tpu.memory_space<hbm>>
    tpu.enqueue_indirect_dma source(%dma_start3A_71 : memref<4096x128xf32, #tpu.memory_space<hbm>>) target(%arg8 : memref<128x128xf32, #tpu.memory_space<vmem>>) offsets(%dma_start3A_68 : memref<128xi32, #tpu.memory_space<vmem>>) semaphore(%arg10 : memref<!tpu.dma_semaphore, #tpu.memory_space<semaphore_mem>>)
    %dma_wait3A_72 = arith.constant 0 : i32
    %dma_wait3A_73 = tpu.memref_slice %arg6[%dma_wait3A_72] : memref<384xi32, #tpu.memory_space<vmem>> -> memref<128xi32, #tpu.memory_space<vmem>>
    %dma_wait3A_74 = arith.constant 0 : i32
    %dma_wait3A_75 = arith.constant 0 : i32
    %dma_wait3A_76 = tpu.memref_slice %arg2[%dma_wait3A_74, %dma_wait3A_75] : memref<4096x128xf32, #tpu.memory_space<hbm>> -> memref<4096x128xf32, #tpu.memory_space<hbm>>
    tpu.wait_indirect_dma semaphore(%arg10 : memref<!tpu.dma_semaphore, #tpu.memory_space<semaphore_mem>>) src(%dma_wait3A_76 : memref<4096x128xf32, #tpu.memory_space<hbm>>) dst(%arg8 : memref<128x128xf32, #tpu.memory_space<vmem>>)
    %scan3A_77 = arith.constant 0 : i32
    %scan3A_78 = arith.constant 0 : i32
    %scan3A_79 = arith.constant 128 : i32
    %scan3A_80 = arith.addi %scan3A_78, %scan3A_79 : i32
    %scan3A_81 = arith.constant 1 : i32
    %scan3A_82 = scf.for %scan3A_120 = %scan3A_78 to %scan3A_80 step %scan3A_81 iter_args(%scan3A_121 = %scan3A_77) -> (i32)  : i32 {
      %add3A_122 = arith.constant 0 : i32
      %add3A_123 = arith.addi %add3A_122, %scan3A_120 : i32
      %mul3A_124 = arith.constant 48 : i32
      %mul3A_125 = arith.muli %add3A_123, %mul3A_124 : i32
      %add3A_126 = arith.constant 0 : i32
      %add3A_127 = arith.addi %mul3A_125, %add3A_126 : i32
      %get3A = arith.index_cast %add3A_127 : i32 to index
      %get3A_128 = tpu.vector_load %arg7[%get3A] {strides = array<i32>} : memref<6144xf32, #tpu.memory_space<vmem>>, vector<16xf32>,
      %get3A_129 = vector.shape_cast %get3A_128 : vector<16xf32> to vector<16xf32>
      %get3A_130 = arith.index_cast %scan3A_120 : i32 to index
      %get3A_131 = arith.constant 0 : index
      %get3A_132 = tpu.vector_load %arg8[%get3A_130, %get3A_131] {strides = array<i32>} : memref<128x128xf32, #tpu.memory_space<vmem>>, vector<1x16xf32>,
      %get3A_133 = vector.shape_cast %get3A_132 : vector<1x16xf32> to vector<16xf32>
      %mul3A_134 = arith.mulf %get3A_133, %get3A_129 : vector<16xf32>
      %add3A_135 = arith.constant 0 : i32
      %add3A_136 = arith.addi %add3A_135, %scan3A_120 : i32
      %mul3A_137 = arith.constant 128 : i32
      %mul3A_138 = arith.muli %add3A_136, %mul3A_137 : i32
      %add3A_139 = arith.constant 0 : i32
      %add3A_140 = arith.addi %mul3A_138, %add3A_139 : i32
      %swap3A = arith.index_cast %add3A_140 : i32 to index
      %swap3A_141 = tpu.vector_load %arg9[%swap3A] {strides = array<i32>} : memref<16384xf32, #tpu.memory_space<vmem>>, vector<16xf32>,
      %swap3A_142 = vector.shape_cast %swap3A_141 : vector<16xf32> to vector<16xf32>
      %swap3A_143 = vector.shape_cast %mul3A_134 : vector<16xf32> to vector<16xf32>
      tpu.vector_store %arg9[%swap3A], %swap3A_143 {strides = array<i32>} : memref<16384xf32, #tpu.memory_space<vmem>>, vector<16xf32>,
      %get3A_144 = arith.index_cast %scan3A_120 : i32 to index
      %get3A_145 = arith.constant 16 : index
      %get3A_146 = tpu.vector_load %arg8[%get3A_144, %get3A_145] {strides = array<i32>} : memref<128x128xf32, #tpu.memory_space<vmem>>, vector<1x16xf32>,
      %get3A_147 = vector.shape_cast %get3A_146 : vector<1x16xf32> to vector<16xf32>
      %mul3A_148 = arith.mulf %get3A_147, %get3A_129 : vector<16xf32>
      %add3A_149 = arith.constant 0 : i32
      %add3A_150 = arith.addi %add3A_149, %scan3A_120 : i32
      %mul3A_151 = arith.constant 128 : i32
      %mul3A_152 = arith.muli %add3A_150, %mul3A_151 : i32
      %add3A_153 = arith.constant 16 : i32
      %add3A_154 = arith.addi %mul3A_152, %add3A_153 : i32
      %swap3A_155 = arith.index_cast %add3A_154 : i32 to index
      %swap3A_156 = tpu.vector_load %arg9[%swap3A_155] {strides = array<i32>} : memref<16384xf32, #tpu.memory_space<vmem>>, vector<16xf32>,
      %swap3A_157 = vector.shape_cast %swap3A_156 : vector<16xf32> to vector<16xf32>
      %swap3A_158 = vector.shape_cast %mul3A_148 : vector<16xf32> to vector<16xf32>
      tpu.vector_store %arg9[%swap3A_155], %swap3A_158 {strides = array<i32>} : memref<16384xf32, #tpu.memory_space<vmem>>, vector<16xf32>,
      %get3A_159 = arith.index_cast %scan3A_120 : i32 to index
      %get3A_160 = arith.constant 32 : index
      %get3A_161 = tpu.vector_load %arg8[%get3A_159, %get3A_160] {strides = array<i32>} : memref<128x128xf32, #tpu.memory_space<vmem>>, vector<1x16xf32>,
      %get3A_162 = vector.shape_cast %get3A_161 : vector<1x16xf32> to vector<16xf32>
      %mul3A_163 = arith.mulf %get3A_162, %get3A_129 : vector<16xf32>
      %add3A_164 = arith.constant 0 : i32
      %add3A_165 = arith.addi %add3A_164, %scan3A_120 : i32
      %mul3A_166 = arith.constant 128 : i32
      %mul3A_167 = arith.muli %add3A_165, %mul3A_166 : i32
      %add3A_168 = arith.constant 32 : i32
      %add3A_169 = arith.addi %mul3A_167, %add3A_168 : i32
      %swap3A_170 = arith.index_cast %add3A_169 : i32 to index
      %swap3A_171 = tpu.vector_load %arg9[%swap3A_170] {strides = array<i32>} : memref<16384xf32, #tpu.memory_space<vmem>>, vector<16xf32>,
      %swap3A_172 = vector.shape_cast %swap3A_171 : vector<16xf32> to vector<16xf32>
      %swap3A_173 = vector.shape_cast %mul3A_163 : vector<16xf32> to vector<16xf32>
      tpu.vector_store %arg9[%swap3A_170], %swap3A_173 {strides = array<i32>} : memref<16384xf32, #tpu.memory_space<vmem>>, vector<16xf32>,
      %get3A_174 = arith.index_cast %scan3A_120 : i32 to index
      %get3A_175 = arith.constant 48 : index
      %get3A_176 = tpu.vector_load %arg8[%get3A_174, %get3A_175] {strides = array<i32>} : memref<128x128xf32, #tpu.memory_space<vmem>>, vector<1x16xf32>,
      %get3A_177 = vector.shape_cast %get3A_176 : vector<1x16xf32> to vector<16xf32>
      %mul3A_178 = arith.mulf %get3A_177, %get3A_129 : vector<16xf32>
      %add3A_179 = arith.constant 0 : i32
      %add3A_180 = arith.addi %add3A_179, %scan3A_120 : i32
      %mul3A_181 = arith.constant 128 : i32
      %mul3A_182 = arith.muli %add3A_180, %mul3A_181 : i32
      %add3A_183 = arith.constant 48 : i32
      %add3A_184 = arith.addi %mul3A_182, %add3A_183 : i32
      %swap3A_185 = arith.index_cast %add3A_184 : i32 to index
      %swap3A_186 = tpu.vector_load %arg9[%swap3A_185] {strides = array<i32>} : memref<16384xf32, #tpu.memory_space<vmem>>, vector<16xf32>,
      %swap3A_187 = vector.shape_cast %swap3A_186 : vector<16xf32> to vector<16xf32>
      %swap3A_188 = vector.shape_cast %mul3A_178 : vector<16xf32> to vector<16xf32>
      tpu.vector_store %arg9[%swap3A_185], %swap3A_188 {strides = array<i32>} : memref<16384xf32, #tpu.memory_space<vmem>>, vector<16xf32>,
      %get3A_189 = arith.index_cast %scan3A_120 : i32 to index
      %get3A_190 = arith.constant 64 : index
      %get3A_191 = tpu.vector_load %arg8[%get3A_189, %get3A_190] {strides = array<i32>} : memref<128x128xf32, #tpu.memory_space<vmem>>, vector<1x16xf32>,
      %get3A_192 = vector.shape_cast %get3A_191 : vector<1x16xf32> to vector<16xf32>
      %mul3A_193 = arith.mulf %get3A_192, %get3A_129 : vector<16xf32>
      %add3A_194 = arith.constant 0 : i32
      %add3A_195 = arith.addi %add3A_194, %scan3A_120 : i32
      %mul3A_196 = arith.constant 128 : i32
      %mul3A_197 = arith.muli %add3A_195, %mul3A_196 : i32
      %add3A_198 = arith.constant 64 : i32
      %add3A_199 = arith.addi %mul3A_197, %add3A_198 : i32
      %swap3A_200 = arith.index_cast %add3A_199 : i32 to index
      %swap3A_201 = tpu.vector_load %arg9[%swap3A_200] {strides = array<i32>} : memref<16384xf32, #tpu.memory_space<vmem>>, vector<16xf32>,
      %swap3A_202 = vector.shape_cast %swap3A_201 : vector<16xf32> to vector<16xf32>
      %swap3A_203 = vector.shape_cast %mul3A_193 : vector<16xf32> to vector<16xf32>
      tpu.vector_store %arg9[%swap3A_200], %swap3A_203 {strides = array<i32>} : memref<16384xf32, #tpu.memory_space<vmem>>, vector<16xf32>,
      %get3A_204 = arith.index_cast %scan3A_120 : i32 to index
      %get3A_205 = arith.constant 80 : index
      %get3A_206 = tpu.vector_load %arg8[%get3A_204, %get3A_205] {strides = array<i32>} : memref<128x128xf32, #tpu.memory_space<vmem>>, vector<1x16xf32>,
      %get3A_207 = vector.shape_cast %get3A_206 : vector<1x16xf32> to vector<16xf32>
      %mul3A_208 = arith.mulf %get3A_207, %get3A_129 : vector<16xf32>
      %add3A_209 = arith.constant 0 : i32
      %add3A_210 = arith.addi %add3A_209, %scan3A_120 : i32
      %mul3A_211 = arith.constant 128 : i32
      %mul3A_212 = arith.muli %add3A_210, %mul3A_211 : i32
      %add3A_213 = arith.constant 80 : i32
      %add3A_214 = arith.addi %mul3A_212, %add3A_213 : i32
      %swap3A_215 = arith.index_cast %add3A_214 : i32 to index
      %swap3A_216 = tpu.vector_load %arg9[%swap3A_215] {strides = array<i32>} : memref<16384xf32, #tpu.memory_space<vmem>>, vector<16xf32>,
      %swap3A_217 = vector.shape_cast %swap3A_216 : vector<16xf32> to vector<16xf32>
      %swap3A_218 = vector.shape_cast %mul3A_208 : vector<16xf32> to vector<16xf32>
      tpu.vector_store %arg9[%swap3A_215], %swap3A_218 {strides = array<i32>} : memref<16384xf32, #tpu.memory_space<vmem>>, vector<16xf32>,
      %get3A_219 = arith.index_cast %scan3A_120 : i32 to index
      %get3A_220 = arith.constant 96 : index
      %get3A_221 = tpu.vector_load %arg8[%get3A_219, %get3A_220] {strides = array<i32>} : memref<128x128xf32, #tpu.memory_space<vmem>>, vector<1x16xf32>,
      %get3A_222 = vector.shape_cast %get3A_221 : vector<1x16xf32> to vector<16xf32>
      %mul3A_223 = arith.mulf %get3A_222, %get3A_129 : vector<16xf32>
      %add3A_224 = arith.constant 0 : i32
      %add3A_225 = arith.addi %add3A_224, %scan3A_120 : i32
      %mul3A_226 = arith.constant 128 : i32
      %mul3A_227 = arith.muli %add3A_225, %mul3A_226 : i32
      %add3A_228 = arith.constant 96 : i32
      %add3A_229 = arith.addi %mul3A_227, %add3A_228 : i32
      %swap3A_230 = arith.index_cast %add3A_229 : i32 to index
      %swap3A_231 = tpu.vector_load %arg9[%swap3A_230] {strides = array<i32>} : memref<16384xf32, #tpu.memory_space<vmem>>, vector<16xf32>,
      %swap3A_232 = vector.shape_cast %swap3A_231 : vector<16xf32> to vector<16xf32>
      %swap3A_233 = vector.shape_cast %mul3A_223 : vector<16xf32> to vector<16xf32>
      tpu.vector_store %arg9[%swap3A_230], %swap3A_233 {strides = array<i32>} : memref<16384xf32, #tpu.memory_space<vmem>>, vector<16xf32>,
      %get3A_234 = arith.index_cast %scan3A_120 : i32 to index
      %get3A_235 = arith.constant 112 : index
      %get3A_236 = tpu.vector_load %arg8[%get3A_234, %get3A_235] {strides = array<i32>} : memref<128x128xf32, #tpu.memory_space<vmem>>, vector<1x16xf32>,
      %get3A_237 = vector.shape_cast %get3A_236 : vector<1x16xf32> to vector<16xf32>
      %mul3A_238 = arith.mulf %get3A_237, %get3A_129 : vector<16xf32>
      %add3A_239 = arith.constant 0 : i32
      %add3A_240 = arith.addi %add3A_239, %scan3A_120 : i32
      %mul3A_241 = arith.constant 128 : i32
      %mul3A_242 = arith.muli %add3A_240, %mul3A_241 : i32
      %add3A_243 = arith.constant 112 : i32
      %add3A_244 = arith.addi %mul3A_242, %add3A_243 : i32
      %swap3A_245 = arith.index_cast %add3A_244 : i32 to index
      %swap3A_246 = tpu.vector_load %arg9[%swap3A_245] {strides = array<i32>} : memref<16384xf32, #tpu.memory_space<vmem>>, vector<16xf32>,
      %swap3A_247 = vector.shape_cast %swap3A_246 : vector<16xf32> to vector<16xf32>
      %swap3A_248 = vector.shape_cast %mul3A_238 : vector<16xf32> to vector<16xf32>
      tpu.vector_store %arg9[%swap3A_245], %swap3A_248 {strides = array<i32>} : memref<16384xf32, #tpu.memory_space<vmem>>, vector<16xf32>,
      %scan3A_249 = arith.constant 0 : i32
      scf.yield %scan3A_249 : i32
    }
    %scan3A_83 = arith.constant 128 : i32
    %dma_start3A_84 = arith.constant 128 : i32
    %dma_start3A_85 = tpu.memref_slice %arg6[%dma_start3A_84] : memref<384xi32, #tpu.memory_space<vmem>> -> memref<128xi32, #tpu.memory_space<vmem>>
    %dma_start3A_86 = arith.constant 0 : i32
    %dma_start3A_87 = arith.constant 0 : i32
    %dma_start3A_88 = tpu.memref_slice %arg2[%dma_start3A_86, %dma_start3A_87] : memref<4096x128xf32, #tpu.memory_space<hbm>> -> memref<4096x128xf32, #tpu.memory_space<hbm>>
    tpu.enqueue_indirect_dma source(%dma_start3A_88 : memref<4096x128xf32, #tpu.memory_space<hbm>>) target(%arg8 : memref<128x128xf32, #tpu.memory_space<vmem>>) offsets(%dma_start3A_85 : memref<128xi32, #tpu.memory_space<vmem>>) semaphore(%arg10 : memref<!tpu.dma_semaphore, #tpu.memory_space<semaphore_mem>>)
    %dma_wait3A_89 = arith.constant 128 : i32
    %dma_wait3A_90 = tpu.memref_slice %arg6[%dma_wait3A_89] : memref<384xi32, #tpu.memory_space<vmem>> -> memref<128xi32, #tpu.memory_space<vmem>>
    %dma_wait3A_91 = arith.constant 0 : i32
    %dma_wait3A_92 = arith.constant 0 : i32
    %dma_wait3A_93 = tpu.memref_slice %arg2[%dma_wait3A_91, %dma_wait3A_92] : memref<4096x128xf32, #tpu.memory_space<hbm>> -> memref<4096x128xf32, #tpu.memory_space<hbm>>
    tpu.wait_indirect_dma semaphore(%arg10 : memref<!tpu.dma_semaphore, #tpu.memory_space<semaphore_mem>>) src(%dma_wait3A_93 : memref<4096x128xf32, #tpu.memory_space<hbm>>) dst(%arg8 : memref<128x128xf32, #tpu.memory_space<vmem>>)
    %scan3A_94 = arith.constant 0 : i32
    %scan3A_95 = arith.constant 0 : i32
    %scan3A_96 = arith.constant 128 : i32
    %scan3A_97 = arith.addi %scan3A_95, %scan3A_96 : i32
    %scan3A_98 = arith.constant 1 : i32
    %scan3A_99 = scf.for %scan3A_120 = %scan3A_95 to %scan3A_97 step %scan3A_98 iter_args(%scan3A_121 = %scan3A_94) -> (i32)  : i32 {
      %add3A_122 = arith.constant 0 : i32
      %add3A_123 = arith.addi %add3A_122, %scan3A_120 : i32
      %mul3A_124 = arith.constant 48 : i32
      %mul3A_125 = arith.muli %add3A_123, %mul3A_124 : i32
      %add3A_126 = arith.constant 16 : i32
      %add3A_127 = arith.addi %mul3A_125, %add3A_126 : i32
      %get3A = arith.index_cast %add3A_127 : i32 to index
      %get3A_128 = tpu.vector_load %arg7[%get3A] {strides = array<i32>} : memref<6144xf32, #tpu.memory_space<vmem>>, vector<16xf32>,
      %get3A_129 = vector.shape_cast %get3A_128 : vector<16xf32> to vector<16xf32>
      %get3A_130 = arith.index_cast %scan3A_120 : i32 to index
      %get3A_131 = arith.constant 0 : index
      %get3A_132 = tpu.vector_load %arg8[%get3A_130, %get3A_131] {strides = array<i32>} : memref<128x128xf32, #tpu.memory_space<vmem>>, vector<1x16xf32>,
      %get3A_133 = vector.shape_cast %get3A_132 : vector<1x16xf32> to vector<16xf32>
      %mul3A_134 = arith.mulf %get3A_133, %get3A_129 : vector<16xf32>
      %add3A_135 = arith.constant 0 : i32
      %add3A_136 = arith.addi %add3A_135, %scan3A_120 : i32
      %mul3A_137 = arith.constant 128 : i32
      %mul3A_138 = arith.muli %add3A_136, %mul3A_137 : i32
      %add3A_139 = arith.constant 0 : i32
      %add3A_140 = arith.addi %mul3A_138, %add3A_139 : i32
      %get3A_141 = arith.index_cast %add3A_140 : i32 to index
      %get3A_142 = tpu.vector_load %arg9[%get3A_141] {strides = array<i32>} : memref<16384xf32, #tpu.memory_space<vmem>>, vector<16xf32>,
      %get3A_143 = vector.shape_cast %get3A_142 : vector<16xf32> to vector<16xf32>
      %add3A_144 = arith.addf %get3A_143, %mul3A_134 : vector<16xf32>
      %swap3A = arith.index_cast %add3A_140 : i32 to index
      %swap3A_145 = tpu.vector_load %arg9[%swap3A] {strides = array<i32>} : memref<16384xf32, #tpu.memory_space<vmem>>, vector<16xf32>,
      %swap3A_146 = vector.shape_cast %swap3A_145 : vector<16xf32> to vector<16xf32>
      %swap3A_147 = vector.shape_cast %add3A_144 : vector<16xf32> to vector<16xf32>
      tpu.vector_store %arg9[%swap3A], %swap3A_147 {strides = array<i32>} : memref<16384xf32, #tpu.memory_space<vmem>>, vector<16xf32>,
      %get3A_148 = arith.index_cast %scan3A_120 : i32 to index
      %get3A_149 = arith.constant 16 : index
      %get3A_150 = tpu.vector_load %arg8[%get3A_148, %get3A_149] {strides = array<i32>} : memref<128x128xf32, #tpu.memory_space<vmem>>, vector<1x16xf32>,
      %get3A_151 = vector.shape_cast %get3A_150 : vector<1x16xf32> to vector<16xf32>
      %mul3A_152 = arith.mulf %get3A_151, %get3A_129 : vector<16xf32>
      %add3A_153 = arith.constant 0 : i32
      %add3A_154 = arith.addi %add3A_153, %scan3A_120 : i32
      %mul3A_155 = arith.constant 128 : i32
      %mul3A_156 = arith.muli %add3A_154, %mul3A_155 : i32
      %add3A_157 = arith.constant 16 : i32
      %add3A_158 = arith.addi %mul3A_156, %add3A_157 : i32
      %get3A_159 = arith.index_cast %add3A_158 : i32 to index
      %get3A_160 = tpu.vector_load %arg9[%get3A_159] {strides = array<i32>} : memref<16384xf32, #tpu.memory_space<vmem>>, vector<16xf32>,
      %get3A_161 = vector.shape_cast %get3A_160 : vector<16xf32> to vector<16xf32>
      %add3A_162 = arith.addf %get3A_161, %mul3A_152 : vector<16xf32>
      %swap3A_163 = arith.index_cast %add3A_158 : i32 to index
      %swap3A_164 = tpu.vector_load %arg9[%swap3A_163] {strides = array<i32>} : memref<16384xf32, #tpu.memory_space<vmem>>, vector<16xf32>,
      %swap3A_165 = vector.shape_cast %swap3A_164 : vector<16xf32> to vector<16xf32>
      %swap3A_166 = vector.shape_cast %add3A_162 : vector<16xf32> to vector<16xf32>
      tpu.vector_store %arg9[%swap3A_163], %swap3A_166 {strides = array<i32>} : memref<16384xf32, #tpu.memory_space<vmem>>, vector<16xf32>,
      %get3A_167 = arith.index_cast %scan3A_120 : i32 to index
      %get3A_168 = arith.constant 32 : index
      %get3A_169 = tpu.vector_load %arg8[%get3A_167, %get3A_168] {strides = array<i32>} : memref<128x128xf32, #tpu.memory_space<vmem>>, vector<1x16xf32>,
      %get3A_170 = vector.shape_cast %get3A_169 : vector<1x16xf32> to vector<16xf32>
      %mul3A_171 = arith.mulf %get3A_170, %get3A_129 : vector<16xf32>
      %add3A_172 = arith.constant 0 : i32
      %add3A_173 = arith.addi %add3A_172, %scan3A_120 : i32
      %mul3A_174 = arith.constant 128 : i32
      %mul3A_175 = arith.muli %add3A_173, %mul3A_174 : i32
      %add3A_176 = arith.constant 32 : i32
      %add3A_177 = arith.addi %mul3A_175, %add3A_176 : i32
      %get3A_178 = arith.index_cast %add3A_177 : i32 to index
      %get3A_179 = tpu.vector_load %arg9[%get3A_178] {strides = array<i32>} : memref<16384xf32, #tpu.memory_space<vmem>>, vector<16xf32>,
      %get3A_180 = vector.shape_cast %get3A_179 : vector<16xf32> to vector<16xf32>
      %add3A_181 = arith.addf %get3A_180, %mul3A_171 : vector<16xf32>
      %swap3A_182 = arith.index_cast %add3A_177 : i32 to index
      %swap3A_183 = tpu.vector_load %arg9[%swap3A_182] {strides = array<i32>} : memref<16384xf32, #tpu.memory_space<vmem>>, vector<16xf32>,
      %swap3A_184 = vector.shape_cast %swap3A_183 : vector<16xf32> to vector<16xf32>
      %swap3A_185 = vector.shape_cast %add3A_181 : vector<16xf32> to vector<16xf32>
      tpu.vector_store %arg9[%swap3A_182], %swap3A_185 {strides = array<i32>} : memref<16384xf32, #tpu.memory_space<vmem>>, vector<16xf32>,
      %get3A_186 = arith.index_cast %scan3A_120 : i32 to index
      %get3A_187 = arith.constant 48 : index
      %get3A_188 = tpu.vector_load %arg8[%get3A_186, %get3A_187] {strides = array<i32>} : memref<128x128xf32, #tpu.memory_space<vmem>>, vector<1x16xf32>,
      %get3A_189 = vector.shape_cast %get3A_188 : vector<1x16xf32> to vector<16xf32>
      %mul3A_190 = arith.mulf %get3A_189, %get3A_129 : vector<16xf32>
      %add3A_191 = arith.constant 0 : i32
      %add3A_192 = arith.addi %add3A_191, %scan3A_120 : i32
      %mul3A_193 = arith.constant 128 : i32
      %mul3A_194 = arith.muli %add3A_192, %mul3A_193 : i32
      %add3A_195 = arith.constant 48 : i32
      %add3A_196 = arith.addi %mul3A_194, %add3A_195 : i32
      %get3A_197 = arith.index_cast %add3A_196 : i32 to index
      %get3A_198 = tpu.vector_load %arg9[%get3A_197] {strides = array<i32>} : memref<16384xf32, #tpu.memory_space<vmem>>, vector<16xf32>,
      %get3A_199 = vector.shape_cast %get3A_198 : vector<16xf32> to vector<16xf32>
      %add3A_200 = arith.addf %get3A_199, %mul3A_190 : vector<16xf32>
      %swap3A_201 = arith.index_cast %add3A_196 : i32 to index
      %swap3A_202 = tpu.vector_load %arg9[%swap3A_201] {strides = array<i32>} : memref<16384xf32, #tpu.memory_space<vmem>>, vector<16xf32>,
      %swap3A_203 = vector.shape_cast %swap3A_202 : vector<16xf32> to vector<16xf32>
      %swap3A_204 = vector.shape_cast %add3A_200 : vector<16xf32> to vector<16xf32>
      tpu.vector_store %arg9[%swap3A_201], %swap3A_204 {strides = array<i32>} : memref<16384xf32, #tpu.memory_space<vmem>>, vector<16xf32>,
      %get3A_205 = arith.index_cast %scan3A_120 : i32 to index
      %get3A_206 = arith.constant 64 : index
      %get3A_207 = tpu.vector_load %arg8[%get3A_205, %get3A_206] {strides = array<i32>} : memref<128x128xf32, #tpu.memory_space<vmem>>, vector<1x16xf32>,
      %get3A_208 = vector.shape_cast %get3A_207 : vector<1x16xf32> to vector<16xf32>
      %mul3A_209 = arith.mulf %get3A_208, %get3A_129 : vector<16xf32>
      %add3A_210 = arith.constant 0 : i32
      %add3A_211 = arith.addi %add3A_210, %scan3A_120 : i32
      %mul3A_212 = arith.constant 128 : i32
      %mul3A_213 = arith.muli %add3A_211, %mul3A_212 : i32
      %add3A_214 = arith.constant 64 : i32
      %add3A_215 = arith.addi %mul3A_213, %add3A_214 : i32
      %get3A_216 = arith.index_cast %add3A_215 : i32 to index
      %get3A_217 = tpu.vector_load %arg9[%get3A_216] {strides = array<i32>} : memref<16384xf32, #tpu.memory_space<vmem>>, vector<16xf32>,
      %get3A_218 = vector.shape_cast %get3A_217 : vector<16xf32> to vector<16xf32>
      %add3A_219 = arith.addf %get3A_218, %mul3A_209 : vector<16xf32>
      %swap3A_220 = arith.index_cast %add3A_215 : i32 to index
      %swap3A_221 = tpu.vector_load %arg9[%swap3A_220] {strides = array<i32>} : memref<16384xf32, #tpu.memory_space<vmem>>, vector<16xf32>,
      %swap3A_222 = vector.shape_cast %swap3A_221 : vector<16xf32> to vector<16xf32>
      %swap3A_223 = vector.shape_cast %add3A_219 : vector<16xf32> to vector<16xf32>
      tpu.vector_store %arg9[%swap3A_220], %swap3A_223 {strides = array<i32>} : memref<16384xf32, #tpu.memory_space<vmem>>, vector<16xf32>,
      %get3A_224 = arith.index_cast %scan3A_120 : i32 to index
      %get3A_225 = arith.constant 80 : index
      %get3A_226 = tpu.vector_load %arg8[%get3A_224, %get3A_225] {strides = array<i32>} : memref<128x128xf32, #tpu.memory_space<vmem>>, vector<1x16xf32>,
      %get3A_227 = vector.shape_cast %get3A_226 : vector<1x16xf32> to vector<16xf32>
      %mul3A_228 = arith.mulf %get3A_227, %get3A_129 : vector<16xf32>
      %add3A_229 = arith.constant 0 : i32
      %add3A_230 = arith.addi %add3A_229, %scan3A_120 : i32
      %mul3A_231 = arith.constant 128 : i32
      %mul3A_232 = arith.muli %add3A_230, %mul3A_231 : i32
      %add3A_233 = arith.constant 80 : i32
      %add3A_234 = arith.addi %mul3A_232, %add3A_233 : i32
      %get3A_235 = arith.index_cast %add3A_234 : i32 to index
      %get3A_236 = tpu.vector_load %arg9[%get3A_235] {strides = array<i32>} : memref<16384xf32, #tpu.memory_space<vmem>>, vector<16xf32>,
      %get3A_237 = vector.shape_cast %get3A_236 : vector<16xf32> to vector<16xf32>
      %add3A_238 = arith.addf %get3A_237, %mul3A_228 : vector<16xf32>
      %swap3A_239 = arith.index_cast %add3A_234 : i32 to index
      %swap3A_240 = tpu.vector_load %arg9[%swap3A_239] {strides = array<i32>} : memref<16384xf32, #tpu.memory_space<vmem>>, vector<16xf32>,
      %swap3A_241 = vector.shape_cast %swap3A_240 : vector<16xf32> to vector<16xf32>
      %swap3A_242 = vector.shape_cast %add3A_238 : vector<16xf32> to vector<16xf32>
      tpu.vector_store %arg9[%swap3A_239], %swap3A_242 {strides = array<i32>} : memref<16384xf32, #tpu.memory_space<vmem>>, vector<16xf32>,
      %get3A_243 = arith.index_cast %scan3A_120 : i32 to index
      %get3A_244 = arith.constant 96 : index
      %get3A_245 = tpu.vector_load %arg8[%get3A_243, %get3A_244] {strides = array<i32>} : memref<128x128xf32, #tpu.memory_space<vmem>>, vector<1x16xf32>,
      %get3A_246 = vector.shape_cast %get3A_245 : vector<1x16xf32> to vector<16xf32>
      %mul3A_247 = arith.mulf %get3A_246, %get3A_129 : vector<16xf32>
      %add3A_248 = arith.constant 0 : i32
      %add3A_249 = arith.addi %add3A_248, %scan3A_120 : i32
      %mul3A_250 = arith.constant 128 : i32
      %mul3A_251 = arith.muli %add3A_249, %mul3A_250 : i32
      %add3A_252 = arith.constant 96 : i32
      %add3A_253 = arith.addi %mul3A_251, %add3A_252 : i32
      %get3A_254 = arith.index_cast %add3A_253 : i32 to index
      %get3A_255 = tpu.vector_load %arg9[%get3A_254] {strides = array<i32>} : memref<16384xf32, #tpu.memory_space<vmem>>, vector<16xf32>,
      %get3A_256 = vector.shape_cast %get3A_255 : vector<16xf32> to vector<16xf32>
      %add3A_257 = arith.addf %get3A_256, %mul3A_247 : vector<16xf32>
      %swap3A_258 = arith.index_cast %add3A_253 : i32 to index
      %swap3A_259 = tpu.vector_load %arg9[%swap3A_258] {strides = array<i32>} : memref<16384xf32, #tpu.memory_space<vmem>>, vector<16xf32>,
      %swap3A_260 = vector.shape_cast %swap3A_259 : vector<16xf32> to vector<16xf32>
      %swap3A_261 = vector.shape_cast %add3A_257 : vector<16xf32> to vector<16xf32>
      tpu.vector_store %arg9[%swap3A_258], %swap3A_261 {strides = array<i32>} : memref<16384xf32, #tpu.memory_space<vmem>>, vector<16xf32>,
      %get3A_262 = arith.index_cast %scan3A_120 : i32 to index
      %get3A_263 = arith.constant 112 : index
      %get3A_264 = tpu.vector_load %arg8[%get3A_262, %get3A_263] {strides = array<i32>} : memref<128x128xf32, #tpu.memory_space<vmem>>, vector<1x16xf32>,
      %get3A_265 = vector.shape_cast %get3A_264 : vector<1x16xf32> to vector<16xf32>
      %mul3A_266 = arith.mulf %get3A_265, %get3A_129 : vector<16xf32>
      %add3A_267 = arith.constant 0 : i32
      %add3A_268 = arith.addi %add3A_267, %scan3A_120 : i32
      %mul3A_269 = arith.constant 128 : i32
      %mul3A_270 = arith.muli %add3A_268, %mul3A_269 : i32
      %add3A_271 = arith.constant 112 : i32
      %add3A_272 = arith.addi %mul3A_270, %add3A_271 : i32
      %get3A_273 = arith.index_cast %add3A_272 : i32 to index
      %get3A_274 = tpu.vector_load %arg9[%get3A_273] {strides = array<i32>} : memref<16384xf32, #tpu.memory_space<vmem>>, vector<16xf32>,
      %get3A_275 = vector.shape_cast %get3A_274 : vector<16xf32> to vector<16xf32>
      %add3A_276 = arith.addf %get3A_275, %mul3A_266 : vector<16xf32>
      %swap3A_277 = arith.index_cast %add3A_272 : i32 to index
      %swap3A_278 = tpu.vector_load %arg9[%swap3A_277] {strides = array<i32>} : memref<16384xf32, #tpu.memory_space<vmem>>, vector<16xf32>,
      %swap3A_279 = vector.shape_cast %swap3A_278 : vector<16xf32> to vector<16xf32>
      %swap3A_280 = vector.shape_cast %add3A_276 : vector<16xf32> to vector<16xf32>
      tpu.vector_store %arg9[%swap3A_277], %swap3A_280 {strides = array<i32>} : memref<16384xf32, #tpu.memory_space<vmem>>, vector<16xf32>,
      %scan3A_281 = arith.constant 0 : i32
      scf.yield %scan3A_281 : i32
    }
    %scan3A_100 = arith.constant 128 : i32
    %dma_start3A_101 = arith.constant 256 : i32
    %dma_start3A_102 = tpu.memref_slice %arg6[%dma_start3A_101] : memref<384xi32, #tpu.memory_space<vmem>> -> memref<128xi32, #tpu.memory_space<vmem>>
    %dma_start3A_103 = arith.constant 0 : i32
    %dma_start3A_104 = arith.constant 0 : i32
    %dma_start3A_105 = tpu.memref_slice %arg2[%dma_start3A_103, %dma_start3A_104] : memref<4096x128xf32, #tpu.memory_space<hbm>> -> memref<4096x128xf32, #tpu.memory_space<hbm>>
    tpu.enqueue_indirect_dma source(%dma_start3A_105 : memref<4096x128xf32, #tpu.memory_space<hbm>>) target(%arg8 : memref<128x128xf32, #tpu.memory_space<vmem>>) offsets(%dma_start3A_102 : memref<128xi32, #tpu.memory_space<vmem>>) semaphore(%arg10 : memref<!tpu.dma_semaphore, #tpu.memory_space<semaphore_mem>>)
    %dma_wait3A_106 = arith.constant 256 : i32
    %dma_wait3A_107 = tpu.memref_slice %arg6[%dma_wait3A_106] : memref<384xi32, #tpu.memory_space<vmem>> -> memref<128xi32, #tpu.memory_space<vmem>>
    %dma_wait3A_108 = arith.constant 0 : i32
    %dma_wait3A_109 = arith.constant 0 : i32
    %dma_wait3A_110 = tpu.memref_slice %arg2[%dma_wait3A_108, %dma_wait3A_109] : memref<4096x128xf32, #tpu.memory_space<hbm>> -> memref<4096x128xf32, #tpu.memory_space<hbm>>
    tpu.wait_indirect_dma semaphore(%arg10 : memref<!tpu.dma_semaphore, #tpu.memory_space<semaphore_mem>>) src(%dma_wait3A_110 : memref<4096x128xf32, #tpu.memory_space<hbm>>) dst(%arg8 : memref<128x128xf32, #tpu.memory_space<vmem>>)
    %scan3A_111 = arith.constant 0 : i32
    %scan3A_112 = arith.constant 0 : i32
    %scan3A_113 = arith.constant 128 : i32
    %scan3A_114 = arith.addi %scan3A_112, %scan3A_113 : i32
    %scan3A_115 = arith.constant 1 : i32
    %scan3A_116 = scf.for %scan3A_120 = %scan3A_112 to %scan3A_114 step %scan3A_115 iter_args(%scan3A_121 = %scan3A_111) -> (i32)  : i32 {
      %add3A_122 = arith.constant 0 : i32
      %add3A_123 = arith.addi %add3A_122, %scan3A_120 : i32
      %mul3A_124 = arith.constant 48 : i32
      %mul3A_125 = arith.muli %add3A_123, %mul3A_124 : i32
      %add3A_126 = arith.constant 32 : i32
      %add3A_127 = arith.addi %mul3A_125, %add3A_126 : i32
      %get3A = arith.index_cast %add3A_127 : i32 to index
      %get3A_128 = tpu.vector_load %arg7[%get3A] {strides = array<i32>} : memref<6144xf32, #tpu.memory_space<vmem>>, vector<16xf32>,
      %get3A_129 = vector.shape_cast %get3A_128 : vector<16xf32> to vector<16xf32>
      %get3A_130 = arith.index_cast %scan3A_120 : i32 to index
      %get3A_131 = arith.constant 0 : index
      %get3A_132 = tpu.vector_load %arg8[%get3A_130, %get3A_131] {strides = array<i32>} : memref<128x128xf32, #tpu.memory_space<vmem>>, vector<1x16xf32>,
      %get3A_133 = vector.shape_cast %get3A_132 : vector<1x16xf32> to vector<16xf32>
      %mul3A_134 = arith.mulf %get3A_133, %get3A_129 : vector<16xf32>
      %add3A_135 = arith.constant 0 : i32
      %add3A_136 = arith.addi %add3A_135, %scan3A_120 : i32
      %mul3A_137 = arith.constant 128 : i32
      %mul3A_138 = arith.muli %add3A_136, %mul3A_137 : i32
      %add3A_139 = arith.constant 0 : i32
      %add3A_140 = arith.addi %mul3A_138, %add3A_139 : i32
      %get3A_141 = arith.index_cast %add3A_140 : i32 to index
      %get3A_142 = tpu.vector_load %arg9[%get3A_141] {strides = array<i32>} : memref<16384xf32, #tpu.memory_space<vmem>>, vector<16xf32>,
      %get3A_143 = vector.shape_cast %get3A_142 : vector<16xf32> to vector<16xf32>
      %add3A_144 = arith.addf %get3A_143, %mul3A_134 : vector<16xf32>
      %swap3A = arith.index_cast %add3A_140 : i32 to index
      %swap3A_145 = tpu.vector_load %arg9[%swap3A] {strides = array<i32>} : memref<16384xf32, #tpu.memory_space<vmem>>, vector<16xf32>,
      %swap3A_146 = vector.shape_cast %swap3A_145 : vector<16xf32> to vector<16xf32>
      %swap3A_147 = vector.shape_cast %add3A_144 : vector<16xf32> to vector<16xf32>
      tpu.vector_store %arg9[%swap3A], %swap3A_147 {strides = array<i32>} : memref<16384xf32, #tpu.memory_space<vmem>>, vector<16xf32>,
      %get3A_148 = arith.index_cast %scan3A_120 : i32 to index
      %get3A_149 = arith.constant 16 : index
      %get3A_150 = tpu.vector_load %arg8[%get3A_148, %get3A_149] {strides = array<i32>} : memref<128x128xf32, #tpu.memory_space<vmem>>, vector<1x16xf32>,
      %get3A_151 = vector.shape_cast %get3A_150 : vector<1x16xf32> to vector<16xf32>
      %mul3A_152 = arith.mulf %get3A_151, %get3A_129 : vector<16xf32>
      %add3A_153 = arith.constant 0 : i32
      %add3A_154 = arith.addi %add3A_153, %scan3A_120 : i32
      %mul3A_155 = arith.constant 128 : i32
      %mul3A_156 = arith.muli %add3A_154, %mul3A_155 : i32
      %add3A_157 = arith.constant 16 : i32
      %add3A_158 = arith.addi %mul3A_156, %add3A_157 : i32
      %get3A_159 = arith.index_cast %add3A_158 : i32 to index
      %get3A_160 = tpu.vector_load %arg9[%get3A_159] {strides = array<i32>} : memref<16384xf32, #tpu.memory_space<vmem>>, vector<16xf32>,
      %get3A_161 = vector.shape_cast %get3A_160 : vector<16xf32> to vector<16xf32>
      %add3A_162 = arith.addf %get3A_161, %mul3A_152 : vector<16xf32>
      %swap3A_163 = arith.index_cast %add3A_158 : i32 to index
      %swap3A_164 = tpu.vector_load %arg9[%swap3A_163] {strides = array<i32>} : memref<16384xf32, #tpu.memory_space<vmem>>, vector<16xf32>,
      %swap3A_165 = vector.shape_cast %swap3A_164 : vector<16xf32> to vector<16xf32>
      %swap3A_166 = vector.shape_cast %add3A_162 : vector<16xf32> to vector<16xf32>
      tpu.vector_store %arg9[%swap3A_163], %swap3A_166 {strides = array<i32>} : memref<16384xf32, #tpu.memory_space<vmem>>, vector<16xf32>,
      %get3A_167 = arith.index_cast %scan3A_120 : i32 to index
      %get3A_168 = arith.constant 32 : index
      %get3A_169 = tpu.vector_load %arg8[%get3A_167, %get3A_168] {strides = array<i32>} : memref<128x128xf32, #tpu.memory_space<vmem>>, vector<1x16xf32>,
      %get3A_170 = vector.shape_cast %get3A_169 : vector<1x16xf32> to vector<16xf32>
      %mul3A_171 = arith.mulf %get3A_170, %get3A_129 : vector<16xf32>
      %add3A_172 = arith.constant 0 : i32
      %add3A_173 = arith.addi %add3A_172, %scan3A_120 : i32
      %mul3A_174 = arith.constant 128 : i32
      %mul3A_175 = arith.muli %add3A_173, %mul3A_174 : i32
      %add3A_176 = arith.constant 32 : i32
      %add3A_177 = arith.addi %mul3A_175, %add3A_176 : i32
      %get3A_178 = arith.index_cast %add3A_177 : i32 to index
      %get3A_179 = tpu.vector_load %arg9[%get3A_178] {strides = array<i32>} : memref<16384xf32, #tpu.memory_space<vmem>>, vector<16xf32>,
      %get3A_180 = vector.shape_cast %get3A_179 : vector<16xf32> to vector<16xf32>
      %add3A_181 = arith.addf %get3A_180, %mul3A_171 : vector<16xf32>
      %swap3A_182 = arith.index_cast %add3A_177 : i32 to index
      %swap3A_183 = tpu.vector_load %arg9[%swap3A_182] {strides = array<i32>} : memref<16384xf32, #tpu.memory_space<vmem>>, vector<16xf32>,
      %swap3A_184 = vector.shape_cast %swap3A_183 : vector<16xf32> to vector<16xf32>
      %swap3A_185 = vector.shape_cast %add3A_181 : vector<16xf32> to vector<16xf32>
      tpu.vector_store %arg9[%swap3A_182], %swap3A_185 {strides = array<i32>} : memref<16384xf32, #tpu.memory_space<vmem>>, vector<16xf32>,
      %get3A_186 = arith.index_cast %scan3A_120 : i32 to index
      %get3A_187 = arith.constant 48 : index
      %get3A_188 = tpu.vector_load %arg8[%get3A_186, %get3A_187] {strides = array<i32>} : memref<128x128xf32, #tpu.memory_space<vmem>>, vector<1x16xf32>,
      %get3A_189 = vector.shape_cast %get3A_188 : vector<1x16xf32> to vector<16xf32>
      %mul3A_190 = arith.mulf %get3A_189, %get3A_129 : vector<16xf32>
      %add3A_191 = arith.constant 0 : i32
      %add3A_192 = arith.addi %add3A_191, %scan3A_120 : i32
      %mul3A_193 = arith.constant 128 : i32
      %mul3A_194 = arith.muli %add3A_192, %mul3A_193 : i32
      %add3A_195 = arith.constant 48 : i32
      %add3A_196 = arith.addi %mul3A_194, %add3A_195 : i32
      %get3A_197 = arith.index_cast %add3A_196 : i32 to index
      %get3A_198 = tpu.vector_load %arg9[%get3A_197] {strides = array<i32>} : memref<16384xf32, #tpu.memory_space<vmem>>, vector<16xf32>,
      %get3A_199 = vector.shape_cast %get3A_198 : vector<16xf32> to vector<16xf32>
      %add3A_200 = arith.addf %get3A_199, %mul3A_190 : vector<16xf32>
      %swap3A_201 = arith.index_cast %add3A_196 : i32 to index
      %swap3A_202 = tpu.vector_load %arg9[%swap3A_201] {strides = array<i32>} : memref<16384xf32, #tpu.memory_space<vmem>>, vector<16xf32>,
      %swap3A_203 = vector.shape_cast %swap3A_202 : vector<16xf32> to vector<16xf32>
      %swap3A_204 = vector.shape_cast %add3A_200 : vector<16xf32> to vector<16xf32>
      tpu.vector_store %arg9[%swap3A_201], %swap3A_204 {strides = array<i32>} : memref<16384xf32, #tpu.memory_space<vmem>>, vector<16xf32>,
      %get3A_205 = arith.index_cast %scan3A_120 : i32 to index
      %get3A_206 = arith.constant 64 : index
      %get3A_207 = tpu.vector_load %arg8[%get3A_205, %get3A_206] {strides = array<i32>} : memref<128x128xf32, #tpu.memory_space<vmem>>, vector<1x16xf32>,
      %get3A_208 = vector.shape_cast %get3A_207 : vector<1x16xf32> to vector<16xf32>
      %mul3A_209 = arith.mulf %get3A_208, %get3A_129 : vector<16xf32>
      %add3A_210 = arith.constant 0 : i32
      %add3A_211 = arith.addi %add3A_210, %scan3A_120 : i32
      %mul3A_212 = arith.constant 128 : i32
      %mul3A_213 = arith.muli %add3A_211, %mul3A_212 : i32
      %add3A_214 = arith.constant 64 : i32
      %add3A_215 = arith.addi %mul3A_213, %add3A_214 : i32
      %get3A_216 = arith.index_cast %add3A_215 : i32 to index
      %get3A_217 = tpu.vector_load %arg9[%get3A_216] {strides = array<i32>} : memref<16384xf32, #tpu.memory_space<vmem>>, vector<16xf32>,
      %get3A_218 = vector.shape_cast %get3A_217 : vector<16xf32> to vector<16xf32>
      %add3A_219 = arith.addf %get3A_218, %mul3A_209 : vector<16xf32>
      %swap3A_220 = arith.index_cast %add3A_215 : i32 to index
      %swap3A_221 = tpu.vector_load %arg9[%swap3A_220] {strides = array<i32>} : memref<16384xf32, #tpu.memory_space<vmem>>, vector<16xf32>,
      %swap3A_222 = vector.shape_cast %swap3A_221 : vector<16xf32> to vector<16xf32>
      %swap3A_223 = vector.shape_cast %add3A_219 : vector<16xf32> to vector<16xf32>
      tpu.vector_store %arg9[%swap3A_220], %swap3A_223 {strides = array<i32>} : memref<16384xf32, #tpu.memory_space<vmem>>, vector<16xf32>,
      %get3A_224 = arith.index_cast %scan3A_120 : i32 to index
      %get3A_225 = arith.constant 80 : index
      %get3A_226 = tpu.vector_load %arg8[%get3A_224, %get3A_225] {strides = array<i32>} : memref<128x128xf32, #tpu.memory_space<vmem>>, vector<1x16xf32>,
      %get3A_227 = vector.shape_cast %get3A_226 : vector<1x16xf32> to vector<16xf32>
      %mul3A_228 = arith.mulf %get3A_227, %get3A_129 : vector<16xf32>
      %add3A_229 = arith.constant 0 : i32
      %add3A_230 = arith.addi %add3A_229, %scan3A_120 : i32
      %mul3A_231 = arith.constant 128 : i32
      %mul3A_232 = arith.muli %add3A_230, %mul3A_231 : i32
      %add3A_233 = arith.constant 80 : i32
      %add3A_234 = arith.addi %mul3A_232, %add3A_233 : i32
      %get3A_235 = arith.index_cast %add3A_234 : i32 to index
      %get3A_236 = tpu.vector_load %arg9[%get3A_235] {strides = array<i32>} : memref<16384xf32, #tpu.memory_space<vmem>>, vector<16xf32>,
      %get3A_237 = vector.shape_cast %get3A_236 : vector<16xf32> to vector<16xf32>
      %add3A_238 = arith.addf %get3A_237, %mul3A_228 : vector<16xf32>
      %swap3A_239 = arith.index_cast %add3A_234 : i32 to index
      %swap3A_240 = tpu.vector_load %arg9[%swap3A_239] {strides = array<i32>} : memref<16384xf32, #tpu.memory_space<vmem>>, vector<16xf32>,
      %swap3A_241 = vector.shape_cast %swap3A_240 : vector<16xf32> to vector<16xf32>
      %swap3A_242 = vector.shape_cast %add3A_238 : vector<16xf32> to vector<16xf32>
      tpu.vector_store %arg9[%swap3A_239], %swap3A_242 {strides = array<i32>} : memref<16384xf32, #tpu.memory_space<vmem>>, vector<16xf32>,
      %get3A_243 = arith.index_cast %scan3A_120 : i32 to index
      %get3A_244 = arith.constant 96 : index
      %get3A_245 = tpu.vector_load %arg8[%get3A_243, %get3A_244] {strides = array<i32>} : memref<128x128xf32, #tpu.memory_space<vmem>>, vector<1x16xf32>,
      %get3A_246 = vector.shape_cast %get3A_245 : vector<1x16xf32> to vector<16xf32>
      %mul3A_247 = arith.mulf %get3A_246, %get3A_129 : vector<16xf32>
      %add3A_248 = arith.constant 0 : i32
      %add3A_249 = arith.addi %add3A_248, %scan3A_120 : i32
      %mul3A_250 = arith.constant 128 : i32
      %mul3A_251 = arith.muli %add3A_249, %mul3A_250 : i32
      %add3A_252 = arith.constant 96 : i32
      %add3A_253 = arith.addi %mul3A_251, %add3A_252 : i32
      %get3A_254 = arith.index_cast %add3A_253 : i32 to index
      %get3A_255 = tpu.vector_load %arg9[%get3A_254] {strides = array<i32>} : memref<16384xf32, #tpu.memory_space<vmem>>, vector<16xf32>,
      %get3A_256 = vector.shape_cast %get3A_255 : vector<16xf32> to vector<16xf32>
      %add3A_257 = arith.addf %get3A_256, %mul3A_247 : vector<16xf32>
      %swap3A_258 = arith.index_cast %add3A_253 : i32 to index
      %swap3A_259 = tpu.vector_load %arg9[%swap3A_258] {strides = array<i32>} : memref<16384xf32, #tpu.memory_space<vmem>>, vector<16xf32>,
      %swap3A_260 = vector.shape_cast %swap3A_259 : vector<16xf32> to vector<16xf32>
      %swap3A_261 = vector.shape_cast %add3A_257 : vector<16xf32> to vector<16xf32>
      tpu.vector_store %arg9[%swap3A_258], %swap3A_261 {strides = array<i32>} : memref<16384xf32, #tpu.memory_space<vmem>>, vector<16xf32>,
      %get3A_262 = arith.index_cast %scan3A_120 : i32 to index
      %get3A_263 = arith.constant 112 : index
      %get3A_264 = tpu.vector_load %arg8[%get3A_262, %get3A_263] {strides = array<i32>} : memref<128x128xf32, #tpu.memory_space<vmem>>, vector<1x16xf32>,
      %get3A_265 = vector.shape_cast %get3A_264 : vector<1x16xf32> to vector<16xf32>
      %mul3A_266 = arith.mulf %get3A_265, %get3A_129 : vector<16xf32>
      %add3A_267 = arith.constant 0 : i32
      %add3A_268 = arith.addi %add3A_267, %scan3A_120 : i32
      %mul3A_269 = arith.constant 128 : i32
      %mul3A_270 = arith.muli %add3A_268, %mul3A_269 : i32
      %add3A_271 = arith.constant 112 : i32
      %add3A_272 = arith.addi %mul3A_270, %add3A_271 : i32
      %get3A_273 = arith.index_cast %add3A_272 : i32 to index
      %get3A_274 = tpu.vector_load %arg9[%get3A_273] {strides = array<i32>} : memref<16384xf32, #tpu.memory_space<vmem>>, vector<16xf32>,
      %get3A_275 = vector.shape_cast %get3A_274 : vector<16xf32> to vector<16xf32>
      %add3A_276 = arith.addf %get3A_275, %mul3A_266 : vector<16xf32>
      %swap3A_277 = arith.index_cast %add3A_272 : i32 to index
      %swap3A_278 = tpu.vector_load %arg9[%swap3A_277] {strides = array<i32>} : memref<16384xf32, #tpu.memory_space<vmem>>, vector<16xf32>,
      %swap3A_279 = vector.shape_cast %swap3A_278 : vector<16xf32> to vector<16xf32>
      %swap3A_280 = vector.shape_cast %add3A_276 : vector<16xf32> to vector<16xf32>
      tpu.vector_store %arg9[%swap3A_277], %swap3A_280 {strides = array<i32>} : memref<16384xf32, #tpu.memory_space<vmem>>, vector<16xf32>,
      %scan3A_281 = arith.constant 0 : i32
      scf.yield %scan3A_281 : i32
    }
    %scan3A_117 = arith.constant 128 : i32
    %mul3A_118 = arith.constant 16384 : i32
    %mul3A_119 = arith.muli %add3A_62, %mul3A_118 : i32
    "tpu.region"() ({
      %run_scoped3A = tpu.sem_alloc : memref<!tpu.dma_semaphore, #tpu.memory_space<semaphore_mem>>
      %dma_start3A_120 = tpu.memref_slice %arg5[%mul3A_119] : memref<1048576xf32, #tpu.memory_space<hbm>> -> memref<16384xf32, #tpu.memory_space<hbm>>
      %dma_start3A_121 = tpu.memref_slice %arg5[%mul3A_119] : memref<1048576xf32, #tpu.memory_space<hbm>> -> memref<16384xf32, #tpu.memory_space<hbm>>
      tpu.enqueue_dma source(%arg9 : memref<16384xf32, #tpu.memory_space<vmem>>) target(%dma_start3A_121 : memref<16384xf32, #tpu.memory_space<hbm>>) target_semaphore(%run_scoped3A : memref<!tpu.dma_semaphore, #tpu.memory_space<semaphore_mem>>)
      %dma_wait3A_122 = tpu.memref_slice %arg5[%mul3A_119] : memref<1048576xf32, #tpu.memory_space<hbm>> -> memref<16384xf32, #tpu.memory_space<hbm>>
      %dma_wait3A_123 = tpu.memref_slice %arg5[%mul3A_119] : memref<1048576xf32, #tpu.memory_space<hbm>> -> memref<16384xf32, #tpu.memory_space<hbm>>
      tpu.wait_dma2 semaphore(%run_scoped3A : memref<!tpu.dma_semaphore, #tpu.memory_space<semaphore_mem>>) src(%arg9 : memref<16384xf32, #tpu.memory_space<vmem>>) dst(%dma_wait3A_123 : memref<16384xf32, #tpu.memory_space<hbm>>)
      tpu.yield
    }) : () -> ()
    return
  }
}

module attributes {stable_mosaic.version = 14 : i64} {
  func.func @_knn_idx_body(%arg0: i32, %arg1: memref<1x4096x3xf32, #tpu.memory_space<vmem>>, %arg2: memref<1x128x3xf32, #tpu.memory_space<vmem>>, %arg3: memref<1x4096x128xf32, #tpu.memory_space<vmem>>, %arg4: memref<2x128xf32, #tpu.memory_space<vmem>>, %arg5: memref<1x3x128xi32, #tpu.memory_space<vmem>>, %arg6: memref<1x128x48xf32, #tpu.memory_space<vmem>>, %arg7: memref<1x4096x128xf32, #tpu.memory_space<vmem>>, %arg8: memref<4096x128xf32, #tpu.memory_space<vmem>>, %arg9: memref<1x4096xf32, #tpu.memory_space<vmem>>) attributes {dimension_semantics = [#tpu.dimension_semantics<arbitrary>], iteration_bounds = array<i64: 64>, scalar_prefetch = 0 : i64, scratch_operands = 2 : i64, tpu.core_type = #tpu.core_type<tc>, window_params = [{transform_indices = @transform_0, window_bounds = array<i64: 1, 4096, 3>}, {transform_indices = @transform_1, window_bounds = array<i64: 1, 128, 3>}, {transform_indices = @transform_2, window_bounds = array<i64: 1, 4096, 128>}, {pipeline_mode = #tpu.pipeline_mode<synchronous>, transform_indices = @transform_3, window_bounds = array<i64: 2, 128>}, {transform_indices = @transform_4, window_bounds = array<i64: 1, 3, 128>}, {transform_indices = @transform_5, window_bounds = array<i64: 1, 128, 48>}, {pipeline_mode = #tpu.pipeline_mode<synchronous>, transform_indices = @transform_6, window_bounds = array<i64: 1, 4096, 128>}]} {
    %eq3A = arith.constant 0 : i32
    %eq3A_0 = arith.cmpi eq, %arg0, %eq3A : i32
    %convert_element_type3A = arith.extui %eq3A_0 : i1 to i32
    %cond3A = arith.constant 0 : i32
    %cond3A_1 = arith.cmpi ne, %convert_element_type3A, %cond3A : i32
    scf.if %cond3A_1 {
      %get3A_1026 = arith.constant 0 : index
      %get3A_1027 = arith.constant 0 : index
      %get3A_1028 = vector.load %arg4[%get3A_1026, %get3A_1027] : memref<2x128xf32, #tpu.memory_space<vmem>>, vector<1x128xf32>
      %get3A_1029 = arith.constant 1 : index
      %get3A_1030 = arith.constant 0 : index
      %get3A_1031 = vector.load %arg4[%get3A_1029, %get3A_1030] : memref<2x128xf32, #tpu.memory_space<vmem>>, vector<1x128xf32>
      %get3A_1032 = arith.constant 0 : index
      %get3A_1033 = arith.constant 0 : index
      %get3A_1034 = arith.constant 0 : index
      %get3A_1035 = vector.load %arg3[%get3A_1032, %get3A_1033, %get3A_1034] : memref<1x4096x128xf32, #tpu.memory_space<vmem>>, vector<1x4096x128xf32>
      %get3A_1036 = vector.shape_cast %get3A_1035 : vector<1x4096x128xf32> to vector<4096x128xf32>
      %mul3A_1037 = vector.broadcast %get3A_1028 : vector<1x128xf32> to vector<4096x128xf32>
      %mul3A_1038 = arith.mulf %get3A_1036, %mul3A_1037 : vector<4096x128xf32>
      %add3A_1039 = vector.broadcast %get3A_1031 : vector<1x128xf32> to vector<4096x128xf32>
      %add3A_1040 = arith.addf %mul3A_1038, %add3A_1039 : vector<4096x128xf32>
      %max3A_1041 = arith.constant 0.000000e+00 : f32
      %max3A_1042 = vector.broadcast %max3A_1041 : f32 to vector<4096x128xf32>
      %max3A_1043 = arith.maximumf %add3A_1040, %max3A_1042 : vector<4096x128xf32>
      %swap3A_1044 = arith.constant 0 : index
      %swap3A_1045 = arith.constant 0 : index
      %swap3A_1046 = vector.load %arg8[%swap3A_1044, %swap3A_1045] : memref<4096x128xf32, #tpu.memory_space<vmem>>, vector<4096x128xf32>
      tpu.vector_store %arg8[%swap3A_1044, %swap3A_1045], %max3A_1043 {strides = array<i32>} : memref<4096x128xf32, #tpu.memory_space<vmem>>, vector<4096x128xf32>,
      %get3A_1047 = arith.constant 0 : index
      %get3A_1048 = arith.constant 0 : index
      %get3A_1049 = vector.load %arg8[%get3A_1047, %get3A_1048] : memref<4096x128xf32, #tpu.memory_space<vmem>>, vector<4096x128xf32>
      %swap3A_1050 = arith.constant 0 : index
      %swap3A_1051 = arith.constant 0 : index
      %swap3A_1052 = arith.constant 0 : index
      %swap3A_1053 = vector.load %arg7[%swap3A_1050, %swap3A_1051, %swap3A_1052] : memref<1x4096x128xf32, #tpu.memory_space<vmem>>, vector<1x4096x128xf32>
      %swap3A_1054 = vector.shape_cast %swap3A_1053 : vector<1x4096x128xf32> to vector<4096x128xf32>
      %swap3A_1055 = vector.shape_cast %get3A_1049 : vector<4096x128xf32> to vector<1x4096x128xf32>
      tpu.vector_store %arg7[%swap3A_1050, %swap3A_1051, %swap3A_1052], %swap3A_1055 {strides = array<i32>} : memref<1x4096x128xf32, #tpu.memory_space<vmem>>, vector<1x4096x128xf32>,
      %get3A_1056 = arith.constant 0 : index
      %get3A_1057 = arith.constant 0 : index
      %get3A_1058 = arith.constant 0 : index
      %get3A_1059 = vector.load %arg1[%get3A_1056, %get3A_1057, %get3A_1058] : memref<1x4096x3xf32, #tpu.memory_space<vmem>>, vector<1x4096x3xf32>
      %get3A_1060 = vector.shape_cast %get3A_1059 : vector<1x4096x3xf32> to vector<4096x3xf32>
      %broadcast_in_dim3A_1061 = arith.constant 1.000000e+00 : f32
      %broadcast_in_dim3A_1062 = vector.broadcast %broadcast_in_dim3A_1061 : f32 to vector<1x3xf32>
      %mul3A_1063 = arith.mulf %get3A_1060, %get3A_1060 : vector<4096x3xf32>
      %dot_general3A_1064 = arith.constant dense<0.000000e+00> : vector<1x4096xf32>
      %dot_general3A_1065 = tpu.matmul %broadcast_in_dim3A_1062, %mul3A_1063, %dot_general3A_1064 {dimension_numbers = #tpu.dot_dimension_numbers<[1], [1], [0], [0], [0, 0, 1, 0], [], []>, precision = #tpu.contract_precision<fp32>, transpose_lhs_hint = false} : vector<1x3xf32>, vector<4096x3xf32>, vector<1x4096xf32> -> vector<1x4096xf32>
      %swap3A_1066 = arith.constant 0 : index
      %swap3A_1067 = arith.constant 0 : index
      %swap3A_1068 = vector.load %arg9[%swap3A_1066, %swap3A_1067] : memref<1x4096xf32, #tpu.memory_space<vmem>>, vector<1x4096xf32>
      tpu.vector_store %arg9[%swap3A_1066, %swap3A_1067], %dot_general3A_1065 {strides = array<i32>} : memref<1x4096xf32, #tpu.memory_space<vmem>>, vector<1x4096xf32>,
    } else {
    }
    %get3A = arith.constant 0 : index
    %get3A_2 = arith.constant 0 : index
    %get3A_3 = arith.constant 0 : index
    %get3A_4 = vector.load %arg2[%get3A, %get3A_2, %get3A_3] : memref<1x128x3xf32, #tpu.memory_space<vmem>>, vector<1x128x3xf32>
    %get3A_5 = vector.shape_cast %get3A_4 : vector<1x128x3xf32> to vector<128x3xf32>
    %mul3A = arith.mulf %get3A_5, %get3A_5 : vector<128x3xf32>
    %reduce_sum3A = arith.constant dense<0.000000e+00> : vector<128xf32>
    %reduce_sum3A_6 = vector.multi_reduction <add>, %mul3A, %reduce_sum3A [1] : vector<128x3xf32> to vector<128xf32>
    %broadcast_in_dim3A = vector.shape_cast %reduce_sum3A_6 : vector<128xf32> to vector<128x1xf32>
    %get3A_7 = arith.constant 0 : index
    %get3A_8 = arith.constant 0 : index
    %get3A_9 = arith.constant 0 : index
    %get3A_10 = vector.load %arg1[%get3A_7, %get3A_8, %get3A_9] : memref<1x4096x3xf32, #tpu.memory_space<vmem>>, vector<1x4096x3xf32>
    %get3A_11 = vector.shape_cast %get3A_10 : vector<1x4096x3xf32> to vector<4096x3xf32>
    %dot_general3A = arith.constant dense<0.000000e+00> : vector<128x4096xf32>
    %dot_general3A_12 = tpu.matmul %get3A_5, %get3A_11, %dot_general3A {dimension_numbers = #tpu.dot_dimension_numbers<[1], [1], [0], [0], [0, 0, 1, 0], [], []>, transpose_lhs_hint = false} : vector<128x3xf32>, vector<4096x3xf32>, vector<128x4096xf32> -> vector<128x4096xf32>
    %get3A_13 = arith.constant 0 : index
    %get3A_14 = arith.constant 0 : index
    %get3A_15 = vector.load %arg9[%get3A_13, %get3A_14] : memref<1x4096xf32, #tpu.memory_space<vmem>>, vector<1x4096xf32>
    %add3A = vector.broadcast %broadcast_in_dim3A : vector<128x1xf32> to vector<128x4096xf32>
    %add3A_16 = vector.broadcast %get3A_15 : vector<1x4096xf32> to vector<128x4096xf32>
    %add3A_17 = arith.addf %add3A, %add3A_16 : vector<128x4096xf32>
    %mul3A_18 = arith.constant 2.000000e+00 : f32
    %mul3A_19 = vector.broadcast %mul3A_18 : f32 to vector<128x4096xf32>
    %mul3A_20 = arith.mulf %mul3A_19, %dot_general3A_12 : vector<128x4096xf32>
    %sub3A = arith.subf %add3A_17, %mul3A_20 : vector<128x4096xf32>
    %broadcast_in_dim3A_21 = arith.constant 3.400000e+38 : f32
    %broadcast_in_dim3A_22 = vector.broadcast %broadcast_in_dim3A_21 : f32 to vector<128x128xf32>
    %slice3A = vector.extract_strided_slice %sub3A {offsets = [0, 0], sizes = [128, 128], strides = [1, 1]} : vector<128x4096xf32> to vector<128x128xf32>
    %max3A = arith.maximumf %broadcast_in_dim3A_22, %slice3A : vector<128x128xf32>
    %min3A = arith.minimumf %broadcast_in_dim3A_22, %slice3A : vector<128x128xf32>
    %max3A_23 = arith.maximumf %broadcast_in_dim3A_22, %max3A : vector<128x128xf32>
    %min3A_24 = arith.minimumf %broadcast_in_dim3A_22, %max3A : vector<128x128xf32>
    %min3A_25 = arith.minimumf %broadcast_in_dim3A_22, %max3A_23 : vector<128x128xf32>
    %slice3A_26 = vector.extract_strided_slice %sub3A {offsets = [0, 128], sizes = [128, 128], strides = [1, 1]} : vector<128x4096xf32> to vector<128x128xf32>
    %max3A_27 = arith.maximumf %min3A, %slice3A_26 : vector<128x128xf32>
    %min3A_28 = arith.minimumf %min3A, %slice3A_26 : vector<128x128xf32>
    %max3A_29 = arith.maximumf %min3A_24, %max3A_27 : vector<128x128xf32>
    %min3A_30 = arith.minimumf %min3A_24, %max3A_27 : vector<128x128xf32>
    %min3A_31 = arith.minimumf %min3A_25, %max3A_29 : vector<128x128xf32>
    %slice3A_32 = vector.extract_strided_slice %sub3A {offsets = [0, 256], sizes = [128, 128], strides = [1, 1]} : vector<128x4096xf32> to vector<128x128xf32>
    %max3A_33 = arith.maximumf %min3A_28, %slice3A_32 : vector<128x128xf32>
    %min3A_34 = arith.minimumf %min3A_28, %slice3A_32 : vector<128x128xf32>
    %max3A_35 = arith.maximumf %min3A_30, %max3A_33 : vector<128x128xf32>
    %min3A_36 = arith.minimumf %min3A_30, %max3A_33 : vector<128x128xf32>
    %min3A_37 = arith.minimumf %min3A_31, %max3A_35 : vector<128x128xf32>
    %slice3A_38 = vector.extract_strided_slice %sub3A {offsets = [0, 384], sizes = [128, 128], strides = [1, 1]} : vector<128x4096xf32> to vector<128x128xf32>
    %max3A_39 = arith.maximumf %min3A_34, %slice3A_38 : vector<128x128xf32>
    %min3A_40 = arith.minimumf %min3A_34, %slice3A_38 : vector<128x128xf32>
    %max3A_41 = arith.maximumf %min3A_36, %max3A_39 : vector<128x128xf32>
    %min3A_42 = arith.minimumf %min3A_36, %max3A_39 : vector<128x128xf32>
    %min3A_43 = arith.minimumf %min3A_37, %max3A_41 : vector<128x128xf32>
    %slice3A_44 = vector.extract_strided_slice %sub3A {offsets = [0, 512], sizes = [128, 128], strides = [1, 1]} : vector<128x4096xf32> to vector<128x128xf32>
    %max3A_45 = arith.maximumf %min3A_40, %slice3A_44 : vector<128x128xf32>
    %min3A_46 = arith.minimumf %min3A_40, %slice3A_44 : vector<128x128xf32>
    %max3A_47 = arith.maximumf %min3A_42, %max3A_45 : vector<128x128xf32>
    %min3A_48 = arith.minimumf %min3A_42, %max3A_45 : vector<128x128xf32>
    %min3A_49 = arith.minimumf %min3A_43, %max3A_47 : vector<128x128xf32>
    %slice3A_50 = vector.extract_strided_slice %sub3A {offsets = [0, 640], sizes = [128, 128], strides = [1, 1]} : vector<128x4096xf32> to vector<128x128xf32>
    %max3A_51 = arith.maximumf %min3A_46, %slice3A_50 : vector<128x128xf32>
    %min3A_52 = arith.minimumf %min3A_46, %slice3A_50 : vector<128x128xf32>
    %max3A_53 = arith.maximumf %min3A_48, %max3A_51 : vector<128x128xf32>
    %min3A_54 = arith.minimumf %min3A_48, %max3A_51 : vector<128x128xf32>
    %min3A_55 = arith.minimumf %min3A_49, %max3A_53 : vector<128x128xf32>
    %slice3A_56 = vector.extract_strided_slice %sub3A {offsets = [0, 768], sizes = [128, 128], strides = [1, 1]} : vector<128x4096xf32> to vector<128x128xf32>
    %max3A_57 = arith.maximumf %min3A_52, %slice3A_56 : vector<128x128xf32>
    %min3A_58 = arith.minimumf %min3A_52, %slice3A_56 : vector<128x128xf32>
    %max3A_59 = arith.maximumf %min3A_54, %max3A_57 : vector<128x128xf32>
    %min3A_60 = arith.minimumf %min3A_54, %max3A_57 : vector<128x128xf32>
    %min3A_61 = arith.minimumf %min3A_55, %max3A_59 : vector<128x128xf32>
    %slice3A_62 = vector.extract_strided_slice %sub3A {offsets = [0, 896], sizes = [128, 128], strides = [1, 1]} : vector<128x4096xf32> to vector<128x128xf32>
    %max3A_63 = arith.maximumf %min3A_58, %slice3A_62 : vector<128x128xf32>
    %min3A_64 = arith.minimumf %min3A_58, %slice3A_62 : vector<128x128xf32>
    %max3A_65 = arith.maximumf %min3A_60, %max3A_63 : vector<128x128xf32>
    %min3A_66 = arith.minimumf %min3A_60, %max3A_63 : vector<128x128xf32>
    %min3A_67 = arith.minimumf %min3A_61, %max3A_65 : vector<128x128xf32>
    %slice3A_68 = vector.extract_strided_slice %sub3A {offsets = [0, 1024], sizes = [128, 128], strides = [1, 1]} : vector<128x4096xf32> to vector<128x128xf32>
    %max3A_69 = arith.maximumf %min3A_64, %slice3A_68 : vector<128x128xf32>
    %min3A_70 = arith.minimumf %min3A_64, %slice3A_68 : vector<128x128xf32>
    %max3A_71 = arith.maximumf %min3A_66, %max3A_69 : vector<128x128xf32>
    %min3A_72 = arith.minimumf %min3A_66, %max3A_69 : vector<128x128xf32>
    %min3A_73 = arith.minimumf %min3A_67, %max3A_71 : vector<128x128xf32>
    %slice3A_74 = vector.extract_strided_slice %sub3A {offsets = [0, 1152], sizes = [128, 128], strides = [1, 1]} : vector<128x4096xf32> to vector<128x128xf32>
    %max3A_75 = arith.maximumf %min3A_70, %slice3A_74 : vector<128x128xf32>
    %min3A_76 = arith.minimumf %min3A_70, %slice3A_74 : vector<128x128xf32>
    %max3A_77 = arith.maximumf %min3A_72, %max3A_75 : vector<128x128xf32>
    %min3A_78 = arith.minimumf %min3A_72, %max3A_75 : vector<128x128xf32>
    %min3A_79 = arith.minimumf %min3A_73, %max3A_77 : vector<128x128xf32>
    %slice3A_80 = vector.extract_strided_slice %sub3A {offsets = [0, 1280], sizes = [128, 128], strides = [1, 1]} : vector<128x4096xf32> to vector<128x128xf32>
    %max3A_81 = arith.maximumf %min3A_76, %slice3A_80 : vector<128x128xf32>
    %min3A_82 = arith.minimumf %min3A_76, %slice3A_80 : vector<128x128xf32>
    %max3A_83 = arith.maximumf %min3A_78, %max3A_81 : vector<128x128xf32>
    %min3A_84 = arith.minimumf %min3A_78, %max3A_81 : vector<128x128xf32>
    %min3A_85 = arith.minimumf %min3A_79, %max3A_83 : vector<128x128xf32>
    %slice3A_86 = vector.extract_strided_slice %sub3A {offsets = [0, 1408], sizes = [128, 128], strides = [1, 1]} : vector<128x4096xf32> to vector<128x128xf32>
    %max3A_87 = arith.maximumf %min3A_82, %slice3A_86 : vector<128x128xf32>
    %min3A_88 = arith.minimumf %min3A_82, %slice3A_86 : vector<128x128xf32>
    %max3A_89 = arith.maximumf %min3A_84, %max3A_87 : vector<128x128xf32>
    %min3A_90 = arith.minimumf %min3A_84, %max3A_87 : vector<128x128xf32>
    %min3A_91 = arith.minimumf %min3A_85, %max3A_89 : vector<128x128xf32>
    %slice3A_92 = vector.extract_strided_slice %sub3A {offsets = [0, 1536], sizes = [128, 128], strides = [1, 1]} : vector<128x4096xf32> to vector<128x128xf32>
    %max3A_93 = arith.maximumf %min3A_88, %slice3A_92 : vector<128x128xf32>
    %min3A_94 = arith.minimumf %min3A_88, %slice3A_92 : vector<128x128xf32>
    %max3A_95 = arith.maximumf %min3A_90, %max3A_93 : vector<128x128xf32>
    %min3A_96 = arith.minimumf %min3A_90, %max3A_93 : vector<128x128xf32>
    %min3A_97 = arith.minimumf %min3A_91, %max3A_95 : vector<128x128xf32>
    %slice3A_98 = vector.extract_strided_slice %sub3A {offsets = [0, 1664], sizes = [128, 128], strides = [1, 1]} : vector<128x4096xf32> to vector<128x128xf32>
    %max3A_99 = arith.maximumf %min3A_94, %slice3A_98 : vector<128x128xf32>
    %min3A_100 = arith.minimumf %min3A_94, %slice3A_98 : vector<128x128xf32>
    %max3A_101 = arith.maximumf %min3A_96, %max3A_99 : vector<128x128xf32>
    %min3A_102 = arith.minimumf %min3A_96, %max3A_99 : vector<128x128xf32>
    %min3A_103 = arith.minimumf %min3A_97, %max3A_101 : vector<128x128xf32>
    %slice3A_104 = vector.extract_strided_slice %sub3A {offsets = [0, 1792], sizes = [128, 128], strides = [1, 1]} : vector<128x4096xf32> to vector<128x128xf32>
    %max3A_105 = arith.maximumf %min3A_100, %slice3A_104 : vector<128x128xf32>
    %min3A_106 = arith.minimumf %min3A_100, %slice3A_104 : vector<128x128xf32>
    %max3A_107 = arith.maximumf %min3A_102, %max3A_105 : vector<128x128xf32>
    %min3A_108 = arith.minimumf %min3A_102, %max3A_105 : vector<128x128xf32>
    %min3A_109 = arith.minimumf %min3A_103, %max3A_107 : vector<128x128xf32>
    %slice3A_110 = vector.extract_strided_slice %sub3A {offsets = [0, 1920], sizes = [128, 128], strides = [1, 1]} : vector<128x4096xf32> to vector<128x128xf32>
    %max3A_111 = arith.maximumf %min3A_106, %slice3A_110 : vector<128x128xf32>
    %min3A_112 = arith.minimumf %min3A_106, %slice3A_110 : vector<128x128xf32>
    %max3A_113 = arith.maximumf %min3A_108, %max3A_111 : vector<128x128xf32>
    %min3A_114 = arith.minimumf %min3A_108, %max3A_111 : vector<128x128xf32>
    %min3A_115 = arith.minimumf %min3A_109, %max3A_113 : vector<128x128xf32>
    %slice3A_116 = vector.extract_strided_slice %sub3A {offsets = [0, 2048], sizes = [128, 128], strides = [1, 1]} : vector<128x4096xf32> to vector<128x128xf32>
    %max3A_117 = arith.maximumf %min3A_112, %slice3A_116 : vector<128x128xf32>
    %min3A_118 = arith.minimumf %min3A_112, %slice3A_116 : vector<128x128xf32>
    %max3A_119 = arith.maximumf %min3A_114, %max3A_117 : vector<128x128xf32>
    %min3A_120 = arith.minimumf %min3A_114, %max3A_117 : vector<128x128xf32>
    %min3A_121 = arith.minimumf %min3A_115, %max3A_119 : vector<128x128xf32>
    %slice3A_122 = vector.extract_strided_slice %sub3A {offsets = [0, 2176], sizes = [128, 128], strides = [1, 1]} : vector<128x4096xf32> to vector<128x128xf32>
    %max3A_123 = arith.maximumf %min3A_118, %slice3A_122 : vector<128x128xf32>
    %min3A_124 = arith.minimumf %min3A_118, %slice3A_122 : vector<128x128xf32>
    %max3A_125 = arith.maximumf %min3A_120, %max3A_123 : vector<128x128xf32>
    %min3A_126 = arith.minimumf %min3A_120, %max3A_123 : vector<128x128xf32>
    %min3A_127 = arith.minimumf %min3A_121, %max3A_125 : vector<128x128xf32>
    %slice3A_128 = vector.extract_strided_slice %sub3A {offsets = [0, 2304], sizes = [128, 128], strides = [1, 1]} : vector<128x4096xf32> to vector<128x128xf32>
    %max3A_129 = arith.maximumf %min3A_124, %slice3A_128 : vector<128x128xf32>
    %min3A_130 = arith.minimumf %min3A_124, %slice3A_128 : vector<128x128xf32>
    %max3A_131 = arith.maximumf %min3A_126, %max3A_129 : vector<128x128xf32>
    %min3A_132 = arith.minimumf %min3A_126, %max3A_129 : vector<128x128xf32>
    %min3A_133 = arith.minimumf %min3A_127, %max3A_131 : vector<128x128xf32>
    %slice3A_134 = vector.extract_strided_slice %sub3A {offsets = [0, 2432], sizes = [128, 128], strides = [1, 1]} : vector<128x4096xf32> to vector<128x128xf32>
    %max3A_135 = arith.maximumf %min3A_130, %slice3A_134 : vector<128x128xf32>
    %min3A_136 = arith.minimumf %min3A_130, %slice3A_134 : vector<128x128xf32>
    %max3A_137 = arith.maximumf %min3A_132, %max3A_135 : vector<128x128xf32>
    %min3A_138 = arith.minimumf %min3A_132, %max3A_135 : vector<128x128xf32>
    %min3A_139 = arith.minimumf %min3A_133, %max3A_137 : vector<128x128xf32>
    %slice3A_140 = vector.extract_strided_slice %sub3A {offsets = [0, 2560], sizes = [128, 128], strides = [1, 1]} : vector<128x4096xf32> to vector<128x128xf32>
    %max3A_141 = arith.maximumf %min3A_136, %slice3A_140 : vector<128x128xf32>
    %min3A_142 = arith.minimumf %min3A_136, %slice3A_140 : vector<128x128xf32>
    %max3A_143 = arith.maximumf %min3A_138, %max3A_141 : vector<128x128xf32>
    %min3A_144 = arith.minimumf %min3A_138, %max3A_141 : vector<128x128xf32>
    %min3A_145 = arith.minimumf %min3A_139, %max3A_143 : vector<128x128xf32>
    %slice3A_146 = vector.extract_strided_slice %sub3A {offsets = [0, 2688], sizes = [128, 128], strides = [1, 1]} : vector<128x4096xf32> to vector<128x128xf32>
    %max3A_147 = arith.maximumf %min3A_142, %slice3A_146 : vector<128x128xf32>
    %min3A_148 = arith.minimumf %min3A_142, %slice3A_146 : vector<128x128xf32>
    %max3A_149 = arith.maximumf %min3A_144, %max3A_147 : vector<128x128xf32>
    %min3A_150 = arith.minimumf %min3A_144, %max3A_147 : vector<128x128xf32>
    %min3A_151 = arith.minimumf %min3A_145, %max3A_149 : vector<128x128xf32>
    %slice3A_152 = vector.extract_strided_slice %sub3A {offsets = [0, 2816], sizes = [128, 128], strides = [1, 1]} : vector<128x4096xf32> to vector<128x128xf32>
    %max3A_153 = arith.maximumf %min3A_148, %slice3A_152 : vector<128x128xf32>
    %min3A_154 = arith.minimumf %min3A_148, %slice3A_152 : vector<128x128xf32>
    %max3A_155 = arith.maximumf %min3A_150, %max3A_153 : vector<128x128xf32>
    %min3A_156 = arith.minimumf %min3A_150, %max3A_153 : vector<128x128xf32>
    %min3A_157 = arith.minimumf %min3A_151, %max3A_155 : vector<128x128xf32>
    %slice3A_158 = vector.extract_strided_slice %sub3A {offsets = [0, 2944], sizes = [128, 128], strides = [1, 1]} : vector<128x4096xf32> to vector<128x128xf32>
    %max3A_159 = arith.maximumf %min3A_154, %slice3A_158 : vector<128x128xf32>
    %min3A_160 = arith.minimumf %min3A_154, %slice3A_158 : vector<128x128xf32>
    %max3A_161 = arith.maximumf %min3A_156, %max3A_159 : vector<128x128xf32>
    %min3A_162 = arith.minimumf %min3A_156, %max3A_159 : vector<128x128xf32>
    %min3A_163 = arith.minimumf %min3A_157, %max3A_161 : vector<128x128xf32>
    %slice3A_164 = vector.extract_strided_slice %sub3A {offsets = [0, 3072], sizes = [128, 128], strides = [1, 1]} : vector<128x4096xf32> to vector<128x128xf32>
    %max3A_165 = arith.maximumf %min3A_160, %slice3A_164 : vector<128x128xf32>
    %min3A_166 = arith.minimumf %min3A_160, %slice3A_164 : vector<128x128xf32>
    %max3A_167 = arith.maximumf %min3A_162, %max3A_165 : vector<128x128xf32>
    %min3A_168 = arith.minimumf %min3A_162, %max3A_165 : vector<128x128xf32>
    %min3A_169 = arith.minimumf %min3A_163, %max3A_167 : vector<128x128xf32>
    %slice3A_170 = vector.extract_strided_slice %sub3A {offsets = [0, 3200], sizes = [128, 128], strides = [1, 1]} : vector<128x4096xf32> to vector<128x128xf32>
    %max3A_171 = arith.maximumf %min3A_166, %slice3A_170 : vector<128x128xf32>
    %min3A_172 = arith.minimumf %min3A_166, %slice3A_170 : vector<128x128xf32>
    %max3A_173 = arith.maximumf %min3A_168, %max3A_171 : vector<128x128xf32>
    %min3A_174 = arith.minimumf %min3A_168, %max3A_171 : vector<128x128xf32>
    %min3A_175 = arith.minimumf %min3A_169, %max3A_173 : vector<128x128xf32>
    %slice3A_176 = vector.extract_strided_slice %sub3A {offsets = [0, 3328], sizes = [128, 128], strides = [1, 1]} : vector<128x4096xf32> to vector<128x128xf32>
    %max3A_177 = arith.maximumf %min3A_172, %slice3A_176 : vector<128x128xf32>
    %min3A_178 = arith.minimumf %min3A_172, %slice3A_176 : vector<128x128xf32>
    %max3A_179 = arith.maximumf %min3A_174, %max3A_177 : vector<128x128xf32>
    %min3A_180 = arith.minimumf %min3A_174, %max3A_177 : vector<128x128xf32>
    %min3A_181 = arith.minimumf %min3A_175, %max3A_179 : vector<128x128xf32>
    %slice3A_182 = vector.extract_strided_slice %sub3A {offsets = [0, 3456], sizes = [128, 128], strides = [1, 1]} : vector<128x4096xf32> to vector<128x128xf32>
    %max3A_183 = arith.maximumf %min3A_178, %slice3A_182 : vector<128x128xf32>
    %min3A_184 = arith.minimumf %min3A_178, %slice3A_182 : vector<128x128xf32>
    %max3A_185 = arith.maximumf %min3A_180, %max3A_183 : vector<128x128xf32>
    %min3A_186 = arith.minimumf %min3A_180, %max3A_183 : vector<128x128xf32>
    %min3A_187 = arith.minimumf %min3A_181, %max3A_185 : vector<128x128xf32>
    %slice3A_188 = vector.extract_strided_slice %sub3A {offsets = [0, 3584], sizes = [128, 128], strides = [1, 1]} : vector<128x4096xf32> to vector<128x128xf32>
    %max3A_189 = arith.maximumf %min3A_184, %slice3A_188 : vector<128x128xf32>
    %min3A_190 = arith.minimumf %min3A_184, %slice3A_188 : vector<128x128xf32>
    %max3A_191 = arith.maximumf %min3A_186, %max3A_189 : vector<128x128xf32>
    %min3A_192 = arith.minimumf %min3A_186, %max3A_189 : vector<128x128xf32>
    %min3A_193 = arith.minimumf %min3A_187, %max3A_191 : vector<128x128xf32>
    %slice3A_194 = vector.extract_strided_slice %sub3A {offsets = [0, 3712], sizes = [128, 128], strides = [1, 1]} : vector<128x4096xf32> to vector<128x128xf32>
    %max3A_195 = arith.maximumf %min3A_190, %slice3A_194 : vector<128x128xf32>
    %min3A_196 = arith.minimumf %min3A_190, %slice3A_194 : vector<128x128xf32>
    %max3A_197 = arith.maximumf %min3A_192, %max3A_195 : vector<128x128xf32>
    %min3A_198 = arith.minimumf %min3A_192, %max3A_195 : vector<128x128xf32>
    %min3A_199 = arith.minimumf %min3A_193, %max3A_197 : vector<128x128xf32>
    %slice3A_200 = vector.extract_strided_slice %sub3A {offsets = [0, 3840], sizes = [128, 128], strides = [1, 1]} : vector<128x4096xf32> to vector<128x128xf32>
    %max3A_201 = arith.maximumf %min3A_196, %slice3A_200 : vector<128x128xf32>
    %min3A_202 = arith.minimumf %min3A_196, %slice3A_200 : vector<128x128xf32>
    %max3A_203 = arith.maximumf %min3A_198, %max3A_201 : vector<128x128xf32>
    %min3A_204 = arith.minimumf %min3A_198, %max3A_201 : vector<128x128xf32>
    %min3A_205 = arith.minimumf %min3A_199, %max3A_203 : vector<128x128xf32>
    %slice3A_206 = vector.extract_strided_slice %sub3A {offsets = [0, 3968], sizes = [128, 128], strides = [1, 1]} : vector<128x4096xf32> to vector<128x128xf32>
    %max3A_207 = arith.maximumf %min3A_202, %slice3A_206 : vector<128x128xf32>
    %min3A_208 = arith.minimumf %min3A_202, %slice3A_206 : vector<128x128xf32>
    %max3A_209 = arith.maximumf %min3A_204, %max3A_207 : vector<128x128xf32>
    %min3A_210 = arith.minimumf %min3A_204, %max3A_207 : vector<128x128xf32>
    %min3A_211 = arith.minimumf %min3A_205, %max3A_209 : vector<128x128xf32>
    %concatenate3A = tpu.concatenate %min3A_208, %min3A_210, %min3A_211 in 1 : vector<128x128xf32>, vector<128x128xf32>, vector<128x128xf32> -> vector<128x384xf32>
    %iota3A = tpu.iota {dimensions = array<i32: 1>} : vector<128x384xi32>
    %reduce_min3A = arith.constant dense<0x7F800000> : vector<128xf32>
    %reduce_min3A_212 = vector.multi_reduction <minimumf>, %concatenate3A, %reduce_min3A [1] : vector<128x384xf32> to vector<128xf32>
    %broadcast_in_dim3A_213 = vector.shape_cast %reduce_min3A_212 : vector<128xf32> to vector<128x1xf32>
    %eq3A_214 = vector.broadcast %broadcast_in_dim3A_213 : vector<128x1xf32> to vector<128x384xf32>
    %eq3A_215 = arith.cmpf oeq, %concatenate3A, %eq3A_214 : vector<128x384xf32>
    %jit3A = arith.constant 384 : i32
    %broadcast_in_dim3A_216 = vector.broadcast %jit3A : i32 to vector<128x384xi32>
    %select_n3A = arith.select %eq3A_215, %iota3A, %broadcast_in_dim3A_216 : vector<128x384xi1>, vector<128x384xi32>
    %reduce_min3A_217 = arith.constant dense<2147483647> : vector<128xi32>
    %reduce_min3A_218 = vector.multi_reduction <minsi>, %select_n3A, %reduce_min3A_217 [1] : vector<128x384xi32> to vector<128xi32>
    %broadcast_in_dim3A_219 = vector.shape_cast %reduce_min3A_218 : vector<128xi32> to vector<128x1xi32>
    %eq3A_220 = vector.broadcast %broadcast_in_dim3A_219 : vector<128x1xi32> to vector<128x384xi32>
    %eq3A_221 = arith.cmpi eq, %iota3A, %eq3A_220 : vector<128x384xi32>
    %jit3A_222 = arith.constant 3.400000e+38 : f32
    %broadcast_in_dim3A_223 = vector.broadcast %jit3A_222 : f32 to vector<128x384xf32>
    %select_n3A_224 = arith.select %eq3A_221, %broadcast_in_dim3A_223, %concatenate3A : vector<128x384xi1>, vector<128x384xf32>
    %reduce_min3A_225 = arith.constant dense<0x7F800000> : vector<128xf32>
    %reduce_min3A_226 = vector.multi_reduction <minimumf>, %select_n3A_224, %reduce_min3A_225 [1] : vector<128x384xf32> to vector<128xf32>
    %broadcast_in_dim3A_227 = vector.shape_cast %reduce_min3A_226 : vector<128xf32> to vector<128x1xf32>
    %eq3A_228 = vector.broadcast %broadcast_in_dim3A_227 : vector<128x1xf32> to vector<128x384xf32>
    %eq3A_229 = arith.cmpf oeq, %select_n3A_224, %eq3A_228 : vector<128x384xf32>
    %jit3A_230 = arith.constant 384 : i32
    %broadcast_in_dim3A_231 = vector.broadcast %jit3A_230 : i32 to vector<128x384xi32>
    %select_n3A_232 = arith.select %eq3A_229, %iota3A, %broadcast_in_dim3A_231 : vector<128x384xi1>, vector<128x384xi32>
    %reduce_min3A_233 = arith.constant dense<2147483647> : vector<128xi32>
    %reduce_min3A_234 = vector.multi_reduction <minsi>, %select_n3A_232, %reduce_min3A_233 [1] : vector<128x384xi32> to vector<128xi32>
    %broadcast_in_dim3A_235 = vector.shape_cast %reduce_min3A_234 : vector<128xi32> to vector<128x1xi32>
    %eq3A_236 = vector.broadcast %broadcast_in_dim3A_235 : vector<128x1xi32> to vector<128x384xi32>
    %eq3A_237 = arith.cmpi eq, %iota3A, %eq3A_236 : vector<128x384xi32>
    %jit3A_238 = arith.constant 3.400000e+38 : f32
    %broadcast_in_dim3A_239 = vector.broadcast %jit3A_238 : f32 to vector<128x384xf32>
    %select_n3A_240 = arith.select %eq3A_237, %broadcast_in_dim3A_239, %select_n3A_224 : vector<128x384xi1>, vector<128x384xf32>
    %reduce_min3A_241 = arith.constant dense<0x7F800000> : vector<128xf32>
    %reduce_min3A_242 = vector.multi_reduction <minimumf>, %select_n3A_240, %reduce_min3A_241 [1] : vector<128x384xf32> to vector<128xf32>
    %broadcast_in_dim3A_243 = vector.shape_cast %reduce_min3A_242 : vector<128xf32> to vector<128x1xf32>
    %iota3A_244 = tpu.iota {dimensions = array<i32: 1>} : vector<128x128xi32>
    %broadcast_in_dim3A_245 = arith.constant 4096 : i32
    %broadcast_in_dim3A_246 = vector.broadcast %broadcast_in_dim3A_245 : i32 to vector<128x128xi32>
    %slice3A_247 = vector.extract_strided_slice %sub3A {offsets = [0, 0], sizes = [128, 128], strides = [1, 1]} : vector<128x4096xf32> to vector<128x128xf32>
    %add3A_248 = arith.constant 0 : i32
    %add3A_249 = vector.broadcast %add3A_248 : i32 to vector<128x128xi32>
    %add3A_250 = arith.addi %iota3A_244, %add3A_249 : vector<128x128xi32>
    %eq3A_251 = vector.broadcast %broadcast_in_dim3A_213 : vector<128x1xf32> to vector<128x128xf32>
    %eq3A_252 = arith.cmpf oeq, %slice3A_247, %eq3A_251 : vector<128x128xf32>
    %jit3A_253 = arith.constant 4096 : i32
    %broadcast_in_dim3A_254 = vector.broadcast %jit3A_253 : i32 to vector<128x128xi32>
    %select_n3A_255 = arith.select %eq3A_252, %add3A_250, %broadcast_in_dim3A_254 : vector<128x128xi1>, vector<128x128xi32>
    %min3A_256 = arith.minsi %broadcast_in_dim3A_246, %select_n3A_255 : vector<128x128xi32>
    %eq3A_257 = vector.broadcast %broadcast_in_dim3A_227 : vector<128x1xf32> to vector<128x128xf32>
    %eq3A_258 = arith.cmpf oeq, %slice3A_247, %eq3A_257 : vector<128x128xf32>
    %jit3A_259 = arith.constant 4096 : i32
    %broadcast_in_dim3A_260 = vector.broadcast %jit3A_259 : i32 to vector<128x128xi32>
    %select_n3A_261 = arith.select %eq3A_258, %add3A_250, %broadcast_in_dim3A_260 : vector<128x128xi1>, vector<128x128xi32>
    %min3A_262 = arith.minsi %broadcast_in_dim3A_246, %select_n3A_261 : vector<128x128xi32>
    %eq3A_263 = vector.broadcast %broadcast_in_dim3A_243 : vector<128x1xf32> to vector<128x128xf32>
    %eq3A_264 = arith.cmpf oeq, %slice3A_247, %eq3A_263 : vector<128x128xf32>
    %jit3A_265 = arith.constant 4096 : i32
    %broadcast_in_dim3A_266 = vector.broadcast %jit3A_265 : i32 to vector<128x128xi32>
    %select_n3A_267 = arith.select %eq3A_264, %add3A_250, %broadcast_in_dim3A_266 : vector<128x128xi1>, vector<128x128xi32>
    %min3A_268 = arith.minsi %broadcast_in_dim3A_246, %select_n3A_267 : vector<128x128xi32>
    %slice3A_269 = vector.extract_strided_slice %sub3A {offsets = [0, 128], sizes = [128, 128], strides = [1, 1]} : vector<128x4096xf32> to vector<128x128xf32>
    %add3A_270 = arith.constant 128 : i32
    %add3A_271 = vector.broadcast %add3A_270 : i32 to vector<128x128xi32>
    %add3A_272 = arith.addi %iota3A_244, %add3A_271 : vector<128x128xi32>
    %eq3A_273 = vector.broadcast %broadcast_in_dim3A_213 : vector<128x1xf32> to vector<128x128xf32>
    %eq3A_274 = arith.cmpf oeq, %slice3A_269, %eq3A_273 : vector<128x128xf32>
    %jit3A_275 = arith.constant 4096 : i32
    %broadcast_in_dim3A_276 = vector.broadcast %jit3A_275 : i32 to vector<128x128xi32>
    %select_n3A_277 = arith.select %eq3A_274, %add3A_272, %broadcast_in_dim3A_276 : vector<128x128xi1>, vector<128x128xi32>
    %min3A_278 = arith.minsi %min3A_256, %select_n3A_277 : vector<128x128xi32>
    %eq3A_279 = vector.broadcast %broadcast_in_dim3A_227 : vector<128x1xf32> to vector<128x128xf32>
    %eq3A_280 = arith.cmpf oeq, %slice3A_269, %eq3A_279 : vector<128x128xf32>
    %jit3A_281 = arith.constant 4096 : i32
    %broadcast_in_dim3A_282 = vector.broadcast %jit3A_281 : i32 to vector<128x128xi32>
    %select_n3A_283 = arith.select %eq3A_280, %add3A_272, %broadcast_in_dim3A_282 : vector<128x128xi1>, vector<128x128xi32>
    %min3A_284 = arith.minsi %min3A_262, %select_n3A_283 : vector<128x128xi32>
    %eq3A_285 = vector.broadcast %broadcast_in_dim3A_243 : vector<128x1xf32> to vector<128x128xf32>
    %eq3A_286 = arith.cmpf oeq, %slice3A_269, %eq3A_285 : vector<128x128xf32>
    %jit3A_287 = arith.constant 4096 : i32
    %broadcast_in_dim3A_288 = vector.broadcast %jit3A_287 : i32 to vector<128x128xi32>
    %select_n3A_289 = arith.select %eq3A_286, %add3A_272, %broadcast_in_dim3A_288 : vector<128x128xi1>, vector<128x128xi32>
    %min3A_290 = arith.minsi %min3A_268, %select_n3A_289 : vector<128x128xi32>
    %slice3A_291 = vector.extract_strided_slice %sub3A {offsets = [0, 256], sizes = [128, 128], strides = [1, 1]} : vector<128x4096xf32> to vector<128x128xf32>
    %add3A_292 = arith.constant 256 : i32
    %add3A_293 = vector.broadcast %add3A_292 : i32 to vector<128x128xi32>
    %add3A_294 = arith.addi %iota3A_244, %add3A_293 : vector<128x128xi32>
    %eq3A_295 = vector.broadcast %broadcast_in_dim3A_213 : vector<128x1xf32> to vector<128x128xf32>
    %eq3A_296 = arith.cmpf oeq, %slice3A_291, %eq3A_295 : vector<128x128xf32>
    %jit3A_297 = arith.constant 4096 : i32
    %broadcast_in_dim3A_298 = vector.broadcast %jit3A_297 : i32 to vector<128x128xi32>
    %select_n3A_299 = arith.select %eq3A_296, %add3A_294, %broadcast_in_dim3A_298 : vector<128x128xi1>, vector<128x128xi32>
    %min3A_300 = arith.minsi %min3A_278, %select_n3A_299 : vector<128x128xi32>
    %eq3A_301 = vector.broadcast %broadcast_in_dim3A_227 : vector<128x1xf32> to vector<128x128xf32>
    %eq3A_302 = arith.cmpf oeq, %slice3A_291, %eq3A_301 : vector<128x128xf32>
    %jit3A_303 = arith.constant 4096 : i32
    %broadcast_in_dim3A_304 = vector.broadcast %jit3A_303 : i32 to vector<128x128xi32>
    %select_n3A_305 = arith.select %eq3A_302, %add3A_294, %broadcast_in_dim3A_304 : vector<128x128xi1>, vector<128x128xi32>
    %min3A_306 = arith.minsi %min3A_284, %select_n3A_305 : vector<128x128xi32>
    %eq3A_307 = vector.broadcast %broadcast_in_dim3A_243 : vector<128x1xf32> to vector<128x128xf32>
    %eq3A_308 = arith.cmpf oeq, %slice3A_291, %eq3A_307 : vector<128x128xf32>
    %jit3A_309 = arith.constant 4096 : i32
    %broadcast_in_dim3A_310 = vector.broadcast %jit3A_309 : i32 to vector<128x128xi32>
    %select_n3A_311 = arith.select %eq3A_308, %add3A_294, %broadcast_in_dim3A_310 : vector<128x128xi1>, vector<128x128xi32>
    %min3A_312 = arith.minsi %min3A_290, %select_n3A_311 : vector<128x128xi32>
    %slice3A_313 = vector.extract_strided_slice %sub3A {offsets = [0, 384], sizes = [128, 128], strides = [1, 1]} : vector<128x4096xf32> to vector<128x128xf32>
    %add3A_314 = arith.constant 384 : i32
    %add3A_315 = vector.broadcast %add3A_314 : i32 to vector<128x128xi32>
    %add3A_316 = arith.addi %iota3A_244, %add3A_315 : vector<128x128xi32>
    %eq3A_317 = vector.broadcast %broadcast_in_dim3A_213 : vector<128x1xf32> to vector<128x128xf32>
    %eq3A_318 = arith.cmpf oeq, %slice3A_313, %eq3A_317 : vector<128x128xf32>
    %jit3A_319 = arith.constant 4096 : i32
    %broadcast_in_dim3A_320 = vector.broadcast %jit3A_319 : i32 to vector<128x128xi32>
    %select_n3A_321 = arith.select %eq3A_318, %add3A_316, %broadcast_in_dim3A_320 : vector<128x128xi1>, vector<128x128xi32>
    %min3A_322 = arith.minsi %min3A_300, %select_n3A_321 : vector<128x128xi32>
    %eq3A_323 = vector.broadcast %broadcast_in_dim3A_227 : vector<128x1xf32> to vector<128x128xf32>
    %eq3A_324 = arith.cmpf oeq, %slice3A_313, %eq3A_323 : vector<128x128xf32>
    %jit3A_325 = arith.constant 4096 : i32
    %broadcast_in_dim3A_326 = vector.broadcast %jit3A_325 : i32 to vector<128x128xi32>
    %select_n3A_327 = arith.select %eq3A_324, %add3A_316, %broadcast_in_dim3A_326 : vector<128x128xi1>, vector<128x128xi32>
    %min3A_328 = arith.minsi %min3A_306, %select_n3A_327 : vector<128x128xi32>
    %eq3A_329 = vector.broadcast %broadcast_in_dim3A_243 : vector<128x1xf32> to vector<128x128xf32>
    %eq3A_330 = arith.cmpf oeq, %slice3A_313, %eq3A_329 : vector<128x128xf32>
    %jit3A_331 = arith.constant 4096 : i32
    %broadcast_in_dim3A_332 = vector.broadcast %jit3A_331 : i32 to vector<128x128xi32>
    %select_n3A_333 = arith.select %eq3A_330, %add3A_316, %broadcast_in_dim3A_332 : vector<128x128xi1>, vector<128x128xi32>
    %min3A_334 = arith.minsi %min3A_312, %select_n3A_333 : vector<128x128xi32>
    %slice3A_335 = vector.extract_strided_slice %sub3A {offsets = [0, 512], sizes = [128, 128], strides = [1, 1]} : vector<128x4096xf32> to vector<128x128xf32>
    %add3A_336 = arith.constant 512 : i32
    %add3A_337 = vector.broadcast %add3A_336 : i32 to vector<128x128xi32>
    %add3A_338 = arith.addi %iota3A_244, %add3A_337 : vector<128x128xi32>
    %eq3A_339 = vector.broadcast %broadcast_in_dim3A_213 : vector<128x1xf32> to vector<128x128xf32>
    %eq3A_340 = arith.cmpf oeq, %slice3A_335, %eq3A_339 : vector<128x128xf32>
    %jit3A_341 = arith.constant 4096 : i32
    %broadcast_in_dim3A_342 = vector.broadcast %jit3A_341 : i32 to vector<128x128xi32>
    %select_n3A_343 = arith.select %eq3A_340, %add3A_338, %broadcast_in_dim3A_342 : vector<128x128xi1>, vector<128x128xi32>
    %min3A_344 = arith.minsi %min3A_322, %select_n3A_343 : vector<128x128xi32>
    %eq3A_345 = vector.broadcast %broadcast_in_dim3A_227 : vector<128x1xf32> to vector<128x128xf32>
    %eq3A_346 = arith.cmpf oeq, %slice3A_335, %eq3A_345 : vector<128x128xf32>
    %jit3A_347 = arith.constant 4096 : i32
    %broadcast_in_dim3A_348 = vector.broadcast %jit3A_347 : i32 to vector<128x128xi32>
    %select_n3A_349 = arith.select %eq3A_346, %add3A_338, %broadcast_in_dim3A_348 : vector<128x128xi1>, vector<128x128xi32>
    %min3A_350 = arith.minsi %min3A_328, %select_n3A_349 : vector<128x128xi32>
    %eq3A_351 = vector.broadcast %broadcast_in_dim3A_243 : vector<128x1xf32> to vector<128x128xf32>
    %eq3A_352 = arith.cmpf oeq, %slice3A_335, %eq3A_351 : vector<128x128xf32>
    %jit3A_353 = arith.constant 4096 : i32
    %broadcast_in_dim3A_354 = vector.broadcast %jit3A_353 : i32 to vector<128x128xi32>
    %select_n3A_355 = arith.select %eq3A_352, %add3A_338, %broadcast_in_dim3A_354 : vector<128x128xi1>, vector<128x128xi32>
    %min3A_356 = arith.minsi %min3A_334, %select_n3A_355 : vector<128x128xi32>
    %slice3A_357 = vector.extract_strided_slice %sub3A {offsets = [0, 640], sizes = [128, 128], strides = [1, 1]} : vector<128x4096xf32> to vector<128x128xf32>
    %add3A_358 = arith.constant 640 : i32
    %add3A_359 = vector.broadcast %add3A_358 : i32 to vector<128x128xi32>
    %add3A_360 = arith.addi %iota3A_244, %add3A_359 : vector<128x128xi32>
    %eq3A_361 = vector.broadcast %broadcast_in_dim3A_213 : vector<128x1xf32> to vector<128x128xf32>
    %eq3A_362 = arith.cmpf oeq, %slice3A_357, %eq3A_361 : vector<128x128xf32>
    %jit3A_363 = arith.constant 4096 : i32
    %broadcast_in_dim3A_364 = vector.broadcast %jit3A_363 : i32 to vector<128x128xi32>
    %select_n3A_365 = arith.select %eq3A_362, %add3A_360, %broadcast_in_dim3A_364 : vector<128x128xi1>, vector<128x128xi32>
    %min3A_366 = arith.minsi %min3A_344, %select_n3A_365 : vector<128x128xi32>
    %eq3A_367 = vector.broadcast %broadcast_in_dim3A_227 : vector<128x1xf32> to vector<128x128xf32>
    %eq3A_368 = arith.cmpf oeq, %slice3A_357, %eq3A_367 : vector<128x128xf32>
    %jit3A_369 = arith.constant 4096 : i32
    %broadcast_in_dim3A_370 = vector.broadcast %jit3A_369 : i32 to vector<128x128xi32>
    %select_n3A_371 = arith.select %eq3A_368, %add3A_360, %broadcast_in_dim3A_370 : vector<128x128xi1>, vector<128x128xi32>
    %min3A_372 = arith.minsi %min3A_350, %select_n3A_371 : vector<128x128xi32>
    %eq3A_373 = vector.broadcast %broadcast_in_dim3A_243 : vector<128x1xf32> to vector<128x128xf32>
    %eq3A_374 = arith.cmpf oeq, %slice3A_357, %eq3A_373 : vector<128x128xf32>
    %jit3A_375 = arith.constant 4096 : i32
    %broadcast_in_dim3A_376 = vector.broadcast %jit3A_375 : i32 to vector<128x128xi32>
    %select_n3A_377 = arith.select %eq3A_374, %add3A_360, %broadcast_in_dim3A_376 : vector<128x128xi1>, vector<128x128xi32>
    %min3A_378 = arith.minsi %min3A_356, %select_n3A_377 : vector<128x128xi32>
    %slice3A_379 = vector.extract_strided_slice %sub3A {offsets = [0, 768], sizes = [128, 128], strides = [1, 1]} : vector<128x4096xf32> to vector<128x128xf32>
    %add3A_380 = arith.constant 768 : i32
    %add3A_381 = vector.broadcast %add3A_380 : i32 to vector<128x128xi32>
    %add3A_382 = arith.addi %iota3A_244, %add3A_381 : vector<128x128xi32>
    %eq3A_383 = vector.broadcast %broadcast_in_dim3A_213 : vector<128x1xf32> to vector<128x128xf32>
    %eq3A_384 = arith.cmpf oeq, %slice3A_379, %eq3A_383 : vector<128x128xf32>
    %jit3A_385 = arith.constant 4096 : i32
    %broadcast_in_dim3A_386 = vector.broadcast %jit3A_385 : i32 to vector<128x128xi32>
    %select_n3A_387 = arith.select %eq3A_384, %add3A_382, %broadcast_in_dim3A_386 : vector<128x128xi1>, vector<128x128xi32>
    %min3A_388 = arith.minsi %min3A_366, %select_n3A_387 : vector<128x128xi32>
    %eq3A_389 = vector.broadcast %broadcast_in_dim3A_227 : vector<128x1xf32> to vector<128x128xf32>
    %eq3A_390 = arith.cmpf oeq, %slice3A_379, %eq3A_389 : vector<128x128xf32>
    %jit3A_391 = arith.constant 4096 : i32
    %broadcast_in_dim3A_392 = vector.broadcast %jit3A_391 : i32 to vector<128x128xi32>
    %select_n3A_393 = arith.select %eq3A_390, %add3A_382, %broadcast_in_dim3A_392 : vector<128x128xi1>, vector<128x128xi32>
    %min3A_394 = arith.minsi %min3A_372, %select_n3A_393 : vector<128x128xi32>
    %eq3A_395 = vector.broadcast %broadcast_in_dim3A_243 : vector<128x1xf32> to vector<128x128xf32>
    %eq3A_396 = arith.cmpf oeq, %slice3A_379, %eq3A_395 : vector<128x128xf32>
    %jit3A_397 = arith.constant 4096 : i32
    %broadcast_in_dim3A_398 = vector.broadcast %jit3A_397 : i32 to vector<128x128xi32>
    %select_n3A_399 = arith.select %eq3A_396, %add3A_382, %broadcast_in_dim3A_398 : vector<128x128xi1>, vector<128x128xi32>
    %min3A_400 = arith.minsi %min3A_378, %select_n3A_399 : vector<128x128xi32>
    %slice3A_401 = vector.extract_strided_slice %sub3A {offsets = [0, 896], sizes = [128, 128], strides = [1, 1]} : vector<128x4096xf32> to vector<128x128xf32>
    %add3A_402 = arith.constant 896 : i32
    %add3A_403 = vector.broadcast %add3A_402 : i32 to vector<128x128xi32>
    %add3A_404 = arith.addi %iota3A_244, %add3A_403 : vector<128x128xi32>
    %eq3A_405 = vector.broadcast %broadcast_in_dim3A_213 : vector<128x1xf32> to vector<128x128xf32>
    %eq3A_406 = arith.cmpf oeq, %slice3A_401, %eq3A_405 : vector<128x128xf32>
    %jit3A_407 = arith.constant 4096 : i32
    %broadcast_in_dim3A_408 = vector.broadcast %jit3A_407 : i32 to vector<128x128xi32>
    %select_n3A_409 = arith.select %eq3A_406, %add3A_404, %broadcast_in_dim3A_408 : vector<128x128xi1>, vector<128x128xi32>
    %min3A_410 = arith.minsi %min3A_388, %select_n3A_409 : vector<128x128xi32>
    %eq3A_411 = vector.broadcast %broadcast_in_dim3A_227 : vector<128x1xf32> to vector<128x128xf32>
    %eq3A_412 = arith.cmpf oeq, %slice3A_401, %eq3A_411 : vector<128x128xf32>
    %jit3A_413 = arith.constant 4096 : i32
    %broadcast_in_dim3A_414 = vector.broadcast %jit3A_413 : i32 to vector<128x128xi32>
    %select_n3A_415 = arith.select %eq3A_412, %add3A_404, %broadcast_in_dim3A_414 : vector<128x128xi1>, vector<128x128xi32>
    %min3A_416 = arith.minsi %min3A_394, %select_n3A_415 : vector<128x128xi32>
    %eq3A_417 = vector.broadcast %broadcast_in_dim3A_243 : vector<128x1xf32> to vector<128x128xf32>
    %eq3A_418 = arith.cmpf oeq, %slice3A_401, %eq3A_417 : vector<128x128xf32>
    %jit3A_419 = arith.constant 4096 : i32
    %broadcast_in_dim3A_420 = vector.broadcast %jit3A_419 : i32 to vector<128x128xi32>
    %select_n3A_421 = arith.select %eq3A_418, %add3A_404, %broadcast_in_dim3A_420 : vector<128x128xi1>, vector<128x128xi32>
    %min3A_422 = arith.minsi %min3A_400, %select_n3A_421 : vector<128x128xi32>
    %slice3A_423 = vector.extract_strided_slice %sub3A {offsets = [0, 1024], sizes = [128, 128], strides = [1, 1]} : vector<128x4096xf32> to vector<128x128xf32>
    %add3A_424 = arith.constant 1024 : i32
    %add3A_425 = vector.broadcast %add3A_424 : i32 to vector<128x128xi32>
    %add3A_426 = arith.addi %iota3A_244, %add3A_425 : vector<128x128xi32>
    %eq3A_427 = vector.broadcast %broadcast_in_dim3A_213 : vector<128x1xf32> to vector<128x128xf32>
    %eq3A_428 = arith.cmpf oeq, %slice3A_423, %eq3A_427 : vector<128x128xf32>
    %jit3A_429 = arith.constant 4096 : i32
    %broadcast_in_dim3A_430 = vector.broadcast %jit3A_429 : i32 to vector<128x128xi32>
    %select_n3A_431 = arith.select %eq3A_428, %add3A_426, %broadcast_in_dim3A_430 : vector<128x128xi1>, vector<128x128xi32>
    %min3A_432 = arith.minsi %min3A_410, %select_n3A_431 : vector<128x128xi32>
    %eq3A_433 = vector.broadcast %broadcast_in_dim3A_227 : vector<128x1xf32> to vector<128x128xf32>
    %eq3A_434 = arith.cmpf oeq, %slice3A_423, %eq3A_433 : vector<128x128xf32>
    %jit3A_435 = arith.constant 4096 : i32
    %broadcast_in_dim3A_436 = vector.broadcast %jit3A_435 : i32 to vector<128x128xi32>
    %select_n3A_437 = arith.select %eq3A_434, %add3A_426, %broadcast_in_dim3A_436 : vector<128x128xi1>, vector<128x128xi32>
    %min3A_438 = arith.minsi %min3A_416, %select_n3A_437 : vector<128x128xi32>
    %eq3A_439 = vector.broadcast %broadcast_in_dim3A_243 : vector<128x1xf32> to vector<128x128xf32>
    %eq3A_440 = arith.cmpf oeq, %slice3A_423, %eq3A_439 : vector<128x128xf32>
    %jit3A_441 = arith.constant 4096 : i32
    %broadcast_in_dim3A_442 = vector.broadcast %jit3A_441 : i32 to vector<128x128xi32>
    %select_n3A_443 = arith.select %eq3A_440, %add3A_426, %broadcast_in_dim3A_442 : vector<128x128xi1>, vector<128x128xi32>
    %min3A_444 = arith.minsi %min3A_422, %select_n3A_443 : vector<128x128xi32>
    %slice3A_445 = vector.extract_strided_slice %sub3A {offsets = [0, 1152], sizes = [128, 128], strides = [1, 1]} : vector<128x4096xf32> to vector<128x128xf32>
    %add3A_446 = arith.constant 1152 : i32
    %add3A_447 = vector.broadcast %add3A_446 : i32 to vector<128x128xi32>
    %add3A_448 = arith.addi %iota3A_244, %add3A_447 : vector<128x128xi32>
    %eq3A_449 = vector.broadcast %broadcast_in_dim3A_213 : vector<128x1xf32> to vector<128x128xf32>
    %eq3A_450 = arith.cmpf oeq, %slice3A_445, %eq3A_449 : vector<128x128xf32>
    %jit3A_451 = arith.constant 4096 : i32
    %broadcast_in_dim3A_452 = vector.broadcast %jit3A_451 : i32 to vector<128x128xi32>
    %select_n3A_453 = arith.select %eq3A_450, %add3A_448, %broadcast_in_dim3A_452 : vector<128x128xi1>, vector<128x128xi32>
    %min3A_454 = arith.minsi %min3A_432, %select_n3A_453 : vector<128x128xi32>
    %eq3A_455 = vector.broadcast %broadcast_in_dim3A_227 : vector<128x1xf32> to vector<128x128xf32>
    %eq3A_456 = arith.cmpf oeq, %slice3A_445, %eq3A_455 : vector<128x128xf32>
    %jit3A_457 = arith.constant 4096 : i32
    %broadcast_in_dim3A_458 = vector.broadcast %jit3A_457 : i32 to vector<128x128xi32>
    %select_n3A_459 = arith.select %eq3A_456, %add3A_448, %broadcast_in_dim3A_458 : vector<128x128xi1>, vector<128x128xi32>
    %min3A_460 = arith.minsi %min3A_438, %select_n3A_459 : vector<128x128xi32>
    %eq3A_461 = vector.broadcast %broadcast_in_dim3A_243 : vector<128x1xf32> to vector<128x128xf32>
    %eq3A_462 = arith.cmpf oeq, %slice3A_445, %eq3A_461 : vector<128x128xf32>
    %jit3A_463 = arith.constant 4096 : i32
    %broadcast_in_dim3A_464 = vector.broadcast %jit3A_463 : i32 to vector<128x128xi32>
    %select_n3A_465 = arith.select %eq3A_462, %add3A_448, %broadcast_in_dim3A_464 : vector<128x128xi1>, vector<128x128xi32>
    %min3A_466 = arith.minsi %min3A_444, %select_n3A_465 : vector<128x128xi32>
    %slice3A_467 = vector.extract_strided_slice %sub3A {offsets = [0, 1280], sizes = [128, 128], strides = [1, 1]} : vector<128x4096xf32> to vector<128x128xf32>
    %add3A_468 = arith.constant 1280 : i32
    %add3A_469 = vector.broadcast %add3A_468 : i32 to vector<128x128xi32>
    %add3A_470 = arith.addi %iota3A_244, %add3A_469 : vector<128x128xi32>
    %eq3A_471 = vector.broadcast %broadcast_in_dim3A_213 : vector<128x1xf32> to vector<128x128xf32>
    %eq3A_472 = arith.cmpf oeq, %slice3A_467, %eq3A_471 : vector<128x128xf32>
    %jit3A_473 = arith.constant 4096 : i32
    %broadcast_in_dim3A_474 = vector.broadcast %jit3A_473 : i32 to vector<128x128xi32>
    %select_n3A_475 = arith.select %eq3A_472, %add3A_470, %broadcast_in_dim3A_474 : vector<128x128xi1>, vector<128x128xi32>
    %min3A_476 = arith.minsi %min3A_454, %select_n3A_475 : vector<128x128xi32>
    %eq3A_477 = vector.broadcast %broadcast_in_dim3A_227 : vector<128x1xf32> to vector<128x128xf32>
    %eq3A_478 = arith.cmpf oeq, %slice3A_467, %eq3A_477 : vector<128x128xf32>
    %jit3A_479 = arith.constant 4096 : i32
    %broadcast_in_dim3A_480 = vector.broadcast %jit3A_479 : i32 to vector<128x128xi32>
    %select_n3A_481 = arith.select %eq3A_478, %add3A_470, %broadcast_in_dim3A_480 : vector<128x128xi1>, vector<128x128xi32>
    %min3A_482 = arith.minsi %min3A_460, %select_n3A_481 : vector<128x128xi32>
    %eq3A_483 = vector.broadcast %broadcast_in_dim3A_243 : vector<128x1xf32> to vector<128x128xf32>
    %eq3A_484 = arith.cmpf oeq, %slice3A_467, %eq3A_483 : vector<128x128xf32>
    %jit3A_485 = arith.constant 4096 : i32
    %broadcast_in_dim3A_486 = vector.broadcast %jit3A_485 : i32 to vector<128x128xi32>
    %select_n3A_487 = arith.select %eq3A_484, %add3A_470, %broadcast_in_dim3A_486 : vector<128x128xi1>, vector<128x128xi32>
    %min3A_488 = arith.minsi %min3A_466, %select_n3A_487 : vector<128x128xi32>
    %slice3A_489 = vector.extract_strided_slice %sub3A {offsets = [0, 1408], sizes = [128, 128], strides = [1, 1]} : vector<128x4096xf32> to vector<128x128xf32>
    %add3A_490 = arith.constant 1408 : i32
    %add3A_491 = vector.broadcast %add3A_490 : i32 to vector<128x128xi32>
    %add3A_492 = arith.addi %iota3A_244, %add3A_491 : vector<128x128xi32>
    %eq3A_493 = vector.broadcast %broadcast_in_dim3A_213 : vector<128x1xf32> to vector<128x128xf32>
    %eq3A_494 = arith.cmpf oeq, %slice3A_489, %eq3A_493 : vector<128x128xf32>
    %jit3A_495 = arith.constant 4096 : i32
    %broadcast_in_dim3A_496 = vector.broadcast %jit3A_495 : i32 to vector<128x128xi32>
    %select_n3A_497 = arith.select %eq3A_494, %add3A_492, %broadcast_in_dim3A_496 : vector<128x128xi1>, vector<128x128xi32>
    %min3A_498 = arith.minsi %min3A_476, %select_n3A_497 : vector<128x128xi32>
    %eq3A_499 = vector.broadcast %broadcast_in_dim3A_227 : vector<128x1xf32> to vector<128x128xf32>
    %eq3A_500 = arith.cmpf oeq, %slice3A_489, %eq3A_499 : vector<128x128xf32>
    %jit3A_501 = arith.constant 4096 : i32
    %broadcast_in_dim3A_502 = vector.broadcast %jit3A_501 : i32 to vector<128x128xi32>
    %select_n3A_503 = arith.select %eq3A_500, %add3A_492, %broadcast_in_dim3A_502 : vector<128x128xi1>, vector<128x128xi32>
    %min3A_504 = arith.minsi %min3A_482, %select_n3A_503 : vector<128x128xi32>
    %eq3A_505 = vector.broadcast %broadcast_in_dim3A_243 : vector<128x1xf32> to vector<128x128xf32>
    %eq3A_506 = arith.cmpf oeq, %slice3A_489, %eq3A_505 : vector<128x128xf32>
    %jit3A_507 = arith.constant 4096 : i32
    %broadcast_in_dim3A_508 = vector.broadcast %jit3A_507 : i32 to vector<128x128xi32>
    %select_n3A_509 = arith.select %eq3A_506, %add3A_492, %broadcast_in_dim3A_508 : vector<128x128xi1>, vector<128x128xi32>
    %min3A_510 = arith.minsi %min3A_488, %select_n3A_509 : vector<128x128xi32>
    %slice3A_511 = vector.extract_strided_slice %sub3A {offsets = [0, 1536], sizes = [128, 128], strides = [1, 1]} : vector<128x4096xf32> to vector<128x128xf32>
    %add3A_512 = arith.constant 1536 : i32
    %add3A_513 = vector.broadcast %add3A_512 : i32 to vector<128x128xi32>
    %add3A_514 = arith.addi %iota3A_244, %add3A_513 : vector<128x128xi32>
    %eq3A_515 = vector.broadcast %broadcast_in_dim3A_213 : vector<128x1xf32> to vector<128x128xf32>
    %eq3A_516 = arith.cmpf oeq, %slice3A_511, %eq3A_515 : vector<128x128xf32>
    %jit3A_517 = arith.constant 4096 : i32
    %broadcast_in_dim3A_518 = vector.broadcast %jit3A_517 : i32 to vector<128x128xi32>
    %select_n3A_519 = arith.select %eq3A_516, %add3A_514, %broadcast_in_dim3A_518 : vector<128x128xi1>, vector<128x128xi32>
    %min3A_520 = arith.minsi %min3A_498, %select_n3A_519 : vector<128x128xi32>
    %eq3A_521 = vector.broadcast %broadcast_in_dim3A_227 : vector<128x1xf32> to vector<128x128xf32>
    %eq3A_522 = arith.cmpf oeq, %slice3A_511, %eq3A_521 : vector<128x128xf32>
    %jit3A_523 = arith.constant 4096 : i32
    %broadcast_in_dim3A_524 = vector.broadcast %jit3A_523 : i32 to vector<128x128xi32>
    %select_n3A_525 = arith.select %eq3A_522, %add3A_514, %broadcast_in_dim3A_524 : vector<128x128xi1>, vector<128x128xi32>
    %min3A_526 = arith.minsi %min3A_504, %select_n3A_525 : vector<128x128xi32>
    %eq3A_527 = vector.broadcast %broadcast_in_dim3A_243 : vector<128x1xf32> to vector<128x128xf32>
    %eq3A_528 = arith.cmpf oeq, %slice3A_511, %eq3A_527 : vector<128x128xf32>
    %jit3A_529 = arith.constant 4096 : i32
    %broadcast_in_dim3A_530 = vector.broadcast %jit3A_529 : i32 to vector<128x128xi32>
    %select_n3A_531 = arith.select %eq3A_528, %add3A_514, %broadcast_in_dim3A_530 : vector<128x128xi1>, vector<128x128xi32>
    %min3A_532 = arith.minsi %min3A_510, %select_n3A_531 : vector<128x128xi32>
    %slice3A_533 = vector.extract_strided_slice %sub3A {offsets = [0, 1664], sizes = [128, 128], strides = [1, 1]} : vector<128x4096xf32> to vector<128x128xf32>
    %add3A_534 = arith.constant 1664 : i32
    %add3A_535 = vector.broadcast %add3A_534 : i32 to vector<128x128xi32>
    %add3A_536 = arith.addi %iota3A_244, %add3A_535 : vector<128x128xi32>
    %eq3A_537 = vector.broadcast %broadcast_in_dim3A_213 : vector<128x1xf32> to vector<128x128xf32>
    %eq3A_538 = arith.cmpf oeq, %slice3A_533, %eq3A_537 : vector<128x128xf32>
    %jit3A_539 = arith.constant 4096 : i32
    %broadcast_in_dim3A_540 = vector.broadcast %jit3A_539 : i32 to vector<128x128xi32>
    %select_n3A_541 = arith.select %eq3A_538, %add3A_536, %broadcast_in_dim3A_540 : vector<128x128xi1>, vector<128x128xi32>
    %min3A_542 = arith.minsi %min3A_520, %select_n3A_541 : vector<128x128xi32>
    %eq3A_543 = vector.broadcast %broadcast_in_dim3A_227 : vector<128x1xf32> to vector<128x128xf32>
    %eq3A_544 = arith.cmpf oeq, %slice3A_533, %eq3A_543 : vector<128x128xf32>
    %jit3A_545 = arith.constant 4096 : i32
    %broadcast_in_dim3A_546 = vector.broadcast %jit3A_545 : i32 to vector<128x128xi32>
    %select_n3A_547 = arith.select %eq3A_544, %add3A_536, %broadcast_in_dim3A_546 : vector<128x128xi1>, vector<128x128xi32>
    %min3A_548 = arith.minsi %min3A_526, %select_n3A_547 : vector<128x128xi32>
    %eq3A_549 = vector.broadcast %broadcast_in_dim3A_243 : vector<128x1xf32> to vector<128x128xf32>
    %eq3A_550 = arith.cmpf oeq, %slice3A_533, %eq3A_549 : vector<128x128xf32>
    %jit3A_551 = arith.constant 4096 : i32
    %broadcast_in_dim3A_552 = vector.broadcast %jit3A_551 : i32 to vector<128x128xi32>
    %select_n3A_553 = arith.select %eq3A_550, %add3A_536, %broadcast_in_dim3A_552 : vector<128x128xi1>, vector<128x128xi32>
    %min3A_554 = arith.minsi %min3A_532, %select_n3A_553 : vector<128x128xi32>
    %slice3A_555 = vector.extract_strided_slice %sub3A {offsets = [0, 1792], sizes = [128, 128], strides = [1, 1]} : vector<128x4096xf32> to vector<128x128xf32>
    %add3A_556 = arith.constant 1792 : i32
    %add3A_557 = vector.broadcast %add3A_556 : i32 to vector<128x128xi32>
    %add3A_558 = arith.addi %iota3A_244, %add3A_557 : vector<128x128xi32>
    %eq3A_559 = vector.broadcast %broadcast_in_dim3A_213 : vector<128x1xf32> to vector<128x128xf32>
    %eq3A_560 = arith.cmpf oeq, %slice3A_555, %eq3A_559 : vector<128x128xf32>
    %jit3A_561 = arith.constant 4096 : i32
    %broadcast_in_dim3A_562 = vector.broadcast %jit3A_561 : i32 to vector<128x128xi32>
    %select_n3A_563 = arith.select %eq3A_560, %add3A_558, %broadcast_in_dim3A_562 : vector<128x128xi1>, vector<128x128xi32>
    %min3A_564 = arith.minsi %min3A_542, %select_n3A_563 : vector<128x128xi32>
    %eq3A_565 = vector.broadcast %broadcast_in_dim3A_227 : vector<128x1xf32> to vector<128x128xf32>
    %eq3A_566 = arith.cmpf oeq, %slice3A_555, %eq3A_565 : vector<128x128xf32>
    %jit3A_567 = arith.constant 4096 : i32
    %broadcast_in_dim3A_568 = vector.broadcast %jit3A_567 : i32 to vector<128x128xi32>
    %select_n3A_569 = arith.select %eq3A_566, %add3A_558, %broadcast_in_dim3A_568 : vector<128x128xi1>, vector<128x128xi32>
    %min3A_570 = arith.minsi %min3A_548, %select_n3A_569 : vector<128x128xi32>
    %eq3A_571 = vector.broadcast %broadcast_in_dim3A_243 : vector<128x1xf32> to vector<128x128xf32>
    %eq3A_572 = arith.cmpf oeq, %slice3A_555, %eq3A_571 : vector<128x128xf32>
    %jit3A_573 = arith.constant 4096 : i32
    %broadcast_in_dim3A_574 = vector.broadcast %jit3A_573 : i32 to vector<128x128xi32>
    %select_n3A_575 = arith.select %eq3A_572, %add3A_558, %broadcast_in_dim3A_574 : vector<128x128xi1>, vector<128x128xi32>
    %min3A_576 = arith.minsi %min3A_554, %select_n3A_575 : vector<128x128xi32>
    %slice3A_577 = vector.extract_strided_slice %sub3A {offsets = [0, 1920], sizes = [128, 128], strides = [1, 1]} : vector<128x4096xf32> to vector<128x128xf32>
    %add3A_578 = arith.constant 1920 : i32
    %add3A_579 = vector.broadcast %add3A_578 : i32 to vector<128x128xi32>
    %add3A_580 = arith.addi %iota3A_244, %add3A_579 : vector<128x128xi32>
    %eq3A_581 = vector.broadcast %broadcast_in_dim3A_213 : vector<128x1xf32> to vector<128x128xf32>
    %eq3A_582 = arith.cmpf oeq, %slice3A_577, %eq3A_581 : vector<128x128xf32>
    %jit3A_583 = arith.constant 4096 : i32
    %broadcast_in_dim3A_584 = vector.broadcast %jit3A_583 : i32 to vector<128x128xi32>
    %select_n3A_585 = arith.select %eq3A_582, %add3A_580, %broadcast_in_dim3A_584 : vector<128x128xi1>, vector<128x128xi32>
    %min3A_586 = arith.minsi %min3A_564, %select_n3A_585 : vector<128x128xi32>
    %eq3A_587 = vector.broadcast %broadcast_in_dim3A_227 : vector<128x1xf32> to vector<128x128xf32>
    %eq3A_588 = arith.cmpf oeq, %slice3A_577, %eq3A_587 : vector<128x128xf32>
    %jit3A_589 = arith.constant 4096 : i32
    %broadcast_in_dim3A_590 = vector.broadcast %jit3A_589 : i32 to vector<128x128xi32>
    %select_n3A_591 = arith.select %eq3A_588, %add3A_580, %broadcast_in_dim3A_590 : vector<128x128xi1>, vector<128x128xi32>
    %min3A_592 = arith.minsi %min3A_570, %select_n3A_591 : vector<128x128xi32>
    %eq3A_593 = vector.broadcast %broadcast_in_dim3A_243 : vector<128x1xf32> to vector<128x128xf32>
    %eq3A_594 = arith.cmpf oeq, %slice3A_577, %eq3A_593 : vector<128x128xf32>
    %jit3A_595 = arith.constant 4096 : i32
    %broadcast_in_dim3A_596 = vector.broadcast %jit3A_595 : i32 to vector<128x128xi32>
    %select_n3A_597 = arith.select %eq3A_594, %add3A_580, %broadcast_in_dim3A_596 : vector<128x128xi1>, vector<128x128xi32>
    %min3A_598 = arith.minsi %min3A_576, %select_n3A_597 : vector<128x128xi32>
    %slice3A_599 = vector.extract_strided_slice %sub3A {offsets = [0, 2048], sizes = [128, 128], strides = [1, 1]} : vector<128x4096xf32> to vector<128x128xf32>
    %add3A_600 = arith.constant 2048 : i32
    %add3A_601 = vector.broadcast %add3A_600 : i32 to vector<128x128xi32>
    %add3A_602 = arith.addi %iota3A_244, %add3A_601 : vector<128x128xi32>
    %eq3A_603 = vector.broadcast %broadcast_in_dim3A_213 : vector<128x1xf32> to vector<128x128xf32>
    %eq3A_604 = arith.cmpf oeq, %slice3A_599, %eq3A_603 : vector<128x128xf32>
    %jit3A_605 = arith.constant 4096 : i32
    %broadcast_in_dim3A_606 = vector.broadcast %jit3A_605 : i32 to vector<128x128xi32>
    %select_n3A_607 = arith.select %eq3A_604, %add3A_602, %broadcast_in_dim3A_606 : vector<128x128xi1>, vector<128x128xi32>
    %min3A_608 = arith.minsi %min3A_586, %select_n3A_607 : vector<128x128xi32>
    %eq3A_609 = vector.broadcast %broadcast_in_dim3A_227 : vector<128x1xf32> to vector<128x128xf32>
    %eq3A_610 = arith.cmpf oeq, %slice3A_599, %eq3A_609 : vector<128x128xf32>
    %jit3A_611 = arith.constant 4096 : i32
    %broadcast_in_dim3A_612 = vector.broadcast %jit3A_611 : i32 to vector<128x128xi32>
    %select_n3A_613 = arith.select %eq3A_610, %add3A_602, %broadcast_in_dim3A_612 : vector<128x128xi1>, vector<128x128xi32>
    %min3A_614 = arith.minsi %min3A_592, %select_n3A_613 : vector<128x128xi32>
    %eq3A_615 = vector.broadcast %broadcast_in_dim3A_243 : vector<128x1xf32> to vector<128x128xf32>
    %eq3A_616 = arith.cmpf oeq, %slice3A_599, %eq3A_615 : vector<128x128xf32>
    %jit3A_617 = arith.constant 4096 : i32
    %broadcast_in_dim3A_618 = vector.broadcast %jit3A_617 : i32 to vector<128x128xi32>
    %select_n3A_619 = arith.select %eq3A_616, %add3A_602, %broadcast_in_dim3A_618 : vector<128x128xi1>, vector<128x128xi32>
    %min3A_620 = arith.minsi %min3A_598, %select_n3A_619 : vector<128x128xi32>
    %slice3A_621 = vector.extract_strided_slice %sub3A {offsets = [0, 2176], sizes = [128, 128], strides = [1, 1]} : vector<128x4096xf32> to vector<128x128xf32>
    %add3A_622 = arith.constant 2176 : i32
    %add3A_623 = vector.broadcast %add3A_622 : i32 to vector<128x128xi32>
    %add3A_624 = arith.addi %iota3A_244, %add3A_623 : vector<128x128xi32>
    %eq3A_625 = vector.broadcast %broadcast_in_dim3A_213 : vector<128x1xf32> to vector<128x128xf32>
    %eq3A_626 = arith.cmpf oeq, %slice3A_621, %eq3A_625 : vector<128x128xf32>
    %jit3A_627 = arith.constant 4096 : i32
    %broadcast_in_dim3A_628 = vector.broadcast %jit3A_627 : i32 to vector<128x128xi32>
    %select_n3A_629 = arith.select %eq3A_626, %add3A_624, %broadcast_in_dim3A_628 : vector<128x128xi1>, vector<128x128xi32>
    %min3A_630 = arith.minsi %min3A_608, %select_n3A_629 : vector<128x128xi32>
    %eq3A_631 = vector.broadcast %broadcast_in_dim3A_227 : vector<128x1xf32> to vector<128x128xf32>
    %eq3A_632 = arith.cmpf oeq, %slice3A_621, %eq3A_631 : vector<128x128xf32>
    %jit3A_633 = arith.constant 4096 : i32
    %broadcast_in_dim3A_634 = vector.broadcast %jit3A_633 : i32 to vector<128x128xi32>
    %select_n3A_635 = arith.select %eq3A_632, %add3A_624, %broadcast_in_dim3A_634 : vector<128x128xi1>, vector<128x128xi32>
    %min3A_636 = arith.minsi %min3A_614, %select_n3A_635 : vector<128x128xi32>
    %eq3A_637 = vector.broadcast %broadcast_in_dim3A_243 : vector<128x1xf32> to vector<128x128xf32>
    %eq3A_638 = arith.cmpf oeq, %slice3A_621, %eq3A_637 : vector<128x128xf32>
    %jit3A_639 = arith.constant 4096 : i32
    %broadcast_in_dim3A_640 = vector.broadcast %jit3A_639 : i32 to vector<128x128xi32>
    %select_n3A_641 = arith.select %eq3A_638, %add3A_624, %broadcast_in_dim3A_640 : vector<128x128xi1>, vector<128x128xi32>
    %min3A_642 = arith.minsi %min3A_620, %select_n3A_641 : vector<128x128xi32>
    %slice3A_643 = vector.extract_strided_slice %sub3A {offsets = [0, 2304], sizes = [128, 128], strides = [1, 1]} : vector<128x4096xf32> to vector<128x128xf32>
    %add3A_644 = arith.constant 2304 : i32
    %add3A_645 = vector.broadcast %add3A_644 : i32 to vector<128x128xi32>
    %add3A_646 = arith.addi %iota3A_244, %add3A_645 : vector<128x128xi32>
    %eq3A_647 = vector.broadcast %broadcast_in_dim3A_213 : vector<128x1xf32> to vector<128x128xf32>
    %eq3A_648 = arith.cmpf oeq, %slice3A_643, %eq3A_647 : vector<128x128xf32>
    %jit3A_649 = arith.constant 4096 : i32
    %broadcast_in_dim3A_650 = vector.broadcast %jit3A_649 : i32 to vector<128x128xi32>
    %select_n3A_651 = arith.select %eq3A_648, %add3A_646, %broadcast_in_dim3A_650 : vector<128x128xi1>, vector<128x128xi32>
    %min3A_652 = arith.minsi %min3A_630, %select_n3A_651 : vector<128x128xi32>
    %eq3A_653 = vector.broadcast %broadcast_in_dim3A_227 : vector<128x1xf32> to vector<128x128xf32>
    %eq3A_654 = arith.cmpf oeq, %slice3A_643, %eq3A_653 : vector<128x128xf32>
    %jit3A_655 = arith.constant 4096 : i32
    %broadcast_in_dim3A_656 = vector.broadcast %jit3A_655 : i32 to vector<128x128xi32>
    %select_n3A_657 = arith.select %eq3A_654, %add3A_646, %broadcast_in_dim3A_656 : vector<128x128xi1>, vector<128x128xi32>
    %min3A_658 = arith.minsi %min3A_636, %select_n3A_657 : vector<128x128xi32>
    %eq3A_659 = vector.broadcast %broadcast_in_dim3A_243 : vector<128x1xf32> to vector<128x128xf32>
    %eq3A_660 = arith.cmpf oeq, %slice3A_643, %eq3A_659 : vector<128x128xf32>
    %jit3A_661 = arith.constant 4096 : i32
    %broadcast_in_dim3A_662 = vector.broadcast %jit3A_661 : i32 to vector<128x128xi32>
    %select_n3A_663 = arith.select %eq3A_660, %add3A_646, %broadcast_in_dim3A_662 : vector<128x128xi1>, vector<128x128xi32>
    %min3A_664 = arith.minsi %min3A_642, %select_n3A_663 : vector<128x128xi32>
    %slice3A_665 = vector.extract_strided_slice %sub3A {offsets = [0, 2432], sizes = [128, 128], strides = [1, 1]} : vector<128x4096xf32> to vector<128x128xf32>
    %add3A_666 = arith.constant 2432 : i32
    %add3A_667 = vector.broadcast %add3A_666 : i32 to vector<128x128xi32>
    %add3A_668 = arith.addi %iota3A_244, %add3A_667 : vector<128x128xi32>
    %eq3A_669 = vector.broadcast %broadcast_in_dim3A_213 : vector<128x1xf32> to vector<128x128xf32>
    %eq3A_670 = arith.cmpf oeq, %slice3A_665, %eq3A_669 : vector<128x128xf32>
    %jit3A_671 = arith.constant 4096 : i32
    %broadcast_in_dim3A_672 = vector.broadcast %jit3A_671 : i32 to vector<128x128xi32>
    %select_n3A_673 = arith.select %eq3A_670, %add3A_668, %broadcast_in_dim3A_672 : vector<128x128xi1>, vector<128x128xi32>
    %min3A_674 = arith.minsi %min3A_652, %select_n3A_673 : vector<128x128xi32>
    %eq3A_675 = vector.broadcast %broadcast_in_dim3A_227 : vector<128x1xf32> to vector<128x128xf32>
    %eq3A_676 = arith.cmpf oeq, %slice3A_665, %eq3A_675 : vector<128x128xf32>
    %jit3A_677 = arith.constant 4096 : i32
    %broadcast_in_dim3A_678 = vector.broadcast %jit3A_677 : i32 to vector<128x128xi32>
    %select_n3A_679 = arith.select %eq3A_676, %add3A_668, %broadcast_in_dim3A_678 : vector<128x128xi1>, vector<128x128xi32>
    %min3A_680 = arith.minsi %min3A_658, %select_n3A_679 : vector<128x128xi32>
    %eq3A_681 = vector.broadcast %broadcast_in_dim3A_243 : vector<128x1xf32> to vector<128x128xf32>
    %eq3A_682 = arith.cmpf oeq, %slice3A_665, %eq3A_681 : vector<128x128xf32>
    %jit3A_683 = arith.constant 4096 : i32
    %broadcast_in_dim3A_684 = vector.broadcast %jit3A_683 : i32 to vector<128x128xi32>
    %select_n3A_685 = arith.select %eq3A_682, %add3A_668, %broadcast_in_dim3A_684 : vector<128x128xi1>, vector<128x128xi32>
    %min3A_686 = arith.minsi %min3A_664, %select_n3A_685 : vector<128x128xi32>
    %slice3A_687 = vector.extract_strided_slice %sub3A {offsets = [0, 2560], sizes = [128, 128], strides = [1, 1]} : vector<128x4096xf32> to vector<128x128xf32>
    %add3A_688 = arith.constant 2560 : i32
    %add3A_689 = vector.broadcast %add3A_688 : i32 to vector<128x128xi32>
    %add3A_690 = arith.addi %iota3A_244, %add3A_689 : vector<128x128xi32>
    %eq3A_691 = vector.broadcast %broadcast_in_dim3A_213 : vector<128x1xf32> to vector<128x128xf32>
    %eq3A_692 = arith.cmpf oeq, %slice3A_687, %eq3A_691 : vector<128x128xf32>
    %jit3A_693 = arith.constant 4096 : i32
    %broadcast_in_dim3A_694 = vector.broadcast %jit3A_693 : i32 to vector<128x128xi32>
    %select_n3A_695 = arith.select %eq3A_692, %add3A_690, %broadcast_in_dim3A_694 : vector<128x128xi1>, vector<128x128xi32>
    %min3A_696 = arith.minsi %min3A_674, %select_n3A_695 : vector<128x128xi32>
    %eq3A_697 = vector.broadcast %broadcast_in_dim3A_227 : vector<128x1xf32> to vector<128x128xf32>
    %eq3A_698 = arith.cmpf oeq, %slice3A_687, %eq3A_697 : vector<128x128xf32>
    %jit3A_699 = arith.constant 4096 : i32
    %broadcast_in_dim3A_700 = vector.broadcast %jit3A_699 : i32 to vector<128x128xi32>
    %select_n3A_701 = arith.select %eq3A_698, %add3A_690, %broadcast_in_dim3A_700 : vector<128x128xi1>, vector<128x128xi32>
    %min3A_702 = arith.minsi %min3A_680, %select_n3A_701 : vector<128x128xi32>
    %eq3A_703 = vector.broadcast %broadcast_in_dim3A_243 : vector<128x1xf32> to vector<128x128xf32>
    %eq3A_704 = arith.cmpf oeq, %slice3A_687, %eq3A_703 : vector<128x128xf32>
    %jit3A_705 = arith.constant 4096 : i32
    %broadcast_in_dim3A_706 = vector.broadcast %jit3A_705 : i32 to vector<128x128xi32>
    %select_n3A_707 = arith.select %eq3A_704, %add3A_690, %broadcast_in_dim3A_706 : vector<128x128xi1>, vector<128x128xi32>
    %min3A_708 = arith.minsi %min3A_686, %select_n3A_707 : vector<128x128xi32>
    %slice3A_709 = vector.extract_strided_slice %sub3A {offsets = [0, 2688], sizes = [128, 128], strides = [1, 1]} : vector<128x4096xf32> to vector<128x128xf32>
    %add3A_710 = arith.constant 2688 : i32
    %add3A_711 = vector.broadcast %add3A_710 : i32 to vector<128x128xi32>
    %add3A_712 = arith.addi %iota3A_244, %add3A_711 : vector<128x128xi32>
    %eq3A_713 = vector.broadcast %broadcast_in_dim3A_213 : vector<128x1xf32> to vector<128x128xf32>
    %eq3A_714 = arith.cmpf oeq, %slice3A_709, %eq3A_713 : vector<128x128xf32>
    %jit3A_715 = arith.constant 4096 : i32
    %broadcast_in_dim3A_716 = vector.broadcast %jit3A_715 : i32 to vector<128x128xi32>
    %select_n3A_717 = arith.select %eq3A_714, %add3A_712, %broadcast_in_dim3A_716 : vector<128x128xi1>, vector<128x128xi32>
    %min3A_718 = arith.minsi %min3A_696, %select_n3A_717 : vector<128x128xi32>
    %eq3A_719 = vector.broadcast %broadcast_in_dim3A_227 : vector<128x1xf32> to vector<128x128xf32>
    %eq3A_720 = arith.cmpf oeq, %slice3A_709, %eq3A_719 : vector<128x128xf32>
    %jit3A_721 = arith.constant 4096 : i32
    %broadcast_in_dim3A_722 = vector.broadcast %jit3A_721 : i32 to vector<128x128xi32>
    %select_n3A_723 = arith.select %eq3A_720, %add3A_712, %broadcast_in_dim3A_722 : vector<128x128xi1>, vector<128x128xi32>
    %min3A_724 = arith.minsi %min3A_702, %select_n3A_723 : vector<128x128xi32>
    %eq3A_725 = vector.broadcast %broadcast_in_dim3A_243 : vector<128x1xf32> to vector<128x128xf32>
    %eq3A_726 = arith.cmpf oeq, %slice3A_709, %eq3A_725 : vector<128x128xf32>
    %jit3A_727 = arith.constant 4096 : i32
    %broadcast_in_dim3A_728 = vector.broadcast %jit3A_727 : i32 to vector<128x128xi32>
    %select_n3A_729 = arith.select %eq3A_726, %add3A_712, %broadcast_in_dim3A_728 : vector<128x128xi1>, vector<128x128xi32>
    %min3A_730 = arith.minsi %min3A_708, %select_n3A_729 : vector<128x128xi32>
    %slice3A_731 = vector.extract_strided_slice %sub3A {offsets = [0, 2816], sizes = [128, 128], strides = [1, 1]} : vector<128x4096xf32> to vector<128x128xf32>
    %add3A_732 = arith.constant 2816 : i32
    %add3A_733 = vector.broadcast %add3A_732 : i32 to vector<128x128xi32>
    %add3A_734 = arith.addi %iota3A_244, %add3A_733 : vector<128x128xi32>
    %eq3A_735 = vector.broadcast %broadcast_in_dim3A_213 : vector<128x1xf32> to vector<128x128xf32>
    %eq3A_736 = arith.cmpf oeq, %slice3A_731, %eq3A_735 : vector<128x128xf32>
    %jit3A_737 = arith.constant 4096 : i32
    %broadcast_in_dim3A_738 = vector.broadcast %jit3A_737 : i32 to vector<128x128xi32>
    %select_n3A_739 = arith.select %eq3A_736, %add3A_734, %broadcast_in_dim3A_738 : vector<128x128xi1>, vector<128x128xi32>
    %min3A_740 = arith.minsi %min3A_718, %select_n3A_739 : vector<128x128xi32>
    %eq3A_741 = vector.broadcast %broadcast_in_dim3A_227 : vector<128x1xf32> to vector<128x128xf32>
    %eq3A_742 = arith.cmpf oeq, %slice3A_731, %eq3A_741 : vector<128x128xf32>
    %jit3A_743 = arith.constant 4096 : i32
    %broadcast_in_dim3A_744 = vector.broadcast %jit3A_743 : i32 to vector<128x128xi32>
    %select_n3A_745 = arith.select %eq3A_742, %add3A_734, %broadcast_in_dim3A_744 : vector<128x128xi1>, vector<128x128xi32>
    %min3A_746 = arith.minsi %min3A_724, %select_n3A_745 : vector<128x128xi32>
    %eq3A_747 = vector.broadcast %broadcast_in_dim3A_243 : vector<128x1xf32> to vector<128x128xf32>
    %eq3A_748 = arith.cmpf oeq, %slice3A_731, %eq3A_747 : vector<128x128xf32>
    %jit3A_749 = arith.constant 4096 : i32
    %broadcast_in_dim3A_750 = vector.broadcast %jit3A_749 : i32 to vector<128x128xi32>
    %select_n3A_751 = arith.select %eq3A_748, %add3A_734, %broadcast_in_dim3A_750 : vector<128x128xi1>, vector<128x128xi32>
    %min3A_752 = arith.minsi %min3A_730, %select_n3A_751 : vector<128x128xi32>
    %slice3A_753 = vector.extract_strided_slice %sub3A {offsets = [0, 2944], sizes = [128, 128], strides = [1, 1]} : vector<128x4096xf32> to vector<128x128xf32>
    %add3A_754 = arith.constant 2944 : i32
    %add3A_755 = vector.broadcast %add3A_754 : i32 to vector<128x128xi32>
    %add3A_756 = arith.addi %iota3A_244, %add3A_755 : vector<128x128xi32>
    %eq3A_757 = vector.broadcast %broadcast_in_dim3A_213 : vector<128x1xf32> to vector<128x128xf32>
    %eq3A_758 = arith.cmpf oeq, %slice3A_753, %eq3A_757 : vector<128x128xf32>
    %jit3A_759 = arith.constant 4096 : i32
    %broadcast_in_dim3A_760 = vector.broadcast %jit3A_759 : i32 to vector<128x128xi32>
    %select_n3A_761 = arith.select %eq3A_758, %add3A_756, %broadcast_in_dim3A_760 : vector<128x128xi1>, vector<128x128xi32>
    %min3A_762 = arith.minsi %min3A_740, %select_n3A_761 : vector<128x128xi32>
    %eq3A_763 = vector.broadcast %broadcast_in_dim3A_227 : vector<128x1xf32> to vector<128x128xf32>
    %eq3A_764 = arith.cmpf oeq, %slice3A_753, %eq3A_763 : vector<128x128xf32>
    %jit3A_765 = arith.constant 4096 : i32
    %broadcast_in_dim3A_766 = vector.broadcast %jit3A_765 : i32 to vector<128x128xi32>
    %select_n3A_767 = arith.select %eq3A_764, %add3A_756, %broadcast_in_dim3A_766 : vector<128x128xi1>, vector<128x128xi32>
    %min3A_768 = arith.minsi %min3A_746, %select_n3A_767 : vector<128x128xi32>
    %eq3A_769 = vector.broadcast %broadcast_in_dim3A_243 : vector<128x1xf32> to vector<128x128xf32>
    %eq3A_770 = arith.cmpf oeq, %slice3A_753, %eq3A_769 : vector<128x128xf32>
    %jit3A_771 = arith.constant 4096 : i32
    %broadcast_in_dim3A_772 = vector.broadcast %jit3A_771 : i32 to vector<128x128xi32>
    %select_n3A_773 = arith.select %eq3A_770, %add3A_756, %broadcast_in_dim3A_772 : vector<128x128xi1>, vector<128x128xi32>
    %min3A_774 = arith.minsi %min3A_752, %select_n3A_773 : vector<128x128xi32>
    %slice3A_775 = vector.extract_strided_slice %sub3A {offsets = [0, 3072], sizes = [128, 128], strides = [1, 1]} : vector<128x4096xf32> to vector<128x128xf32>
    %add3A_776 = arith.constant 3072 : i32
    %add3A_777 = vector.broadcast %add3A_776 : i32 to vector<128x128xi32>
    %add3A_778 = arith.addi %iota3A_244, %add3A_777 : vector<128x128xi32>
    %eq3A_779 = vector.broadcast %broadcast_in_dim3A_213 : vector<128x1xf32> to vector<128x128xf32>
    %eq3A_780 = arith.cmpf oeq, %slice3A_775, %eq3A_779 : vector<128x128xf32>
    %jit3A_781 = arith.constant 4096 : i32
    %broadcast_in_dim3A_782 = vector.broadcast %jit3A_781 : i32 to vector<128x128xi32>
    %select_n3A_783 = arith.select %eq3A_780, %add3A_778, %broadcast_in_dim3A_782 : vector<128x128xi1>, vector<128x128xi32>
    %min3A_784 = arith.minsi %min3A_762, %select_n3A_783 : vector<128x128xi32>
    %eq3A_785 = vector.broadcast %broadcast_in_dim3A_227 : vector<128x1xf32> to vector<128x128xf32>
    %eq3A_786 = arith.cmpf oeq, %slice3A_775, %eq3A_785 : vector<128x128xf32>
    %jit3A_787 = arith.constant 4096 : i32
    %broadcast_in_dim3A_788 = vector.broadcast %jit3A_787 : i32 to vector<128x128xi32>
    %select_n3A_789 = arith.select %eq3A_786, %add3A_778, %broadcast_in_dim3A_788 : vector<128x128xi1>, vector<128x128xi32>
    %min3A_790 = arith.minsi %min3A_768, %select_n3A_789 : vector<128x128xi32>
    %eq3A_791 = vector.broadcast %broadcast_in_dim3A_243 : vector<128x1xf32> to vector<128x128xf32>
    %eq3A_792 = arith.cmpf oeq, %slice3A_775, %eq3A_791 : vector<128x128xf32>
    %jit3A_793 = arith.constant 4096 : i32
    %broadcast_in_dim3A_794 = vector.broadcast %jit3A_793 : i32 to vector<128x128xi32>
    %select_n3A_795 = arith.select %eq3A_792, %add3A_778, %broadcast_in_dim3A_794 : vector<128x128xi1>, vector<128x128xi32>
    %min3A_796 = arith.minsi %min3A_774, %select_n3A_795 : vector<128x128xi32>
    %slice3A_797 = vector.extract_strided_slice %sub3A {offsets = [0, 3200], sizes = [128, 128], strides = [1, 1]} : vector<128x4096xf32> to vector<128x128xf32>
    %add3A_798 = arith.constant 3200 : i32
    %add3A_799 = vector.broadcast %add3A_798 : i32 to vector<128x128xi32>
    %add3A_800 = arith.addi %iota3A_244, %add3A_799 : vector<128x128xi32>
    %eq3A_801 = vector.broadcast %broadcast_in_dim3A_213 : vector<128x1xf32> to vector<128x128xf32>
    %eq3A_802 = arith.cmpf oeq, %slice3A_797, %eq3A_801 : vector<128x128xf32>
    %jit3A_803 = arith.constant 4096 : i32
    %broadcast_in_dim3A_804 = vector.broadcast %jit3A_803 : i32 to vector<128x128xi32>
    %select_n3A_805 = arith.select %eq3A_802, %add3A_800, %broadcast_in_dim3A_804 : vector<128x128xi1>, vector<128x128xi32>
    %min3A_806 = arith.minsi %min3A_784, %select_n3A_805 : vector<128x128xi32>
    %eq3A_807 = vector.broadcast %broadcast_in_dim3A_227 : vector<128x1xf32> to vector<128x128xf32>
    %eq3A_808 = arith.cmpf oeq, %slice3A_797, %eq3A_807 : vector<128x128xf32>
    %jit3A_809 = arith.constant 4096 : i32
    %broadcast_in_dim3A_810 = vector.broadcast %jit3A_809 : i32 to vector<128x128xi32>
    %select_n3A_811 = arith.select %eq3A_808, %add3A_800, %broadcast_in_dim3A_810 : vector<128x128xi1>, vector<128x128xi32>
    %min3A_812 = arith.minsi %min3A_790, %select_n3A_811 : vector<128x128xi32>
    %eq3A_813 = vector.broadcast %broadcast_in_dim3A_243 : vector<128x1xf32> to vector<128x128xf32>
    %eq3A_814 = arith.cmpf oeq, %slice3A_797, %eq3A_813 : vector<128x128xf32>
    %jit3A_815 = arith.constant 4096 : i32
    %broadcast_in_dim3A_816 = vector.broadcast %jit3A_815 : i32 to vector<128x128xi32>
    %select_n3A_817 = arith.select %eq3A_814, %add3A_800, %broadcast_in_dim3A_816 : vector<128x128xi1>, vector<128x128xi32>
    %min3A_818 = arith.minsi %min3A_796, %select_n3A_817 : vector<128x128xi32>
    %slice3A_819 = vector.extract_strided_slice %sub3A {offsets = [0, 3328], sizes = [128, 128], strides = [1, 1]} : vector<128x4096xf32> to vector<128x128xf32>
    %add3A_820 = arith.constant 3328 : i32
    %add3A_821 = vector.broadcast %add3A_820 : i32 to vector<128x128xi32>
    %add3A_822 = arith.addi %iota3A_244, %add3A_821 : vector<128x128xi32>
    %eq3A_823 = vector.broadcast %broadcast_in_dim3A_213 : vector<128x1xf32> to vector<128x128xf32>
    %eq3A_824 = arith.cmpf oeq, %slice3A_819, %eq3A_823 : vector<128x128xf32>
    %jit3A_825 = arith.constant 4096 : i32
    %broadcast_in_dim3A_826 = vector.broadcast %jit3A_825 : i32 to vector<128x128xi32>
    %select_n3A_827 = arith.select %eq3A_824, %add3A_822, %broadcast_in_dim3A_826 : vector<128x128xi1>, vector<128x128xi32>
    %min3A_828 = arith.minsi %min3A_806, %select_n3A_827 : vector<128x128xi32>
    %eq3A_829 = vector.broadcast %broadcast_in_dim3A_227 : vector<128x1xf32> to vector<128x128xf32>
    %eq3A_830 = arith.cmpf oeq, %slice3A_819, %eq3A_829 : vector<128x128xf32>
    %jit3A_831 = arith.constant 4096 : i32
    %broadcast_in_dim3A_832 = vector.broadcast %jit3A_831 : i32 to vector<128x128xi32>
    %select_n3A_833 = arith.select %eq3A_830, %add3A_822, %broadcast_in_dim3A_832 : vector<128x128xi1>, vector<128x128xi32>
    %min3A_834 = arith.minsi %min3A_812, %select_n3A_833 : vector<128x128xi32>
    %eq3A_835 = vector.broadcast %broadcast_in_dim3A_243 : vector<128x1xf32> to vector<128x128xf32>
    %eq3A_836 = arith.cmpf oeq, %slice3A_819, %eq3A_835 : vector<128x128xf32>
    %jit3A_837 = arith.constant 4096 : i32
    %broadcast_in_dim3A_838 = vector.broadcast %jit3A_837 : i32 to vector<128x128xi32>
    %select_n3A_839 = arith.select %eq3A_836, %add3A_822, %broadcast_in_dim3A_838 : vector<128x128xi1>, vector<128x128xi32>
    %min3A_840 = arith.minsi %min3A_818, %select_n3A_839 : vector<128x128xi32>
    %slice3A_841 = vector.extract_strided_slice %sub3A {offsets = [0, 3456], sizes = [128, 128], strides = [1, 1]} : vector<128x4096xf32> to vector<128x128xf32>
    %add3A_842 = arith.constant 3456 : i32
    %add3A_843 = vector.broadcast %add3A_842 : i32 to vector<128x128xi32>
    %add3A_844 = arith.addi %iota3A_244, %add3A_843 : vector<128x128xi32>
    %eq3A_845 = vector.broadcast %broadcast_in_dim3A_213 : vector<128x1xf32> to vector<128x128xf32>
    %eq3A_846 = arith.cmpf oeq, %slice3A_841, %eq3A_845 : vector<128x128xf32>
    %jit3A_847 = arith.constant 4096 : i32
    %broadcast_in_dim3A_848 = vector.broadcast %jit3A_847 : i32 to vector<128x128xi32>
    %select_n3A_849 = arith.select %eq3A_846, %add3A_844, %broadcast_in_dim3A_848 : vector<128x128xi1>, vector<128x128xi32>
    %min3A_850 = arith.minsi %min3A_828, %select_n3A_849 : vector<128x128xi32>
    %eq3A_851 = vector.broadcast %broadcast_in_dim3A_227 : vector<128x1xf32> to vector<128x128xf32>
    %eq3A_852 = arith.cmpf oeq, %slice3A_841, %eq3A_851 : vector<128x128xf32>
    %jit3A_853 = arith.constant 4096 : i32
    %broadcast_in_dim3A_854 = vector.broadcast %jit3A_853 : i32 to vector<128x128xi32>
    %select_n3A_855 = arith.select %eq3A_852, %add3A_844, %broadcast_in_dim3A_854 : vector<128x128xi1>, vector<128x128xi32>
    %min3A_856 = arith.minsi %min3A_834, %select_n3A_855 : vector<128x128xi32>
    %eq3A_857 = vector.broadcast %broadcast_in_dim3A_243 : vector<128x1xf32> to vector<128x128xf32>
    %eq3A_858 = arith.cmpf oeq, %slice3A_841, %eq3A_857 : vector<128x128xf32>
    %jit3A_859 = arith.constant 4096 : i32
    %broadcast_in_dim3A_860 = vector.broadcast %jit3A_859 : i32 to vector<128x128xi32>
    %select_n3A_861 = arith.select %eq3A_858, %add3A_844, %broadcast_in_dim3A_860 : vector<128x128xi1>, vector<128x128xi32>
    %min3A_862 = arith.minsi %min3A_840, %select_n3A_861 : vector<128x128xi32>
    %slice3A_863 = vector.extract_strided_slice %sub3A {offsets = [0, 3584], sizes = [128, 128], strides = [1, 1]} : vector<128x4096xf32> to vector<128x128xf32>
    %add3A_864 = arith.constant 3584 : i32
    %add3A_865 = vector.broadcast %add3A_864 : i32 to vector<128x128xi32>
    %add3A_866 = arith.addi %iota3A_244, %add3A_865 : vector<128x128xi32>
    %eq3A_867 = vector.broadcast %broadcast_in_dim3A_213 : vector<128x1xf32> to vector<128x128xf32>
    %eq3A_868 = arith.cmpf oeq, %slice3A_863, %eq3A_867 : vector<128x128xf32>
    %jit3A_869 = arith.constant 4096 : i32
    %broadcast_in_dim3A_870 = vector.broadcast %jit3A_869 : i32 to vector<128x128xi32>
    %select_n3A_871 = arith.select %eq3A_868, %add3A_866, %broadcast_in_dim3A_870 : vector<128x128xi1>, vector<128x128xi32>
    %min3A_872 = arith.minsi %min3A_850, %select_n3A_871 : vector<128x128xi32>
    %eq3A_873 = vector.broadcast %broadcast_in_dim3A_227 : vector<128x1xf32> to vector<128x128xf32>
    %eq3A_874 = arith.cmpf oeq, %slice3A_863, %eq3A_873 : vector<128x128xf32>
    %jit3A_875 = arith.constant 4096 : i32
    %broadcast_in_dim3A_876 = vector.broadcast %jit3A_875 : i32 to vector<128x128xi32>
    %select_n3A_877 = arith.select %eq3A_874, %add3A_866, %broadcast_in_dim3A_876 : vector<128x128xi1>, vector<128x128xi32>
    %min3A_878 = arith.minsi %min3A_856, %select_n3A_877 : vector<128x128xi32>
    %eq3A_879 = vector.broadcast %broadcast_in_dim3A_243 : vector<128x1xf32> to vector<128x128xf32>
    %eq3A_880 = arith.cmpf oeq, %slice3A_863, %eq3A_879 : vector<128x128xf32>
    %jit3A_881 = arith.constant 4096 : i32
    %broadcast_in_dim3A_882 = vector.broadcast %jit3A_881 : i32 to vector<128x128xi32>
    %select_n3A_883 = arith.select %eq3A_880, %add3A_866, %broadcast_in_dim3A_882 : vector<128x128xi1>, vector<128x128xi32>
    %min3A_884 = arith.minsi %min3A_862, %select_n3A_883 : vector<128x128xi32>
    %slice3A_885 = vector.extract_strided_slice %sub3A {offsets = [0, 3712], sizes = [128, 128], strides = [1, 1]} : vector<128x4096xf32> to vector<128x128xf32>
    %add3A_886 = arith.constant 3712 : i32
    %add3A_887 = vector.broadcast %add3A_886 : i32 to vector<128x128xi32>
    %add3A_888 = arith.addi %iota3A_244, %add3A_887 : vector<128x128xi32>
    %eq3A_889 = vector.broadcast %broadcast_in_dim3A_213 : vector<128x1xf32> to vector<128x128xf32>
    %eq3A_890 = arith.cmpf oeq, %slice3A_885, %eq3A_889 : vector<128x128xf32>
    %jit3A_891 = arith.constant 4096 : i32
    %broadcast_in_dim3A_892 = vector.broadcast %jit3A_891 : i32 to vector<128x128xi32>
    %select_n3A_893 = arith.select %eq3A_890, %add3A_888, %broadcast_in_dim3A_892 : vector<128x128xi1>, vector<128x128xi32>
    %min3A_894 = arith.minsi %min3A_872, %select_n3A_893 : vector<128x128xi32>
    %eq3A_895 = vector.broadcast %broadcast_in_dim3A_227 : vector<128x1xf32> to vector<128x128xf32>
    %eq3A_896 = arith.cmpf oeq, %slice3A_885, %eq3A_895 : vector<128x128xf32>
    %jit3A_897 = arith.constant 4096 : i32
    %broadcast_in_dim3A_898 = vector.broadcast %jit3A_897 : i32 to vector<128x128xi32>
    %select_n3A_899 = arith.select %eq3A_896, %add3A_888, %broadcast_in_dim3A_898 : vector<128x128xi1>, vector<128x128xi32>
    %min3A_900 = arith.minsi %min3A_878, %select_n3A_899 : vector<128x128xi32>
    %eq3A_901 = vector.broadcast %broadcast_in_dim3A_243 : vector<128x1xf32> to vector<128x128xf32>
    %eq3A_902 = arith.cmpf oeq, %slice3A_885, %eq3A_901 : vector<128x128xf32>
    %jit3A_903 = arith.constant 4096 : i32
    %broadcast_in_dim3A_904 = vector.broadcast %jit3A_903 : i32 to vector<128x128xi32>
    %select_n3A_905 = arith.select %eq3A_902, %add3A_888, %broadcast_in_dim3A_904 : vector<128x128xi1>, vector<128x128xi32>
    %min3A_906 = arith.minsi %min3A_884, %select_n3A_905 : vector<128x128xi32>
    %slice3A_907 = vector.extract_strided_slice %sub3A {offsets = [0, 3840], sizes = [128, 128], strides = [1, 1]} : vector<128x4096xf32> to vector<128x128xf32>
    %add3A_908 = arith.constant 3840 : i32
    %add3A_909 = vector.broadcast %add3A_908 : i32 to vector<128x128xi32>
    %add3A_910 = arith.addi %iota3A_244, %add3A_909 : vector<128x128xi32>
    %eq3A_911 = vector.broadcast %broadcast_in_dim3A_213 : vector<128x1xf32> to vector<128x128xf32>
    %eq3A_912 = arith.cmpf oeq, %slice3A_907, %eq3A_911 : vector<128x128xf32>
    %jit3A_913 = arith.constant 4096 : i32
    %broadcast_in_dim3A_914 = vector.broadcast %jit3A_913 : i32 to vector<128x128xi32>
    %select_n3A_915 = arith.select %eq3A_912, %add3A_910, %broadcast_in_dim3A_914 : vector<128x128xi1>, vector<128x128xi32>
    %min3A_916 = arith.minsi %min3A_894, %select_n3A_915 : vector<128x128xi32>
    %eq3A_917 = vector.broadcast %broadcast_in_dim3A_227 : vector<128x1xf32> to vector<128x128xf32>
    %eq3A_918 = arith.cmpf oeq, %slice3A_907, %eq3A_917 : vector<128x128xf32>
    %jit3A_919 = arith.constant 4096 : i32
    %broadcast_in_dim3A_920 = vector.broadcast %jit3A_919 : i32 to vector<128x128xi32>
    %select_n3A_921 = arith.select %eq3A_918, %add3A_910, %broadcast_in_dim3A_920 : vector<128x128xi1>, vector<128x128xi32>
    %min3A_922 = arith.minsi %min3A_900, %select_n3A_921 : vector<128x128xi32>
    %eq3A_923 = vector.broadcast %broadcast_in_dim3A_243 : vector<128x1xf32> to vector<128x128xf32>
    %eq3A_924 = arith.cmpf oeq, %slice3A_907, %eq3A_923 : vector<128x128xf32>
    %jit3A_925 = arith.constant 4096 : i32
    %broadcast_in_dim3A_926 = vector.broadcast %jit3A_925 : i32 to vector<128x128xi32>
    %select_n3A_927 = arith.select %eq3A_924, %add3A_910, %broadcast_in_dim3A_926 : vector<128x128xi1>, vector<128x128xi32>
    %min3A_928 = arith.minsi %min3A_906, %select_n3A_927 : vector<128x128xi32>
    %slice3A_929 = vector.extract_strided_slice %sub3A {offsets = [0, 3968], sizes = [128, 128], strides = [1, 1]} : vector<128x4096xf32> to vector<128x128xf32>
    %add3A_930 = arith.constant 3968 : i32
    %add3A_931 = vector.broadcast %add3A_930 : i32 to vector<128x128xi32>
    %add3A_932 = arith.addi %iota3A_244, %add3A_931 : vector<128x128xi32>
    %eq3A_933 = vector.broadcast %broadcast_in_dim3A_213 : vector<128x1xf32> to vector<128x128xf32>
    %eq3A_934 = arith.cmpf oeq, %slice3A_929, %eq3A_933 : vector<128x128xf32>
    %jit3A_935 = arith.constant 4096 : i32
    %broadcast_in_dim3A_936 = vector.broadcast %jit3A_935 : i32 to vector<128x128xi32>
    %select_n3A_937 = arith.select %eq3A_934, %add3A_932, %broadcast_in_dim3A_936 : vector<128x128xi1>, vector<128x128xi32>
    %min3A_938 = arith.minsi %min3A_916, %select_n3A_937 : vector<128x128xi32>
    %eq3A_939 = vector.broadcast %broadcast_in_dim3A_227 : vector<128x1xf32> to vector<128x128xf32>
    %eq3A_940 = arith.cmpf oeq, %slice3A_929, %eq3A_939 : vector<128x128xf32>
    %jit3A_941 = arith.constant 4096 : i32
    %broadcast_in_dim3A_942 = vector.broadcast %jit3A_941 : i32 to vector<128x128xi32>
    %select_n3A_943 = arith.select %eq3A_940, %add3A_932, %broadcast_in_dim3A_942 : vector<128x128xi1>, vector<128x128xi32>
    %min3A_944 = arith.minsi %min3A_922, %select_n3A_943 : vector<128x128xi32>
    %eq3A_945 = vector.broadcast %broadcast_in_dim3A_243 : vector<128x1xf32> to vector<128x128xf32>
    %eq3A_946 = arith.cmpf oeq, %slice3A_929, %eq3A_945 : vector<128x128xf32>
    %jit3A_947 = arith.constant 4096 : i32
    %broadcast_in_dim3A_948 = vector.broadcast %jit3A_947 : i32 to vector<128x128xi32>
    %select_n3A_949 = arith.select %eq3A_946, %add3A_932, %broadcast_in_dim3A_948 : vector<128x128xi1>, vector<128x128xi32>
    %min3A_950 = arith.minsi %min3A_928, %select_n3A_949 : vector<128x128xi32>
    %reduce_min3A_951 = arith.constant dense<2147483647> : vector<128xi32>
    %reduce_min3A_952 = vector.multi_reduction <minsi>, %min3A_938, %reduce_min3A_951 [1] : vector<128x128xi32> to vector<128xi32>
    %broadcast_in_dim3A_953 = vector.shape_cast %reduce_min3A_952 : vector<128xi32> to vector<128x1xi32>
    %reduce_min3A_954 = arith.constant dense<2147483647> : vector<128xi32>
    %reduce_min3A_955 = vector.multi_reduction <minsi>, %min3A_944, %reduce_min3A_954 [1] : vector<128x128xi32> to vector<128xi32>
    %broadcast_in_dim3A_956 = vector.shape_cast %reduce_min3A_955 : vector<128xi32> to vector<128x1xi32>
    %reduce_min3A_957 = arith.constant dense<2147483647> : vector<128xi32>
    %reduce_min3A_958 = vector.multi_reduction <minsi>, %min3A_950, %reduce_min3A_957 [1] : vector<128x128xi32> to vector<128xi32>
    %broadcast_in_dim3A_959 = vector.shape_cast %reduce_min3A_958 : vector<128xi32> to vector<128x1xi32>
    %concatenate3A_960 = tpu.concatenate %broadcast_in_dim3A_953, %broadcast_in_dim3A_956, %broadcast_in_dim3A_959 in 1 : vector<128x1xi32>, vector<128x1xi32>, vector<128x1xi32> -> vector<128x3xi32>
    %transpose3A = tpu.transpose %concatenate3A_960, [1, 0] : vector<128x3xi32> -> vector<3x128xi32>
    %swap3A = arith.constant 0 : index
    %swap3A_961 = arith.constant 0 : index
    %swap3A_962 = arith.constant 0 : index
    %swap3A_963 = vector.load %arg5[%swap3A, %swap3A_961, %swap3A_962] : memref<1x3x128xi32, #tpu.memory_space<vmem>>, vector<1x3x128xi32>
    %swap3A_964 = vector.shape_cast %swap3A_963 : vector<1x3x128xi32> to vector<3x128xi32>
    %swap3A_965 = vector.shape_cast %transpose3A : vector<3x128xi32> to vector<1x3x128xi32>
    tpu.vector_store %arg5[%swap3A, %swap3A_961, %swap3A_962], %swap3A_965 {strides = array<i32>} : memref<1x3x128xi32, #tpu.memory_space<vmem>>, vector<1x3x128xi32>,
    %eq3A_966 = arith.cmpf oeq, %broadcast_in_dim3A_227, %broadcast_in_dim3A_213 : vector<128x1xf32>
    %eq3A_967 = arith.cmpf oeq, %broadcast_in_dim3A_243, %broadcast_in_dim3A_227 : vector<128x1xf32>
    %or3A = arith.ori %eq3A_966, %eq3A_967 : vector<128x1xi1>
    %reduce_or3A = arith.constant 1.000000e+00 : f32
    %reduce_or3A_968 = arith.constant 0.000000e+00 : f32
    %reduce_or3A_969 = vector.broadcast %reduce_or3A : f32 to vector<128x1xf32>
    %reduce_or3A_970 = vector.broadcast %reduce_or3A_968 : f32 to vector<128x1xf32>
    %reduce_or3A_971 = arith.select %or3A, %reduce_or3A_969, %reduce_or3A_970 : vector<128x1xi1>, vector<128x1xf32>
    %reduce_or3A_972 = vector.shape_cast %reduce_or3A_971 : vector<128x1xf32> to vector<1x128x1xf32>
    %reduce_or3A_973 = arith.constant dense<0xFF800000> : vector<1xf32>
    %reduce_or3A_974 = vector.multi_reduction <maximumf>, %reduce_or3A_972, %reduce_or3A_973 [1, 2] : vector<1x128x1xf32> to vector<1xf32>
    %reduce_or3A_975 = vector.shape_cast %reduce_or3A_974 : vector<1xf32> to vector<1x1x1xf32>
    %reduce_or3A_976 = vector.extract %reduce_or3A_975[0, 0, 0] : f32 from vector<1x1x1xf32>
    %reduce_or3A_977 = arith.constant 0.000000e+00 : f32
    %reduce_or3A_978 = arith.cmpf ogt, %reduce_or3A_976, %reduce_or3A_977 : f32
    %convert_element_type3A_979 = arith.extui %reduce_or3A_978 : i1 to i32
    %cond3A_980 = arith.constant 0 : i32
    %cond3A_981 = arith.cmpi ne, %convert_element_type3A_979, %cond3A_980 : i32
    scf.if %cond3A_981 {
      %iota3A_1026 = tpu.iota {dimensions = array<i32: 1>} : vector<128x4096xi32>
      %eq3A_1027 = arith.cmpf oeq, %broadcast_in_dim3A_227, %broadcast_in_dim3A_213 : vector<128x1xf32>
      %jit3A_1028 = arith.constant -1 : i32
      %broadcast_in_dim3A_1029 = vector.broadcast %jit3A_1028 : i32 to vector<128x1xi32>
      %select_n3A_1030 = arith.select %eq3A_1027, %broadcast_in_dim3A_953, %broadcast_in_dim3A_1029 : vector<128x1xi1>, vector<128x1xi32>
      %eq3A_1031 = vector.broadcast %broadcast_in_dim3A_227 : vector<128x1xf32> to vector<128x4096xf32>
      %eq3A_1032 = arith.cmpf oeq, %sub3A, %eq3A_1031 : vector<128x4096xf32>
      %gt3A = vector.broadcast %select_n3A_1030 : vector<128x1xi32> to vector<128x4096xi32>
      %gt3A_1033 = arith.cmpi sgt, %iota3A_1026, %gt3A : vector<128x4096xi32>
      %and3A = arith.andi %eq3A_1032, %gt3A_1033 : vector<128x4096xi1>
      %jit3A_1034 = arith.constant 4096 : i32
      %broadcast_in_dim3A_1035 = vector.broadcast %jit3A_1034 : i32 to vector<128x4096xi32>
      %select_n3A_1036 = arith.select %and3A, %iota3A_1026, %broadcast_in_dim3A_1035 : vector<128x4096xi1>, vector<128x4096xi32>
      %reduce_min3A_1037 = arith.constant dense<2147483647> : vector<128xi32>
      %reduce_min3A_1038 = vector.multi_reduction <minsi>, %select_n3A_1036, %reduce_min3A_1037 [1] : vector<128x4096xi32> to vector<128xi32>
      %broadcast_in_dim3A_1039 = vector.shape_cast %reduce_min3A_1038 : vector<128xi32> to vector<128x1xi32>
      %eq3A_1040 = arith.cmpf oeq, %broadcast_in_dim3A_243, %broadcast_in_dim3A_227 : vector<128x1xf32>
      %jit3A_1041 = arith.constant -1 : i32
      %broadcast_in_dim3A_1042 = vector.broadcast %jit3A_1041 : i32 to vector<128x1xi32>
      %select_n3A_1043 = arith.select %eq3A_1040, %broadcast_in_dim3A_1039, %broadcast_in_dim3A_1042 : vector<128x1xi1>, vector<128x1xi32>
      %eq3A_1044 = vector.broadcast %broadcast_in_dim3A_243 : vector<128x1xf32> to vector<128x4096xf32>
      %eq3A_1045 = arith.cmpf oeq, %sub3A, %eq3A_1044 : vector<128x4096xf32>
      %gt3A_1046 = vector.broadcast %select_n3A_1043 : vector<128x1xi32> to vector<128x4096xi32>
      %gt3A_1047 = arith.cmpi sgt, %iota3A_1026, %gt3A_1046 : vector<128x4096xi32>
      %and3A_1048 = arith.andi %eq3A_1045, %gt3A_1047 : vector<128x4096xi1>
      %jit3A_1049 = arith.constant 4096 : i32
      %broadcast_in_dim3A_1050 = vector.broadcast %jit3A_1049 : i32 to vector<128x4096xi32>
      %select_n3A_1051 = arith.select %and3A_1048, %iota3A_1026, %broadcast_in_dim3A_1050 : vector<128x4096xi1>, vector<128x4096xi32>
      %reduce_min3A_1052 = arith.constant dense<2147483647> : vector<128xi32>
      %reduce_min3A_1053 = vector.multi_reduction <minsi>, %select_n3A_1051, %reduce_min3A_1052 [1] : vector<128x4096xi32> to vector<128xi32>
      %broadcast_in_dim3A_1054 = vector.shape_cast %reduce_min3A_1053 : vector<128xi32> to vector<128x1xi32>
      %concatenate3A_1055 = tpu.concatenate %broadcast_in_dim3A_953, %broadcast_in_dim3A_1039, %broadcast_in_dim3A_1054 in 1 : vector<128x1xi32>, vector<128x1xi32>, vector<128x1xi32> -> vector<128x3xi32>
      %transpose3A_1056 = tpu.transpose %concatenate3A_1055, [1, 0] : vector<128x3xi32> -> vector<3x128xi32>
      %swap3A_1057 = arith.constant 0 : index
      %swap3A_1058 = arith.constant 0 : index
      %swap3A_1059 = arith.constant 0 : index
      %swap3A_1060 = vector.load %arg5[%swap3A_1057, %swap3A_1058, %swap3A_1059] : memref<1x3x128xi32, #tpu.memory_space<vmem>>, vector<1x3x128xi32>
      %swap3A_1061 = vector.shape_cast %swap3A_1060 : vector<1x3x128xi32> to vector<3x128xi32>
      %swap3A_1062 = vector.shape_cast %transpose3A_1056 : vector<3x128xi32> to vector<1x3x128xi32>
      tpu.vector_store %arg5[%swap3A_1057, %swap3A_1058, %swap3A_1059], %swap3A_1062 {strides = array<i32>} : memref<1x3x128xi32, #tpu.memory_space<vmem>>, vector<1x3x128xi32>,
    } else {
    }
    %max3A_982 = arith.constant 0.000000e+00 : f32
    %max3A_983 = vector.broadcast %max3A_982 : f32 to vector<128x1xf32>
    %max3A_984 = arith.maximumf %broadcast_in_dim3A_213, %max3A_983 : vector<128x1xf32>
    %add3A_985 = arith.constant 9.99999993E-9 : f32
    %add3A_986 = vector.broadcast %add3A_985 : f32 to vector<128x1xf32>
    %add3A_987 = arith.addf %max3A_984, %add3A_986 : vector<128x1xf32>
    %div3A = arith.constant 1.000000e+00 : f32
    %div3A_988 = vector.broadcast %div3A : f32 to vector<128x1xf32>
    %div3A_989 = arith.divf %div3A_988, %add3A_987 : vector<128x1xf32>
    %max3A_990 = arith.constant 0.000000e+00 : f32
    %max3A_991 = vector.broadcast %max3A_990 : f32 to vector<128x1xf32>
    %max3A_992 = arith.maximumf %broadcast_in_dim3A_227, %max3A_991 : vector<128x1xf32>
    %add3A_993 = arith.constant 9.99999993E-9 : f32
    %add3A_994 = vector.broadcast %add3A_993 : f32 to vector<128x1xf32>
    %add3A_995 = arith.addf %max3A_992, %add3A_994 : vector<128x1xf32>
    %div3A_996 = arith.constant 1.000000e+00 : f32
    %div3A_997 = vector.broadcast %div3A_996 : f32 to vector<128x1xf32>
    %div3A_998 = arith.divf %div3A_997, %add3A_995 : vector<128x1xf32>
    %max3A_999 = arith.constant 0.000000e+00 : f32
    %max3A_1000 = vector.broadcast %max3A_999 : f32 to vector<128x1xf32>
    %max3A_1001 = arith.maximumf %broadcast_in_dim3A_243, %max3A_1000 : vector<128x1xf32>
    %add3A_1002 = arith.constant 9.99999993E-9 : f32
    %add3A_1003 = vector.broadcast %add3A_1002 : f32 to vector<128x1xf32>
    %add3A_1004 = arith.addf %max3A_1001, %add3A_1003 : vector<128x1xf32>
    %div3A_1005 = arith.constant 1.000000e+00 : f32
    %div3A_1006 = vector.broadcast %div3A_1005 : f32 to vector<128x1xf32>
    %div3A_1007 = arith.divf %div3A_1006, %add3A_1004 : vector<128x1xf32>
    %add3A_1008 = arith.addf %div3A_989, %div3A_998 : vector<128x1xf32>
    %add3A_1009 = arith.addf %add3A_1008, %div3A_1007 : vector<128x1xf32>
    %div3A_1010 = arith.divf %div3A_989, %add3A_1009 : vector<128x1xf32>
    %broadcast_in_dim3A_1011 = vector.shape_cast %div3A_1010 : vector<128x1xf32> to vector<128x1xf32>
    %broadcast_in_dim3A_1012 = vector.broadcast %broadcast_in_dim3A_1011 : vector<128x1xf32> to vector<128x16xf32>
    %div3A_1013 = arith.divf %div3A_998, %add3A_1009 : vector<128x1xf32>
    %broadcast_in_dim3A_1014 = vector.shape_cast %div3A_1013 : vector<128x1xf32> to vector<128x1xf32>
    %broadcast_in_dim3A_1015 = vector.broadcast %broadcast_in_dim3A_1014 : vector<128x1xf32> to vector<128x16xf32>
    %div3A_1016 = arith.divf %div3A_1007, %add3A_1009 : vector<128x1xf32>
    %broadcast_in_dim3A_1017 = vector.shape_cast %div3A_1016 : vector<128x1xf32> to vector<128x1xf32>
    %broadcast_in_dim3A_1018 = vector.broadcast %broadcast_in_dim3A_1017 : vector<128x1xf32> to vector<128x16xf32>
    %concatenate3A_1019 = tpu.concatenate %broadcast_in_dim3A_1012, %broadcast_in_dim3A_1015, %broadcast_in_dim3A_1018 in 1 : vector<128x16xf32>, vector<128x16xf32>, vector<128x16xf32> -> vector<128x48xf32>
    %swap3A_1020 = arith.constant 0 : index
    %swap3A_1021 = arith.constant 0 : index
    %swap3A_1022 = arith.constant 0 : index
    %swap3A_1023 = vector.load %arg6[%swap3A_1020, %swap3A_1021, %swap3A_1022] : memref<1x128x48xf32, #tpu.memory_space<vmem>>, vector<1x128x48xf32>
    %swap3A_1024 = vector.shape_cast %swap3A_1023 : vector<1x128x48xf32> to vector<128x48xf32>
    %swap3A_1025 = vector.shape_cast %concatenate3A_1019 : vector<128x48xf32> to vector<1x128x48xf32>
    tpu.vector_store %arg6[%swap3A_1020, %swap3A_1021, %swap3A_1022], %swap3A_1025 {strides = array<i32>} : memref<1x128x48xf32, #tpu.memory_space<vmem>>, vector<1x128x48xf32>,
    return
  }
  func.func @transform_0(%arg0: i32) -> (i32, i32, i32) {
    %c0_i32 = arith.constant 0 : i32
    %c0_i32_0 = arith.constant 0 : i32
    %c0_i32_1 = arith.constant 0 : i32
    %c0_i32_2 = arith.constant 0 : i32
    return %c0_i32, %c0_i32_0, %c0_i32_1 : i32, i32, i32
  }
  func.func @transform_1(%arg0: i32) -> (i32, i32, i32) {
    %c0_i32 = arith.constant 0 : i32
    %c0_i32_0 = arith.constant 0 : i32
    %c0_i32_1 = arith.constant 0 : i32
    return %c0_i32, %arg0, %c0_i32_0 : i32, i32, i32
  }
  func.func @transform_2(%arg0: i32) -> (i32, i32, i32) {
    %c0_i32 = arith.constant 0 : i32
    %c0_i32_0 = arith.constant 0 : i32
    %c0_i32_1 = arith.constant 0 : i32
    %c0_i32_2 = arith.constant 0 : i32
    return %c0_i32, %c0_i32_0, %c0_i32_1 : i32, i32, i32
  }
  func.func @transform_3(%arg0: i32) -> (i32, i32) {
    %c0_i32 = arith.constant 0 : i32
    %c0_i32_0 = arith.constant 0 : i32
    %c0_i32_1 = arith.constant 0 : i32
    return %c0_i32, %c0_i32_0 : i32, i32
  }
  func.func @transform_4(%arg0: i32) -> (i32, i32, i32) {
    %c0_i32 = arith.constant 0 : i32
    %c0_i32_0 = arith.constant 0 : i32
    %c0_i32_1 = arith.constant 0 : i32
    return %arg0, %c0_i32, %c0_i32_0 : i32, i32, i32
  }
  func.func @transform_5(%arg0: i32) -> (i32, i32, i32) {
    %c0_i32 = arith.constant 0 : i32
    %c0_i32_0 = arith.constant 0 : i32
    %c0_i32_1 = arith.constant 0 : i32
    return %arg0, %c0_i32, %c0_i32_0 : i32, i32, i32
  }
  func.func @transform_6(%arg0: i32) -> (i32, i32, i32) {
    %c0_i32 = arith.constant 0 : i32
    %c0_i32_0 = arith.constant 0 : i32
    %c0_i32_1 = arith.constant 0 : i32
    %c0_i32_2 = arith.constant 0 : i32
    return %c0_i32, %c0_i32_0, %c0_i32_1 : i32, i32, i32
  }
}

module attributes {stable_mosaic.version = 14 : i64} {
  func.func @_feat_body(%arg0: i32, %arg1: memref<1x256x4096xf32, #tpu.memory_space<vmem>>, %arg2: memref<128x256xf32, #tpu.memory_space<vmem>>, %arg3: memref<1x128x8192xf32, #tpu.memory_space<vmem>>, %arg4: memref<128x128xf32, #tpu.memory_space<vmem>>, %arg5: memref<1x4096x128xf32, #tpu.memory_space<vmem>>, %arg6: memref<1x128x8192xf32, #tpu.memory_space<vmem>>, %arg7: memref<1x128xf32, #tpu.memory_space<vmem>>, %arg8: memref<1x128xf32, #tpu.memory_space<vmem>>, %arg9: memref<128x1xf32, #tpu.memory_space<vmem>>, %arg10: memref<128x1xf32, #tpu.memory_space<vmem>>) attributes {dimension_semantics = [#tpu.dimension_semantics<arbitrary>], iteration_bounds = array<i64: 2>, scalar_prefetch = 0 : i64, scratch_operands = 0 : i64, tpu.core_type = #tpu.core_type<tc>, window_params = [{transform_indices = @transform_0, window_bounds = array<i64: 1, 256, 4096>}, {pipeline_mode = #tpu.pipeline_mode<synchronous>, transform_indices = @transform_1, window_bounds = array<i64: 128, 256>}, {transform_indices = @transform_2, window_bounds = array<i64: 1, 128, 8192>}, {pipeline_mode = #tpu.pipeline_mode<synchronous>, transform_indices = @transform_3, window_bounds = array<i64: 128, 128>}, {transform_indices = @transform_4, window_bounds = array<i64: 1, 4096, 128>}, {transform_indices = @transform_5, window_bounds = array<i64: 1, 128, 8192>}, {pipeline_mode = #tpu.pipeline_mode<synchronous>, transform_indices = @transform_6, window_bounds = array<i64: 1, 128>}, {pipeline_mode = #tpu.pipeline_mode<synchronous>, transform_indices = @transform_7, window_bounds = array<i64: 1, 128>}, {pipeline_mode = #tpu.pipeline_mode<synchronous>, transform_indices = @transform_8, window_bounds = array<i64: 128, 1>}, {pipeline_mode = #tpu.pipeline_mode<synchronous>, transform_indices = @transform_9, window_bounds = array<i64: 128, 1>}]} {
    %get3A = arith.constant 0 : index
    %get3A_0 = arith.constant 0 : index
    %get3A_1 = arith.constant 0 : index
    %get3A_2 = vector.load %arg1[%get3A, %get3A_0, %get3A_1] : memref<1x256x4096xf32, #tpu.memory_space<vmem>>, vector<1x256x4096xf32>
    %get3A_3 = vector.shape_cast %get3A_2 : vector<1x256x4096xf32> to vector<256x4096xf32>
    %get3A_4 = arith.constant 0 : index
    %get3A_5 = arith.constant 0 : index
    %get3A_6 = vector.load %arg2[%get3A_4, %get3A_5] : memref<128x256xf32, #tpu.memory_space<vmem>>, vector<128x256xf32>
    %dot_general3A = arith.constant dense<0.000000e+00> : vector<4096x128xf32>
    %dot_general3A_7 = tpu.matmul %get3A_3, %get3A_6, %dot_general3A {dimension_numbers = #tpu.dot_dimension_numbers<[0], [1], [1], [0], [0, 1, 1, 0], [], []>, transpose_lhs_hint = false} : vector<256x4096xf32>, vector<128x256xf32>, vector<4096x128xf32> -> vector<4096x128xf32>
    %swap3A = arith.constant 0 : index
    %swap3A_8 = arith.constant 0 : index
    %swap3A_9 = arith.constant 0 : index
    %swap3A_10 = vector.load %arg5[%swap3A, %swap3A_8, %swap3A_9] : memref<1x4096x128xf32, #tpu.memory_space<vmem>>, vector<1x4096x128xf32>
    %swap3A_11 = vector.shape_cast %swap3A_10 : vector<1x4096x128xf32> to vector<4096x128xf32>
    %swap3A_12 = vector.shape_cast %dot_general3A_7 : vector<4096x128xf32> to vector<1x4096x128xf32>
    tpu.vector_store %arg5[%swap3A, %swap3A_8, %swap3A_9], %swap3A_12 {strides = array<i32>} : memref<1x4096x128xf32, #tpu.memory_space<vmem>>, vector<1x4096x128xf32>,
    %get3A_13 = arith.constant 0 : index
    %get3A_14 = arith.constant 0 : index
    %get3A_15 = vector.load %arg4[%get3A_13, %get3A_14] : memref<128x128xf32, #tpu.memory_space<vmem>>, vector<128x128xf32>
    %get3A_16 = arith.constant 0 : index
    %get3A_17 = arith.constant 0 : index
    %get3A_18 = arith.constant 0 : index
    %get3A_19 = vector.load %arg3[%get3A_16, %get3A_17, %get3A_18] : memref<1x128x8192xf32, #tpu.memory_space<vmem>>, vector<1x128x8192xf32>
    %get3A_20 = vector.shape_cast %get3A_19 : vector<1x128x8192xf32> to vector<128x8192xf32>
    %dot_general3A_21 = arith.constant dense<0.000000e+00> : vector<128x8192xf32>
    %dot_general3A_22 = tpu.matmul %get3A_15, %get3A_20, %dot_general3A_21 {dimension_numbers = #tpu.dot_dimension_numbers<[1], [0], [0], [1], [0, 0, 1, 1], [], []>, transpose_lhs_hint = false} : vector<128x128xf32>, vector<128x8192xf32>, vector<128x8192xf32> -> vector<128x8192xf32>
    %swap3A_23 = arith.constant 0 : index
    %swap3A_24 = arith.constant 0 : index
    %swap3A_25 = arith.constant 0 : index
    %swap3A_26 = vector.load %arg6[%swap3A_23, %swap3A_24, %swap3A_25] : memref<1x128x8192xf32, #tpu.memory_space<vmem>>, vector<1x128x8192xf32>
    %swap3A_27 = vector.shape_cast %swap3A_26 : vector<1x128x8192xf32> to vector<128x8192xf32>
    %swap3A_28 = vector.shape_cast %dot_general3A_22 : vector<128x8192xf32> to vector<1x128x8192xf32>
    tpu.vector_store %arg6[%swap3A_23, %swap3A_24, %swap3A_25], %swap3A_28 {strides = array<i32>} : memref<1x128x8192xf32, #tpu.memory_space<vmem>>, vector<1x128x8192xf32>,
    %reduce_sum3A = arith.constant dense<0.000000e+00> : vector<128xf32>
    %reduce_sum3A_29 = vector.multi_reduction <add>, %dot_general3A_7, %reduce_sum3A [0] : vector<4096x128xf32> to vector<128xf32>
    %broadcast_in_dim3A = vector.shape_cast %reduce_sum3A_29 : vector<128xf32> to vector<1x128xf32>
    %mul3A = arith.mulf %dot_general3A_7, %dot_general3A_7 : vector<4096x128xf32>
    %reduce_sum3A_30 = arith.constant dense<0.000000e+00> : vector<128xf32>
    %reduce_sum3A_31 = vector.multi_reduction <add>, %mul3A, %reduce_sum3A_30 [0] : vector<4096x128xf32> to vector<128xf32>
    %broadcast_in_dim3A_32 = vector.shape_cast %reduce_sum3A_31 : vector<128xf32> to vector<1x128xf32>
    %reduce_sum3A_33 = arith.constant dense<0.000000e+00> : vector<128xf32>
    %reduce_sum3A_34 = vector.multi_reduction <add>, %dot_general3A_22, %reduce_sum3A_33 [1] : vector<128x8192xf32> to vector<128xf32>
    %broadcast_in_dim3A_35 = vector.shape_cast %reduce_sum3A_34 : vector<128xf32> to vector<128x1xf32>
    %mul3A_36 = arith.mulf %dot_general3A_22, %dot_general3A_22 : vector<128x8192xf32>
    %reduce_sum3A_37 = arith.constant dense<0.000000e+00> : vector<128xf32>
    %reduce_sum3A_38 = vector.multi_reduction <add>, %mul3A_36, %reduce_sum3A_37 [1] : vector<128x8192xf32> to vector<128xf32>
    %broadcast_in_dim3A_39 = vector.shape_cast %reduce_sum3A_38 : vector<128xf32> to vector<128x1xf32>
    %eq3A = arith.constant 0 : i32
    %eq3A_40 = arith.cmpi eq, %arg0, %eq3A : i32
    %convert_element_type3A = arith.extui %eq3A_40 : i1 to i32
    %cond3A = arith.constant 0 : i32
    %cond3A_41 = arith.cmpi ne, %convert_element_type3A, %cond3A : i32
    scf.if %cond3A_41 {
      %swap3A_46 = arith.constant 0 : index
      %swap3A_47 = arith.constant 0 : index
      %swap3A_48 = vector.load %arg7[%swap3A_46, %swap3A_47] : memref<1x128xf32, #tpu.memory_space<vmem>>, vector<1x128xf32>
      tpu.vector_store %arg7[%swap3A_46, %swap3A_47], %broadcast_in_dim3A {strides = array<i32>} : memref<1x128xf32, #tpu.memory_space<vmem>>, vector<1x128xf32>,
      %swap3A_49 = arith.constant 0 : index
      %swap3A_50 = arith.constant 0 : index
      %swap3A_51 = vector.load %arg8[%swap3A_49, %swap3A_50] : memref<1x128xf32, #tpu.memory_space<vmem>>, vector<1x128xf32>
      tpu.vector_store %arg8[%swap3A_49, %swap3A_50], %broadcast_in_dim3A_32 {strides = array<i32>} : memref<1x128xf32, #tpu.memory_space<vmem>>, vector<1x128xf32>,
      %swap3A_52 = arith.constant 0 : index
      %swap3A_53 = arith.constant 0 : index
      %swap3A_54 = vector.load %arg9[%swap3A_52, %swap3A_53] : memref<128x1xf32, #tpu.memory_space<vmem>>, vector<128x1xf32>
      tpu.vector_store %arg9[%swap3A_52, %swap3A_53], %broadcast_in_dim3A_35 {strides = array<i32>} : memref<128x1xf32, #tpu.memory_space<vmem>>, vector<128x1xf32>,
      %swap3A_55 = arith.constant 0 : index
      %swap3A_56 = arith.constant 0 : index
      %swap3A_57 = vector.load %arg10[%swap3A_55, %swap3A_56] : memref<128x1xf32, #tpu.memory_space<vmem>>, vector<128x1xf32>
      tpu.vector_store %arg10[%swap3A_55, %swap3A_56], %broadcast_in_dim3A_39 {strides = array<i32>} : memref<128x1xf32, #tpu.memory_space<vmem>>, vector<128x1xf32>,
    } else {
    }
    %ne3A = arith.constant 0 : i32
    %ne3A_42 = arith.cmpi ne, %arg0, %ne3A : i32
    %convert_element_type3A_43 = arith.extui %ne3A_42 : i1 to i32
    %cond3A_44 = arith.constant 0 : i32
    %cond3A_45 = arith.cmpi ne, %convert_element_type3A_43, %cond3A_44 : i32
    scf.if %cond3A_45 {
      %get3A_46 = arith.constant 0 : index
      %get3A_47 = arith.constant 0 : index
      %get3A_48 = vector.load %arg7[%get3A_46, %get3A_47] : memref<1x128xf32, #tpu.memory_space<vmem>>, vector<1x128xf32>
      %add3A = arith.addf %get3A_48, %broadcast_in_dim3A : vector<1x128xf32>
      %swap3A_49 = arith.constant 0 : index
      %swap3A_50 = arith.constant 0 : index
      %swap3A_51 = vector.load %arg7[%swap3A_49, %swap3A_50] : memref<1x128xf32, #tpu.memory_space<vmem>>, vector<1x128xf32>
      tpu.vector_store %arg7[%swap3A_49, %swap3A_50], %add3A {strides = array<i32>} : memref<1x128xf32, #tpu.memory_space<vmem>>, vector<1x128xf32>,
      %get3A_52 = arith.constant 0 : index
      %get3A_53 = arith.constant 0 : index
      %get3A_54 = vector.load %arg8[%get3A_52, %get3A_53] : memref<1x128xf32, #tpu.memory_space<vmem>>, vector<1x128xf32>
      %add3A_55 = arith.addf %get3A_54, %broadcast_in_dim3A_32 : vector<1x128xf32>
      %swap3A_56 = arith.constant 0 : index
      %swap3A_57 = arith.constant 0 : index
      %swap3A_58 = vector.load %arg8[%swap3A_56, %swap3A_57] : memref<1x128xf32, #tpu.memory_space<vmem>>, vector<1x128xf32>
      tpu.vector_store %arg8[%swap3A_56, %swap3A_57], %add3A_55 {strides = array<i32>} : memref<1x128xf32, #tpu.memory_space<vmem>>, vector<1x128xf32>,
      %get3A_59 = arith.constant 0 : index
      %get3A_60 = arith.constant 0 : index
      %get3A_61 = vector.load %arg9[%get3A_59, %get3A_60] : memref<128x1xf32, #tpu.memory_space<vmem>>, vector<128x1xf32>
      %add3A_62 = arith.addf %get3A_61, %broadcast_in_dim3A_35 : vector<128x1xf32>
      %swap3A_63 = arith.constant 0 : index
      %swap3A_64 = arith.constant 0 : index
      %swap3A_65 = vector.load %arg9[%swap3A_63, %swap3A_64] : memref<128x1xf32, #tpu.memory_space<vmem>>, vector<128x1xf32>
      tpu.vector_store %arg9[%swap3A_63, %swap3A_64], %add3A_62 {strides = array<i32>} : memref<128x1xf32, #tpu.memory_space<vmem>>, vector<128x1xf32>,
      %get3A_66 = arith.constant 0 : index
      %get3A_67 = arith.constant 0 : index
      %get3A_68 = vector.load %arg10[%get3A_66, %get3A_67] : memref<128x1xf32, #tpu.memory_space<vmem>>, vector<128x1xf32>
      %add3A_69 = arith.addf %get3A_68, %broadcast_in_dim3A_39 : vector<128x1xf32>
      %swap3A_70 = arith.constant 0 : index
      %swap3A_71 = arith.constant 0 : index
      %swap3A_72 = vector.load %arg10[%swap3A_70, %swap3A_71] : memref<128x1xf32, #tpu.memory_space<vmem>>, vector<128x1xf32>
      tpu.vector_store %arg10[%swap3A_70, %swap3A_71], %add3A_69 {strides = array<i32>} : memref<128x1xf32, #tpu.memory_space<vmem>>, vector<128x1xf32>,
    } else {
    }
    return
  }
  func.func @transform_0(%arg0: i32) -> (i32, i32, i32) {
    %c0_i32 = arith.constant 0 : i32
    %c0_i32_0 = arith.constant 0 : i32
    %c0_i32_1 = arith.constant 0 : i32
    return %arg0, %c0_i32, %c0_i32_0 : i32, i32, i32
  }
  func.func @transform_1(%arg0: i32) -> (i32, i32) {
    %c0_i32 = arith.constant 0 : i32
    %c0_i32_0 = arith.constant 0 : i32
    %c0_i32_1 = arith.constant 0 : i32
    return %c0_i32, %c0_i32_0 : i32, i32
  }
  func.func @transform_2(%arg0: i32) -> (i32, i32, i32) {
    %c0_i32 = arith.constant 0 : i32
    %c0_i32_0 = arith.constant 0 : i32
    %c0_i32_1 = arith.constant 0 : i32
    return %arg0, %c0_i32, %c0_i32_0 : i32, i32, i32
  }
  func.func @transform_3(%arg0: i32) -> (i32, i32) {
    %c0_i32 = arith.constant 0 : i32
    %c0_i32_0 = arith.constant 0 : i32
    %c0_i32_1 = arith.constant 0 : i32
    return %c0_i32, %c0_i32_0 : i32, i32
  }
  func.func @transform_4(%arg0: i32) -> (i32, i32, i32) {
    %c0_i32 = arith.constant 0 : i32
    %c0_i32_0 = arith.constant 0 : i32
    %c0_i32_1 = arith.constant 0 : i32
    return %arg0, %c0_i32, %c0_i32_0 : i32, i32, i32
  }
  func.func @transform_5(%arg0: i32) -> (i32, i32, i32) {
    %c0_i32 = arith.constant 0 : i32
    %c0_i32_0 = arith.constant 0 : i32
    %c0_i32_1 = arith.constant 0 : i32
    return %arg0, %c0_i32, %c0_i32_0 : i32, i32, i32
  }
  func.func @transform_6(%arg0: i32) -> (i32, i32) {
    %c0_i32 = arith.constant 0 : i32
    %c0_i32_0 = arith.constant 0 : i32
    %c0_i32_1 = arith.constant 0 : i32
    return %c0_i32, %c0_i32_0 : i32, i32
  }
  func.func @transform_7(%arg0: i32) -> (i32, i32) {
    %c0_i32 = arith.constant 0 : i32
    %c0_i32_0 = arith.constant 0 : i32
    %c0_i32_1 = arith.constant 0 : i32
    return %c0_i32, %c0_i32_0 : i32, i32
  }
  func.func @transform_8(%arg0: i32) -> (i32, i32) {
    %c0_i32 = arith.constant 0 : i32
    %c0_i32_0 = arith.constant 0 : i32
    %c0_i32_1 = arith.constant 0 : i32
    return %c0_i32, %c0_i32_0 : i32, i32
  }
  func.func @transform_9(%arg0: i32) -> (i32, i32) {
    %c0_i32 = arith.constant 0 : i32
    %c0_i32_0 = arith.constant 0 : i32
    %c0_i32_1 = arith.constant 0 : i32
    return %c0_i32, %c0_i32_0 : i32, i32
  }
}

module attributes {stable_mosaic.version = 14 : i64} {
  func.func @_knn_idx_body(%arg0: i32, %arg1: memref<1x4096x3xf32, #tpu.memory_space<vmem>>, %arg2: memref<1x128x3xf32, #tpu.memory_space<vmem>>, %arg3: memref<1x4096x128xf32, #tpu.memory_space<vmem>>, %arg4: memref<2x128xf32, #tpu.memory_space<vmem>>, %arg5: memref<1x3x128xi32, #tpu.memory_space<vmem>>, %arg6: memref<1x128x48xf32, #tpu.memory_space<vmem>>, %arg7: memref<1x4096x128xf32, #tpu.memory_space<vmem>>, %arg8: memref<4096x128xf32, #tpu.memory_space<vmem>>, %arg9: memref<1x4096xf32, #tpu.memory_space<vmem>>) attributes {dimension_semantics = [#tpu.dimension_semantics<arbitrary>], iteration_bounds = array<i64: 64>, scalar_prefetch = 0 : i64, scratch_operands = 2 : i64, tpu.core_type = #tpu.core_type<tc>, window_params = [{transform_indices = @transform_0, window_bounds = array<i64: 1, 4096, 3>}, {transform_indices = @transform_1, window_bounds = array<i64: 1, 128, 3>}, {transform_indices = @transform_2, window_bounds = array<i64: 1, 4096, 128>}, {pipeline_mode = #tpu.pipeline_mode<synchronous>, transform_indices = @transform_3, window_bounds = array<i64: 2, 128>}, {transform_indices = @transform_4, window_bounds = array<i64: 1, 3, 128>}, {transform_indices = @transform_5, window_bounds = array<i64: 1, 128, 48>}, {pipeline_mode = #tpu.pipeline_mode<synchronous>, transform_indices = @transform_6, window_bounds = array<i64: 1, 4096, 128>}]} {
    %eq3A = arith.constant 0 : i32
    %eq3A_0 = arith.cmpi eq, %arg0, %eq3A : i32
    %convert_element_type3A = arith.extui %eq3A_0 : i1 to i32
    %cond3A = arith.constant 0 : i32
    %cond3A_1 = arith.cmpi ne, %convert_element_type3A, %cond3A : i32
    scf.if %cond3A_1 {
      %get3A_1026 = arith.constant 0 : index
      %get3A_1027 = arith.constant 0 : index
      %get3A_1028 = vector.load %arg4[%get3A_1026, %get3A_1027] : memref<2x128xf32, #tpu.memory_space<vmem>>, vector<1x128xf32>
      %get3A_1029 = arith.constant 1 : index
      %get3A_1030 = arith.constant 0 : index
      %get3A_1031 = vector.load %arg4[%get3A_1029, %get3A_1030] : memref<2x128xf32, #tpu.memory_space<vmem>>, vector<1x128xf32>
      %get3A_1032 = arith.constant 0 : index
      %get3A_1033 = arith.constant 0 : index
      %get3A_1034 = arith.constant 0 : index
      %get3A_1035 = vector.load %arg3[%get3A_1032, %get3A_1033, %get3A_1034] : memref<1x4096x128xf32, #tpu.memory_space<vmem>>, vector<1x4096x128xf32>
      %get3A_1036 = vector.shape_cast %get3A_1035 : vector<1x4096x128xf32> to vector<4096x128xf32>
      %mul3A_1037 = vector.broadcast %get3A_1028 : vector<1x128xf32> to vector<4096x128xf32>
      %mul3A_1038 = arith.mulf %get3A_1036, %mul3A_1037 : vector<4096x128xf32>
      %add3A_1039 = vector.broadcast %get3A_1031 : vector<1x128xf32> to vector<4096x128xf32>
      %add3A_1040 = arith.addf %mul3A_1038, %add3A_1039 : vector<4096x128xf32>
      %max3A_1041 = arith.constant 0.000000e+00 : f32
      %max3A_1042 = vector.broadcast %max3A_1041 : f32 to vector<4096x128xf32>
      %max3A_1043 = arith.maximumf %add3A_1040, %max3A_1042 : vector<4096x128xf32>
      %swap3A_1044 = arith.constant 0 : index
      %swap3A_1045 = arith.constant 0 : index
      %swap3A_1046 = vector.load %arg8[%swap3A_1044, %swap3A_1045] : memref<4096x128xf32, #tpu.memory_space<vmem>>, vector<4096x128xf32>
      tpu.vector_store %arg8[%swap3A_1044, %swap3A_1045], %max3A_1043 {strides = array<i32>} : memref<4096x128xf32, #tpu.memory_space<vmem>>, vector<4096x128xf32>,
      %get3A_1047 = arith.constant 0 : index
      %get3A_1048 = arith.constant 0 : index
      %get3A_1049 = vector.load %arg8[%get3A_1047, %get3A_1048] : memref<4096x128xf32, #tpu.memory_space<vmem>>, vector<4096x128xf32>
      %swap3A_1050 = arith.constant 0 : index
      %swap3A_1051 = arith.constant 0 : index
      %swap3A_1052 = arith.constant 0 : index
      %swap3A_1053 = vector.load %arg7[%swap3A_1050, %swap3A_1051, %swap3A_1052] : memref<1x4096x128xf32, #tpu.memory_space<vmem>>, vector<1x4096x128xf32>
      %swap3A_1054 = vector.shape_cast %swap3A_1053 : vector<1x4096x128xf32> to vector<4096x128xf32>
      %swap3A_1055 = vector.shape_cast %get3A_1049 : vector<4096x128xf32> to vector<1x4096x128xf32>
      tpu.vector_store %arg7[%swap3A_1050, %swap3A_1051, %swap3A_1052], %swap3A_1055 {strides = array<i32>} : memref<1x4096x128xf32, #tpu.memory_space<vmem>>, vector<1x4096x128xf32>,
      %get3A_1056 = arith.constant 0 : index
      %get3A_1057 = arith.constant 0 : index
      %get3A_1058 = arith.constant 0 : index
      %get3A_1059 = vector.load %arg1[%get3A_1056, %get3A_1057, %get3A_1058] : memref<1x4096x3xf32, #tpu.memory_space<vmem>>, vector<1x4096x3xf32>
      %get3A_1060 = vector.shape_cast %get3A_1059 : vector<1x4096x3xf32> to vector<4096x3xf32>
      %broadcast_in_dim3A_1061 = arith.constant 1.000000e+00 : f32
      %broadcast_in_dim3A_1062 = vector.broadcast %broadcast_in_dim3A_1061 : f32 to vector<1x3xf32>
      %mul3A_1063 = arith.mulf %get3A_1060, %get3A_1060 : vector<4096x3xf32>
      %dot_general3A_1064 = arith.constant dense<0.000000e+00> : vector<1x4096xf32>
      %dot_general3A_1065 = tpu.matmul %broadcast_in_dim3A_1062, %mul3A_1063, %dot_general3A_1064 {dimension_numbers = #tpu.dot_dimension_numbers<[1], [1], [0], [0], [0, 0, 1, 0], [], []>, precision = #tpu.contract_precision<fp32>, transpose_lhs_hint = false} : vector<1x3xf32>, vector<4096x3xf32>, vector<1x4096xf32> -> vector<1x4096xf32>
      %swap3A_1066 = arith.constant 0 : index
      %swap3A_1067 = arith.constant 0 : index
      %swap3A_1068 = vector.load %arg9[%swap3A_1066, %swap3A_1067] : memref<1x4096xf32, #tpu.memory_space<vmem>>, vector<1x4096xf32>
      tpu.vector_store %arg9[%swap3A_1066, %swap3A_1067], %dot_general3A_1065 {strides = array<i32>} : memref<1x4096xf32, #tpu.memory_space<vmem>>, vector<1x4096xf32>,
    } else {
    }
    %get3A = arith.constant 0 : index
    %get3A_2 = arith.constant 0 : index
    %get3A_3 = arith.constant 0 : index
    %get3A_4 = vector.load %arg2[%get3A, %get3A_2, %get3A_3] : memref<1x128x3xf32, #tpu.memory_space<vmem>>, vector<1x128x3xf32>
    %get3A_5 = vector.shape_cast %get3A_4 : vector<1x128x3xf32> to vector<128x3xf32>
    %mul3A = arith.mulf %get3A_5, %get3A_5 : vector<128x3xf32>
    %reduce_sum3A = arith.constant dense<0.000000e+00> : vector<128xf32>
    %reduce_sum3A_6 = vector.multi_reduction <add>, %mul3A, %reduce_sum3A [1] : vector<128x3xf32> to vector<128xf32>
    %broadcast_in_dim3A = vector.shape_cast %reduce_sum3A_6 : vector<128xf32> to vector<128x1xf32>
    %get3A_7 = arith.constant 0 : index
    %get3A_8 = arith.constant 0 : index
    %get3A_9 = arith.constant 0 : index
    %get3A_10 = vector.load %arg1[%get3A_7, %get3A_8, %get3A_9] : memref<1x4096x3xf32, #tpu.memory_space<vmem>>, vector<1x4096x3xf32>
    %get3A_11 = vector.shape_cast %get3A_10 : vector<1x4096x3xf32> to vector<4096x3xf32>
    %dot_general3A = arith.constant dense<0.000000e+00> : vector<128x4096xf32>
    %dot_general3A_12 = tpu.matmul %get3A_5, %get3A_11, %dot_general3A {dimension_numbers = #tpu.dot_dimension_numbers<[1], [1], [0], [0], [0, 0, 1, 0], [], []>, transpose_lhs_hint = false} : vector<128x3xf32>, vector<4096x3xf32>, vector<128x4096xf32> -> vector<128x4096xf32>
    %get3A_13 = arith.constant 0 : index
    %get3A_14 = arith.constant 0 : index
    %get3A_15 = vector.load %arg9[%get3A_13, %get3A_14] : memref<1x4096xf32, #tpu.memory_space<vmem>>, vector<1x4096xf32>
    %add3A = vector.broadcast %broadcast_in_dim3A : vector<128x1xf32> to vector<128x4096xf32>
    %add3A_16 = vector.broadcast %get3A_15 : vector<1x4096xf32> to vector<128x4096xf32>
    %add3A_17 = arith.addf %add3A, %add3A_16 : vector<128x4096xf32>
    %mul3A_18 = arith.constant 2.000000e+00 : f32
    %mul3A_19 = vector.broadcast %mul3A_18 : f32 to vector<128x4096xf32>
    %mul3A_20 = arith.mulf %mul3A_19, %dot_general3A_12 : vector<128x4096xf32>
    %sub3A = arith.subf %add3A_17, %mul3A_20 : vector<128x4096xf32>
    %broadcast_in_dim3A_21 = arith.constant 3.400000e+38 : f32
    %broadcast_in_dim3A_22 = vector.broadcast %broadcast_in_dim3A_21 : f32 to vector<128x128xf32>
    %slice3A = vector.extract_strided_slice %sub3A {offsets = [0, 0], sizes = [128, 128], strides = [1, 1]} : vector<128x4096xf32> to vector<128x128xf32>
    %max3A = arith.maximumf %broadcast_in_dim3A_22, %slice3A : vector<128x128xf32>
    %min3A = arith.minimumf %broadcast_in_dim3A_22, %slice3A : vector<128x128xf32>
    %max3A_23 = arith.maximumf %broadcast_in_dim3A_22, %max3A : vector<128x128xf32>
    %min3A_24 = arith.minimumf %broadcast_in_dim3A_22, %max3A : vector<128x128xf32>
    %min3A_25 = arith.minimumf %broadcast_in_dim3A_22, %max3A_23 : vector<128x128xf32>
    %slice3A_26 = vector.extract_strided_slice %sub3A {offsets = [0, 128], sizes = [128, 128], strides = [1, 1]} : vector<128x4096xf32> to vector<128x128xf32>
    %max3A_27 = arith.maximumf %min3A, %slice3A_26 : vector<128x128xf32>
    %min3A_28 = arith.minimumf %min3A, %slice3A_26 : vector<128x128xf32>
    %max3A_29 = arith.maximumf %min3A_24, %max3A_27 : vector<128x128xf32>
    %min3A_30 = arith.minimumf %min3A_24, %max3A_27 : vector<128x128xf32>
    %min3A_31 = arith.minimumf %min3A_25, %max3A_29 : vector<128x128xf32>
    %slice3A_32 = vector.extract_strided_slice %sub3A {offsets = [0, 256], sizes = [128, 128], strides = [1, 1]} : vector<128x4096xf32> to vector<128x128xf32>
    %max3A_33 = arith.maximumf %min3A_28, %slice3A_32 : vector<128x128xf32>
    %min3A_34 = arith.minimumf %min3A_28, %slice3A_32 : vector<128x128xf32>
    %max3A_35 = arith.maximumf %min3A_30, %max3A_33 : vector<128x128xf32>
    %min3A_36 = arith.minimumf %min3A_30, %max3A_33 : vector<128x128xf32>
    %min3A_37 = arith.minimumf %min3A_31, %max3A_35 : vector<128x128xf32>
    %slice3A_38 = vector.extract_strided_slice %sub3A {offsets = [0, 384], sizes = [128, 128], strides = [1, 1]} : vector<128x4096xf32> to vector<128x128xf32>
    %max3A_39 = arith.maximumf %min3A_34, %slice3A_38 : vector<128x128xf32>
    %min3A_40 = arith.minimumf %min3A_34, %slice3A_38 : vector<128x128xf32>
    %max3A_41 = arith.maximumf %min3A_36, %max3A_39 : vector<128x128xf32>
    %min3A_42 = arith.minimumf %min3A_36, %max3A_39 : vector<128x128xf32>
    %min3A_43 = arith.minimumf %min3A_37, %max3A_41 : vector<128x128xf32>
    %slice3A_44 = vector.extract_strided_slice %sub3A {offsets = [0, 512], sizes = [128, 128], strides = [1, 1]} : vector<128x4096xf32> to vector<128x128xf32>
    %max3A_45 = arith.maximumf %min3A_40, %slice3A_44 : vector<128x128xf32>
    %min3A_46 = arith.minimumf %min3A_40, %slice3A_44 : vector<128x128xf32>
    %max3A_47 = arith.maximumf %min3A_42, %max3A_45 : vector<128x128xf32>
    %min3A_48 = arith.minimumf %min3A_42, %max3A_45 : vector<128x128xf32>
    %min3A_49 = arith.minimumf %min3A_43, %max3A_47 : vector<128x128xf32>
    %slice3A_50 = vector.extract_strided_slice %sub3A {offsets = [0, 640], sizes = [128, 128], strides = [1, 1]} : vector<128x4096xf32> to vector<128x128xf32>
    %max3A_51 = arith.maximumf %min3A_46, %slice3A_50 : vector<128x128xf32>
    %min3A_52 = arith.minimumf %min3A_46, %slice3A_50 : vector<128x128xf32>
    %max3A_53 = arith.maximumf %min3A_48, %max3A_51 : vector<128x128xf32>
    %min3A_54 = arith.minimumf %min3A_48, %max3A_51 : vector<128x128xf32>
    %min3A_55 = arith.minimumf %min3A_49, %max3A_53 : vector<128x128xf32>
    %slice3A_56 = vector.extract_strided_slice %sub3A {offsets = [0, 768], sizes = [128, 128], strides = [1, 1]} : vector<128x4096xf32> to vector<128x128xf32>
    %max3A_57 = arith.maximumf %min3A_52, %slice3A_56 : vector<128x128xf32>
    %min3A_58 = arith.minimumf %min3A_52, %slice3A_56 : vector<128x128xf32>
    %max3A_59 = arith.maximumf %min3A_54, %max3A_57 : vector<128x128xf32>
    %min3A_60 = arith.minimumf %min3A_54, %max3A_57 : vector<128x128xf32>
    %min3A_61 = arith.minimumf %min3A_55, %max3A_59 : vector<128x128xf32>
    %slice3A_62 = vector.extract_strided_slice %sub3A {offsets = [0, 896], sizes = [128, 128], strides = [1, 1]} : vector<128x4096xf32> to vector<128x128xf32>
    %max3A_63 = arith.maximumf %min3A_58, %slice3A_62 : vector<128x128xf32>
    %min3A_64 = arith.minimumf %min3A_58, %slice3A_62 : vector<128x128xf32>
    %max3A_65 = arith.maximumf %min3A_60, %max3A_63 : vector<128x128xf32>
    %min3A_66 = arith.minimumf %min3A_60, %max3A_63 : vector<128x128xf32>
    %min3A_67 = arith.minimumf %min3A_61, %max3A_65 : vector<128x128xf32>
    %slice3A_68 = vector.extract_strided_slice %sub3A {offsets = [0, 1024], sizes = [128, 128], strides = [1, 1]} : vector<128x4096xf32> to vector<128x128xf32>
    %max3A_69 = arith.maximumf %min3A_64, %slice3A_68 : vector<128x128xf32>
    %min3A_70 = arith.minimumf %min3A_64, %slice3A_68 : vector<128x128xf32>
    %max3A_71 = arith.maximumf %min3A_66, %max3A_69 : vector<128x128xf32>
    %min3A_72 = arith.minimumf %min3A_66, %max3A_69 : vector<128x128xf32>
    %min3A_73 = arith.minimumf %min3A_67, %max3A_71 : vector<128x128xf32>
    %slice3A_74 = vector.extract_strided_slice %sub3A {offsets = [0, 1152], sizes = [128, 128], strides = [1, 1]} : vector<128x4096xf32> to vector<128x128xf32>
    %max3A_75 = arith.maximumf %min3A_70, %slice3A_74 : vector<128x128xf32>
    %min3A_76 = arith.minimumf %min3A_70, %slice3A_74 : vector<128x128xf32>
    %max3A_77 = arith.maximumf %min3A_72, %max3A_75 : vector<128x128xf32>
    %min3A_78 = arith.minimumf %min3A_72, %max3A_75 : vector<128x128xf32>
    %min3A_79 = arith.minimumf %min3A_73, %max3A_77 : vector<128x128xf32>
    %slice3A_80 = vector.extract_strided_slice %sub3A {offsets = [0, 1280], sizes = [128, 128], strides = [1, 1]} : vector<128x4096xf32> to vector<128x128xf32>
    %max3A_81 = arith.maximumf %min3A_76, %slice3A_80 : vector<128x128xf32>
    %min3A_82 = arith.minimumf %min3A_76, %slice3A_80 : vector<128x128xf32>
    %max3A_83 = arith.maximumf %min3A_78, %max3A_81 : vector<128x128xf32>
    %min3A_84 = arith.minimumf %min3A_78, %max3A_81 : vector<128x128xf32>
    %min3A_85 = arith.minimumf %min3A_79, %max3A_83 : vector<128x128xf32>
    %slice3A_86 = vector.extract_strided_slice %sub3A {offsets = [0, 1408], sizes = [128, 128], strides = [1, 1]} : vector<128x4096xf32> to vector<128x128xf32>
    %max3A_87 = arith.maximumf %min3A_82, %slice3A_86 : vector<128x128xf32>
    %min3A_88 = arith.minimumf %min3A_82, %slice3A_86 : vector<128x128xf32>
    %max3A_89 = arith.maximumf %min3A_84, %max3A_87 : vector<128x128xf32>
    %min3A_90 = arith.minimumf %min3A_84, %max3A_87 : vector<128x128xf32>
    %min3A_91 = arith.minimumf %min3A_85, %max3A_89 : vector<128x128xf32>
    %slice3A_92 = vector.extract_strided_slice %sub3A {offsets = [0, 1536], sizes = [128, 128], strides = [1, 1]} : vector<128x4096xf32> to vector<128x128xf32>
    %max3A_93 = arith.maximumf %min3A_88, %slice3A_92 : vector<128x128xf32>
    %min3A_94 = arith.minimumf %min3A_88, %slice3A_92 : vector<128x128xf32>
    %max3A_95 = arith.maximumf %min3A_90, %max3A_93 : vector<128x128xf32>
    %min3A_96 = arith.minimumf %min3A_90, %max3A_93 : vector<128x128xf32>
    %min3A_97 = arith.minimumf %min3A_91, %max3A_95 : vector<128x128xf32>
    %slice3A_98 = vector.extract_strided_slice %sub3A {offsets = [0, 1664], sizes = [128, 128], strides = [1, 1]} : vector<128x4096xf32> to vector<128x128xf32>
    %max3A_99 = arith.maximumf %min3A_94, %slice3A_98 : vector<128x128xf32>
    %min3A_100 = arith.minimumf %min3A_94, %slice3A_98 : vector<128x128xf32>
    %max3A_101 = arith.maximumf %min3A_96, %max3A_99 : vector<128x128xf32>
    %min3A_102 = arith.minimumf %min3A_96, %max3A_99 : vector<128x128xf32>
    %min3A_103 = arith.minimumf %min3A_97, %max3A_101 : vector<128x128xf32>
    %slice3A_104 = vector.extract_strided_slice %sub3A {offsets = [0, 1792], sizes = [128, 128], strides = [1, 1]} : vector<128x4096xf32> to vector<128x128xf32>
    %max3A_105 = arith.maximumf %min3A_100, %slice3A_104 : vector<128x128xf32>
    %min3A_106 = arith.minimumf %min3A_100, %slice3A_104 : vector<128x128xf32>
    %max3A_107 = arith.maximumf %min3A_102, %max3A_105 : vector<128x128xf32>
    %min3A_108 = arith.minimumf %min3A_102, %max3A_105 : vector<128x128xf32>
    %min3A_109 = arith.minimumf %min3A_103, %max3A_107 : vector<128x128xf32>
    %slice3A_110 = vector.extract_strided_slice %sub3A {offsets = [0, 1920], sizes = [128, 128], strides = [1, 1]} : vector<128x4096xf32> to vector<128x128xf32>
    %max3A_111 = arith.maximumf %min3A_106, %slice3A_110 : vector<128x128xf32>
    %min3A_112 = arith.minimumf %min3A_106, %slice3A_110 : vector<128x128xf32>
    %max3A_113 = arith.maximumf %min3A_108, %max3A_111 : vector<128x128xf32>
    %min3A_114 = arith.minimumf %min3A_108, %max3A_111 : vector<128x128xf32>
    %min3A_115 = arith.minimumf %min3A_109, %max3A_113 : vector<128x128xf32>
    %slice3A_116 = vector.extract_strided_slice %sub3A {offsets = [0, 2048], sizes = [128, 128], strides = [1, 1]} : vector<128x4096xf32> to vector<128x128xf32>
    %max3A_117 = arith.maximumf %min3A_112, %slice3A_116 : vector<128x128xf32>
    %min3A_118 = arith.minimumf %min3A_112, %slice3A_116 : vector<128x128xf32>
    %max3A_119 = arith.maximumf %min3A_114, %max3A_117 : vector<128x128xf32>
    %min3A_120 = arith.minimumf %min3A_114, %max3A_117 : vector<128x128xf32>
    %min3A_121 = arith.minimumf %min3A_115, %max3A_119 : vector<128x128xf32>
    %slice3A_122 = vector.extract_strided_slice %sub3A {offsets = [0, 2176], sizes = [128, 128], strides = [1, 1]} : vector<128x4096xf32> to vector<128x128xf32>
    %max3A_123 = arith.maximumf %min3A_118, %slice3A_122 : vector<128x128xf32>
    %min3A_124 = arith.minimumf %min3A_118, %slice3A_122 : vector<128x128xf32>
    %max3A_125 = arith.maximumf %min3A_120, %max3A_123 : vector<128x128xf32>
    %min3A_126 = arith.minimumf %min3A_120, %max3A_123 : vector<128x128xf32>
    %min3A_127 = arith.minimumf %min3A_121, %max3A_125 : vector<128x128xf32>
    %slice3A_128 = vector.extract_strided_slice %sub3A {offsets = [0, 2304], sizes = [128, 128], strides = [1, 1]} : vector<128x4096xf32> to vector<128x128xf32>
    %max3A_129 = arith.maximumf %min3A_124, %slice3A_128 : vector<128x128xf32>
    %min3A_130 = arith.minimumf %min3A_124, %slice3A_128 : vector<128x128xf32>
    %max3A_131 = arith.maximumf %min3A_126, %max3A_129 : vector<128x128xf32>
    %min3A_132 = arith.minimumf %min3A_126, %max3A_129 : vector<128x128xf32>
    %min3A_133 = arith.minimumf %min3A_127, %max3A_131 : vector<128x128xf32>
    %slice3A_134 = vector.extract_strided_slice %sub3A {offsets = [0, 2432], sizes = [128, 128], strides = [1, 1]} : vector<128x4096xf32> to vector<128x128xf32>
    %max3A_135 = arith.maximumf %min3A_130, %slice3A_134 : vector<128x128xf32>
    %min3A_136 = arith.minimumf %min3A_130, %slice3A_134 : vector<128x128xf32>
    %max3A_137 = arith.maximumf %min3A_132, %max3A_135 : vector<128x128xf32>
    %min3A_138 = arith.minimumf %min3A_132, %max3A_135 : vector<128x128xf32>
    %min3A_139 = arith.minimumf %min3A_133, %max3A_137 : vector<128x128xf32>
    %slice3A_140 = vector.extract_strided_slice %sub3A {offsets = [0, 2560], sizes = [128, 128], strides = [1, 1]} : vector<128x4096xf32> to vector<128x128xf32>
    %max3A_141 = arith.maximumf %min3A_136, %slice3A_140 : vector<128x128xf32>
    %min3A_142 = arith.minimumf %min3A_136, %slice3A_140 : vector<128x128xf32>
    %max3A_143 = arith.maximumf %min3A_138, %max3A_141 : vector<128x128xf32>
    %min3A_144 = arith.minimumf %min3A_138, %max3A_141 : vector<128x128xf32>
    %min3A_145 = arith.minimumf %min3A_139, %max3A_143 : vector<128x128xf32>
    %slice3A_146 = vector.extract_strided_slice %sub3A {offsets = [0, 2688], sizes = [128, 128], strides = [1, 1]} : vector<128x4096xf32> to vector<128x128xf32>
    %max3A_147 = arith.maximumf %min3A_142, %slice3A_146 : vector<128x128xf32>
    %min3A_148 = arith.minimumf %min3A_142, %slice3A_146 : vector<128x128xf32>
    %max3A_149 = arith.maximumf %min3A_144, %max3A_147 : vector<128x128xf32>
    %min3A_150 = arith.minimumf %min3A_144, %max3A_147 : vector<128x128xf32>
    %min3A_151 = arith.minimumf %min3A_145, %max3A_149 : vector<128x128xf32>
    %slice3A_152 = vector.extract_strided_slice %sub3A {offsets = [0, 2816], sizes = [128, 128], strides = [1, 1]} : vector<128x4096xf32> to vector<128x128xf32>
    %max3A_153 = arith.maximumf %min3A_148, %slice3A_152 : vector<128x128xf32>
    %min3A_154 = arith.minimumf %min3A_148, %slice3A_152 : vector<128x128xf32>
    %max3A_155 = arith.maximumf %min3A_150, %max3A_153 : vector<128x128xf32>
    %min3A_156 = arith.minimumf %min3A_150, %max3A_153 : vector<128x128xf32>
    %min3A_157 = arith.minimumf %min3A_151, %max3A_155 : vector<128x128xf32>
    %slice3A_158 = vector.extract_strided_slice %sub3A {offsets = [0, 2944], sizes = [128, 128], strides = [1, 1]} : vector<128x4096xf32> to vector<128x128xf32>
    %max3A_159 = arith.maximumf %min3A_154, %slice3A_158 : vector<128x128xf32>
    %min3A_160 = arith.minimumf %min3A_154, %slice3A_158 : vector<128x128xf32>
    %max3A_161 = arith.maximumf %min3A_156, %max3A_159 : vector<128x128xf32>
    %min3A_162 = arith.minimumf %min3A_156, %max3A_159 : vector<128x128xf32>
    %min3A_163 = arith.minimumf %min3A_157, %max3A_161 : vector<128x128xf32>
    %slice3A_164 = vector.extract_strided_slice %sub3A {offsets = [0, 3072], sizes = [128, 128], strides = [1, 1]} : vector<128x4096xf32> to vector<128x128xf32>
    %max3A_165 = arith.maximumf %min3A_160, %slice3A_164 : vector<128x128xf32>
    %min3A_166 = arith.minimumf %min3A_160, %slice3A_164 : vector<128x128xf32>
    %max3A_167 = arith.maximumf %min3A_162, %max3A_165 : vector<128x128xf32>
    %min3A_168 = arith.minimumf %min3A_162, %max3A_165 : vector<128x128xf32>
    %min3A_169 = arith.minimumf %min3A_163, %max3A_167 : vector<128x128xf32>
    %slice3A_170 = vector.extract_strided_slice %sub3A {offsets = [0, 3200], sizes = [128, 128], strides = [1, 1]} : vector<128x4096xf32> to vector<128x128xf32>
    %max3A_171 = arith.maximumf %min3A_166, %slice3A_170 : vector<128x128xf32>
    %min3A_172 = arith.minimumf %min3A_166, %slice3A_170 : vector<128x128xf32>
    %max3A_173 = arith.maximumf %min3A_168, %max3A_171 : vector<128x128xf32>
    %min3A_174 = arith.minimumf %min3A_168, %max3A_171 : vector<128x128xf32>
    %min3A_175 = arith.minimumf %min3A_169, %max3A_173 : vector<128x128xf32>
    %slice3A_176 = vector.extract_strided_slice %sub3A {offsets = [0, 3328], sizes = [128, 128], strides = [1, 1]} : vector<128x4096xf32> to vector<128x128xf32>
    %max3A_177 = arith.maximumf %min3A_172, %slice3A_176 : vector<128x128xf32>
    %min3A_178 = arith.minimumf %min3A_172, %slice3A_176 : vector<128x128xf32>
    %max3A_179 = arith.maximumf %min3A_174, %max3A_177 : vector<128x128xf32>
    %min3A_180 = arith.minimumf %min3A_174, %max3A_177 : vector<128x128xf32>
    %min3A_181 = arith.minimumf %min3A_175, %max3A_179 : vector<128x128xf32>
    %slice3A_182 = vector.extract_strided_slice %sub3A {offsets = [0, 3456], sizes = [128, 128], strides = [1, 1]} : vector<128x4096xf32> to vector<128x128xf32>
    %max3A_183 = arith.maximumf %min3A_178, %slice3A_182 : vector<128x128xf32>
    %min3A_184 = arith.minimumf %min3A_178, %slice3A_182 : vector<128x128xf32>
    %max3A_185 = arith.maximumf %min3A_180, %max3A_183 : vector<128x128xf32>
    %min3A_186 = arith.minimumf %min3A_180, %max3A_183 : vector<128x128xf32>
    %min3A_187 = arith.minimumf %min3A_181, %max3A_185 : vector<128x128xf32>
    %slice3A_188 = vector.extract_strided_slice %sub3A {offsets = [0, 3584], sizes = [128, 128], strides = [1, 1]} : vector<128x4096xf32> to vector<128x128xf32>
    %max3A_189 = arith.maximumf %min3A_184, %slice3A_188 : vector<128x128xf32>
    %min3A_190 = arith.minimumf %min3A_184, %slice3A_188 : vector<128x128xf32>
    %max3A_191 = arith.maximumf %min3A_186, %max3A_189 : vector<128x128xf32>
    %min3A_192 = arith.minimumf %min3A_186, %max3A_189 : vector<128x128xf32>
    %min3A_193 = arith.minimumf %min3A_187, %max3A_191 : vector<128x128xf32>
    %slice3A_194 = vector.extract_strided_slice %sub3A {offsets = [0, 3712], sizes = [128, 128], strides = [1, 1]} : vector<128x4096xf32> to vector<128x128xf32>
    %max3A_195 = arith.maximumf %min3A_190, %slice3A_194 : vector<128x128xf32>
    %min3A_196 = arith.minimumf %min3A_190, %slice3A_194 : vector<128x128xf32>
    %max3A_197 = arith.maximumf %min3A_192, %max3A_195 : vector<128x128xf32>
    %min3A_198 = arith.minimumf %min3A_192, %max3A_195 : vector<128x128xf32>
    %min3A_199 = arith.minimumf %min3A_193, %max3A_197 : vector<128x128xf32>
    %slice3A_200 = vector.extract_strided_slice %sub3A {offsets = [0, 3840], sizes = [128, 128], strides = [1, 1]} : vector<128x4096xf32> to vector<128x128xf32>
    %max3A_201 = arith.maximumf %min3A_196, %slice3A_200 : vector<128x128xf32>
    %min3A_202 = arith.minimumf %min3A_196, %slice3A_200 : vector<128x128xf32>
    %max3A_203 = arith.maximumf %min3A_198, %max3A_201 : vector<128x128xf32>
    %min3A_204 = arith.minimumf %min3A_198, %max3A_201 : vector<128x128xf32>
    %min3A_205 = arith.minimumf %min3A_199, %max3A_203 : vector<128x128xf32>
    %slice3A_206 = vector.extract_strided_slice %sub3A {offsets = [0, 3968], sizes = [128, 128], strides = [1, 1]} : vector<128x4096xf32> to vector<128x128xf32>
    %max3A_207 = arith.maximumf %min3A_202, %slice3A_206 : vector<128x128xf32>
    %min3A_208 = arith.minimumf %min3A_202, %slice3A_206 : vector<128x128xf32>
    %max3A_209 = arith.maximumf %min3A_204, %max3A_207 : vector<128x128xf32>
    %min3A_210 = arith.minimumf %min3A_204, %max3A_207 : vector<128x128xf32>
    %min3A_211 = arith.minimumf %min3A_205, %max3A_209 : vector<128x128xf32>
    %concatenate3A = tpu.concatenate %min3A_208, %min3A_210, %min3A_211 in 1 : vector<128x128xf32>, vector<128x128xf32>, vector<128x128xf32> -> vector<128x384xf32>
    %iota3A = tpu.iota {dimensions = array<i32: 1>} : vector<128x384xi32>
    %reduce_min3A = arith.constant dense<0x7F800000> : vector<128xf32>
    %reduce_min3A_212 = vector.multi_reduction <minimumf>, %concatenate3A, %reduce_min3A [1] : vector<128x384xf32> to vector<128xf32>
    %broadcast_in_dim3A_213 = vector.shape_cast %reduce_min3A_212 : vector<128xf32> to vector<128x1xf32>
    %eq3A_214 = vector.broadcast %broadcast_in_dim3A_213 : vector<128x1xf32> to vector<128x384xf32>
    %eq3A_215 = arith.cmpf oeq, %concatenate3A, %eq3A_214 : vector<128x384xf32>
    %jit3A = arith.constant 384 : i32
    %broadcast_in_dim3A_216 = vector.broadcast %jit3A : i32 to vector<128x384xi32>
    %select_n3A = arith.select %eq3A_215, %iota3A, %broadcast_in_dim3A_216 : vector<128x384xi1>, vector<128x384xi32>
    %reduce_min3A_217 = arith.constant dense<2147483647> : vector<128xi32>
    %reduce_min3A_218 = vector.multi_reduction <minsi>, %select_n3A, %reduce_min3A_217 [1] : vector<128x384xi32> to vector<128xi32>
    %broadcast_in_dim3A_219 = vector.shape_cast %reduce_min3A_218 : vector<128xi32> to vector<128x1xi32>
    %eq3A_220 = vector.broadcast %broadcast_in_dim3A_219 : vector<128x1xi32> to vector<128x384xi32>
    %eq3A_221 = arith.cmpi eq, %iota3A, %eq3A_220 : vector<128x384xi32>
    %jit3A_222 = arith.constant 3.400000e+38 : f32
    %broadcast_in_dim3A_223 = vector.broadcast %jit3A_222 : f32 to vector<128x384xf32>
    %select_n3A_224 = arith.select %eq3A_221, %broadcast_in_dim3A_223, %concatenate3A : vector<128x384xi1>, vector<128x384xf32>
    %reduce_min3A_225 = arith.constant dense<0x7F800000> : vector<128xf32>
    %reduce_min3A_226 = vector.multi_reduction <minimumf>, %select_n3A_224, %reduce_min3A_225 [1] : vector<128x384xf32> to vector<128xf32>
    %broadcast_in_dim3A_227 = vector.shape_cast %reduce_min3A_226 : vector<128xf32> to vector<128x1xf32>
    %eq3A_228 = vector.broadcast %broadcast_in_dim3A_227 : vector<128x1xf32> to vector<128x384xf32>
    %eq3A_229 = arith.cmpf oeq, %select_n3A_224, %eq3A_228 : vector<128x384xf32>
    %jit3A_230 = arith.constant 384 : i32
    %broadcast_in_dim3A_231 = vector.broadcast %jit3A_230 : i32 to vector<128x384xi32>
    %select_n3A_232 = arith.select %eq3A_229, %iota3A, %broadcast_in_dim3A_231 : vector<128x384xi1>, vector<128x384xi32>
    %reduce_min3A_233 = arith.constant dense<2147483647> : vector<128xi32>
    %reduce_min3A_234 = vector.multi_reduction <minsi>, %select_n3A_232, %reduce_min3A_233 [1] : vector<128x384xi32> to vector<128xi32>
    %broadcast_in_dim3A_235 = vector.shape_cast %reduce_min3A_234 : vector<128xi32> to vector<128x1xi32>
    %eq3A_236 = vector.broadcast %broadcast_in_dim3A_235 : vector<128x1xi32> to vector<128x384xi32>
    %eq3A_237 = arith.cmpi eq, %iota3A, %eq3A_236 : vector<128x384xi32>
    %jit3A_238 = arith.constant 3.400000e+38 : f32
    %broadcast_in_dim3A_239 = vector.broadcast %jit3A_238 : f32 to vector<128x384xf32>
    %select_n3A_240 = arith.select %eq3A_237, %broadcast_in_dim3A_239, %select_n3A_224 : vector<128x384xi1>, vector<128x384xf32>
    %reduce_min3A_241 = arith.constant dense<0x7F800000> : vector<128xf32>
    %reduce_min3A_242 = vector.multi_reduction <minimumf>, %select_n3A_240, %reduce_min3A_241 [1] : vector<128x384xf32> to vector<128xf32>
    %broadcast_in_dim3A_243 = vector.shape_cast %reduce_min3A_242 : vector<128xf32> to vector<128x1xf32>
    %iota3A_244 = tpu.iota {dimensions = array<i32: 1>} : vector<128x128xi32>
    %broadcast_in_dim3A_245 = arith.constant 4096 : i32
    %broadcast_in_dim3A_246 = vector.broadcast %broadcast_in_dim3A_245 : i32 to vector<128x128xi32>
    %slice3A_247 = vector.extract_strided_slice %sub3A {offsets = [0, 0], sizes = [128, 128], strides = [1, 1]} : vector<128x4096xf32> to vector<128x128xf32>
    %add3A_248 = arith.constant 0 : i32
    %add3A_249 = vector.broadcast %add3A_248 : i32 to vector<128x128xi32>
    %add3A_250 = arith.addi %iota3A_244, %add3A_249 : vector<128x128xi32>
    %eq3A_251 = vector.broadcast %broadcast_in_dim3A_213 : vector<128x1xf32> to vector<128x128xf32>
    %eq3A_252 = arith.cmpf oeq, %slice3A_247, %eq3A_251 : vector<128x128xf32>
    %jit3A_253 = arith.constant 4096 : i32
    %broadcast_in_dim3A_254 = vector.broadcast %jit3A_253 : i32 to vector<128x128xi32>
    %select_n3A_255 = arith.select %eq3A_252, %add3A_250, %broadcast_in_dim3A_254 : vector<128x128xi1>, vector<128x128xi32>
    %min3A_256 = arith.minsi %broadcast_in_dim3A_246, %select_n3A_255 : vector<128x128xi32>
    %eq3A_257 = vector.broadcast %broadcast_in_dim3A_227 : vector<128x1xf32> to vector<128x128xf32>
    %eq3A_258 = arith.cmpf oeq, %slice3A_247, %eq3A_257 : vector<128x128xf32>
    %jit3A_259 = arith.constant 4096 : i32
    %broadcast_in_dim3A_260 = vector.broadcast %jit3A_259 : i32 to vector<128x128xi32>
    %select_n3A_261 = arith.select %eq3A_258, %add3A_250, %broadcast_in_dim3A_260 : vector<128x128xi1>, vector<128x128xi32>
    %min3A_262 = arith.minsi %broadcast_in_dim3A_246, %select_n3A_261 : vector<128x128xi32>
    %eq3A_263 = vector.broadcast %broadcast_in_dim3A_243 : vector<128x1xf32> to vector<128x128xf32>
    %eq3A_264 = arith.cmpf oeq, %slice3A_247, %eq3A_263 : vector<128x128xf32>
    %jit3A_265 = arith.constant 4096 : i32
    %broadcast_in_dim3A_266 = vector.broadcast %jit3A_265 : i32 to vector<128x128xi32>
    %select_n3A_267 = arith.select %eq3A_264, %add3A_250, %broadcast_in_dim3A_266 : vector<128x128xi1>, vector<128x128xi32>
    %min3A_268 = arith.minsi %broadcast_in_dim3A_246, %select_n3A_267 : vector<128x128xi32>
    %slice3A_269 = vector.extract_strided_slice %sub3A {offsets = [0, 128], sizes = [128, 128], strides = [1, 1]} : vector<128x4096xf32> to vector<128x128xf32>
    %add3A_270 = arith.constant 128 : i32
    %add3A_271 = vector.broadcast %add3A_270 : i32 to vector<128x128xi32>
    %add3A_272 = arith.addi %iota3A_244, %add3A_271 : vector<128x128xi32>
    %eq3A_273 = vector.broadcast %broadcast_in_dim3A_213 : vector<128x1xf32> to vector<128x128xf32>
    %eq3A_274 = arith.cmpf oeq, %slice3A_269, %eq3A_273 : vector<128x128xf32>
    %jit3A_275 = arith.constant 4096 : i32
    %broadcast_in_dim3A_276 = vector.broadcast %jit3A_275 : i32 to vector<128x128xi32>
    %select_n3A_277 = arith.select %eq3A_274, %add3A_272, %broadcast_in_dim3A_276 : vector<128x128xi1>, vector<128x128xi32>
    %min3A_278 = arith.minsi %min3A_256, %select_n3A_277 : vector<128x128xi32>
    %eq3A_279 = vector.broadcast %broadcast_in_dim3A_227 : vector<128x1xf32> to vector<128x128xf32>
    %eq3A_280 = arith.cmpf oeq, %slice3A_269, %eq3A_279 : vector<128x128xf32>
    %jit3A_281 = arith.constant 4096 : i32
    %broadcast_in_dim3A_282 = vector.broadcast %jit3A_281 : i32 to vector<128x128xi32>
    %select_n3A_283 = arith.select %eq3A_280, %add3A_272, %broadcast_in_dim3A_282 : vector<128x128xi1>, vector<128x128xi32>
    %min3A_284 = arith.minsi %min3A_262, %select_n3A_283 : vector<128x128xi32>
    %eq3A_285 = vector.broadcast %broadcast_in_dim3A_243 : vector<128x1xf32> to vector<128x128xf32>
    %eq3A_286 = arith.cmpf oeq, %slice3A_269, %eq3A_285 : vector<128x128xf32>
    %jit3A_287 = arith.constant 4096 : i32
    %broadcast_in_dim3A_288 = vector.broadcast %jit3A_287 : i32 to vector<128x128xi32>
    %select_n3A_289 = arith.select %eq3A_286, %add3A_272, %broadcast_in_dim3A_288 : vector<128x128xi1>, vector<128x128xi32>
    %min3A_290 = arith.minsi %min3A_268, %select_n3A_289 : vector<128x128xi32>
    %slice3A_291 = vector.extract_strided_slice %sub3A {offsets = [0, 256], sizes = [128, 128], strides = [1, 1]} : vector<128x4096xf32> to vector<128x128xf32>
    %add3A_292 = arith.constant 256 : i32
    %add3A_293 = vector.broadcast %add3A_292 : i32 to vector<128x128xi32>
    %add3A_294 = arith.addi %iota3A_244, %add3A_293 : vector<128x128xi32>
    %eq3A_295 = vector.broadcast %broadcast_in_dim3A_213 : vector<128x1xf32> to vector<128x128xf32>
    %eq3A_296 = arith.cmpf oeq, %slice3A_291, %eq3A_295 : vector<128x128xf32>
    %jit3A_297 = arith.constant 4096 : i32
    %broadcast_in_dim3A_298 = vector.broadcast %jit3A_297 : i32 to vector<128x128xi32>
    %select_n3A_299 = arith.select %eq3A_296, %add3A_294, %broadcast_in_dim3A_298 : vector<128x128xi1>, vector<128x128xi32>
    %min3A_300 = arith.minsi %min3A_278, %select_n3A_299 : vector<128x128xi32>
    %eq3A_301 = vector.broadcast %broadcast_in_dim3A_227 : vector<128x1xf32> to vector<128x128xf32>
    %eq3A_302 = arith.cmpf oeq, %slice3A_291, %eq3A_301 : vector<128x128xf32>
    %jit3A_303 = arith.constant 4096 : i32
    %broadcast_in_dim3A_304 = vector.broadcast %jit3A_303 : i32 to vector<128x128xi32>
    %select_n3A_305 = arith.select %eq3A_302, %add3A_294, %broadcast_in_dim3A_304 : vector<128x128xi1>, vector<128x128xi32>
    %min3A_306 = arith.minsi %min3A_284, %select_n3A_305 : vector<128x128xi32>
    %eq3A_307 = vector.broadcast %broadcast_in_dim3A_243 : vector<128x1xf32> to vector<128x128xf32>
    %eq3A_308 = arith.cmpf oeq, %slice3A_291, %eq3A_307 : vector<128x128xf32>
    %jit3A_309 = arith.constant 4096 : i32
    %broadcast_in_dim3A_310 = vector.broadcast %jit3A_309 : i32 to vector<128x128xi32>
    %select_n3A_311 = arith.select %eq3A_308, %add3A_294, %broadcast_in_dim3A_310 : vector<128x128xi1>, vector<128x128xi32>
    %min3A_312 = arith.minsi %min3A_290, %select_n3A_311 : vector<128x128xi32>
    %slice3A_313 = vector.extract_strided_slice %sub3A {offsets = [0, 384], sizes = [128, 128], strides = [1, 1]} : vector<128x4096xf32> to vector<128x128xf32>
    %add3A_314 = arith.constant 384 : i32
    %add3A_315 = vector.broadcast %add3A_314 : i32 to vector<128x128xi32>
    %add3A_316 = arith.addi %iota3A_244, %add3A_315 : vector<128x128xi32>
    %eq3A_317 = vector.broadcast %broadcast_in_dim3A_213 : vector<128x1xf32> to vector<128x128xf32>
    %eq3A_318 = arith.cmpf oeq, %slice3A_313, %eq3A_317 : vector<128x128xf32>
    %jit3A_319 = arith.constant 4096 : i32
    %broadcast_in_dim3A_320 = vector.broadcast %jit3A_319 : i32 to vector<128x128xi32>
    %select_n3A_321 = arith.select %eq3A_318, %add3A_316, %broadcast_in_dim3A_320 : vector<128x128xi1>, vector<128x128xi32>
    %min3A_322 = arith.minsi %min3A_300, %select_n3A_321 : vector<128x128xi32>
    %eq3A_323 = vector.broadcast %broadcast_in_dim3A_227 : vector<128x1xf32> to vector<128x128xf32>
    %eq3A_324 = arith.cmpf oeq, %slice3A_313, %eq3A_323 : vector<128x128xf32>
    %jit3A_325 = arith.constant 4096 : i32
    %broadcast_in_dim3A_326 = vector.broadcast %jit3A_325 : i32 to vector<128x128xi32>
    %select_n3A_327 = arith.select %eq3A_324, %add3A_316, %broadcast_in_dim3A_326 : vector<128x128xi1>, vector<128x128xi32>
    %min3A_328 = arith.minsi %min3A_306, %select_n3A_327 : vector<128x128xi32>
    %eq3A_329 = vector.broadcast %broadcast_in_dim3A_243 : vector<128x1xf32> to vector<128x128xf32>
    %eq3A_330 = arith.cmpf oeq, %slice3A_313, %eq3A_329 : vector<128x128xf32>
    %jit3A_331 = arith.constant 4096 : i32
    %broadcast_in_dim3A_332 = vector.broadcast %jit3A_331 : i32 to vector<128x128xi32>
    %select_n3A_333 = arith.select %eq3A_330, %add3A_316, %broadcast_in_dim3A_332 : vector<128x128xi1>, vector<128x128xi32>
    %min3A_334 = arith.minsi %min3A_312, %select_n3A_333 : vector<128x128xi32>
    %slice3A_335 = vector.extract_strided_slice %sub3A {offsets = [0, 512], sizes = [128, 128], strides = [1, 1]} : vector<128x4096xf32> to vector<128x128xf32>
    %add3A_336 = arith.constant 512 : i32
    %add3A_337 = vector.broadcast %add3A_336 : i32 to vector<128x128xi32>
    %add3A_338 = arith.addi %iota3A_244, %add3A_337 : vector<128x128xi32>
    %eq3A_339 = vector.broadcast %broadcast_in_dim3A_213 : vector<128x1xf32> to vector<128x128xf32>
    %eq3A_340 = arith.cmpf oeq, %slice3A_335, %eq3A_339 : vector<128x128xf32>
    %jit3A_341 = arith.constant 4096 : i32
    %broadcast_in_dim3A_342 = vector.broadcast %jit3A_341 : i32 to vector<128x128xi32>
    %select_n3A_343 = arith.select %eq3A_340, %add3A_338, %broadcast_in_dim3A_342 : vector<128x128xi1>, vector<128x128xi32>
    %min3A_344 = arith.minsi %min3A_322, %select_n3A_343 : vector<128x128xi32>
    %eq3A_345 = vector.broadcast %broadcast_in_dim3A_227 : vector<128x1xf32> to vector<128x128xf32>
    %eq3A_346 = arith.cmpf oeq, %slice3A_335, %eq3A_345 : vector<128x128xf32>
    %jit3A_347 = arith.constant 4096 : i32
    %broadcast_in_dim3A_348 = vector.broadcast %jit3A_347 : i32 to vector<128x128xi32>
    %select_n3A_349 = arith.select %eq3A_346, %add3A_338, %broadcast_in_dim3A_348 : vector<128x128xi1>, vector<128x128xi32>
    %min3A_350 = arith.minsi %min3A_328, %select_n3A_349 : vector<128x128xi32>
    %eq3A_351 = vector.broadcast %broadcast_in_dim3A_243 : vector<128x1xf32> to vector<128x128xf32>
    %eq3A_352 = arith.cmpf oeq, %slice3A_335, %eq3A_351 : vector<128x128xf32>
    %jit3A_353 = arith.constant 4096 : i32
    %broadcast_in_dim3A_354 = vector.broadcast %jit3A_353 : i32 to vector<128x128xi32>
    %select_n3A_355 = arith.select %eq3A_352, %add3A_338, %broadcast_in_dim3A_354 : vector<128x128xi1>, vector<128x128xi32>
    %min3A_356 = arith.minsi %min3A_334, %select_n3A_355 : vector<128x128xi32>
    %slice3A_357 = vector.extract_strided_slice %sub3A {offsets = [0, 640], sizes = [128, 128], strides = [1, 1]} : vector<128x4096xf32> to vector<128x128xf32>
    %add3A_358 = arith.constant 640 : i32
    %add3A_359 = vector.broadcast %add3A_358 : i32 to vector<128x128xi32>
    %add3A_360 = arith.addi %iota3A_244, %add3A_359 : vector<128x128xi32>
    %eq3A_361 = vector.broadcast %broadcast_in_dim3A_213 : vector<128x1xf32> to vector<128x128xf32>
    %eq3A_362 = arith.cmpf oeq, %slice3A_357, %eq3A_361 : vector<128x128xf32>
    %jit3A_363 = arith.constant 4096 : i32
    %broadcast_in_dim3A_364 = vector.broadcast %jit3A_363 : i32 to vector<128x128xi32>
    %select_n3A_365 = arith.select %eq3A_362, %add3A_360, %broadcast_in_dim3A_364 : vector<128x128xi1>, vector<128x128xi32>
    %min3A_366 = arith.minsi %min3A_344, %select_n3A_365 : vector<128x128xi32>
    %eq3A_367 = vector.broadcast %broadcast_in_dim3A_227 : vector<128x1xf32> to vector<128x128xf32>
    %eq3A_368 = arith.cmpf oeq, %slice3A_357, %eq3A_367 : vector<128x128xf32>
    %jit3A_369 = arith.constant 4096 : i32
    %broadcast_in_dim3A_370 = vector.broadcast %jit3A_369 : i32 to vector<128x128xi32>
    %select_n3A_371 = arith.select %eq3A_368, %add3A_360, %broadcast_in_dim3A_370 : vector<128x128xi1>, vector<128x128xi32>
    %min3A_372 = arith.minsi %min3A_350, %select_n3A_371 : vector<128x128xi32>
    %eq3A_373 = vector.broadcast %broadcast_in_dim3A_243 : vector<128x1xf32> to vector<128x128xf32>
    %eq3A_374 = arith.cmpf oeq, %slice3A_357, %eq3A_373 : vector<128x128xf32>
    %jit3A_375 = arith.constant 4096 : i32
    %broadcast_in_dim3A_376 = vector.broadcast %jit3A_375 : i32 to vector<128x128xi32>
    %select_n3A_377 = arith.select %eq3A_374, %add3A_360, %broadcast_in_dim3A_376 : vector<128x128xi1>, vector<128x128xi32>
    %min3A_378 = arith.minsi %min3A_356, %select_n3A_377 : vector<128x128xi32>
    %slice3A_379 = vector.extract_strided_slice %sub3A {offsets = [0, 768], sizes = [128, 128], strides = [1, 1]} : vector<128x4096xf32> to vector<128x128xf32>
    %add3A_380 = arith.constant 768 : i32
    %add3A_381 = vector.broadcast %add3A_380 : i32 to vector<128x128xi32>
    %add3A_382 = arith.addi %iota3A_244, %add3A_381 : vector<128x128xi32>
    %eq3A_383 = vector.broadcast %broadcast_in_dim3A_213 : vector<128x1xf32> to vector<128x128xf32>
    %eq3A_384 = arith.cmpf oeq, %slice3A_379, %eq3A_383 : vector<128x128xf32>
    %jit3A_385 = arith.constant 4096 : i32
    %broadcast_in_dim3A_386 = vector.broadcast %jit3A_385 : i32 to vector<128x128xi32>
    %select_n3A_387 = arith.select %eq3A_384, %add3A_382, %broadcast_in_dim3A_386 : vector<128x128xi1>, vector<128x128xi32>
    %min3A_388 = arith.minsi %min3A_366, %select_n3A_387 : vector<128x128xi32>
    %eq3A_389 = vector.broadcast %broadcast_in_dim3A_227 : vector<128x1xf32> to vector<128x128xf32>
    %eq3A_390 = arith.cmpf oeq, %slice3A_379, %eq3A_389 : vector<128x128xf32>
    %jit3A_391 = arith.constant 4096 : i32
    %broadcast_in_dim3A_392 = vector.broadcast %jit3A_391 : i32 to vector<128x128xi32>
    %select_n3A_393 = arith.select %eq3A_390, %add3A_382, %broadcast_in_dim3A_392 : vector<128x128xi1>, vector<128x128xi32>
    %min3A_394 = arith.minsi %min3A_372, %select_n3A_393 : vector<128x128xi32>
    %eq3A_395 = vector.broadcast %broadcast_in_dim3A_243 : vector<128x1xf32> to vector<128x128xf32>
    %eq3A_396 = arith.cmpf oeq, %slice3A_379, %eq3A_395 : vector<128x128xf32>
    %jit3A_397 = arith.constant 4096 : i32
    %broadcast_in_dim3A_398 = vector.broadcast %jit3A_397 : i32 to vector<128x128xi32>
    %select_n3A_399 = arith.select %eq3A_396, %add3A_382, %broadcast_in_dim3A_398 : vector<128x128xi1>, vector<128x128xi32>
    %min3A_400 = arith.minsi %min3A_378, %select_n3A_399 : vector<128x128xi32>
    %slice3A_401 = vector.extract_strided_slice %sub3A {offsets = [0, 896], sizes = [128, 128], strides = [1, 1]} : vector<128x4096xf32> to vector<128x128xf32>
    %add3A_402 = arith.constant 896 : i32
    %add3A_403 = vector.broadcast %add3A_402 : i32 to vector<128x128xi32>
    %add3A_404 = arith.addi %iota3A_244, %add3A_403 : vector<128x128xi32>
    %eq3A_405 = vector.broadcast %broadcast_in_dim3A_213 : vector<128x1xf32> to vector<128x128xf32>
    %eq3A_406 = arith.cmpf oeq, %slice3A_401, %eq3A_405 : vector<128x128xf32>
    %jit3A_407 = arith.constant 4096 : i32
    %broadcast_in_dim3A_408 = vector.broadcast %jit3A_407 : i32 to vector<128x128xi32>
    %select_n3A_409 = arith.select %eq3A_406, %add3A_404, %broadcast_in_dim3A_408 : vector<128x128xi1>, vector<128x128xi32>
    %min3A_410 = arith.minsi %min3A_388, %select_n3A_409 : vector<128x128xi32>
    %eq3A_411 = vector.broadcast %broadcast_in_dim3A_227 : vector<128x1xf32> to vector<128x128xf32>
    %eq3A_412 = arith.cmpf oeq, %slice3A_401, %eq3A_411 : vector<128x128xf32>
    %jit3A_413 = arith.constant 4096 : i32
    %broadcast_in_dim3A_414 = vector.broadcast %jit3A_413 : i32 to vector<128x128xi32>
    %select_n3A_415 = arith.select %eq3A_412, %add3A_404, %broadcast_in_dim3A_414 : vector<128x128xi1>, vector<128x128xi32>
    %min3A_416 = arith.minsi %min3A_394, %select_n3A_415 : vector<128x128xi32>
    %eq3A_417 = vector.broadcast %broadcast_in_dim3A_243 : vector<128x1xf32> to vector<128x128xf32>
    %eq3A_418 = arith.cmpf oeq, %slice3A_401, %eq3A_417 : vector<128x128xf32>
    %jit3A_419 = arith.constant 4096 : i32
    %broadcast_in_dim3A_420 = vector.broadcast %jit3A_419 : i32 to vector<128x128xi32>
    %select_n3A_421 = arith.select %eq3A_418, %add3A_404, %broadcast_in_dim3A_420 : vector<128x128xi1>, vector<128x128xi32>
    %min3A_422 = arith.minsi %min3A_400, %select_n3A_421 : vector<128x128xi32>
    %slice3A_423 = vector.extract_strided_slice %sub3A {offsets = [0, 1024], sizes = [128, 128], strides = [1, 1]} : vector<128x4096xf32> to vector<128x128xf32>
    %add3A_424 = arith.constant 1024 : i32
    %add3A_425 = vector.broadcast %add3A_424 : i32 to vector<128x128xi32>
    %add3A_426 = arith.addi %iota3A_244, %add3A_425 : vector<128x128xi32>
    %eq3A_427 = vector.broadcast %broadcast_in_dim3A_213 : vector<128x1xf32> to vector<128x128xf32>
    %eq3A_428 = arith.cmpf oeq, %slice3A_423, %eq3A_427 : vector<128x128xf32>
    %jit3A_429 = arith.constant 4096 : i32
    %broadcast_in_dim3A_430 = vector.broadcast %jit3A_429 : i32 to vector<128x128xi32>
    %select_n3A_431 = arith.select %eq3A_428, %add3A_426, %broadcast_in_dim3A_430 : vector<128x128xi1>, vector<128x128xi32>
    %min3A_432 = arith.minsi %min3A_410, %select_n3A_431 : vector<128x128xi32>
    %eq3A_433 = vector.broadcast %broadcast_in_dim3A_227 : vector<128x1xf32> to vector<128x128xf32>
    %eq3A_434 = arith.cmpf oeq, %slice3A_423, %eq3A_433 : vector<128x128xf32>
    %jit3A_435 = arith.constant 4096 : i32
    %broadcast_in_dim3A_436 = vector.broadcast %jit3A_435 : i32 to vector<128x128xi32>
    %select_n3A_437 = arith.select %eq3A_434, %add3A_426, %broadcast_in_dim3A_436 : vector<128x128xi1>, vector<128x128xi32>
    %min3A_438 = arith.minsi %min3A_416, %select_n3A_437 : vector<128x128xi32>
    %eq3A_439 = vector.broadcast %broadcast_in_dim3A_243 : vector<128x1xf32> to vector<128x128xf32>
    %eq3A_440 = arith.cmpf oeq, %slice3A_423, %eq3A_439 : vector<128x128xf32>
    %jit3A_441 = arith.constant 4096 : i32
    %broadcast_in_dim3A_442 = vector.broadcast %jit3A_441 : i32 to vector<128x128xi32>
    %select_n3A_443 = arith.select %eq3A_440, %add3A_426, %broadcast_in_dim3A_442 : vector<128x128xi1>, vector<128x128xi32>
    %min3A_444 = arith.minsi %min3A_422, %select_n3A_443 : vector<128x128xi32>
    %slice3A_445 = vector.extract_strided_slice %sub3A {offsets = [0, 1152], sizes = [128, 128], strides = [1, 1]} : vector<128x4096xf32> to vector<128x128xf32>
    %add3A_446 = arith.constant 1152 : i32
    %add3A_447 = vector.broadcast %add3A_446 : i32 to vector<128x128xi32>
    %add3A_448 = arith.addi %iota3A_244, %add3A_447 : vector<128x128xi32>
    %eq3A_449 = vector.broadcast %broadcast_in_dim3A_213 : vector<128x1xf32> to vector<128x128xf32>
    %eq3A_450 = arith.cmpf oeq, %slice3A_445, %eq3A_449 : vector<128x128xf32>
    %jit3A_451 = arith.constant 4096 : i32
    %broadcast_in_dim3A_452 = vector.broadcast %jit3A_451 : i32 to vector<128x128xi32>
    %select_n3A_453 = arith.select %eq3A_450, %add3A_448, %broadcast_in_dim3A_452 : vector<128x128xi1>, vector<128x128xi32>
    %min3A_454 = arith.minsi %min3A_432, %select_n3A_453 : vector<128x128xi32>
    %eq3A_455 = vector.broadcast %broadcast_in_dim3A_227 : vector<128x1xf32> to vector<128x128xf32>
    %eq3A_456 = arith.cmpf oeq, %slice3A_445, %eq3A_455 : vector<128x128xf32>
    %jit3A_457 = arith.constant 4096 : i32
    %broadcast_in_dim3A_458 = vector.broadcast %jit3A_457 : i32 to vector<128x128xi32>
    %select_n3A_459 = arith.select %eq3A_456, %add3A_448, %broadcast_in_dim3A_458 : vector<128x128xi1>, vector<128x128xi32>
    %min3A_460 = arith.minsi %min3A_438, %select_n3A_459 : vector<128x128xi32>
    %eq3A_461 = vector.broadcast %broadcast_in_dim3A_243 : vector<128x1xf32> to vector<128x128xf32>
    %eq3A_462 = arith.cmpf oeq, %slice3A_445, %eq3A_461 : vector<128x128xf32>
    %jit3A_463 = arith.constant 4096 : i32
    %broadcast_in_dim3A_464 = vector.broadcast %jit3A_463 : i32 to vector<128x128xi32>
    %select_n3A_465 = arith.select %eq3A_462, %add3A_448, %broadcast_in_dim3A_464 : vector<128x128xi1>, vector<128x128xi32>
    %min3A_466 = arith.minsi %min3A_444, %select_n3A_465 : vector<128x128xi32>
    %slice3A_467 = vector.extract_strided_slice %sub3A {offsets = [0, 1280], sizes = [128, 128], strides = [1, 1]} : vector<128x4096xf32> to vector<128x128xf32>
    %add3A_468 = arith.constant 1280 : i32
    %add3A_469 = vector.broadcast %add3A_468 : i32 to vector<128x128xi32>
    %add3A_470 = arith.addi %iota3A_244, %add3A_469 : vector<128x128xi32>
    %eq3A_471 = vector.broadcast %broadcast_in_dim3A_213 : vector<128x1xf32> to vector<128x128xf32>
    %eq3A_472 = arith.cmpf oeq, %slice3A_467, %eq3A_471 : vector<128x128xf32>
    %jit3A_473 = arith.constant 4096 : i32
    %broadcast_in_dim3A_474 = vector.broadcast %jit3A_473 : i32 to vector<128x128xi32>
    %select_n3A_475 = arith.select %eq3A_472, %add3A_470, %broadcast_in_dim3A_474 : vector<128x128xi1>, vector<128x128xi32>
    %min3A_476 = arith.minsi %min3A_454, %select_n3A_475 : vector<128x128xi32>
    %eq3A_477 = vector.broadcast %broadcast_in_dim3A_227 : vector<128x1xf32> to vector<128x128xf32>
    %eq3A_478 = arith.cmpf oeq, %slice3A_467, %eq3A_477 : vector<128x128xf32>
    %jit3A_479 = arith.constant 4096 : i32
    %broadcast_in_dim3A_480 = vector.broadcast %jit3A_479 : i32 to vector<128x128xi32>
    %select_n3A_481 = arith.select %eq3A_478, %add3A_470, %broadcast_in_dim3A_480 : vector<128x128xi1>, vector<128x128xi32>
    %min3A_482 = arith.minsi %min3A_460, %select_n3A_481 : vector<128x128xi32>
    %eq3A_483 = vector.broadcast %broadcast_in_dim3A_243 : vector<128x1xf32> to vector<128x128xf32>
    %eq3A_484 = arith.cmpf oeq, %slice3A_467, %eq3A_483 : vector<128x128xf32>
    %jit3A_485 = arith.constant 4096 : i32
    %broadcast_in_dim3A_486 = vector.broadcast %jit3A_485 : i32 to vector<128x128xi32>
    %select_n3A_487 = arith.select %eq3A_484, %add3A_470, %broadcast_in_dim3A_486 : vector<128x128xi1>, vector<128x128xi32>
    %min3A_488 = arith.minsi %min3A_466, %select_n3A_487 : vector<128x128xi32>
    %slice3A_489 = vector.extract_strided_slice %sub3A {offsets = [0, 1408], sizes = [128, 128], strides = [1, 1]} : vector<128x4096xf32> to vector<128x128xf32>
    %add3A_490 = arith.constant 1408 : i32
    %add3A_491 = vector.broadcast %add3A_490 : i32 to vector<128x128xi32>
    %add3A_492 = arith.addi %iota3A_244, %add3A_491 : vector<128x128xi32>
    %eq3A_493 = vector.broadcast %broadcast_in_dim3A_213 : vector<128x1xf32> to vector<128x128xf32>
    %eq3A_494 = arith.cmpf oeq, %slice3A_489, %eq3A_493 : vector<128x128xf32>
    %jit3A_495 = arith.constant 4096 : i32
    %broadcast_in_dim3A_496 = vector.broadcast %jit3A_495 : i32 to vector<128x128xi32>
    %select_n3A_497 = arith.select %eq3A_494, %add3A_492, %broadcast_in_dim3A_496 : vector<128x128xi1>, vector<128x128xi32>
    %min3A_498 = arith.minsi %min3A_476, %select_n3A_497 : vector<128x128xi32>
    %eq3A_499 = vector.broadcast %broadcast_in_dim3A_227 : vector<128x1xf32> to vector<128x128xf32>
    %eq3A_500 = arith.cmpf oeq, %slice3A_489, %eq3A_499 : vector<128x128xf32>
    %jit3A_501 = arith.constant 4096 : i32
    %broadcast_in_dim3A_502 = vector.broadcast %jit3A_501 : i32 to vector<128x128xi32>
    %select_n3A_503 = arith.select %eq3A_500, %add3A_492, %broadcast_in_dim3A_502 : vector<128x128xi1>, vector<128x128xi32>
    %min3A_504 = arith.minsi %min3A_482, %select_n3A_503 : vector<128x128xi32>
    %eq3A_505 = vector.broadcast %broadcast_in_dim3A_243 : vector<128x1xf32> to vector<128x128xf32>
    %eq3A_506 = arith.cmpf oeq, %slice3A_489, %eq3A_505 : vector<128x128xf32>
    %jit3A_507 = arith.constant 4096 : i32
    %broadcast_in_dim3A_508 = vector.broadcast %jit3A_507 : i32 to vector<128x128xi32>
    %select_n3A_509 = arith.select %eq3A_506, %add3A_492, %broadcast_in_dim3A_508 : vector<128x128xi1>, vector<128x128xi32>
    %min3A_510 = arith.minsi %min3A_488, %select_n3A_509 : vector<128x128xi32>
    %slice3A_511 = vector.extract_strided_slice %sub3A {offsets = [0, 1536], sizes = [128, 128], strides = [1, 1]} : vector<128x4096xf32> to vector<128x128xf32>
    %add3A_512 = arith.constant 1536 : i32
    %add3A_513 = vector.broadcast %add3A_512 : i32 to vector<128x128xi32>
    %add3A_514 = arith.addi %iota3A_244, %add3A_513 : vector<128x128xi32>
    %eq3A_515 = vector.broadcast %broadcast_in_dim3A_213 : vector<128x1xf32> to vector<128x128xf32>
    %eq3A_516 = arith.cmpf oeq, %slice3A_511, %eq3A_515 : vector<128x128xf32>
    %jit3A_517 = arith.constant 4096 : i32
    %broadcast_in_dim3A_518 = vector.broadcast %jit3A_517 : i32 to vector<128x128xi32>
    %select_n3A_519 = arith.select %eq3A_516, %add3A_514, %broadcast_in_dim3A_518 : vector<128x128xi1>, vector<128x128xi32>
    %min3A_520 = arith.minsi %min3A_498, %select_n3A_519 : vector<128x128xi32>
    %eq3A_521 = vector.broadcast %broadcast_in_dim3A_227 : vector<128x1xf32> to vector<128x128xf32>
    %eq3A_522 = arith.cmpf oeq, %slice3A_511, %eq3A_521 : vector<128x128xf32>
    %jit3A_523 = arith.constant 4096 : i32
    %broadcast_in_dim3A_524 = vector.broadcast %jit3A_523 : i32 to vector<128x128xi32>
    %select_n3A_525 = arith.select %eq3A_522, %add3A_514, %broadcast_in_dim3A_524 : vector<128x128xi1>, vector<128x128xi32>
    %min3A_526 = arith.minsi %min3A_504, %select_n3A_525 : vector<128x128xi32>
    %eq3A_527 = vector.broadcast %broadcast_in_dim3A_243 : vector<128x1xf32> to vector<128x128xf32>
    %eq3A_528 = arith.cmpf oeq, %slice3A_511, %eq3A_527 : vector<128x128xf32>
    %jit3A_529 = arith.constant 4096 : i32
    %broadcast_in_dim3A_530 = vector.broadcast %jit3A_529 : i32 to vector<128x128xi32>
    %select_n3A_531 = arith.select %eq3A_528, %add3A_514, %broadcast_in_dim3A_530 : vector<128x128xi1>, vector<128x128xi32>
    %min3A_532 = arith.minsi %min3A_510, %select_n3A_531 : vector<128x128xi32>
    %slice3A_533 = vector.extract_strided_slice %sub3A {offsets = [0, 1664], sizes = [128, 128], strides = [1, 1]} : vector<128x4096xf32> to vector<128x128xf32>
    %add3A_534 = arith.constant 1664 : i32
    %add3A_535 = vector.broadcast %add3A_534 : i32 to vector<128x128xi32>
    %add3A_536 = arith.addi %iota3A_244, %add3A_535 : vector<128x128xi32>
    %eq3A_537 = vector.broadcast %broadcast_in_dim3A_213 : vector<128x1xf32> to vector<128x128xf32>
    %eq3A_538 = arith.cmpf oeq, %slice3A_533, %eq3A_537 : vector<128x128xf32>
    %jit3A_539 = arith.constant 4096 : i32
    %broadcast_in_dim3A_540 = vector.broadcast %jit3A_539 : i32 to vector<128x128xi32>
    %select_n3A_541 = arith.select %eq3A_538, %add3A_536, %broadcast_in_dim3A_540 : vector<128x128xi1>, vector<128x128xi32>
    %min3A_542 = arith.minsi %min3A_520, %select_n3A_541 : vector<128x128xi32>
    %eq3A_543 = vector.broadcast %broadcast_in_dim3A_227 : vector<128x1xf32> to vector<128x128xf32>
    %eq3A_544 = arith.cmpf oeq, %slice3A_533, %eq3A_543 : vector<128x128xf32>
    %jit3A_545 = arith.constant 4096 : i32
    %broadcast_in_dim3A_546 = vector.broadcast %jit3A_545 : i32 to vector<128x128xi32>
    %select_n3A_547 = arith.select %eq3A_544, %add3A_536, %broadcast_in_dim3A_546 : vector<128x128xi1>, vector<128x128xi32>
    %min3A_548 = arith.minsi %min3A_526, %select_n3A_547 : vector<128x128xi32>
    %eq3A_549 = vector.broadcast %broadcast_in_dim3A_243 : vector<128x1xf32> to vector<128x128xf32>
    %eq3A_550 = arith.cmpf oeq, %slice3A_533, %eq3A_549 : vector<128x128xf32>
    %jit3A_551 = arith.constant 4096 : i32
    %broadcast_in_dim3A_552 = vector.broadcast %jit3A_551 : i32 to vector<128x128xi32>
    %select_n3A_553 = arith.select %eq3A_550, %add3A_536, %broadcast_in_dim3A_552 : vector<128x128xi1>, vector<128x128xi32>
    %min3A_554 = arith.minsi %min3A_532, %select_n3A_553 : vector<128x128xi32>
    %slice3A_555 = vector.extract_strided_slice %sub3A {offsets = [0, 1792], sizes = [128, 128], strides = [1, 1]} : vector<128x4096xf32> to vector<128x128xf32>
    %add3A_556 = arith.constant 1792 : i32
    %add3A_557 = vector.broadcast %add3A_556 : i32 to vector<128x128xi32>
    %add3A_558 = arith.addi %iota3A_244, %add3A_557 : vector<128x128xi32>
    %eq3A_559 = vector.broadcast %broadcast_in_dim3A_213 : vector<128x1xf32> to vector<128x128xf32>
    %eq3A_560 = arith.cmpf oeq, %slice3A_555, %eq3A_559 : vector<128x128xf32>
    %jit3A_561 = arith.constant 4096 : i32
    %broadcast_in_dim3A_562 = vector.broadcast %jit3A_561 : i32 to vector<128x128xi32>
    %select_n3A_563 = arith.select %eq3A_560, %add3A_558, %broadcast_in_dim3A_562 : vector<128x128xi1>, vector<128x128xi32>
    %min3A_564 = arith.minsi %min3A_542, %select_n3A_563 : vector<128x128xi32>
    %eq3A_565 = vector.broadcast %broadcast_in_dim3A_227 : vector<128x1xf32> to vector<128x128xf32>
    %eq3A_566 = arith.cmpf oeq, %slice3A_555, %eq3A_565 : vector<128x128xf32>
    %jit3A_567 = arith.constant 4096 : i32
    %broadcast_in_dim3A_568 = vector.broadcast %jit3A_567 : i32 to vector<128x128xi32>
    %select_n3A_569 = arith.select %eq3A_566, %add3A_558, %broadcast_in_dim3A_568 : vector<128x128xi1>, vector<128x128xi32>
    %min3A_570 = arith.minsi %min3A_548, %select_n3A_569 : vector<128x128xi32>
    %eq3A_571 = vector.broadcast %broadcast_in_dim3A_243 : vector<128x1xf32> to vector<128x128xf32>
    %eq3A_572 = arith.cmpf oeq, %slice3A_555, %eq3A_571 : vector<128x128xf32>
    %jit3A_573 = arith.constant 4096 : i32
    %broadcast_in_dim3A_574 = vector.broadcast %jit3A_573 : i32 to vector<128x128xi32>
    %select_n3A_575 = arith.select %eq3A_572, %add3A_558, %broadcast_in_dim3A_574 : vector<128x128xi1>, vector<128x128xi32>
    %min3A_576 = arith.minsi %min3A_554, %select_n3A_575 : vector<128x128xi32>
    %slice3A_577 = vector.extract_strided_slice %sub3A {offsets = [0, 1920], sizes = [128, 128], strides = [1, 1]} : vector<128x4096xf32> to vector<128x128xf32>
    %add3A_578 = arith.constant 1920 : i32
    %add3A_579 = vector.broadcast %add3A_578 : i32 to vector<128x128xi32>
    %add3A_580 = arith.addi %iota3A_244, %add3A_579 : vector<128x128xi32>
    %eq3A_581 = vector.broadcast %broadcast_in_dim3A_213 : vector<128x1xf32> to vector<128x128xf32>
    %eq3A_582 = arith.cmpf oeq, %slice3A_577, %eq3A_581 : vector<128x128xf32>
    %jit3A_583 = arith.constant 4096 : i32
    %broadcast_in_dim3A_584 = vector.broadcast %jit3A_583 : i32 to vector<128x128xi32>
    %select_n3A_585 = arith.select %eq3A_582, %add3A_580, %broadcast_in_dim3A_584 : vector<128x128xi1>, vector<128x128xi32>
    %min3A_586 = arith.minsi %min3A_564, %select_n3A_585 : vector<128x128xi32>
    %eq3A_587 = vector.broadcast %broadcast_in_dim3A_227 : vector<128x1xf32> to vector<128x128xf32>
    %eq3A_588 = arith.cmpf oeq, %slice3A_577, %eq3A_587 : vector<128x128xf32>
    %jit3A_589 = arith.constant 4096 : i32
    %broadcast_in_dim3A_590 = vector.broadcast %jit3A_589 : i32 to vector<128x128xi32>
    %select_n3A_591 = arith.select %eq3A_588, %add3A_580, %broadcast_in_dim3A_590 : vector<128x128xi1>, vector<128x128xi32>
    %min3A_592 = arith.minsi %min3A_570, %select_n3A_591 : vector<128x128xi32>
    %eq3A_593 = vector.broadcast %broadcast_in_dim3A_243 : vector<128x1xf32> to vector<128x128xf32>
    %eq3A_594 = arith.cmpf oeq, %slice3A_577, %eq3A_593 : vector<128x128xf32>
    %jit3A_595 = arith.constant 4096 : i32
    %broadcast_in_dim3A_596 = vector.broadcast %jit3A_595 : i32 to vector<128x128xi32>
    %select_n3A_597 = arith.select %eq3A_594, %add3A_580, %broadcast_in_dim3A_596 : vector<128x128xi1>, vector<128x128xi32>
    %min3A_598 = arith.minsi %min3A_576, %select_n3A_597 : vector<128x128xi32>
    %slice3A_599 = vector.extract_strided_slice %sub3A {offsets = [0, 2048], sizes = [128, 128], strides = [1, 1]} : vector<128x4096xf32> to vector<128x128xf32>
    %add3A_600 = arith.constant 2048 : i32
    %add3A_601 = vector.broadcast %add3A_600 : i32 to vector<128x128xi32>
    %add3A_602 = arith.addi %iota3A_244, %add3A_601 : vector<128x128xi32>
    %eq3A_603 = vector.broadcast %broadcast_in_dim3A_213 : vector<128x1xf32> to vector<128x128xf32>
    %eq3A_604 = arith.cmpf oeq, %slice3A_599, %eq3A_603 : vector<128x128xf32>
    %jit3A_605 = arith.constant 4096 : i32
    %broadcast_in_dim3A_606 = vector.broadcast %jit3A_605 : i32 to vector<128x128xi32>
    %select_n3A_607 = arith.select %eq3A_604, %add3A_602, %broadcast_in_dim3A_606 : vector<128x128xi1>, vector<128x128xi32>
    %min3A_608 = arith.minsi %min3A_586, %select_n3A_607 : vector<128x128xi32>
    %eq3A_609 = vector.broadcast %broadcast_in_dim3A_227 : vector<128x1xf32> to vector<128x128xf32>
    %eq3A_610 = arith.cmpf oeq, %slice3A_599, %eq3A_609 : vector<128x128xf32>
    %jit3A_611 = arith.constant 4096 : i32
    %broadcast_in_dim3A_612 = vector.broadcast %jit3A_611 : i32 to vector<128x128xi32>
    %select_n3A_613 = arith.select %eq3A_610, %add3A_602, %broadcast_in_dim3A_612 : vector<128x128xi1>, vector<128x128xi32>
    %min3A_614 = arith.minsi %min3A_592, %select_n3A_613 : vector<128x128xi32>
    %eq3A_615 = vector.broadcast %broadcast_in_dim3A_243 : vector<128x1xf32> to vector<128x128xf32>
    %eq3A_616 = arith.cmpf oeq, %slice3A_599, %eq3A_615 : vector<128x128xf32>
    %jit3A_617 = arith.constant 4096 : i32
    %broadcast_in_dim3A_618 = vector.broadcast %jit3A_617 : i32 to vector<128x128xi32>
    %select_n3A_619 = arith.select %eq3A_616, %add3A_602, %broadcast_in_dim3A_618 : vector<128x128xi1>, vector<128x128xi32>
    %min3A_620 = arith.minsi %min3A_598, %select_n3A_619 : vector<128x128xi32>
    %slice3A_621 = vector.extract_strided_slice %sub3A {offsets = [0, 2176], sizes = [128, 128], strides = [1, 1]} : vector<128x4096xf32> to vector<128x128xf32>
    %add3A_622 = arith.constant 2176 : i32
    %add3A_623 = vector.broadcast %add3A_622 : i32 to vector<128x128xi32>
    %add3A_624 = arith.addi %iota3A_244, %add3A_623 : vector<128x128xi32>
    %eq3A_625 = vector.broadcast %broadcast_in_dim3A_213 : vector<128x1xf32> to vector<128x128xf32>
    %eq3A_626 = arith.cmpf oeq, %slice3A_621, %eq3A_625 : vector<128x128xf32>
    %jit3A_627 = arith.constant 4096 : i32
    %broadcast_in_dim3A_628 = vector.broadcast %jit3A_627 : i32 to vector<128x128xi32>
    %select_n3A_629 = arith.select %eq3A_626, %add3A_624, %broadcast_in_dim3A_628 : vector<128x128xi1>, vector<128x128xi32>
    %min3A_630 = arith.minsi %min3A_608, %select_n3A_629 : vector<128x128xi32>
    %eq3A_631 = vector.broadcast %broadcast_in_dim3A_227 : vector<128x1xf32> to vector<128x128xf32>
    %eq3A_632 = arith.cmpf oeq, %slice3A_621, %eq3A_631 : vector<128x128xf32>
    %jit3A_633 = arith.constant 4096 : i32
    %broadcast_in_dim3A_634 = vector.broadcast %jit3A_633 : i32 to vector<128x128xi32>
    %select_n3A_635 = arith.select %eq3A_632, %add3A_624, %broadcast_in_dim3A_634 : vector<128x128xi1>, vector<128x128xi32>
    %min3A_636 = arith.minsi %min3A_614, %select_n3A_635 : vector<128x128xi32>
    %eq3A_637 = vector.broadcast %broadcast_in_dim3A_243 : vector<128x1xf32> to vector<128x128xf32>
    %eq3A_638 = arith.cmpf oeq, %slice3A_621, %eq3A_637 : vector<128x128xf32>
    %jit3A_639 = arith.constant 4096 : i32
    %broadcast_in_dim3A_640 = vector.broadcast %jit3A_639 : i32 to vector<128x128xi32>
    %select_n3A_641 = arith.select %eq3A_638, %add3A_624, %broadcast_in_dim3A_640 : vector<128x128xi1>, vector<128x128xi32>
    %min3A_642 = arith.minsi %min3A_620, %select_n3A_641 : vector<128x128xi32>
    %slice3A_643 = vector.extract_strided_slice %sub3A {offsets = [0, 2304], sizes = [128, 128], strides = [1, 1]} : vector<128x4096xf32> to vector<128x128xf32>
    %add3A_644 = arith.constant 2304 : i32
    %add3A_645 = vector.broadcast %add3A_644 : i32 to vector<128x128xi32>
    %add3A_646 = arith.addi %iota3A_244, %add3A_645 : vector<128x128xi32>
    %eq3A_647 = vector.broadcast %broadcast_in_dim3A_213 : vector<128x1xf32> to vector<128x128xf32>
    %eq3A_648 = arith.cmpf oeq, %slice3A_643, %eq3A_647 : vector<128x128xf32>
    %jit3A_649 = arith.constant 4096 : i32
    %broadcast_in_dim3A_650 = vector.broadcast %jit3A_649 : i32 to vector<128x128xi32>
    %select_n3A_651 = arith.select %eq3A_648, %add3A_646, %broadcast_in_dim3A_650 : vector<128x128xi1>, vector<128x128xi32>
    %min3A_652 = arith.minsi %min3A_630, %select_n3A_651 : vector<128x128xi32>
    %eq3A_653 = vector.broadcast %broadcast_in_dim3A_227 : vector<128x1xf32> to vector<128x128xf32>
    %eq3A_654 = arith.cmpf oeq, %slice3A_643, %eq3A_653 : vector<128x128xf32>
    %jit3A_655 = arith.constant 4096 : i32
    %broadcast_in_dim3A_656 = vector.broadcast %jit3A_655 : i32 to vector<128x128xi32>
    %select_n3A_657 = arith.select %eq3A_654, %add3A_646, %broadcast_in_dim3A_656 : vector<128x128xi1>, vector<128x128xi32>
    %min3A_658 = arith.minsi %min3A_636, %select_n3A_657 : vector<128x128xi32>
    %eq3A_659 = vector.broadcast %broadcast_in_dim3A_243 : vector<128x1xf32> to vector<128x128xf32>
    %eq3A_660 = arith.cmpf oeq, %slice3A_643, %eq3A_659 : vector<128x128xf32>
    %jit3A_661 = arith.constant 4096 : i32
    %broadcast_in_dim3A_662 = vector.broadcast %jit3A_661 : i32 to vector<128x128xi32>
    %select_n3A_663 = arith.select %eq3A_660, %add3A_646, %broadcast_in_dim3A_662 : vector<128x128xi1>, vector<128x128xi32>
    %min3A_664 = arith.minsi %min3A_642, %select_n3A_663 : vector<128x128xi32>
    %slice3A_665 = vector.extract_strided_slice %sub3A {offsets = [0, 2432], sizes = [128, 128], strides = [1, 1]} : vector<128x4096xf32> to vector<128x128xf32>
    %add3A_666 = arith.constant 2432 : i32
    %add3A_667 = vector.broadcast %add3A_666 : i32 to vector<128x128xi32>
    %add3A_668 = arith.addi %iota3A_244, %add3A_667 : vector<128x128xi32>
    %eq3A_669 = vector.broadcast %broadcast_in_dim3A_213 : vector<128x1xf32> to vector<128x128xf32>
    %eq3A_670 = arith.cmpf oeq, %slice3A_665, %eq3A_669 : vector<128x128xf32>
    %jit3A_671 = arith.constant 4096 : i32
    %broadcast_in_dim3A_672 = vector.broadcast %jit3A_671 : i32 to vector<128x128xi32>
    %select_n3A_673 = arith.select %eq3A_670, %add3A_668, %broadcast_in_dim3A_672 : vector<128x128xi1>, vector<128x128xi32>
    %min3A_674 = arith.minsi %min3A_652, %select_n3A_673 : vector<128x128xi32>
    %eq3A_675 = vector.broadcast %broadcast_in_dim3A_227 : vector<128x1xf32> to vector<128x128xf32>
    %eq3A_676 = arith.cmpf oeq, %slice3A_665, %eq3A_675 : vector<128x128xf32>
    %jit3A_677 = arith.constant 4096 : i32
    %broadcast_in_dim3A_678 = vector.broadcast %jit3A_677 : i32 to vector<128x128xi32>
    %select_n3A_679 = arith.select %eq3A_676, %add3A_668, %broadcast_in_dim3A_678 : vector<128x128xi1>, vector<128x128xi32>
    %min3A_680 = arith.minsi %min3A_658, %select_n3A_679 : vector<128x128xi32>
    %eq3A_681 = vector.broadcast %broadcast_in_dim3A_243 : vector<128x1xf32> to vector<128x128xf32>
    %eq3A_682 = arith.cmpf oeq, %slice3A_665, %eq3A_681 : vector<128x128xf32>
    %jit3A_683 = arith.constant 4096 : i32
    %broadcast_in_dim3A_684 = vector.broadcast %jit3A_683 : i32 to vector<128x128xi32>
    %select_n3A_685 = arith.select %eq3A_682, %add3A_668, %broadcast_in_dim3A_684 : vector<128x128xi1>, vector<128x128xi32>
    %min3A_686 = arith.minsi %min3A_664, %select_n3A_685 : vector<128x128xi32>
    %slice3A_687 = vector.extract_strided_slice %sub3A {offsets = [0, 2560], sizes = [128, 128], strides = [1, 1]} : vector<128x4096xf32> to vector<128x128xf32>
    %add3A_688 = arith.constant 2560 : i32
    %add3A_689 = vector.broadcast %add3A_688 : i32 to vector<128x128xi32>
    %add3A_690 = arith.addi %iota3A_244, %add3A_689 : vector<128x128xi32>
    %eq3A_691 = vector.broadcast %broadcast_in_dim3A_213 : vector<128x1xf32> to vector<128x128xf32>
    %eq3A_692 = arith.cmpf oeq, %slice3A_687, %eq3A_691 : vector<128x128xf32>
    %jit3A_693 = arith.constant 4096 : i32
    %broadcast_in_dim3A_694 = vector.broadcast %jit3A_693 : i32 to vector<128x128xi32>
    %select_n3A_695 = arith.select %eq3A_692, %add3A_690, %broadcast_in_dim3A_694 : vector<128x128xi1>, vector<128x128xi32>
    %min3A_696 = arith.minsi %min3A_674, %select_n3A_695 : vector<128x128xi32>
    %eq3A_697 = vector.broadcast %broadcast_in_dim3A_227 : vector<128x1xf32> to vector<128x128xf32>
    %eq3A_698 = arith.cmpf oeq, %slice3A_687, %eq3A_697 : vector<128x128xf32>
    %jit3A_699 = arith.constant 4096 : i32
    %broadcast_in_dim3A_700 = vector.broadcast %jit3A_699 : i32 to vector<128x128xi32>
    %select_n3A_701 = arith.select %eq3A_698, %add3A_690, %broadcast_in_dim3A_700 : vector<128x128xi1>, vector<128x128xi32>
    %min3A_702 = arith.minsi %min3A_680, %select_n3A_701 : vector<128x128xi32>
    %eq3A_703 = vector.broadcast %broadcast_in_dim3A_243 : vector<128x1xf32> to vector<128x128xf32>
    %eq3A_704 = arith.cmpf oeq, %slice3A_687, %eq3A_703 : vector<128x128xf32>
    %jit3A_705 = arith.constant 4096 : i32
    %broadcast_in_dim3A_706 = vector.broadcast %jit3A_705 : i32 to vector<128x128xi32>
    %select_n3A_707 = arith.select %eq3A_704, %add3A_690, %broadcast_in_dim3A_706 : vector<128x128xi1>, vector<128x128xi32>
    %min3A_708 = arith.minsi %min3A_686, %select_n3A_707 : vector<128x128xi32>
    %slice3A_709 = vector.extract_strided_slice %sub3A {offsets = [0, 2688], sizes = [128, 128], strides = [1, 1]} : vector<128x4096xf32> to vector<128x128xf32>
    %add3A_710 = arith.constant 2688 : i32
    %add3A_711 = vector.broadcast %add3A_710 : i32 to vector<128x128xi32>
    %add3A_712 = arith.addi %iota3A_244, %add3A_711 : vector<128x128xi32>
    %eq3A_713 = vector.broadcast %broadcast_in_dim3A_213 : vector<128x1xf32> to vector<128x128xf32>
    %eq3A_714 = arith.cmpf oeq, %slice3A_709, %eq3A_713 : vector<128x128xf32>
    %jit3A_715 = arith.constant 4096 : i32
    %broadcast_in_dim3A_716 = vector.broadcast %jit3A_715 : i32 to vector<128x128xi32>
    %select_n3A_717 = arith.select %eq3A_714, %add3A_712, %broadcast_in_dim3A_716 : vector<128x128xi1>, vector<128x128xi32>
    %min3A_718 = arith.minsi %min3A_696, %select_n3A_717 : vector<128x128xi32>
    %eq3A_719 = vector.broadcast %broadcast_in_dim3A_227 : vector<128x1xf32> to vector<128x128xf32>
    %eq3A_720 = arith.cmpf oeq, %slice3A_709, %eq3A_719 : vector<128x128xf32>
    %jit3A_721 = arith.constant 4096 : i32
    %broadcast_in_dim3A_722 = vector.broadcast %jit3A_721 : i32 to vector<128x128xi32>
    %select_n3A_723 = arith.select %eq3A_720, %add3A_712, %broadcast_in_dim3A_722 : vector<128x128xi1>, vector<128x128xi32>
    %min3A_724 = arith.minsi %min3A_702, %select_n3A_723 : vector<128x128xi32>
    %eq3A_725 = vector.broadcast %broadcast_in_dim3A_243 : vector<128x1xf32> to vector<128x128xf32>
    %eq3A_726 = arith.cmpf oeq, %slice3A_709, %eq3A_725 : vector<128x128xf32>
    %jit3A_727 = arith.constant 4096 : i32
    %broadcast_in_dim3A_728 = vector.broadcast %jit3A_727 : i32 to vector<128x128xi32>
    %select_n3A_729 = arith.select %eq3A_726, %add3A_712, %broadcast_in_dim3A_728 : vector<128x128xi1>, vector<128x128xi32>
    %min3A_730 = arith.minsi %min3A_708, %select_n3A_729 : vector<128x128xi32>
    %slice3A_731 = vector.extract_strided_slice %sub3A {offsets = [0, 2816], sizes = [128, 128], strides = [1, 1]} : vector<128x4096xf32> to vector<128x128xf32>
    %add3A_732 = arith.constant 2816 : i32
    %add3A_733 = vector.broadcast %add3A_732 : i32 to vector<128x128xi32>
    %add3A_734 = arith.addi %iota3A_244, %add3A_733 : vector<128x128xi32>
    %eq3A_735 = vector.broadcast %broadcast_in_dim3A_213 : vector<128x1xf32> to vector<128x128xf32>
    %eq3A_736 = arith.cmpf oeq, %slice3A_731, %eq3A_735 : vector<128x128xf32>
    %jit3A_737 = arith.constant 4096 : i32
    %broadcast_in_dim3A_738 = vector.broadcast %jit3A_737 : i32 to vector<128x128xi32>
    %select_n3A_739 = arith.select %eq3A_736, %add3A_734, %broadcast_in_dim3A_738 : vector<128x128xi1>, vector<128x128xi32>
    %min3A_740 = arith.minsi %min3A_718, %select_n3A_739 : vector<128x128xi32>
    %eq3A_741 = vector.broadcast %broadcast_in_dim3A_227 : vector<128x1xf32> to vector<128x128xf32>
    %eq3A_742 = arith.cmpf oeq, %slice3A_731, %eq3A_741 : vector<128x128xf32>
    %jit3A_743 = arith.constant 4096 : i32
    %broadcast_in_dim3A_744 = vector.broadcast %jit3A_743 : i32 to vector<128x128xi32>
    %select_n3A_745 = arith.select %eq3A_742, %add3A_734, %broadcast_in_dim3A_744 : vector<128x128xi1>, vector<128x128xi32>
    %min3A_746 = arith.minsi %min3A_724, %select_n3A_745 : vector<128x128xi32>
    %eq3A_747 = vector.broadcast %broadcast_in_dim3A_243 : vector<128x1xf32> to vector<128x128xf32>
    %eq3A_748 = arith.cmpf oeq, %slice3A_731, %eq3A_747 : vector<128x128xf32>
    %jit3A_749 = arith.constant 4096 : i32
    %broadcast_in_dim3A_750 = vector.broadcast %jit3A_749 : i32 to vector<128x128xi32>
    %select_n3A_751 = arith.select %eq3A_748, %add3A_734, %broadcast_in_dim3A_750 : vector<128x128xi1>, vector<128x128xi32>
    %min3A_752 = arith.minsi %min3A_730, %select_n3A_751 : vector<128x128xi32>
    %slice3A_753 = vector.extract_strided_slice %sub3A {offsets = [0, 2944], sizes = [128, 128], strides = [1, 1]} : vector<128x4096xf32> to vector<128x128xf32>
    %add3A_754 = arith.constant 2944 : i32
    %add3A_755 = vector.broadcast %add3A_754 : i32 to vector<128x128xi32>
    %add3A_756 = arith.addi %iota3A_244, %add3A_755 : vector<128x128xi32>
    %eq3A_757 = vector.broadcast %broadcast_in_dim3A_213 : vector<128x1xf32> to vector<128x128xf32>
    %eq3A_758 = arith.cmpf oeq, %slice3A_753, %eq3A_757 : vector<128x128xf32>
    %jit3A_759 = arith.constant 4096 : i32
    %broadcast_in_dim3A_760 = vector.broadcast %jit3A_759 : i32 to vector<128x128xi32>
    %select_n3A_761 = arith.select %eq3A_758, %add3A_756, %broadcast_in_dim3A_760 : vector<128x128xi1>, vector<128x128xi32>
    %min3A_762 = arith.minsi %min3A_740, %select_n3A_761 : vector<128x128xi32>
    %eq3A_763 = vector.broadcast %broadcast_in_dim3A_227 : vector<128x1xf32> to vector<128x128xf32>
    %eq3A_764 = arith.cmpf oeq, %slice3A_753, %eq3A_763 : vector<128x128xf32>
    %jit3A_765 = arith.constant 4096 : i32
    %broadcast_in_dim3A_766 = vector.broadcast %jit3A_765 : i32 to vector<128x128xi32>
    %select_n3A_767 = arith.select %eq3A_764, %add3A_756, %broadcast_in_dim3A_766 : vector<128x128xi1>, vector<128x128xi32>
    %min3A_768 = arith.minsi %min3A_746, %select_n3A_767 : vector<128x128xi32>
    %eq3A_769 = vector.broadcast %broadcast_in_dim3A_243 : vector<128x1xf32> to vector<128x128xf32>
    %eq3A_770 = arith.cmpf oeq, %slice3A_753, %eq3A_769 : vector<128x128xf32>
    %jit3A_771 = arith.constant 4096 : i32
    %broadcast_in_dim3A_772 = vector.broadcast %jit3A_771 : i32 to vector<128x128xi32>
    %select_n3A_773 = arith.select %eq3A_770, %add3A_756, %broadcast_in_dim3A_772 : vector<128x128xi1>, vector<128x128xi32>
    %min3A_774 = arith.minsi %min3A_752, %select_n3A_773 : vector<128x128xi32>
    %slice3A_775 = vector.extract_strided_slice %sub3A {offsets = [0, 3072], sizes = [128, 128], strides = [1, 1]} : vector<128x4096xf32> to vector<128x128xf32>
    %add3A_776 = arith.constant 3072 : i32
    %add3A_777 = vector.broadcast %add3A_776 : i32 to vector<128x128xi32>
    %add3A_778 = arith.addi %iota3A_244, %add3A_777 : vector<128x128xi32>
    %eq3A_779 = vector.broadcast %broadcast_in_dim3A_213 : vector<128x1xf32> to vector<128x128xf32>
    %eq3A_780 = arith.cmpf oeq, %slice3A_775, %eq3A_779 : vector<128x128xf32>
    %jit3A_781 = arith.constant 4096 : i32
    %broadcast_in_dim3A_782 = vector.broadcast %jit3A_781 : i32 to vector<128x128xi32>
    %select_n3A_783 = arith.select %eq3A_780, %add3A_778, %broadcast_in_dim3A_782 : vector<128x128xi1>, vector<128x128xi32>
    %min3A_784 = arith.minsi %min3A_762, %select_n3A_783 : vector<128x128xi32>
    %eq3A_785 = vector.broadcast %broadcast_in_dim3A_227 : vector<128x1xf32> to vector<128x128xf32>
    %eq3A_786 = arith.cmpf oeq, %slice3A_775, %eq3A_785 : vector<128x128xf32>
    %jit3A_787 = arith.constant 4096 : i32
    %broadcast_in_dim3A_788 = vector.broadcast %jit3A_787 : i32 to vector<128x128xi32>
    %select_n3A_789 = arith.select %eq3A_786, %add3A_778, %broadcast_in_dim3A_788 : vector<128x128xi1>, vector<128x128xi32>
    %min3A_790 = arith.minsi %min3A_768, %select_n3A_789 : vector<128x128xi32>
    %eq3A_791 = vector.broadcast %broadcast_in_dim3A_243 : vector<128x1xf32> to vector<128x128xf32>
    %eq3A_792 = arith.cmpf oeq, %slice3A_775, %eq3A_791 : vector<128x128xf32>
    %jit3A_793 = arith.constant 4096 : i32
    %broadcast_in_dim3A_794 = vector.broadcast %jit3A_793 : i32 to vector<128x128xi32>
    %select_n3A_795 = arith.select %eq3A_792, %add3A_778, %broadcast_in_dim3A_794 : vector<128x128xi1>, vector<128x128xi32>
    %min3A_796 = arith.minsi %min3A_774, %select_n3A_795 : vector<128x128xi32>
    %slice3A_797 = vector.extract_strided_slice %sub3A {offsets = [0, 3200], sizes = [128, 128], strides = [1, 1]} : vector<128x4096xf32> to vector<128x128xf32>
    %add3A_798 = arith.constant 3200 : i32
    %add3A_799 = vector.broadcast %add3A_798 : i32 to vector<128x128xi32>
    %add3A_800 = arith.addi %iota3A_244, %add3A_799 : vector<128x128xi32>
    %eq3A_801 = vector.broadcast %broadcast_in_dim3A_213 : vector<128x1xf32> to vector<128x128xf32>
    %eq3A_802 = arith.cmpf oeq, %slice3A_797, %eq3A_801 : vector<128x128xf32>
    %jit3A_803 = arith.constant 4096 : i32
    %broadcast_in_dim3A_804 = vector.broadcast %jit3A_803 : i32 to vector<128x128xi32>
    %select_n3A_805 = arith.select %eq3A_802, %add3A_800, %broadcast_in_dim3A_804 : vector<128x128xi1>, vector<128x128xi32>
    %min3A_806 = arith.minsi %min3A_784, %select_n3A_805 : vector<128x128xi32>
    %eq3A_807 = vector.broadcast %broadcast_in_dim3A_227 : vector<128x1xf32> to vector<128x128xf32>
    %eq3A_808 = arith.cmpf oeq, %slice3A_797, %eq3A_807 : vector<128x128xf32>
    %jit3A_809 = arith.constant 4096 : i32
    %broadcast_in_dim3A_810 = vector.broadcast %jit3A_809 : i32 to vector<128x128xi32>
    %select_n3A_811 = arith.select %eq3A_808, %add3A_800, %broadcast_in_dim3A_810 : vector<128x128xi1>, vector<128x128xi32>
    %min3A_812 = arith.minsi %min3A_790, %select_n3A_811 : vector<128x128xi32>
    %eq3A_813 = vector.broadcast %broadcast_in_dim3A_243 : vector<128x1xf32> to vector<128x128xf32>
    %eq3A_814 = arith.cmpf oeq, %slice3A_797, %eq3A_813 : vector<128x128xf32>
    %jit3A_815 = arith.constant 4096 : i32
    %broadcast_in_dim3A_816 = vector.broadcast %jit3A_815 : i32 to vector<128x128xi32>
    %select_n3A_817 = arith.select %eq3A_814, %add3A_800, %broadcast_in_dim3A_816 : vector<128x128xi1>, vector<128x128xi32>
    %min3A_818 = arith.minsi %min3A_796, %select_n3A_817 : vector<128x128xi32>
    %slice3A_819 = vector.extract_strided_slice %sub3A {offsets = [0, 3328], sizes = [128, 128], strides = [1, 1]} : vector<128x4096xf32> to vector<128x128xf32>
    %add3A_820 = arith.constant 3328 : i32
    %add3A_821 = vector.broadcast %add3A_820 : i32 to vector<128x128xi32>
    %add3A_822 = arith.addi %iota3A_244, %add3A_821 : vector<128x128xi32>
    %eq3A_823 = vector.broadcast %broadcast_in_dim3A_213 : vector<128x1xf32> to vector<128x128xf32>
    %eq3A_824 = arith.cmpf oeq, %slice3A_819, %eq3A_823 : vector<128x128xf32>
    %jit3A_825 = arith.constant 4096 : i32
    %broadcast_in_dim3A_826 = vector.broadcast %jit3A_825 : i32 to vector<128x128xi32>
    %select_n3A_827 = arith.select %eq3A_824, %add3A_822, %broadcast_in_dim3A_826 : vector<128x128xi1>, vector<128x128xi32>
    %min3A_828 = arith.minsi %min3A_806, %select_n3A_827 : vector<128x128xi32>
    %eq3A_829 = vector.broadcast %broadcast_in_dim3A_227 : vector<128x1xf32> to vector<128x128xf32>
    %eq3A_830 = arith.cmpf oeq, %slice3A_819, %eq3A_829 : vector<128x128xf32>
    %jit3A_831 = arith.constant 4096 : i32
    %broadcast_in_dim3A_832 = vector.broadcast %jit3A_831 : i32 to vector<128x128xi32>
    %select_n3A_833 = arith.select %eq3A_830, %add3A_822, %broadcast_in_dim3A_832 : vector<128x128xi1>, vector<128x128xi32>
    %min3A_834 = arith.minsi %min3A_812, %select_n3A_833 : vector<128x128xi32>
    %eq3A_835 = vector.broadcast %broadcast_in_dim3A_243 : vector<128x1xf32> to vector<128x128xf32>
    %eq3A_836 = arith.cmpf oeq, %slice3A_819, %eq3A_835 : vector<128x128xf32>
    %jit3A_837 = arith.constant 4096 : i32
    %broadcast_in_dim3A_838 = vector.broadcast %jit3A_837 : i32 to vector<128x128xi32>
    %select_n3A_839 = arith.select %eq3A_836, %add3A_822, %broadcast_in_dim3A_838 : vector<128x128xi1>, vector<128x128xi32>
    %min3A_840 = arith.minsi %min3A_818, %select_n3A_839 : vector<128x128xi32>
    %slice3A_841 = vector.extract_strided_slice %sub3A {offsets = [0, 3456], sizes = [128, 128], strides = [1, 1]} : vector<128x4096xf32> to vector<128x128xf32>
    %add3A_842 = arith.constant 3456 : i32
    %add3A_843 = vector.broadcast %add3A_842 : i32 to vector<128x128xi32>
    %add3A_844 = arith.addi %iota3A_244, %add3A_843 : vector<128x128xi32>
    %eq3A_845 = vector.broadcast %broadcast_in_dim3A_213 : vector<128x1xf32> to vector<128x128xf32>
    %eq3A_846 = arith.cmpf oeq, %slice3A_841, %eq3A_845 : vector<128x128xf32>
    %jit3A_847 = arith.constant 4096 : i32
    %broadcast_in_dim3A_848 = vector.broadcast %jit3A_847 : i32 to vector<128x128xi32>
    %select_n3A_849 = arith.select %eq3A_846, %add3A_844, %broadcast_in_dim3A_848 : vector<128x128xi1>, vector<128x128xi32>
    %min3A_850 = arith.minsi %min3A_828, %select_n3A_849 : vector<128x128xi32>
    %eq3A_851 = vector.broadcast %broadcast_in_dim3A_227 : vector<128x1xf32> to vector<128x128xf32>
    %eq3A_852 = arith.cmpf oeq, %slice3A_841, %eq3A_851 : vector<128x128xf32>
    %jit3A_853 = arith.constant 4096 : i32
    %broadcast_in_dim3A_854 = vector.broadcast %jit3A_853 : i32 to vector<128x128xi32>
    %select_n3A_855 = arith.select %eq3A_852, %add3A_844, %broadcast_in_dim3A_854 : vector<128x128xi1>, vector<128x128xi32>
    %min3A_856 = arith.minsi %min3A_834, %select_n3A_855 : vector<128x128xi32>
    %eq3A_857 = vector.broadcast %broadcast_in_dim3A_243 : vector<128x1xf32> to vector<128x128xf32>
    %eq3A_858 = arith.cmpf oeq, %slice3A_841, %eq3A_857 : vector<128x128xf32>
    %jit3A_859 = arith.constant 4096 : i32
    %broadcast_in_dim3A_860 = vector.broadcast %jit3A_859 : i32 to vector<128x128xi32>
    %select_n3A_861 = arith.select %eq3A_858, %add3A_844, %broadcast_in_dim3A_860 : vector<128x128xi1>, vector<128x128xi32>
    %min3A_862 = arith.minsi %min3A_840, %select_n3A_861 : vector<128x128xi32>
    %slice3A_863 = vector.extract_strided_slice %sub3A {offsets = [0, 3584], sizes = [128, 128], strides = [1, 1]} : vector<128x4096xf32> to vector<128x128xf32>
    %add3A_864 = arith.constant 3584 : i32
    %add3A_865 = vector.broadcast %add3A_864 : i32 to vector<128x128xi32>
    %add3A_866 = arith.addi %iota3A_244, %add3A_865 : vector<128x128xi32>
    %eq3A_867 = vector.broadcast %broadcast_in_dim3A_213 : vector<128x1xf32> to vector<128x128xf32>
    %eq3A_868 = arith.cmpf oeq, %slice3A_863, %eq3A_867 : vector<128x128xf32>
    %jit3A_869 = arith.constant 4096 : i32
    %broadcast_in_dim3A_870 = vector.broadcast %jit3A_869 : i32 to vector<128x128xi32>
    %select_n3A_871 = arith.select %eq3A_868, %add3A_866, %broadcast_in_dim3A_870 : vector<128x128xi1>, vector<128x128xi32>
    %min3A_872 = arith.minsi %min3A_850, %select_n3A_871 : vector<128x128xi32>
    %eq3A_873 = vector.broadcast %broadcast_in_dim3A_227 : vector<128x1xf32> to vector<128x128xf32>
    %eq3A_874 = arith.cmpf oeq, %slice3A_863, %eq3A_873 : vector<128x128xf32>
    %jit3A_875 = arith.constant 4096 : i32
    %broadcast_in_dim3A_876 = vector.broadcast %jit3A_875 : i32 to vector<128x128xi32>
    %select_n3A_877 = arith.select %eq3A_874, %add3A_866, %broadcast_in_dim3A_876 : vector<128x128xi1>, vector<128x128xi32>
    %min3A_878 = arith.minsi %min3A_856, %select_n3A_877 : vector<128x128xi32>
    %eq3A_879 = vector.broadcast %broadcast_in_dim3A_243 : vector<128x1xf32> to vector<128x128xf32>
    %eq3A_880 = arith.cmpf oeq, %slice3A_863, %eq3A_879 : vector<128x128xf32>
    %jit3A_881 = arith.constant 4096 : i32
    %broadcast_in_dim3A_882 = vector.broadcast %jit3A_881 : i32 to vector<128x128xi32>
    %select_n3A_883 = arith.select %eq3A_880, %add3A_866, %broadcast_in_dim3A_882 : vector<128x128xi1>, vector<128x128xi32>
    %min3A_884 = arith.minsi %min3A_862, %select_n3A_883 : vector<128x128xi32>
    %slice3A_885 = vector.extract_strided_slice %sub3A {offsets = [0, 3712], sizes = [128, 128], strides = [1, 1]} : vector<128x4096xf32> to vector<128x128xf32>
    %add3A_886 = arith.constant 3712 : i32
    %add3A_887 = vector.broadcast %add3A_886 : i32 to vector<128x128xi32>
    %add3A_888 = arith.addi %iota3A_244, %add3A_887 : vector<128x128xi32>
    %eq3A_889 = vector.broadcast %broadcast_in_dim3A_213 : vector<128x1xf32> to vector<128x128xf32>
    %eq3A_890 = arith.cmpf oeq, %slice3A_885, %eq3A_889 : vector<128x128xf32>
    %jit3A_891 = arith.constant 4096 : i32
    %broadcast_in_dim3A_892 = vector.broadcast %jit3A_891 : i32 to vector<128x128xi32>
    %select_n3A_893 = arith.select %eq3A_890, %add3A_888, %broadcast_in_dim3A_892 : vector<128x128xi1>, vector<128x128xi32>
    %min3A_894 = arith.minsi %min3A_872, %select_n3A_893 : vector<128x128xi32>
    %eq3A_895 = vector.broadcast %broadcast_in_dim3A_227 : vector<128x1xf32> to vector<128x128xf32>
    %eq3A_896 = arith.cmpf oeq, %slice3A_885, %eq3A_895 : vector<128x128xf32>
    %jit3A_897 = arith.constant 4096 : i32
    %broadcast_in_dim3A_898 = vector.broadcast %jit3A_897 : i32 to vector<128x128xi32>
    %select_n3A_899 = arith.select %eq3A_896, %add3A_888, %broadcast_in_dim3A_898 : vector<128x128xi1>, vector<128x128xi32>
    %min3A_900 = arith.minsi %min3A_878, %select_n3A_899 : vector<128x128xi32>
    %eq3A_901 = vector.broadcast %broadcast_in_dim3A_243 : vector<128x1xf32> to vector<128x128xf32>
    %eq3A_902 = arith.cmpf oeq, %slice3A_885, %eq3A_901 : vector<128x128xf32>
    %jit3A_903 = arith.constant 4096 : i32
    %broadcast_in_dim3A_904 = vector.broadcast %jit3A_903 : i32 to vector<128x128xi32>
    %select_n3A_905 = arith.select %eq3A_902, %add3A_888, %broadcast_in_dim3A_904 : vector<128x128xi1>, vector<128x128xi32>
    %min3A_906 = arith.minsi %min3A_884, %select_n3A_905 : vector<128x128xi32>
    %slice3A_907 = vector.extract_strided_slice %sub3A {offsets = [0, 3840], sizes = [128, 128], strides = [1, 1]} : vector<128x4096xf32> to vector<128x128xf32>
    %add3A_908 = arith.constant 3840 : i32
    %add3A_909 = vector.broadcast %add3A_908 : i32 to vector<128x128xi32>
    %add3A_910 = arith.addi %iota3A_244, %add3A_909 : vector<128x128xi32>
    %eq3A_911 = vector.broadcast %broadcast_in_dim3A_213 : vector<128x1xf32> to vector<128x128xf32>
    %eq3A_912 = arith.cmpf oeq, %slice3A_907, %eq3A_911 : vector<128x128xf32>
    %jit3A_913 = arith.constant 4096 : i32
    %broadcast_in_dim3A_914 = vector.broadcast %jit3A_913 : i32 to vector<128x128xi32>
    %select_n3A_915 = arith.select %eq3A_912, %add3A_910, %broadcast_in_dim3A_914 : vector<128x128xi1>, vector<128x128xi32>
    %min3A_916 = arith.minsi %min3A_894, %select_n3A_915 : vector<128x128xi32>
    %eq3A_917 = vector.broadcast %broadcast_in_dim3A_227 : vector<128x1xf32> to vector<128x128xf32>
    %eq3A_918 = arith.cmpf oeq, %slice3A_907, %eq3A_917 : vector<128x128xf32>
    %jit3A_919 = arith.constant 4096 : i32
    %broadcast_in_dim3A_920 = vector.broadcast %jit3A_919 : i32 to vector<128x128xi32>
    %select_n3A_921 = arith.select %eq3A_918, %add3A_910, %broadcast_in_dim3A_920 : vector<128x128xi1>, vector<128x128xi32>
    %min3A_922 = arith.minsi %min3A_900, %select_n3A_921 : vector<128x128xi32>
    %eq3A_923 = vector.broadcast %broadcast_in_dim3A_243 : vector<128x1xf32> to vector<128x128xf32>
    %eq3A_924 = arith.cmpf oeq, %slice3A_907, %eq3A_923 : vector<128x128xf32>
    %jit3A_925 = arith.constant 4096 : i32
    %broadcast_in_dim3A_926 = vector.broadcast %jit3A_925 : i32 to vector<128x128xi32>
    %select_n3A_927 = arith.select %eq3A_924, %add3A_910, %broadcast_in_dim3A_926 : vector<128x128xi1>, vector<128x128xi32>
    %min3A_928 = arith.minsi %min3A_906, %select_n3A_927 : vector<128x128xi32>
    %slice3A_929 = vector.extract_strided_slice %sub3A {offsets = [0, 3968], sizes = [128, 128], strides = [1, 1]} : vector<128x4096xf32> to vector<128x128xf32>
    %add3A_930 = arith.constant 3968 : i32
    %add3A_931 = vector.broadcast %add3A_930 : i32 to vector<128x128xi32>
    %add3A_932 = arith.addi %iota3A_244, %add3A_931 : vector<128x128xi32>
    %eq3A_933 = vector.broadcast %broadcast_in_dim3A_213 : vector<128x1xf32> to vector<128x128xf32>
    %eq3A_934 = arith.cmpf oeq, %slice3A_929, %eq3A_933 : vector<128x128xf32>
    %jit3A_935 = arith.constant 4096 : i32
    %broadcast_in_dim3A_936 = vector.broadcast %jit3A_935 : i32 to vector<128x128xi32>
    %select_n3A_937 = arith.select %eq3A_934, %add3A_932, %broadcast_in_dim3A_936 : vector<128x128xi1>, vector<128x128xi32>
    %min3A_938 = arith.minsi %min3A_916, %select_n3A_937 : vector<128x128xi32>
    %eq3A_939 = vector.broadcast %broadcast_in_dim3A_227 : vector<128x1xf32> to vector<128x128xf32>
    %eq3A_940 = arith.cmpf oeq, %slice3A_929, %eq3A_939 : vector<128x128xf32>
    %jit3A_941 = arith.constant 4096 : i32
    %broadcast_in_dim3A_942 = vector.broadcast %jit3A_941 : i32 to vector<128x128xi32>
    %select_n3A_943 = arith.select %eq3A_940, %add3A_932, %broadcast_in_dim3A_942 : vector<128x128xi1>, vector<128x128xi32>
    %min3A_944 = arith.minsi %min3A_922, %select_n3A_943 : vector<128x128xi32>
    %eq3A_945 = vector.broadcast %broadcast_in_dim3A_243 : vector<128x1xf32> to vector<128x128xf32>
    %eq3A_946 = arith.cmpf oeq, %slice3A_929, %eq3A_945 : vector<128x128xf32>
    %jit3A_947 = arith.constant 4096 : i32
    %broadcast_in_dim3A_948 = vector.broadcast %jit3A_947 : i32 to vector<128x128xi32>
    %select_n3A_949 = arith.select %eq3A_946, %add3A_932, %broadcast_in_dim3A_948 : vector<128x128xi1>, vector<128x128xi32>
    %min3A_950 = arith.minsi %min3A_928, %select_n3A_949 : vector<128x128xi32>
    %reduce_min3A_951 = arith.constant dense<2147483647> : vector<128xi32>
    %reduce_min3A_952 = vector.multi_reduction <minsi>, %min3A_938, %reduce_min3A_951 [1] : vector<128x128xi32> to vector<128xi32>
    %broadcast_in_dim3A_953 = vector.shape_cast %reduce_min3A_952 : vector<128xi32> to vector<128x1xi32>
    %reduce_min3A_954 = arith.constant dense<2147483647> : vector<128xi32>
    %reduce_min3A_955 = vector.multi_reduction <minsi>, %min3A_944, %reduce_min3A_954 [1] : vector<128x128xi32> to vector<128xi32>
    %broadcast_in_dim3A_956 = vector.shape_cast %reduce_min3A_955 : vector<128xi32> to vector<128x1xi32>
    %reduce_min3A_957 = arith.constant dense<2147483647> : vector<128xi32>
    %reduce_min3A_958 = vector.multi_reduction <minsi>, %min3A_950, %reduce_min3A_957 [1] : vector<128x128xi32> to vector<128xi32>
    %broadcast_in_dim3A_959 = vector.shape_cast %reduce_min3A_958 : vector<128xi32> to vector<128x1xi32>
    %concatenate3A_960 = tpu.concatenate %broadcast_in_dim3A_953, %broadcast_in_dim3A_956, %broadcast_in_dim3A_959 in 1 : vector<128x1xi32>, vector<128x1xi32>, vector<128x1xi32> -> vector<128x3xi32>
    %transpose3A = tpu.transpose %concatenate3A_960, [1, 0] : vector<128x3xi32> -> vector<3x128xi32>
    %swap3A = arith.constant 0 : index
    %swap3A_961 = arith.constant 0 : index
    %swap3A_962 = arith.constant 0 : index
    %swap3A_963 = vector.load %arg5[%swap3A, %swap3A_961, %swap3A_962] : memref<1x3x128xi32, #tpu.memory_space<vmem>>, vector<1x3x128xi32>
    %swap3A_964 = vector.shape_cast %swap3A_963 : vector<1x3x128xi32> to vector<3x128xi32>
    %swap3A_965 = vector.shape_cast %transpose3A : vector<3x128xi32> to vector<1x3x128xi32>
    tpu.vector_store %arg5[%swap3A, %swap3A_961, %swap3A_962], %swap3A_965 {strides = array<i32>} : memref<1x3x128xi32, #tpu.memory_space<vmem>>, vector<1x3x128xi32>,
    %eq3A_966 = arith.cmpf oeq, %broadcast_in_dim3A_227, %broadcast_in_dim3A_213 : vector<128x1xf32>
    %eq3A_967 = arith.cmpf oeq, %broadcast_in_dim3A_243, %broadcast_in_dim3A_227 : vector<128x1xf32>
    %or3A = arith.ori %eq3A_966, %eq3A_967 : vector<128x1xi1>
    %reduce_or3A = arith.constant 1.000000e+00 : f32
    %reduce_or3A_968 = arith.constant 0.000000e+00 : f32
    %reduce_or3A_969 = vector.broadcast %reduce_or3A : f32 to vector<128x1xf32>
    %reduce_or3A_970 = vector.broadcast %reduce_or3A_968 : f32 to vector<128x1xf32>
    %reduce_or3A_971 = arith.select %or3A, %reduce_or3A_969, %reduce_or3A_970 : vector<128x1xi1>, vector<128x1xf32>
    %reduce_or3A_972 = vector.shape_cast %reduce_or3A_971 : vector<128x1xf32> to vector<1x128x1xf32>
    %reduce_or3A_973 = arith.constant dense<0xFF800000> : vector<1xf32>
    %reduce_or3A_974 = vector.multi_reduction <maximumf>, %reduce_or3A_972, %reduce_or3A_973 [1, 2] : vector<1x128x1xf32> to vector<1xf32>
    %reduce_or3A_975 = vector.shape_cast %reduce_or3A_974 : vector<1xf32> to vector<1x1x1xf32>
    %reduce_or3A_976 = vector.extract %reduce_or3A_975[0, 0, 0] : f32 from vector<1x1x1xf32>
    %reduce_or3A_977 = arith.constant 0.000000e+00 : f32
    %reduce_or3A_978 = arith.cmpf ogt, %reduce_or3A_976, %reduce_or3A_977 : f32
    %convert_element_type3A_979 = arith.extui %reduce_or3A_978 : i1 to i32
    %cond3A_980 = arith.constant 0 : i32
    %cond3A_981 = arith.cmpi ne, %convert_element_type3A_979, %cond3A_980 : i32
    scf.if %cond3A_981 {
      %iota3A_1026 = tpu.iota {dimensions = array<i32: 1>} : vector<128x4096xi32>
      %eq3A_1027 = arith.cmpf oeq, %broadcast_in_dim3A_227, %broadcast_in_dim3A_213 : vector<128x1xf32>
      %jit3A_1028 = arith.constant -1 : i32
      %broadcast_in_dim3A_1029 = vector.broadcast %jit3A_1028 : i32 to vector<128x1xi32>
      %select_n3A_1030 = arith.select %eq3A_1027, %broadcast_in_dim3A_953, %broadcast_in_dim3A_1029 : vector<128x1xi1>, vector<128x1xi32>
      %eq3A_1031 = vector.broadcast %broadcast_in_dim3A_227 : vector<128x1xf32> to vector<128x4096xf32>
      %eq3A_1032 = arith.cmpf oeq, %sub3A, %eq3A_1031 : vector<128x4096xf32>
      %gt3A = vector.broadcast %select_n3A_1030 : vector<128x1xi32> to vector<128x4096xi32>
      %gt3A_1033 = arith.cmpi sgt, %iota3A_1026, %gt3A : vector<128x4096xi32>
      %and3A = arith.andi %eq3A_1032, %gt3A_1033 : vector<128x4096xi1>
      %jit3A_1034 = arith.constant 4096 : i32
      %broadcast_in_dim3A_1035 = vector.broadcast %jit3A_1034 : i32 to vector<128x4096xi32>
      %select_n3A_1036 = arith.select %and3A, %iota3A_1026, %broadcast_in_dim3A_1035 : vector<128x4096xi1>, vector<128x4096xi32>
      %reduce_min3A_1037 = arith.constant dense<2147483647> : vector<128xi32>
      %reduce_min3A_1038 = vector.multi_reduction <minsi>, %select_n3A_1036, %reduce_min3A_1037 [1] : vector<128x4096xi32> to vector<128xi32>
      %broadcast_in_dim3A_1039 = vector.shape_cast %reduce_min3A_1038 : vector<128xi32> to vector<128x1xi32>
      %eq3A_1040 = arith.cmpf oeq, %broadcast_in_dim3A_243, %broadcast_in_dim3A_227 : vector<128x1xf32>
      %jit3A_1041 = arith.constant -1 : i32
      %broadcast_in_dim3A_1042 = vector.broadcast %jit3A_1041 : i32 to vector<128x1xi32>
      %select_n3A_1043 = arith.select %eq3A_1040, %broadcast_in_dim3A_1039, %broadcast_in_dim3A_1042 : vector<128x1xi1>, vector<128x1xi32>
      %eq3A_1044 = vector.broadcast %broadcast_in_dim3A_243 : vector<128x1xf32> to vector<128x4096xf32>
      %eq3A_1045 = arith.cmpf oeq, %sub3A, %eq3A_1044 : vector<128x4096xf32>
      %gt3A_1046 = vector.broadcast %select_n3A_1043 : vector<128x1xi32> to vector<128x4096xi32>
      %gt3A_1047 = arith.cmpi sgt, %iota3A_1026, %gt3A_1046 : vector<128x4096xi32>
      %and3A_1048 = arith.andi %eq3A_1045, %gt3A_1047 : vector<128x4096xi1>
      %jit3A_1049 = arith.constant 4096 : i32
      %broadcast_in_dim3A_1050 = vector.broadcast %jit3A_1049 : i32 to vector<128x4096xi32>
      %select_n3A_1051 = arith.select %and3A_1048, %iota3A_1026, %broadcast_in_dim3A_1050 : vector<128x4096xi1>, vector<128x4096xi32>
      %reduce_min3A_1052 = arith.constant dense<2147483647> : vector<128xi32>
      %reduce_min3A_1053 = vector.multi_reduction <minsi>, %select_n3A_1051, %reduce_min3A_1052 [1] : vector<128x4096xi32> to vector<128xi32>
      %broadcast_in_dim3A_1054 = vector.shape_cast %reduce_min3A_1053 : vector<128xi32> to vector<128x1xi32>
      %concatenate3A_1055 = tpu.concatenate %broadcast_in_dim3A_953, %broadcast_in_dim3A_1039, %broadcast_in_dim3A_1054 in 1 : vector<128x1xi32>, vector<128x1xi32>, vector<128x1xi32> -> vector<128x3xi32>
      %transpose3A_1056 = tpu.transpose %concatenate3A_1055, [1, 0] : vector<128x3xi32> -> vector<3x128xi32>
      %swap3A_1057 = arith.constant 0 : index
      %swap3A_1058 = arith.constant 0 : index
      %swap3A_1059 = arith.constant 0 : index
      %swap3A_1060 = vector.load %arg5[%swap3A_1057, %swap3A_1058, %swap3A_1059] : memref<1x3x128xi32, #tpu.memory_space<vmem>>, vector<1x3x128xi32>
      %swap3A_1061 = vector.shape_cast %swap3A_1060 : vector<1x3x128xi32> to vector<3x128xi32>
      %swap3A_1062 = vector.shape_cast %transpose3A_1056 : vector<3x128xi32> to vector<1x3x128xi32>
      tpu.vector_store %arg5[%swap3A_1057, %swap3A_1058, %swap3A_1059], %swap3A_1062 {strides = array<i32>} : memref<1x3x128xi32, #tpu.memory_space<vmem>>, vector<1x3x128xi32>,
    } else {
    }
    %max3A_982 = arith.constant 0.000000e+00 : f32
    %max3A_983 = vector.broadcast %max3A_982 : f32 to vector<128x1xf32>
    %max3A_984 = arith.maximumf %broadcast_in_dim3A_213, %max3A_983 : vector<128x1xf32>
    %add3A_985 = arith.constant 9.99999993E-9 : f32
    %add3A_986 = vector.broadcast %add3A_985 : f32 to vector<128x1xf32>
    %add3A_987 = arith.addf %max3A_984, %add3A_986 : vector<128x1xf32>
    %div3A = arith.constant 1.000000e+00 : f32
    %div3A_988 = vector.broadcast %div3A : f32 to vector<128x1xf32>
    %div3A_989 = arith.divf %div3A_988, %add3A_987 : vector<128x1xf32>
    %max3A_990 = arith.constant 0.000000e+00 : f32
    %max3A_991 = vector.broadcast %max3A_990 : f32 to vector<128x1xf32>
    %max3A_992 = arith.maximumf %broadcast_in_dim3A_227, %max3A_991 : vector<128x1xf32>
    %add3A_993 = arith.constant 9.99999993E-9 : f32
    %add3A_994 = vector.broadcast %add3A_993 : f32 to vector<128x1xf32>
    %add3A_995 = arith.addf %max3A_992, %add3A_994 : vector<128x1xf32>
    %div3A_996 = arith.constant 1.000000e+00 : f32
    %div3A_997 = vector.broadcast %div3A_996 : f32 to vector<128x1xf32>
    %div3A_998 = arith.divf %div3A_997, %add3A_995 : vector<128x1xf32>
    %max3A_999 = arith.constant 0.000000e+00 : f32
    %max3A_1000 = vector.broadcast %max3A_999 : f32 to vector<128x1xf32>
    %max3A_1001 = arith.maximumf %broadcast_in_dim3A_243, %max3A_1000 : vector<128x1xf32>
    %add3A_1002 = arith.constant 9.99999993E-9 : f32
    %add3A_1003 = vector.broadcast %add3A_1002 : f32 to vector<128x1xf32>
    %add3A_1004 = arith.addf %max3A_1001, %add3A_1003 : vector<128x1xf32>
    %div3A_1005 = arith.constant 1.000000e+00 : f32
    %div3A_1006 = vector.broadcast %div3A_1005 : f32 to vector<128x1xf32>
    %div3A_1007 = arith.divf %div3A_1006, %add3A_1004 : vector<128x1xf32>
    %add3A_1008 = arith.addf %div3A_989, %div3A_998 : vector<128x1xf32>
    %add3A_1009 = arith.addf %add3A_1008, %div3A_1007 : vector<128x1xf32>
    %div3A_1010 = arith.divf %div3A_989, %add3A_1009 : vector<128x1xf32>
    %broadcast_in_dim3A_1011 = vector.shape_cast %div3A_1010 : vector<128x1xf32> to vector<128x1xf32>
    %broadcast_in_dim3A_1012 = vector.broadcast %broadcast_in_dim3A_1011 : vector<128x1xf32> to vector<128x16xf32>
    %div3A_1013 = arith.divf %div3A_998, %add3A_1009 : vector<128x1xf32>
    %broadcast_in_dim3A_1014 = vector.shape_cast %div3A_1013 : vector<128x1xf32> to vector<128x1xf32>
    %broadcast_in_dim3A_1015 = vector.broadcast %broadcast_in_dim3A_1014 : vector<128x1xf32> to vector<128x16xf32>
    %div3A_1016 = arith.divf %div3A_1007, %add3A_1009 : vector<128x1xf32>
    %broadcast_in_dim3A_1017 = vector.shape_cast %div3A_1016 : vector<128x1xf32> to vector<128x1xf32>
    %broadcast_in_dim3A_1018 = vector.broadcast %broadcast_in_dim3A_1017 : vector<128x1xf32> to vector<128x16xf32>
    %concatenate3A_1019 = tpu.concatenate %broadcast_in_dim3A_1012, %broadcast_in_dim3A_1015, %broadcast_in_dim3A_1018 in 1 : vector<128x16xf32>, vector<128x16xf32>, vector<128x16xf32> -> vector<128x48xf32>
    %swap3A_1020 = arith.constant 0 : index
    %swap3A_1021 = arith.constant 0 : index
    %swap3A_1022 = arith.constant 0 : index
    %swap3A_1023 = vector.load %arg6[%swap3A_1020, %swap3A_1021, %swap3A_1022] : memref<1x128x48xf32, #tpu.memory_space<vmem>>, vector<1x128x48xf32>
    %swap3A_1024 = vector.shape_cast %swap3A_1023 : vector<1x128x48xf32> to vector<128x48xf32>
    %swap3A_1025 = vector.shape_cast %concatenate3A_1019 : vector<128x48xf32> to vector<1x128x48xf32>
    tpu.vector_store %arg6[%swap3A_1020, %swap3A_1021, %swap3A_1022], %swap3A_1025 {strides = array<i32>} : memref<1x128x48xf32, #tpu.memory_space<vmem>>, vector<1x128x48xf32>,
    return
  }
  func.func @transform_0(%arg0: i32) -> (i32, i32, i32) {
    %c1_i32 = arith.constant 1 : i32
    %c0_i32 = arith.constant 0 : i32
    %c0_i32_0 = arith.constant 0 : i32
    %c0_i32_1 = arith.constant 0 : i32
    return %c1_i32, %c0_i32, %c0_i32_0 : i32, i32, i32
  }
  func.func @transform_1(%arg0: i32) -> (i32, i32, i32) {
    %c1_i32 = arith.constant 1 : i32
    %c0_i32 = arith.constant 0 : i32
    %c0_i32_0 = arith.constant 0 : i32
    return %c1_i32, %arg0, %c0_i32 : i32, i32, i32
  }
  func.func @transform_2(%arg0: i32) -> (i32, i32, i32) {
    %c1_i32 = arith.constant 1 : i32
    %c0_i32 = arith.constant 0 : i32
    %c0_i32_0 = arith.constant 0 : i32
    %c0_i32_1 = arith.constant 0 : i32
    return %c1_i32, %c0_i32, %c0_i32_0 : i32, i32, i32
  }
  func.func @transform_3(%arg0: i32) -> (i32, i32) {
    %c0_i32 = arith.constant 0 : i32
    %c0_i32_0 = arith.constant 0 : i32
    %c0_i32_1 = arith.constant 0 : i32
    return %c0_i32, %c0_i32_0 : i32, i32
  }
  func.func @transform_4(%arg0: i32) -> (i32, i32, i32) {
    %c0_i32 = arith.constant 0 : i32
    %c0_i32_0 = arith.constant 0 : i32
    %c0_i32_1 = arith.constant 0 : i32
    return %arg0, %c0_i32, %c0_i32_0 : i32, i32, i32
  }
  func.func @transform_5(%arg0: i32) -> (i32, i32, i32) {
    %c0_i32 = arith.constant 0 : i32
    %c0_i32_0 = arith.constant 0 : i32
    %c0_i32_1 = arith.constant 0 : i32
    return %arg0, %c0_i32, %c0_i32_0 : i32, i32, i32
  }
  func.func @transform_6(%arg0: i32) -> (i32, i32, i32) {
    %c0_i32 = arith.constant 0 : i32
    %c0_i32_0 = arith.constant 0 : i32
    %c0_i32_1 = arith.constant 0 : i32
    %c0_i32_2 = arith.constant 0 : i32
    return %c0_i32, %c0_i32_0, %c0_i32_1 : i32, i32, i32
  }
}

module attributes {stable_mosaic.version = 14 : i64} {
  func.func @_skip_add_body(%arg0: i32, %arg1: memref<1x128x128xf32, #tpu.memory_space<vmem>>, %arg2: memref<128x2xf32, #tpu.memory_space<vmem>>, %arg3: memref<1x128x128xf32, #tpu.memory_space<vmem>>, %arg4: memref<1x128x128xf32, #tpu.memory_space<vmem>>) attributes {dimension_semantics = [#tpu.dimension_semantics<arbitrary>], iteration_bounds = array<i64: 64>, scalar_prefetch = 0 : i64, scratch_operands = 0 : i64, tpu.core_type = #tpu.core_type<tc>, window_params = [{transform_indices = @transform_0, window_bounds = array<i64: 1, 128, 128>}, {pipeline_mode = #tpu.pipeline_mode<synchronous>, transform_indices = @transform_1, window_bounds = array<i64: 128, 2>}, {transform_indices = @transform_2, window_bounds = array<i64: 1, 128, 128>}, {transform_indices = @transform_3, window_bounds = array<i64: 1, 128, 128>}]} {
    %get3A = arith.constant 0 : index
    %get3A_0 = arith.constant 0 : index
    %get3A_1 = vector.load %arg2[%get3A, %get3A_0] : memref<128x2xf32, #tpu.memory_space<vmem>>, vector<128x1xf32>
    %get3A_2 = arith.constant 0 : index
    %get3A_3 = arith.constant 1 : index
    %get3A_4 = vector.load %arg2[%get3A_2, %get3A_3] : memref<128x2xf32, #tpu.memory_space<vmem>>, vector<128x1xf32>
    %get3A_5 = arith.constant 0 : index
    %get3A_6 = arith.constant 0 : index
    %get3A_7 = arith.constant 0 : index
    %get3A_8 = vector.load %arg1[%get3A_5, %get3A_6, %get3A_7] : memref<1x128x128xf32, #tpu.memory_space<vmem>>, vector<1x128x128xf32>
    %get3A_9 = vector.shape_cast %get3A_8 : vector<1x128x128xf32> to vector<128x128xf32>
    %mul3A = vector.broadcast %get3A_1 : vector<128x1xf32> to vector<128x128xf32>
    %mul3A_10 = arith.mulf %get3A_9, %mul3A : vector<128x128xf32>
    %add3A = vector.broadcast %get3A_4 : vector<128x1xf32> to vector<128x128xf32>
    %add3A_11 = arith.addf %mul3A_10, %add3A : vector<128x128xf32>
    %max3A = arith.constant 0.000000e+00 : f32
    %max3A_12 = vector.broadcast %max3A : f32 to vector<128x128xf32>
    %max3A_13 = arith.maximumf %add3A_11, %max3A_12 : vector<128x128xf32>
    %get3A_14 = arith.constant 0 : index
    %get3A_15 = arith.constant 0 : index
    %get3A_16 = arith.constant 0 : index
    %get3A_17 = vector.load %arg3[%get3A_14, %get3A_15, %get3A_16] : memref<1x128x128xf32, #tpu.memory_space<vmem>>, vector<1x128x128xf32>
    %get3A_18 = vector.shape_cast %get3A_17 : vector<1x128x128xf32> to vector<128x128xf32>
    %transpose3A = tpu.transpose %get3A_18, [1, 0] : vector<128x128xf32> -> vector<128x128xf32>
    %add3A_19 = arith.addf %max3A_13, %transpose3A : vector<128x128xf32>
    %swap3A = arith.constant 0 : index
    %swap3A_20 = arith.constant 0 : index
    %swap3A_21 = arith.constant 0 : index
    %swap3A_22 = vector.load %arg4[%swap3A, %swap3A_20, %swap3A_21] : memref<1x128x128xf32, #tpu.memory_space<vmem>>, vector<1x128x128xf32>
    %swap3A_23 = vector.shape_cast %swap3A_22 : vector<1x128x128xf32> to vector<128x128xf32>
    %swap3A_24 = vector.shape_cast %add3A_19 : vector<128x128xf32> to vector<1x128x128xf32>
    tpu.vector_store %arg4[%swap3A, %swap3A_20, %swap3A_21], %swap3A_24 {strides = array<i32>} : memref<1x128x128xf32, #tpu.memory_space<vmem>>, vector<1x128x128xf32>,
    return
  }
  func.func @transform_0(%arg0: i32) -> (i32, i32, i32) {
    %c0_i32 = arith.constant 0 : i32
    %c0_i32_0 = arith.constant 0 : i32
    %c0_i32_1 = arith.constant 0 : i32
    return %c0_i32, %c0_i32_0, %arg0 : i32, i32, i32
  }
  func.func @transform_1(%arg0: i32) -> (i32, i32) {
    %c0_i32 = arith.constant 0 : i32
    %c0_i32_0 = arith.constant 0 : i32
    %c0_i32_1 = arith.constant 0 : i32
    return %c0_i32, %c0_i32_0 : i32, i32
  }
  func.func @transform_2(%arg0: i32) -> (i32, i32, i32) {
    %c0_i32 = arith.constant 0 : i32
    %c0_i32_0 = arith.constant 0 : i32
    %c0_i32_1 = arith.constant 0 : i32
    return %arg0, %c0_i32, %c0_i32_0 : i32, i32, i32
  }
  func.func @transform_3(%arg0: i32) -> (i32, i32, i32) {
    %c0_i32 = arith.constant 0 : i32
    %c0_i32_0 = arith.constant 0 : i32
    %c0_i32_1 = arith.constant 0 : i32
    return %c0_i32, %c0_i32_0, %arg0 : i32, i32, i32
  }
}

module attributes {stable_mosaic.version = 14 : i64} {
  func.func @_skip_add_body(%arg0: i32, %arg1: memref<1x128x128xf32, #tpu.memory_space<vmem>>, %arg2: memref<128x2xf32, #tpu.memory_space<vmem>>, %arg3: memref<1x128x128xf32, #tpu.memory_space<vmem>>, %arg4: memref<1x128x128xf32, #tpu.memory_space<vmem>>) attributes {dimension_semantics = [#tpu.dimension_semantics<arbitrary>], iteration_bounds = array<i64: 64>, scalar_prefetch = 0 : i64, scratch_operands = 0 : i64, tpu.core_type = #tpu.core_type<tc>, window_params = [{transform_indices = @transform_0, window_bounds = array<i64: 1, 128, 128>}, {pipeline_mode = #tpu.pipeline_mode<synchronous>, transform_indices = @transform_1, window_bounds = array<i64: 128, 2>}, {transform_indices = @transform_2, window_bounds = array<i64: 1, 128, 128>}, {transform_indices = @transform_3, window_bounds = array<i64: 1, 128, 128>}]} {
    %get3A = arith.constant 0 : index
    %get3A_0 = arith.constant 0 : index
    %get3A_1 = vector.load %arg2[%get3A, %get3A_0] : memref<128x2xf32, #tpu.memory_space<vmem>>, vector<128x1xf32>
    %get3A_2 = arith.constant 0 : index
    %get3A_3 = arith.constant 1 : index
    %get3A_4 = vector.load %arg2[%get3A_2, %get3A_3] : memref<128x2xf32, #tpu.memory_space<vmem>>, vector<128x1xf32>
    %get3A_5 = arith.constant 0 : index
    %get3A_6 = arith.constant 0 : index
    %get3A_7 = arith.constant 0 : index
    %get3A_8 = vector.load %arg1[%get3A_5, %get3A_6, %get3A_7] : memref<1x128x128xf32, #tpu.memory_space<vmem>>, vector<1x128x128xf32>
    %get3A_9 = vector.shape_cast %get3A_8 : vector<1x128x128xf32> to vector<128x128xf32>
    %mul3A = vector.broadcast %get3A_1 : vector<128x1xf32> to vector<128x128xf32>
    %mul3A_10 = arith.mulf %get3A_9, %mul3A : vector<128x128xf32>
    %add3A = vector.broadcast %get3A_4 : vector<128x1xf32> to vector<128x128xf32>
    %add3A_11 = arith.addf %mul3A_10, %add3A : vector<128x128xf32>
    %max3A = arith.constant 0.000000e+00 : f32
    %max3A_12 = vector.broadcast %max3A : f32 to vector<128x128xf32>
    %max3A_13 = arith.maximumf %add3A_11, %max3A_12 : vector<128x128xf32>
    %get3A_14 = arith.constant 0 : index
    %get3A_15 = arith.constant 0 : index
    %get3A_16 = arith.constant 0 : index
    %get3A_17 = vector.load %arg3[%get3A_14, %get3A_15, %get3A_16] : memref<1x128x128xf32, #tpu.memory_space<vmem>>, vector<1x128x128xf32>
    %get3A_18 = vector.shape_cast %get3A_17 : vector<1x128x128xf32> to vector<128x128xf32>
    %transpose3A = tpu.transpose %get3A_18, [1, 0] : vector<128x128xf32> -> vector<128x128xf32>
    %add3A_19 = arith.addf %max3A_13, %transpose3A : vector<128x128xf32>
    %swap3A = arith.constant 0 : index
    %swap3A_20 = arith.constant 0 : index
    %swap3A_21 = arith.constant 0 : index
    %swap3A_22 = vector.load %arg4[%swap3A, %swap3A_20, %swap3A_21] : memref<1x128x128xf32, #tpu.memory_space<vmem>>, vector<1x128x128xf32>
    %swap3A_23 = vector.shape_cast %swap3A_22 : vector<1x128x128xf32> to vector<128x128xf32>
    %swap3A_24 = vector.shape_cast %add3A_19 : vector<128x128xf32> to vector<1x128x128xf32>
    tpu.vector_store %arg4[%swap3A, %swap3A_20, %swap3A_21], %swap3A_24 {strides = array<i32>} : memref<1x128x128xf32, #tpu.memory_space<vmem>>, vector<1x128x128xf32>,
    return
  }
  func.func @transform_0(%arg0: i32) -> (i32, i32, i32) {
    %c1_i32 = arith.constant 1 : i32
    %c0_i32 = arith.constant 0 : i32
    %c0_i32_0 = arith.constant 0 : i32
    return %c1_i32, %c0_i32, %arg0 : i32, i32, i32
  }
  func.func @transform_1(%arg0: i32) -> (i32, i32) {
    %c0_i32 = arith.constant 0 : i32
    %c0_i32_0 = arith.constant 0 : i32
    %c0_i32_1 = arith.constant 0 : i32
    return %c0_i32, %c0_i32_0 : i32, i32
  }
  func.func @transform_2(%arg0: i32) -> (i32, i32, i32) {
    %c0_i32 = arith.constant 0 : i32
    %c0_i32_0 = arith.constant 0 : i32
    %c0_i32_1 = arith.constant 0 : i32
    return %arg0, %c0_i32, %c0_i32_0 : i32, i32, i32
  }
  func.func @transform_3(%arg0: i32) -> (i32, i32, i32) {
    %c0_i32 = arith.constant 0 : i32
    %c0_i32_0 = arith.constant 0 : i32
    %c0_i32_1 = arith.constant 0 : i32
    return %c0_i32, %c0_i32_0, %arg0 : i32, i32, i32
  }
}

</mosaic_0001>

<sc_bundles>
// kernel: kernel.12.cloned.1.call-start
scs
__scs_entry_jumppad:
0x0: {  	(pc) =	sbr.rel $0x88, $3  }
0x1: {  	(tag) =	ssettag $0x0;
	lr =	simm.s32 $0x1  }
0x2: {  	[smem:$0x3F97] =	sst lr;
	_ =	strace $0xD0000000  }
0x3: {  	_ = 	snop  }
0x4: {  	_ = 	snop  }
0x5: {  	_ = 	snop  }
0x6: {  	_ = 	snop  }
0x7: {  	_ = 	snop  }
__scs_overlays_trampoline_lowered:
0x8: {  	[smem:$0x3FA6] =	sst s0  }
0x9: {  	[smem:$0x3FA7] =	sst s1  }
0xa: {  	[smem:$0x3FA8] =	sst s2  }
0xb: {  	[smem:$0x3FA9] =	sst s3  }
0xc: {  	[smem:$0x3FAA] =	sst s4  }
0xd: {  	[smem:$0x3FAB] =	sst s5  }
0xe: {  	[smem:$0x3FAC] =	sst s6  }
0xf: {  	[smem:$0x3FAD] =	sst s7  }
0x10: {  	[smem:$0x3FAE] =	sst s8  }
0x11: {  	[smem:$0x3FAF] =	sst s9;
	s0 =	simm.s32 @!p0 $0x0  }
0x12: {  	s1 =	sld [smem:$0x3F95];
	s0 =	simm.s32 @p0 $0x1  }
0x13: {  	[smem:$0x3FB0] =	sst s0;
	s0 =	simm.s32 @!p1 $0x0  }
0x14: {  	s2 =	sld [smem:$0x3F94];
	s0 =	simm.s32 @p1 $0x1  }
0x15: {  	[smem:$0x3FB1] =	sst s0;
	s0 =	simm.s32 @!p2 $0x0  }
0x16: {  	s3 =	sld [smem:$0x3FDB];
	s0 =	simm.s32 @p2 $0x1  }
0x17: {  	s4 =	simm.s32 $0x1BF5;
	[smem:$0x3FB3] =	sst s0  }
0x18: {  	s0 =	sld [smem:$0x3F96];
	_ =	swait.ge [sflag:s4], $0x0  }
0x19: {  	s7 =	sld [smem:$0x3F97]  }
0x1a: {  	s8 =	sadd.s32 $0xFFFFE003, lr  }
0x1b: {  	s9 =	sadd.s32 $0xFFFFFEF7, lr;
	s5 =	simm.s32 $0xFFFFFFFF;
	p2 =	slt.u32 s8, $0xFFFFF086  }
0x1c: {  	p1 =	slt.u32 s9, $0xF7A;
	s5 =	simm.s32 @!p2 $0x0  }
0x1d: {  	s5 =	simm.s32 @p1 $0x1;
	p0 =	seq.s32 s7, s2  }
0x1e: {  	s7 =	smul.u32 @!p0 $0xF7A, s2;
	p2 =	seq.s32 @!p0 s5, $0x0  }
0x1f: {  	s9 =	smul.u32 $0xF7A, s1;
	s8 =	simm.s32 @!p0 $0x1BF5;
	p2 =	por !p2, p0  }
0x20: {  	[sflag:s8] =	ssyncset.s32 @!p0 $0xFFFFF086;
	s6 =	sadd.s32 @!p0 s3, s7;
	s7 =	simm.s32 @!p0 $0x108  }
0x21: {  	s3 =	sadd.s32 s3, s9;
	s6 =	sadd.s32 @!p0 $0x88, s6;
	s7 =	simm.s32 @p2 $0x1082  }
0x22: {  	[simem:s7], [sflag:s8] =	dma.local @!p0 [hbm:s6], $0xF7A  }
0x23: {  	s9 =	sor.u32 $0xD0000000, s2;
	s6 =	simm.s32 $0x108;
	_ =	swait.ge @!p0 [sflag:s8], $0x0  }
0x24: {  	s3 =	sadd.s32 $0x88, s3;
	s6 =	simm.s32 @!p1 $0x1082;
	[sflag:s4] =	ssyncset.s32 $0xFFFFF086  }
0x25: {  	[simem:s6], [sflag:s4] =	dma.local [hbm:s3], $0xF7A  }
0x26: {  	[smem:$0x3F97] =	sst s1;
	(tag) =	ssettag s2;
	_ =	strace s9  }
0x27: {  	s1 =	sld [smem:$0x3FA7]  }
0x28: {  	s2 =	sld [smem:$0x3FA8]  }
0x29: {  	s4 =	sld [smem:$0x3FAA]  }
0x2a: {  	p0 =	seq.s32 s5, $0x0;
	s5 =	sld [smem:$0x3FAB]  }
0x2b: {  	s6 =	sld [smem:$0x3FAC]  }
0x2c: {  	s7 =	sld [smem:$0x3FAD]  }
0x2d: {  	s3 =	simm.s32 $0x108;
	s8 =	sld [smem:$0x3FAE]  }
0x2e: {  	s3 =	simm.s32 @!p0 $0x1082;
	s9 =	sld [smem:$0x3FAF]  }
0x2f: {  	lr =	sadd.s32 s0, s3;
	s0 =	sld [smem:$0x3FA6]  }
0x30: {  	s3 =	sld [smem:$0x3FA9]  }
0x31: {  	[smem:$0x3FB2] =	sst s10  }
0x32: {  	s10 =	sld [smem:$0x3FB0];
	_ =	sdelay $0x3  }
0x33: {  	p0 =	seq.s32 s10, $0x1;
	s10 =	sld [smem:$0x3FB2];
	_ =	sdelay $0x3  }
0x34: {  	[smem:$0x3FB2] =	sst s10  }
0x35: {  	s10 =	sld [smem:$0x3FB1];
	_ =	sdelay $0x3  }
0x36: {  	p1 =	seq.s32 s10, $0x1;
	s10 =	sld [smem:$0x3FB2];
	_ =	sdelay $0x3  }
0x37: {  	[smem:$0x3FB2] =	sst s10  }
0x38: {  	s10 =	sld [smem:$0x3FB3]  }
0x39: {  	_ = 	snop;
	(pc) =	sbr.ind lr, $3  }
0x3a: {  	_ = 	snop  }
0x3b: {  	_ = 	snop  }
0x3c: {  	p2 =	seq.s32 s10, $0x1;
	s10 =	sld [smem:$0x3FB2]  }
0x3d: {  	_ =	shalt  }
0x3e: {  	_ =	shalt  }
0x3f: {  	_ =	shalt  }
0x40: {  	_ =	shalt  }
0x41: {  	_ =	shalt  }
0x42: {  	_ =	shalt  }
0x43: {  	_ =	shalt  }
0x44: {  	_ =	shalt  }
0x45: {  	_ =	shalt  }
0x46: {  	_ =	shalt  }
0x47: {  	_ =	shalt  }
0x48: {  	_ =	shalt  }
0x49: {  	_ =	shalt  }
0x4a: {  	_ =	shalt  }
0x4b: {  	_ =	shalt  }
0x4c: {  	_ =	shalt  }
0x4d: {  	_ =	shalt  }
0x4e: {  	_ =	shalt  }
0x4f: {  	_ =	shalt  }
0x50: {  	_ =	shalt  }
0x51: {  	_ =	shalt  }
0x52: {  	_ =	shalt  }
0x53: {  	_ =	shalt  }
0x54: {  	_ =	shalt  }
0x55: {  	_ =	shalt  }
0x56: {  	_ =	shalt  }
0x57: {  	_ =	shalt  }
0x58: {  	_ =	shalt  }
0x59: {  	_ =	shalt  }
0x5a: {  	_ =	shalt  }
0x5b: {  	_ =	shalt  }
0x5c: {  	_ =	shalt  }
0x5d: {  	_ =	shalt  }
0x5e: {  	_ =	shalt  }
0x5f: {  	_ =	shalt  }
0x60: {  	_ =	shalt  }
0x61: {  	_ =	shalt  }
0x62: {  	_ =	shalt  }
0x63: {  	_ =	shalt  }
0x64: {  	_ =	shalt  }
0x65: {  	_ =	shalt  }
0x66: {  	_ =	shalt  }
0x67: {  	_ =	shalt  }
0x68: {  	_ =	shalt  }
0x69: {  	_ =	shalt  }
0x6a: {  	_ =	shalt  }
0x6b: {  	_ =	shalt  }
0x6c: {  	_ =	shalt  }
0x6d: {  	_ =	shalt  }
0x6e: {  	_ =	shalt  }
0x6f: {  	_ =	shalt  }
0x70: {  	_ =	shalt  }
0x71: {  	_ =	shalt  }
0x72: {  	_ =	shalt  }
0x73: {  	_ =	shalt  }
0x74: {  	_ =	shalt  }
0x75: {  	_ =	shalt  }
0x76: {  	_ =	shalt  }
0x77: {  	_ =	shalt  }
0x78: {  	_ =	shalt  }
0x79: {  	_ =	shalt  }
0x7a: {  	_ =	shalt  }
0x7b: {  	_ =	shalt  }
0x7c: {  	_ =	shalt  }
0x7d: {  	_ =	shalt  }
0x7e: {  	_ =	shalt  }
0x7f: {  	_ =	shalt  }
0x80: {  	_ =	shalt  }
0x81: {  	_ =	shalt  }
0x82: {  	_ =	shalt  }
0x83: {  	_ =	shalt  }
0x84: {  	_ =	shalt  }
0x85: {  	_ =	shalt  }
0x86: {  	_ =	shalt  }
0x87: {  	_ =	shalt  }
.Lfunc_end0:
.L_simem_size_0:
called_computation.1_lowered:
.L_overlay_start_0:
0x88: {  	s2 =	sld [smem:$0x3FD9]  }
0x89: {  	s3 =	sld [smem:$0x3FFE];
	_ =	sdelay $0x1  }
0x8a: {  	s1 =	srdreg.scid  }
0x8b: {  	s0 =	sand.u32 $0x1, s1  }
0x8c: {  	s15 =	sshll.u32 s0, $0xA;
	s2 =	sadd.s32 s3, s2  }
0x8d: {  	s2 =	sadd.s32 s2, s15  }
0x8e: {  	[smem:$0x3FBE] =	sst s2  }
0x8f: {  	_ = 	snop  }
0x90: {  	s2 =	sld [smem:$0x3FD0];
	_ =	sdelay $0x2  }
0x91: {  	s16 =	simm.s32 $0xB;
	s4 =	simm.s32 $0x10  }
0x92: {  	[smem:s4], [sflag:s16] =	dma.local [hbm:s2], $0x1  }
0x93: {  	_ =	swait.eq [sflag:s16], $0x1  }
0x94: {  	[sflag:s16] =	ssyncset.done $0x0  }
0x95: {  	[sflag:s16] =	ssyncadd.s32 $0xFFFFFFFF  }
0x96: {  	s17 =	sld [smem:$0x10];
	(tm) =	ssettm $0x1  }
0x97: {  	s18 =	sld [smem:$0x3FFB];
	_ =	sdelay $0x3  }
0x98: {  	_ =	strace s18  }
0x99: {  	s2 =	sld [smem:$0x3FFC];
	_ =	sdelay $0x3  }
0x9a: {  	_ =	strace s2  }
0x9b: {  	s2 =	sld [smem:$0x3FFD];
	_ =	sdelay $0x3  }
0x9c: {  	_ =	strace s2  }
0x9d: {  	_ =	strace $0x8FFFFFFF  }
0x9e: {  	s19 =	sld [smem:$0x3FDB];
	_ =	sdelay $0x1  }
0x9f: {  	s20 =	simm.s32 $_scs_section_size  }
0xa0: {  	s5 =	simm.s32 $_size__tile_overlayer_lowered;
	s6 =	simm.s32 $_tile_overlayer_lowered  }
0xa1: {  	s7 =	simm.s32 $0x1BFF;
	s21 =	sshll.u32 s6, $0x1;
	s4 =	sadd.s32 s20, s19  }
0xa2: {  	s22 =	simm.s32 $0x0;
	s5 =	sshll.u32 s5, $0x1;
	s6 =	sadd.s32 s21, s4  }
0xa3: {  	[timem:s22], [sflag:s7] =	dma.local [hbm:s6], s5  }
0xa4: {  	_ =	swait.ge [sflag:s7], s5  }
0xa5: {  	s5 =	ssub.s32 $0x0, s5;
	[sflag:s7] =	ssyncset.done $0x0  }
0xa6: {  	[sflag:s7] =	ssyncadd.s32 s5;
	_ =	sdelay $0x1  }
0xa7: {  	s23 =	simm.s32 $0x1B8B  }
0xa8: {  	_ =	swait.ge [sflag:s23], $0x1  }
0xa9: {  	[sflag:s23] =	ssyncset.done $0x0  }
0xaa: {  	[sflag:s23] =	ssyncadd.s32 $0xFFFFFFFF  }
0xab: {  	s5 =	sld [smem:$0x0]  }
0xac: {  	s6 =	sand.u32 $0xFFFFFFFE, s1  }
0xad: {  	p0 =	sne.s32 s1, s6  }
0xae: {  	s6 =	sshll.u32 @p0 s6, $0xE  }
0xaf: {  	s6 =	sadd.s32 @p0 $0x11B8D, s6;
	s7 =	sshll.u32 @p0 s5, $0x11  }
0xb0: {  	s6 =	sor.u32 @p0 s7, s6  }
0xb1: {  	[sflag:s6] =	ssyncadd.remote.s32 @p0 $0x1;
	_ =	sdelay $0x1  }
0xb2: {  	s6 =	simm.s32 @p0 $0x1B8D  }
0xb3: {  	_ =	swait.eq @p0 [sflag:s6], $0x1  }
0xb4: {  	[sflag:s6] =	ssyncadd.s32 @p0 $0xFFFFFFFF  }
0xb5: {  	s7 =	sshll.u32 @!p0 s1, $0xE  }
0xb6: {  	s7 =	sor.u32 @!p0 $0x4000, s7;
	s6 =	simm.s32 @!p0 $0x1B8D  }
0xb7: {  	s5 =	sshll.u32 @!p0 s5, $0x11;
	s7 =	sadd.s32 @!p0 $0x11B8D, s7;
	_ =	swait.eq @!p0 [sflag:s6], $0x1  }
0xb8: {  	s5 =	sor.u32 @!p0 s5, s7;
	[sflag:s6] =	ssyncadd.s32 @!p0 $0xFFFFFFFF  }
0xb9: {  	s25 =	simm.s32 $0x1B8E;
	s24 =	sld [smem:$0x3FFE];
	[sflag:s5] =	ssyncadd.remote.s32 @!p0 $0x1  }
0xba: {  	s26 =	simm.s32 $execute0_lowered;
	[smem:$0x3FD2] =	sst s25  }
0xbb: {  	s6 =	sshll.u32 s26, $0x1;
	_ =	strace $0x80000049;
	[dreg:$0x1] =	wrdreg $0xFFFFFFFF  }
0xbc: {  	s28 =	simm.s32 $_size_execute0_lowered;
	s4 =	sadd.s32 s4, s6;
	[dreg:$0x0] =	wrdreg $0x0  }
0xbd: {  	s6 =	sshll.u32 s28, $0x1;
	[dreg:$0x2] =	wrdreg s4  }
0xbe: {  	[dreg:$0x3] =	wrdreg s6  }
0xbf: {  	[dreg:$0x4] =	wrdreg $0xC0  }
0xc0: {  	_ =	task [dreg:s22], $0x5FFFF  }
0xc1: {  	[dreg:$0x1] =	wrdreg $0xFFFFFFFF  }
0xc2: {  	[dreg:$0x0] =	wrdreg $0x60  }
0xc3: {  	[dreg:$0x2] =	wrdreg s24  }
0xc4: {  	[dreg:$0x3] =	wrdreg s17  }
0xc5: {  	[dreg:$0x4] =	wrdreg $0xA  }
0xc6: {  	_ =	task.clear_ibuf [dreg:s22], $0x5FFFF;
	_ =	strace $0x90000049  }
0xc7: {  	s29 =	simm.s32 $0xA;
	_ =	strace $0x8000004B  }
0xc8: {  	_ =	swait.ge [sflag:s29], $0x1  }
0xc9: {  	[sflag:s29] =	ssyncadd.s32 $0xFFFFFFFF  }
0xca: {  	_ =	strace $0x9000004B  }
0xcb: {  	_ =	sfence  }
0xcc: {  	s30 =	sld [smem:$0x0];
	_ =	sdelay $0x2  }
0xcd: {  	s31 =	sshll.u32 s1, $0xD;
	s1 =	sshrl.u32 s1, $0x2  }
0xce: {  	s4 =	sand.u32 $0x4000, s31;
	s1 =	sadd.s32 s1, s30  }
0xcf: {  	s0 =	sor.u32 s4, s0;
	s1 =	sshll.u32 s1, $0x11  }
0xd0: {  	s0 =	sor.u32 s1, s0  }
0xd1: {  	s0 =	sadd.s32 $0x8F2B, s0  }
0xd2: {  	[sflag:s0] =	ssyncadd.remote.s32 $0x1  }
0xd3: {  	_ =	sfence.sel $0xFFFF  }
0xd4: {  	[dreg:$0x0] =	wrdreg $0xFFFFFFFF;
	(pc) =	sbr.abs _section_cstart, $3  }
0xd5: {  	[dreg:$0x1] =	wrdreg $0xFFFFFFFF  }
0xd6: {  	_ =	task.clear_ibuf [dreg:s22], $0x2FFFF;
	_ =	strace $0x9FFFFFFF  }
0xd7: {  	(tm) =	ssettm $0x7FFFFFFF  }
tec
execute0_lowered:
.L_overlay_start_1:
0x0: {  	(tag) =	ssettag $0x1  }
0x1: {  	s4 =	rddreg [dreg:$0x0]  }
0x2: {  	s7 =	rddreg [dreg:$0x1]  }
0x3: {  	s0 =	rddreg [dreg:$0x2];
	s2 =	simm.s32 $0x0;
	s3 =	srdreg.scid  }
0x4: {  	s1 =	stileid.u32;
	s16 =	simm.s32 $0x5980;
	s17 =	simm.s32 $0x0  }
0x5: {  	[smem:$0x7FF] =	sst s2;
	s5 =	sand.u32 $0x1, s3;
	s29 =	sshll.u32 s1, $0x1  }
0x6: {  	s3 =	sadd.s32 $0x3600, s4;
	s8 =	sadd.s32 $0x13600, s4;
	s6 =	sor.u32 s5, s29  }
0x7: {  	s12 =	sadd.s32 $0x1F600, s4;
	_ =	strace $0x8000004A;
	s9 =	smul.u32 $0x60, s6  }
0x8: {  	s5 =	ssub.s32 $0x2, s5;
	s10 =	smul.u32 $0x600, s6;
	s11 =	sshllo.u32 s6, $0x1  }
0x9: {  	s30 =	sshrl.u32 s5, $0x1;
	s6 =	sshll.u32 s6, $0xC;
	s13 =	smul.u32 $0x30, s11  }
0xa: {  	s14 =	ssub.s32 s5, s30;
	s15 =	smul.u32 $0x300, s11;
	s6 =	sadd.s32 s12, s6  }
0xb: {  	s31 =	sshll.u32 s11, $0xB;
	s11 =	simm.s32 $0x2;
	s4 =	sadd.s32 s7, s9  }
0xc: {  	s5 =	sadd.s32 s8, s10;
	s9 =	sadd.s32 s12, s31;
	s10 =	smax.u32 s14, $0x1  }
0xd: {  	s12 =	simm.s32 $0x80;
	s14 =	simm.s32 $0x1;
	s7 =	sadd.s32 s7, s13  }
0xe: {  	s8 =	sadd.s32 s8, s15;
	s13 =	simm.s32 $0x1980;
	s15 =	simm.s32 $0x100  }
.LBB2_1:
0xf: {  	[tilespmem:s2], [sflag:$0x2] =	stream.linear.gather [hbm4b:s4+s2], $0x180, $0x38;
	[tilespmem:$0x9980] =	vst v63  }
0x10: {  	_ =	swait.ge [sflag:s11], $0x180  }
0x11: {  	[sflag:s11] =	ssyncset.done $0x0  }
0x12: {  	s19 =	simm.s32 $0x180;
	[sflag:s11] =	ssyncadd.s32 $0xFFFFFE80  }
0x13: {  	[tilespmem:s19], [sflag:$0x2] =	stream.linear.gather [hbm4b:s5+s2], $0x1800, $0x38;
	[tilespmem:$0x9980] =	vst v63  }
0x14: {  	_ =	swait.ge [sflag:s11], $0x1800  }
0x15: {  	[sflag:s11] =	ssyncset.done $0x0  }
0x16: {  	[sflag:s11] =	ssyncadd.s32 $0xFFFFE800  }
0x17: {  	[tilespmem:s13], [sflag:$0x1] =	stream.indirect.gather [hbm4b:s3+s12], $0x80, s2, s12, $0xb8;
	[tilespmem:$0x9980] =	vst v63  }
0x18: {  	_ =	swait.ge [sflag:s14], $0x4000  }
0x19: {  	[sflag:s14] =	ssyncset.done $0x0  }
0x1a: {  	s18 =	simm.s32 $0x0;
	[sflag:s14] =	ssyncadd.s32 $0xFFFFC000  }
0x1b: {  	v0 =	vld [tilespmem:s18+$0x1980]  }
0x1c: {  	v1 =	vld [tilespmem:s18+$0x1990]  }
0x1d: {  	v2 =	vld [tilespmem:s18+$0x19A0]  }
0x1e: {  	v4 =	vld [tilespmem:s18+$0x19B0]  }
0x1f: {  	s20 =	simm.s32 $0x200;
	v3 =	vld [tilespmem:s18+$0x19C0]  }
.LBB2_2:
0x20: {  	p0 =	sne.s32 s20, $0xFE00;
	v5 =	vld [tilespmem:s19+$0x0]  }
0x21: {  	v6 =	vld [tilespmem:s18+$0x19D0]  }
0x22: {  	v7 =	vld [tilespmem:s18+$0x19E0]  }
0x23: {  	v8 =	vld [tilespmem:s18+$0x19F0];
	_ =	sdelay $0x1  }
0x24: {  	v0 =	vmul.f32 v0, v5;
	v1 =	vmul.f32 v1, v5  }
0x25: {  	v2 =	vmul.f32 v2, v5;
	v4 =	vmul.f32 v4, v5  }
0x26: {  	v3 =	vmul.f32 v3, v5;
	v6 =	vmul.f32 v6, v5;
	[tilespmem:s18+$0x5980] =	vst v0  }
0x27: {  	v7 =	vmul.f32 v7, v5;
	[tilespmem:s18+$0x5990] =	vst v1;
	v5 =	vmul.f32 v8, v5  }
0x28: {  	s21 =	sshra.s32 s20, $0x2;
	[tilespmem:s18+$0x59A0] =	vst v2  }
.Ltmp0:
0x29: {  	v0 =	vld [tilespmem:s21+$0x1980];
	[tilespmem:s18+$0x59B0] =	vst v4;
	(pc) =	sbr.rel @p0 .LBB2_2-.Ltmp0, $4  }
0x2a: {  	v1 =	vld [tilespmem:s21+$0x1990];
	[tilespmem:s18+$0x59C0] =	vst v3  }
0x2b: {  	v2 =	vld [tilespmem:s21+$0x19A0];
	[tilespmem:s18+$0x59D0] =	vst v6  }
0x2c: {  	v4 =	vld [tilespmem:s21+$0x19B0];
	[tilespmem:s18+$0x59E0] =	vst v7  }
0x2d: {  	s20 =	sadd.s32 $0x200, s20;
	s19 =	sadd.s32 $0x30, s19;
	v3 =	vld [tilespmem:s21+$0x19C0];
	[tilespmem:s18+$0x59F0] =	vst v5;
	s18 =	smov.u32 s21  }
0x2e: {  	v5 =	vld [tilespmem:s19+$0x0];
	_ =	sdelay $0x4  }
0x2f: {  	v6 =	vld [tilespmem:s18+$0x19D0];
	v0 =	vmul.f32 v0, v5  }
0x30: {  	v7 =	vld [tilespmem:s18+$0x19E0];
	v1 =	vmul.f32 v1, v5  }
0x31: {  	v8 =	vld [tilespmem:s18+$0x19F0];
	v2 =	vmul.f32 v2, v5;
	[tilespmem:s18+$0x5980] =	vst v0  }
0x32: {  	v0 =	vmul.f32 v4, v5;
	[tilespmem:s18+$0x5990] =	vst v1  }
0x33: {  	v1 =	vmul.f32 v3, v5;
	[tilespmem:s18+$0x59A0] =	vst v2  }
0x34: {  	v2 =	vmul.f32 v6, v5;
	[tilespmem:s18+$0x59B0] =	vst v0  }
0x35: {  	v0 =	vmul.f32 v7, v5;
	[tilespmem:s18+$0x59C0] =	vst v1  }
0x36: {  	v1 =	vmul.f32 v8, v5;
	[tilespmem:s18+$0x59D0] =	vst v2  }
0x37: {  	[tilespmem:s18+$0x59E0] =	vst v0  }
0x38: {  	[tilespmem:s18+$0x59F0] =	vst v1  }
0x39: {  	[tilespmem:s13], [sflag:$0x1] =	stream.indirect.gather [hbm4b:s3+s12], $0x80, s12, s12, $0xb8;
	[tilespmem:$0x9980] =	vst v63  }
0x3a: {  	_ =	swait.ge [sflag:s14], $0x4000  }
0x3b: {  	[sflag:s14] =	ssyncset.done $0x0  }
0x3c: {  	s18 =	simm.s32 $0x0;
	[sflag:s14] =	ssyncadd.s32 $0xFFFFC000  }
0x3d: {  	v0 =	vld [tilespmem:s18+$0x19F0]  }
0x3e: {  	v2 =	vld [tilespmem:s18+$0x19E0]  }
0x3f: {  	v8 =	vld [tilespmem:s18+$0x19D0]  }
0x40: {  	v1 =	vld [tilespmem:s18+$0x19C0]  }
0x41: {  	v7 =	vld [tilespmem:s18+$0x59D0]  }
0x42: {  	v6 =	vld [tilespmem:s18+$0x59F0]  }
0x43: {  	v11 =	vld [tilespmem:s18+$0x19B0]  }
0x44: {  	v3 =	vld [tilespmem:s18+$0x1990]  }
0x45: {  	v5 =	vld [tilespmem:s18+$0x59A0]  }
0x46: {  	v13 =	vld [tilespmem:s18+$0x1980]  }
0x47: {  	s19 =	simm.s32 $0x190;
	v12 =	vld [tilespmem:s18+$0x19A0]  }
0x48: {  	v9 =	vld [tilespmem:s19+$0x0]  }
0x49: {  	v4 =	vld [tilespmem:s18+$0x59C0]  }
0x4a: {  	v10 =	vld [tilespmem:s18+$0x59E0]  }
0x4b: {  	v14 =	vld [tilespmem:s18+$0x5980]  }
0x4c: {  	s20 =	simm.s32 $0x200;
	v15 =	vld [tilespmem:s18+$0x59B0]  }
.LBB2_4:
0x4d: {  	s22 =	smov.u32 s20  }
0x4e: {  	s21 =	sshra.s32 s20, $0x2;
	v16 =	vld [tilespmem:s18+$0x5990];
	v8 =	vmul.f32 v8, v9;
	s19 =	sadd.s32 $0x30, s19;
	s22 =	sadd.s32 $0x200, s20  }
0x4f: {  	p0 =	sne.s32 s20, $0xFE00;
	v13 =	vmul.f32 v13, v9;
	v17 =	vmul.f32 v0, v9;
	v0 =	vld [tilespmem:s21+$0x19F0]  }
0x50: {  	v11 =	vmul.f32 v11, v9;
	v7 =	vadd.f32 v8, v7;
	v18 =	vld [tilespmem:s21+$0x19E0]  }
0x51: {  	v6 =	vadd.f32 v17, v6;
	v13 =	vadd.f32 v13, v14;
	v8 =	vld [tilespmem:s21+$0x19D0]  }
0x52: {  	v12 =	vmul.f32 v12, v9;
	v11 =	vadd.f32 v11, v15;
	v14 =	vld [tilespmem:s21+$0x19C0];
	[tilespmem:s18+$0x59D0] =	vst v7  }
0x53: {  	v17 =	vmul.f32 v2, v9;
	v7 =	vld [tilespmem:s21+$0x59D0];
	[tilespmem:s18+$0x59F0] =	vst v6  }
0x54: {  	v5 =	vadd.f32 v12, v5;
	v12 =	vmul.f32 v1, v9;
	v15 =	vmul.f32 v3, v9;
	v6 =	vld [tilespmem:s21+$0x59F0];
	[tilespmem:s18+$0x59B0] =	vst v11  }
0x55: {  	v9 =	vadd.f32 v17, v10;
	v11 =	vld [tilespmem:s21+$0x19B0];
	[tilespmem:s18+$0x5980] =	vst v13;
	v2 =	vmov v18  }
0x56: {  	v4 =	vadd.f32 v12, v4;
	v10 =	vadd.f32 v15, v16;
	v3 =	vld [tilespmem:s21+$0x1990];
	[tilespmem:s18+$0x59A0] =	vst v5  }
0x57: {  	v5 =	vld [tilespmem:s21+$0x59A0];
	[tilespmem:s18+$0x59E0] =	vst v9;
	v1 =	vmov v14  }
0x58: {  	v13 =	vld [tilespmem:s21+$0x1980];
	[tilespmem:s18+$0x5990] =	vst v10  }
0x59: {  	v12 =	vld [tilespmem:s21+$0x19A0];
	[tilespmem:s18+$0x59C0] =	vst v4;
	s18 =	smov.u32 s21  }
.Ltmp1:
0x5a: {  	v9 =	vld [tilespmem:s19+$0x0];
	(pc) =	sbr.rel @p0 .LBB2_4-.Ltmp1, $4  }
0x5b: {  	v4 =	vld [tilespmem:s18+$0x59C0]  }
0x5c: {  	v10 =	vld [tilespmem:s18+$0x59E0]  }
0x5d: {  	v14 =	vld [tilespmem:s18+$0x5980]  }
0x5e: {  	s20 =	smov.u32 s22;
	v15 =	vld [tilespmem:s18+$0x59B0]  }
0x5f: {  	v8 =	vmul.f32 v8, v9  }
0x60: {  	v0 =	vmul.f32 v0, v9  }
0x61: {  	v2 =	vmul.f32 v2, v9;
	v7 =	vadd.f32 v8, v7  }
0x62: {  	v1 =	vmul.f32 v1, v9;
	v0 =	vadd.f32 v0, v6  }
0x63: {  	v11 =	vmul.f32 v11, v9;
	v8 =	vld [tilespmem:s18+$0x5990];
	v2 =	vadd.f32 v2, v10;
	[tilespmem:s18+$0x59D0] =	vst v7  }
0x64: {  	v13 =	vmul.f32 v13, v9;
	v1 =	vadd.f32 v1, v4;
	[tilespmem:s18+$0x59F0] =	vst v0  }
0x65: {  	v6 =	vmul.f32 v12, v9;
	v11 =	vadd.f32 v11, v15;
	[tilespmem:s18+$0x59E0] =	vst v2  }
0x66: {  	v7 =	vadd.f32 v13, v14;
	v0 =	vmul.f32 v3, v9;
	[tilespmem:s18+$0x59C0] =	vst v1  }
0x67: {  	v3 =	vadd.f32 v6, v5;
	[tilespmem:s18+$0x59B0] =	vst v11  }
0x68: {  	[tilespmem:s18+$0x5980] =	vst v7;
	v0 =	vadd.f32 v0, v8  }
0x69: {  	[tilespmem:s18+$0x59A0] =	vst v3  }
0x6a: {  	[tilespmem:s18+$0x5990] =	vst v0  }
0x6b: {  	[tilespmem:s13], [sflag:$0x1] =	stream.indirect.gather [hbm4b:s3+s12], $0x80, s15, s12, $0xb8;
	[tilespmem:$0x9980] =	vst v63  }
0x6c: {  	_ =	swait.ge [sflag:s14], $0x4000  }
0x6d: {  	[sflag:s14] =	ssyncset.done $0x0  }
0x6e: {  	s18 =	simm.s32 $0x0;
	[sflag:s14] =	ssyncadd.s32 $0xFFFFC000  }
0x6f: {  	v0 =	vld [tilespmem:s18+$0x19F0]  }
0x70: {  	v2 =	vld [tilespmem:s18+$0x19E0]  }
0x71: {  	v8 =	vld [tilespmem:s18+$0x19D0]  }
0x72: {  	v1 =	vld [tilespmem:s18+$0x19C0]  }
0x73: {  	v7 =	vld [tilespmem:s18+$0x59D0]  }
0x74: {  	v6 =	vld [tilespmem:s18+$0x59F0]  }
0x75: {  	v11 =	vld [tilespmem:s18+$0x19B0]  }
0x76: {  	v3 =	vld [tilespmem:s18+$0x1990]  }
0x77: {  	v5 =	vld [tilespmem:s18+$0x59A0]  }
0x78: {  	v13 =	vld [tilespmem:s18+$0x1980]  }
0x79: {  	s19 =	simm.s32 $0x1A0;
	v12 =	vld [tilespmem:s18+$0x19A0]  }
0x7a: {  	v9 =	vld [tilespmem:s19+$0x0]  }
0x7b: {  	v4 =	vld [tilespmem:s18+$0x59C0]  }
0x7c: {  	v10 =	vld [tilespmem:s18+$0x59E0]  }
0x7d: {  	v14 =	vld [tilespmem:s18+$0x5980]  }
0x7e: {  	s20 =	simm.s32 $0x200;
	v15 =	vld [tilespmem:s18+$0x59B0]  }
.LBB2_6:
0x7f: {  	s22 =	smov.u32 s20  }
0x80: {  	s21 =	sshra.s32 s20, $0x2;
	v16 =	vld [tilespmem:s18+$0x5990];
	v8 =	vmul.f32 v8, v9;
	s19 =	sadd.s32 $0x30, s19;
	s22 =	sadd.s32 $0x200, s20  }
0x81: {  	p0 =	sne.s32 s20, $0xFE00;
	v13 =	vmul.f32 v13, v9;
	v17 =	vmul.f32 v0, v9;
	v0 =	vld [tilespmem:s21+$0x19F0]  }
0x82: {  	v11 =	vmul.f32 v11, v9;
	v7 =	vadd.f32 v8, v7;
	v18 =	vld [tilespmem:s21+$0x19E0]  }
0x83: {  	v6 =	vadd.f32 v17, v6;
	v13 =	vadd.f32 v13, v14;
	v8 =	vld [tilespmem:s21+$0x19D0]  }
0x84: {  	v12 =	vmul.f32 v12, v9;
	v11 =	vadd.f32 v11, v15;
	v14 =	vld [tilespmem:s21+$0x19C0];
	[tilespmem:s18+$0x59D0] =	vst v7  }
0x85: {  	v17 =	vmul.f32 v2, v9;
	v7 =	vld [tilespmem:s21+$0x59D0];
	[tilespmem:s18+$0x59F0] =	vst v6  }
0x86: {  	v5 =	vadd.f32 v12, v5;
	v12 =	vmul.f32 v1, v9;
	v15 =	vmul.f32 v3, v9;
	v6 =	vld [tilespmem:s21+$0x59F0];
	[tilespmem:s18+$0x59B0] =	vst v11  }
0x87: {  	v9 =	vadd.f32 v17, v10;
	v11 =	vld [tilespmem:s21+$0x19B0];
	[tilespmem:s18+$0x5980] =	vst v13;
	v2 =	vmov v18  }
0x88: {  	v4 =	vadd.f32 v12, v4;
	v10 =	vadd.f32 v15, v16;
	v3 =	vld [tilespmem:s21+$0x1990];
	[tilespmem:s18+$0x59A0] =	vst v5  }
0x89: {  	v5 =	vld [tilespmem:s21+$0x59A0];
	[tilespmem:s18+$0x59E0] =	vst v9;
	v1 =	vmov v14  }
0x8a: {  	v13 =	vld [tilespmem:s21+$0x1980];
	[tilespmem:s18+$0x5990] =	vst v10  }
0x8b: {  	v12 =	vld [tilespmem:s21+$0x19A0];
	[tilespmem:s18+$0x59C0] =	vst v4;
	s18 =	smov.u32 s21  }
.Ltmp2:
0x8c: {  	v9 =	vld [tilespmem:s19+$0x0];
	(pc) =	sbr.rel @p0 .LBB2_6-.Ltmp2, $4  }
0x8d: {  	v4 =	vld [tilespmem:s18+$0x59C0]  }
0x8e: {  	v10 =	vld [tilespmem:s18+$0x59E0]  }
0x8f: {  	v14 =	vld [tilespmem:s18+$0x5980]  }
0x90: {  	s20 =	smov.u32 s22;
	v15 =	vld [tilespmem:s18+$0x59B0]  }
0x91: {  	v8 =	vmul.f32 v8, v9  }
0x92: {  	v0 =	vmul.f32 v0, v9  }
0x93: {  	v2 =	vmul.f32 v2, v9;
	v7 =	vadd.f32 v8, v7  }
0x94: {  	v1 =	vmul.f32 v1, v9;
	v0 =	vadd.f32 v0, v6  }
0x95: {  	v11 =	vmul.f32 v11, v9;
	v63 =	vld [tilespmem:s18+$0x5990];
	v2 =	vadd.f32 v2, v10;
	[tilespmem:s18+$0x59D0] =	vst v7  }
0x96: {  	v13 =	vmul.f32 v13, v9;
	v1 =	vadd.f32 v1, v4;
	[tilespmem:s18+$0x59F0] =	vst v0  }
0x97: {  	v6 =	vmul.f32 v12, v9;
	v11 =	vadd.f32 v11, v15;
	[tilespmem:s18+$0x59E0] =	vst v2  }
0x98: {  	v7 =	vadd.f32 v13, v14;
	v0 =	vmul.f32 v3, v9;
	[tilespmem:s18+$0x59C0] =	vst v1  }
0x99: {  	v3 =	vadd.f32 v6, v5;
	[tilespmem:s18+$0x59B0] =	vst v11  }
0x9a: {  	[tilespmem:s18+$0x5980] =	vst v7;
	v0 =	vadd.f32 v0, v63  }
0x9b: {  	[tilespmem:s18+$0x59A0] =	vst v3  }
0x9c: {  	s31 =	simm.s32 $0x0;
	[tilespmem:s18+$0x5990] =	vst v0  }
0x9d: {  	[hbm4b:s6+s31] =	stream.linear.scatter [tilespmem:s16], [sflag:$0x2], $0x4000, $0x38;
	[tilespmem:$0x9980] =	vst v63  }
0x9e: {  	_ =	swait.ge [sflag:s11], $0x4000  }
0x9f: {  	[sflag:s11] =	ssyncset.done $0x0  }
0xa0: {  	[sflag:s11] =	ssyncadd.s32 $0xFFFFC000  }
0xa1: {  	[tilespmem:s31], [sflag:$0x2] =	stream.linear.gather [hbm4b:s7+s31], $0x180, $0x38;
	[tilespmem:$0x9980] =	vst v63  }
0xa2: {  	_ =	swait.ge [sflag:s11], $0x180  }
0xa3: {  	[sflag:s11] =	ssyncset.done $0x0  }
0xa4: {  	s19 =	simm.s32 $0x180;
	[sflag:s11] =	ssyncadd.s32 $0xFFFFFE80  }
0xa5: {  	[tilespmem:s19], [sflag:$0x2] =	stream.linear.gather [hbm4b:s8+s31], $0x1800, $0x38;
	[tilespmem:$0x9980] =	vst v63  }
0xa6: {  	_ =	swait.ge [sflag:s11], $0x1800  }
0xa7: {  	[sflag:s11] =	ssyncset.done $0x0  }
0xa8: {  	[sflag:s11] =	ssyncadd.s32 $0xFFFFE800  }
0xa9: {  	[tilespmem:s13], [sflag:$0x1] =	stream.indirect.gather [hbm4b:s3+s12], $0x80, s31, s12, $0xb8;
	[tilespmem:$0x9980] =	vst v63  }
0xaa: {  	_ =	swait.ge [sflag:s14], $0x4000  }
0xab: {  	[sflag:s14] =	ssyncset.done $0x0  }
0xac: {  	s18 =	simm.s32 $0x0;
	[sflag:s14] =	ssyncadd.s32 $0xFFFFC000  }
0xad: {  	v0 =	vld [tilespmem:s18+$0x1980]  }
0xae: {  	v1 =	vld [tilespmem:s18+$0x1990]  }
0xaf: {  	v2 =	vld [tilespmem:s18+$0x19A0]  }
0xb0: {  	v4 =	vld [tilespmem:s18+$0x19B0]  }
0xb1: {  	s20 =	simm.s32 $0x200;
	v3 =	vld [tilespmem:s18+$0x19C0]  }
.LBB2_8:
0xb2: {  	p0 =	sne.s32 s20, $0xFE00;
	v5 =	vld [tilespmem:s19+$0x0]  }
0xb3: {  	v6 =	vld [tilespmem:s18+$0x19D0]  }
0xb4: {  	v7 =	vld [tilespmem:s18+$0x19E0]  }
0xb5: {  	v8 =	vld [tilespmem:s18+$0x19F0];
	_ =	sdelay $0x1  }
0xb6: {  	v0 =	vmul.f32 v0, v5;
	v1 =	vmul.f32 v1, v5  }
0xb7: {  	v2 =	vmul.f32 v2, v5;
	v4 =	vmul.f32 v4, v5  }
0xb8: {  	v3 =	vmul.f32 v3, v5;
	v6 =	vmul.f32 v6, v5;
	[tilespmem:s18+$0x5980] =	vst v0  }
0xb9: {  	v7 =	vmul.f32 v7, v5;
	[tilespmem:s18+$0x5990] =	vst v1;
	v5 =	vmul.f32 v8, v5  }
0xba: {  	s21 =	sshra.s32 s20, $0x2;
	[tilespmem:s18+$0x59A0] =	vst v2  }
.Ltmp3:
0xbb: {  	v0 =	vld [tilespmem:s21+$0x1980];
	[tilespmem:s18+$0x59B0] =	vst v4;
	(pc) =	sbr.rel @p0 .LBB2_8-.Ltmp3, $4  }
0xbc: {  	v1 =	vld [tilespmem:s21+$0x1990];
	[tilespmem:s18+$0x59C0] =	vst v3  }
0xbd: {  	v2 =	vld [tilespmem:s21+$0x19A0];
	[tilespmem:s18+$0x59D0] =	vst v6  }
0xbe: {  	v4 =	vld [tilespmem:s21+$0x19B0];
	[tilespmem:s18+$0x59E0] =	vst v7  }
0xbf: {  	s20 =	sadd.s32 $0x200, s20;
	s19 =	sadd.s32 $0x30, s19;
	v3 =	vld [tilespmem:s21+$0x19C0];
	[tilespmem:s18+$0x59F0] =	vst v5;
	s18 =	smov.u32 s21  }
0xc0: {  	v5 =	vld [tilespmem:s19+$0x0];
	_ =	sdelay $0x4  }
0xc1: {  	v6 =	vld [tilespmem:s18+$0x19D0];
	v0 =	vmul.f32 v0, v5  }
0xc2: {  	v7 =	vld [tilespmem:s18+$0x19E0];
	v1 =	vmul.f32 v1, v5  }
0xc3: {  	v8 =	vld [tilespmem:s18+$0x19F0];
	v2 =	vmul.f32 v2, v5;
	[tilespmem:s18+$0x5980] =	vst v0  }
0xc4: {  	v0 =	vmul.f32 v4, v5;
	[tilespmem:s18+$0x5990] =	vst v1  }
0xc5: {  	v1 =	vmul.f32 v3, v5;
	[tilespmem:s18+$0x59A0] =	vst v2  }
0xc6: {  	v2 =	vmul.f32 v6, v5;
	[tilespmem:s18+$0x59B0] =	vst v0  }
0xc7: {  	v0 =	vmul.f32 v7, v5;
	[tilespmem:s18+$0x59C0] =	vst v1  }
0xc8: {  	v1 =	vmul.f32 v8, v5;
	[tilespmem:s18+$0x59D0] =	vst v2  }
0xc9: {  	[tilespmem:s18+$0x59E0] =	vst v0  }
0xca: {  	[tilespmem:s18+$0x59F0] =	vst v1  }
0xcb: {  	[tilespmem:s13], [sflag:$0x1] =	stream.indirect.gather [hbm4b:s3+s12], $0x80, s12, s12, $0xb8;
	[tilespmem:$0x9980] =	vst v63  }
0xcc: {  	_ =	swait.ge [sflag:s14], $0x4000  }
0xcd: {  	[sflag:s14] =	ssyncset.done $0x0  }
0xce: {  	s18 =	simm.s32 $0x0;
	[sflag:s14] =	ssyncadd.s32 $0xFFFFC000  }
0xcf: {  	v0 =	vld [tilespmem:s18+$0x19F0]  }
0xd0: {  	v2 =	vld [tilespmem:s18+$0x19E0]  }
0xd1: {  	v8 =	vld [tilespmem:s18+$0x19D0]  }
0xd2: {  	v1 =	vld [tilespmem:s18+$0x19C0]  }
0xd3: {  	v7 =	vld [tilespmem:s18+$0x59D0]  }
0xd4: {  	v6 =	vld [tilespmem:s18+$0x59F0]  }
0xd5: {  	v11 =	vld [tilespmem:s18+$0x19B0]  }
0xd6: {  	v3 =	vld [tilespmem:s18+$0x1990]  }
0xd7: {  	v5 =	vld [tilespmem:s18+$0x59A0]  }
0xd8: {  	v13 =	vld [tilespmem:s18+$0x1980]  }
0xd9: {  	s19 =	simm.s32 $0x190;
	v12 =	vld [tilespmem:s18+$0x19A0]  }
0xda: {  	v9 =	vld [tilespmem:s19+$0x0]  }
0xdb: {  	v4 =	vld [tilespmem:s18+$0x59C0]  }
0xdc: {  	v10 =	vld [tilespmem:s18+$0x59E0]  }
0xdd: {  	v14 =	vld [tilespmem:s18+$0x5980]  }
0xde: {  	s20 =	simm.s32 $0x200;
	v15 =	vld [tilespmem:s18+$0x59B0]  }
.LBB2_10:
0xdf: {  	s22 =	smov.u32 s20  }
0xe0: {  	s21 =	sshra.s32 s20, $0x2;
	v16 =	vld [tilespmem:s18+$0x5990];
	v8 =	vmul.f32 v8, v9;
	s19 =	sadd.s32 $0x30, s19;
	s22 =	sadd.s32 $0x200, s20  }
0xe1: {  	p0 =	sne.s32 s20, $0xFE00;
	v13 =	vmul.f32 v13, v9;
	v17 =	vmul.f32 v0, v9;
	v0 =	vld [tilespmem:s21+$0x19F0]  }
0xe2: {  	v11 =	vmul.f32 v11, v9;
	v7 =	vadd.f32 v8, v7;
	v18 =	vld [tilespmem:s21+$0x19E0]  }
0xe3: {  	v6 =	vadd.f32 v17, v6;
	v13 =	vadd.f32 v13, v14;
	v8 =	vld [tilespmem:s21+$0x19D0]  }
0xe4: {  	v12 =	vmul.f32 v12, v9;
	v11 =	vadd.f32 v11, v15;
	v14 =	vld [tilespmem:s21+$0x19C0];
	[tilespmem:s18+$0x59D0] =	vst v7  }
0xe5: {  	v17 =	vmul.f32 v2, v9;
	v7 =	vld [tilespmem:s21+$0x59D0];
	[tilespmem:s18+$0x59F0] =	vst v6  }
0xe6: {  	v5 =	vadd.f32 v12, v5;
	v12 =	vmul.f32 v1, v9;
	v15 =	vmul.f32 v3, v9;
	v6 =	vld [tilespmem:s21+$0x59F0];
	[tilespmem:s18+$0x59B0] =	vst v11  }
0xe7: {  	v9 =	vadd.f32 v17, v10;
	v11 =	vld [tilespmem:s21+$0x19B0];
	[tilespmem:s18+$0x5980] =	vst v13;
	v2 =	vmov v18  }
0xe8: {  	v4 =	vadd.f32 v12, v4;
	v10 =	vadd.f32 v15, v16;
	v3 =	vld [tilespmem:s21+$0x1990];
	[tilespmem:s18+$0x59A0] =	vst v5  }
0xe9: {  	v5 =	vld [tilespmem:s21+$0x59A0];
	[tilespmem:s18+$0x59E0] =	vst v9;
	v1 =	vmov v14  }
0xea: {  	v13 =	vld [tilespmem:s21+$0x1980];
	[tilespmem:s18+$0x5990] =	vst v10  }
0xeb: {  	v12 =	vld [tilespmem:s21+$0x19A0];
	[tilespmem:s18+$0x59C0] =	vst v4;
	s18 =	smov.u32 s21  }
.Ltmp4:
0xec: {  	v9 =	vld [tilespmem:s19+$0x0];
	(pc) =	sbr.rel @p0 .LBB2_10-.Ltmp4, $4  }
0xed: {  	v4 =	vld [tilespmem:s18+$0x59C0]  }
0xee: {  	v10 =	vld [tilespmem:s18+$0x59E0]  }
0xef: {  	v14 =	vld [tilespmem:s18+$0x5980]  }
0xf0: {  	s20 =	smov.u32 s22;
	v15 =	vld [tilespmem:s18+$0x59B0]  }
0xf1: {  	v8 =	vmul.f32 v8, v9  }
0xf2: {  	v0 =	vmul.f32 v0, v9  }
0xf3: {  	v2 =	vmul.f32 v2, v9;
	v7 =	vadd.f32 v8, v7  }
0xf4: {  	v1 =	vmul.f32 v1, v9;
	v0 =	vadd.f32 v0, v6  }
0xf5: {  	v11 =	vmul.f32 v11, v9;
	v8 =	vld [tilespmem:s18+$0x5990];
	v2 =	vadd.f32 v2, v10;
	[tilespmem:s18+$0x59D0] =	vst v7  }
0xf6: {  	v13 =	vmul.f32 v13, v9;
	v1 =	vadd.f32 v1, v4;
	[tilespmem:s18+$0x59F0] =	vst v0  }
0xf7: {  	v6 =	vmul.f32 v12, v9;
	v11 =	vadd.f32 v11, v15;
	[tilespmem:s18+$0x59E0] =	vst v2  }
0xf8: {  	v7 =	vadd.f32 v13, v14;
	v0 =	vmul.f32 v3, v9;
	[tilespmem:s18+$0x59C0] =	vst v1  }
0xf9: {  	v3 =	vadd.f32 v6, v5;
	[tilespmem:s18+$0x59B0] =	vst v11  }
0xfa: {  	[tilespmem:s18+$0x5980] =	vst v7;
	v0 =	vadd.f32 v0, v8  }
0xfb: {  	[tilespmem:s18+$0x59A0] =	vst v3  }
0xfc: {  	[tilespmem:s18+$0x5990] =	vst v0  }
0xfd: {  	[tilespmem:s13], [sflag:$0x1] =	stream.indirect.gather [hbm4b:s3+s12], $0x80, s15, s12, $0xb8;
	[tilespmem:$0x9980] =	vst v63  }
0xfe: {  	_ =	swait.ge [sflag:s14], $0x4000  }
0xff: {  	[sflag:s14] =	ssyncset.done $0x0  }
0x100: {  	s18 =	simm.s32 $0x0;
	[sflag:s14] =	ssyncadd.s32 $0xFFFFC000  }
0x101: {  	v0 =	vld [tilespmem:s18+$0x19F0]  }
0x102: {  	v2 =	vld [tilespmem:s18+$0x19E0]  }
0x103: {  	v8 =	vld [tilespmem:s18+$0x19D0]  }
0x104: {  	v1 =	vld [tilespmem:s18+$0x19C0]  }
0x105: {  	v7 =	vld [tilespmem:s18+$0x59D0]  }
0x106: {  	v6 =	vld [tilespmem:s18+$0x59F0]  }
0x107: {  	v11 =	vld [tilespmem:s18+$0x19B0]  }
0x108: {  	v3 =	vld [tilespmem:s18+$0x1990]  }
0x109: {  	v5 =	vld [tilespmem:s18+$0x59A0]  }
0x10a: {  	v13 =	vld [tilespmem:s18+$0x1980]  }
0x10b: {  	s19 =	simm.s32 $0x1A0;
	v12 =	vld [tilespmem:s18+$0x19A0]  }
0x10c: {  	v9 =	vld [tilespmem:s19+$0x0]  }
0x10d: {  	v4 =	vld [tilespmem:s18+$0x59C0]  }
0x10e: {  	v10 =	vld [tilespmem:s18+$0x59E0]  }
0x10f: {  	v14 =	vld [tilespmem:s18+$0x5980]  }
0x110: {  	s20 =	simm.s32 $0x200;
	v15 =	vld [tilespmem:s18+$0x59B0]  }
.LBB2_12:
0x111: {  	s22 =	smov.u32 s20  }
0x112: {  	s21 =	sshra.s32 s20, $0x2;
	v16 =	vld [tilespmem:s18+$0x5990];
	v8 =	vmul.f32 v8, v9;
	s19 =	sadd.s32 $0x30, s19;
	s22 =	sadd.s32 $0x200, s20  }
0x113: {  	p0 =	sne.s32 s20, $0xFE00;
	v13 =	vmul.f32 v13, v9;
	v17 =	vmul.f32 v0, v9;
	v0 =	vld [tilespmem:s21+$0x19F0]  }
0x114: {  	v11 =	vmul.f32 v11, v9;
	v7 =	vadd.f32 v8, v7;
	v18 =	vld [tilespmem:s21+$0x19E0]  }
0x115: {  	v6 =	vadd.f32 v17, v6;
	v13 =	vadd.f32 v13, v14;
	v8 =	vld [tilespmem:s21+$0x19D0]  }
0x116: {  	v12 =	vmul.f32 v12, v9;
	v11 =	vadd.f32 v11, v15;
	v14 =	vld [tilespmem:s21+$0x19C0];
	[tilespmem:s18+$0x59D0] =	vst v7  }
0x117: {  	v17 =	vmul.f32 v2, v9;
	v7 =	vld [tilespmem:s21+$0x59D0];
	[tilespmem:s18+$0x59F0] =	vst v6  }
0x118: {  	v5 =	vadd.f32 v12, v5;
	v12 =	vmul.f32 v1, v9;
	v15 =	vmul.f32 v3, v9;
	v6 =	vld [tilespmem:s21+$0x59F0];
	[tilespmem:s18+$0x59B0] =	vst v11  }
0x119: {  	v9 =	vadd.f32 v17, v10;
	v11 =	vld [tilespmem:s21+$0x19B0];
	[tilespmem:s18+$0x5980] =	vst v13;
	v2 =	vmov v18  }
0x11a: {  	v4 =	vadd.f32 v12, v4;
	v10 =	vadd.f32 v15, v16;
	v3 =	vld [tilespmem:s21+$0x1990];
	[tilespmem:s18+$0x59A0] =	vst v5  }
0x11b: {  	v5 =	vld [tilespmem:s21+$0x59A0];
	[tilespmem:s18+$0x59E0] =	vst v9;
	v1 =	vmov v14  }
0x11c: {  	v13 =	vld [tilespmem:s21+$0x1980];
	[tilespmem:s18+$0x5990] =	vst v10  }
0x11d: {  	v12 =	vld [tilespmem:s21+$0x19A0];
	[tilespmem:s18+$0x59C0] =	vst v4;
	s18 =	smov.u32 s21  }
.Ltmp5:
0x11e: {  	v9 =	vld [tilespmem:s19+$0x0];
	(pc) =	sbr.rel @p0 .LBB2_12-.Ltmp5, $4  }
0x11f: {  	v4 =	vld [tilespmem:s18+$0x59C0]  }
0x120: {  	v10 =	vld [tilespmem:s18+$0x59E0]  }
0x121: {  	v14 =	vld [tilespmem:s18+$0x5980]  }
0x122: {  	s20 =	smov.u32 s22;
	v15 =	vld [tilespmem:s18+$0x59B0]  }
0x123: {  	v8 =	vmul.f32 v8, v9  }
0x124: {  	v0 =	vmul.f32 v0, v9  }
0x125: {  	v60 =	vmul.f32 v12, v9;
	v7 =	vadd.f32 v8, v7  }
0x126: {  	v2 =	vmul.f32 v2, v9;
	v0 =	vadd.f32 v0, v6  }
0x127: {  	v59 =	vld [tilespmem:s18+$0x5990];
	v1 =	vmul.f32 v1, v9;
	v63 =	vadd.f32 v60, v5;
	[tilespmem:s18+$0x59D0] =	vst v7  }
0x128: {  	v13 =	vmul.f32 v13, v9;
	v2 =	vadd.f32 v2, v10;
	[tilespmem:s18+$0x59F0] =	vst v0  }
0x129: {  	v11 =	vmul.f32 v11, v9;
	v1 =	vadd.f32 v1, v4;
	[tilespmem:s18+$0x59A0] =	vst v63  }
0x12a: {  	v62 =	vmul.f32 v3, v9;
	v61 =	vadd.f32 v13, v14;
	[tilespmem:s18+$0x59E0] =	vst v2  }
0x12b: {  	v11 =	vadd.f32 v11, v15;
	[tilespmem:s18+$0x59C0] =	vst v1  }
0x12c: {  	s17 =	sadd.s32 $0x1, s17;
	[tilespmem:s18+$0x5980] =	vst v61;
	v0 =	vadd.f32 v62, v59  }
0x12d: {  	p0 =	sne.s32 s17, s10;
	[tilespmem:s18+$0x59B0] =	vst v11  }
.Ltmp6:
0x12e: {  	[tilespmem:s18+$0x5990] =	vst v0;
	(pc) =	sbr.rel @p0 .LBB2_1-.Ltmp6, $4  }
0x12f: {  	[hbm4b:s9+s2] =	stream.linear.scatter [tilespmem:s16], [sflag:$0x2], $0x4000, $0x38;
	[tilespmem:$0x9980] =	vst v63  }
0x130: {  	_ =	swait.ge [sflag:s11], $0x4000  }
0x131: {  	[sflag:s11] =	ssyncset.done $0x0  }
0x132: {  	[sflag:s11] =	ssyncadd.s32 $0xFFFFC000  }
0x133: {  	_ =	sfence.sel $0x180000  }
0x134: {  	[bflag:$0x0] =	sbarrier.arrive $0xFFFF  }
0x135: {  	p0 =	sne.s32 s1, $0x0;
	_ =	strace $0x9000004A  }
0x136: {  	s0 =	sadd.s32 @!p0 $0x100000, s0;
	[bflag:$0x2] =	sbarrier.arrive $0xFFFF  }
0x137: {  	[sflag:s0] =	ssyncadd.tile.s32 @!p0 $0x1;
	_ =	shalt  }
.Lfunc_end2:
_tile_overlayer_lowered:
.L_overlay_start_2:
0x138: {  	(tag) =	ssettag $0x2  }
0x139: {  	s0 =	rddreg [dreg:$0x0];
	s2 =	stileid.u32  }
0x13a: {  	s1 =	rddreg [dreg:$0x1];
	p0 =	sne.s32 s2, $0x0  }
0x13b: {  	s3 =	rddreg [dreg:$0x2];
	[bflag:$0x3] =	sbarrier.arrive $0xFFFF;
	s2 =	simm.s32 @!p0 $0x1C02  }
0x13c: {  	[timem:s3], [sflag:s2] =	dma.local @!p0 [hbm:s0], s1  }
0x13d: {  	s0 =	simm.s32 @!p0 $0x2  }
0x13e: {  	_ =	swait.ge @!p0 [sflag:s0], s1  }
0x13f: {  	s1 =	ssub.s32 @!p0 $0x0, s1;
	[sflag:s0] =	ssyncset.done @!p0 $0x0  }
0x140: {  	[sflag:s0] =	ssyncadd.s32 @!p0 s1  }
0x141: {  	[bflag:$0x3] =	sbarrier.arrive $0xFFFF  }
0x142: {  	_ =	shalt  }

// kernel: kernel.9.cloned.1.call-start
scs
__scs_entry_jumppad:
0x0: {  	(pc) =	sbr.rel $0x88, $3  }
0x1: {  	(tag) =	ssettag $0x0;
	lr =	simm.s32 $0x1  }
0x2: {  	[smem:$0x3F97] =	sst lr;
	_ =	strace $0xD0000000  }
0x3: {  	_ = 	snop  }
0x4: {  	_ = 	snop  }
0x5: {  	_ = 	snop  }
0x6: {  	_ = 	snop  }
0x7: {  	_ = 	snop  }
__scs_overlays_trampoline_lowered:
0x8: {  	[smem:$0x3FA6] =	sst s0  }
0x9: {  	[smem:$0x3FA7] =	sst s1  }
0xa: {  	[smem:$0x3FA8] =	sst s2  }
0xb: {  	[smem:$0x3FA9] =	sst s3  }
0xc: {  	[smem:$0x3FAA] =	sst s4  }
0xd: {  	[smem:$0x3FAB] =	sst s5  }
0xe: {  	[smem:$0x3FAC] =	sst s6  }
0xf: {  	[smem:$0x3FAD] =	sst s7  }
0x10: {  	[smem:$0x3FAE] =	sst s8  }
0x11: {  	[smem:$0x3FAF] =	sst s9;
	s0 =	simm.s32 @!p0 $0x0  }
0x12: {  	s1 =	sld [smem:$0x3F95];
	s0 =	simm.s32 @p0 $0x1  }
0x13: {  	[smem:$0x3FB0] =	sst s0;
	s0 =	simm.s32 @!p1 $0x0  }
0x14: {  	s2 =	sld [smem:$0x3F94];
	s0 =	simm.s32 @p1 $0x1  }
0x15: {  	[smem:$0x3FB1] =	sst s0;
	s0 =	simm.s32 @!p2 $0x0  }
0x16: {  	s3 =	sld [smem:$0x3FDB];
	s0 =	simm.s32 @p2 $0x1  }
0x17: {  	s4 =	simm.s32 $0x1BF5;
	[smem:$0x3FB3] =	sst s0  }
0x18: {  	s0 =	sld [smem:$0x3F96];
	_ =	swait.ge [sflag:s4], $0x0  }
0x19: {  	s7 =	sld [smem:$0x3F97]  }
0x1a: {  	s8 =	sadd.s32 $0xFFFFE003, lr  }
0x1b: {  	s9 =	sadd.s32 $0xFFFFFEF7, lr;
	s5 =	simm.s32 $0xFFFFFFFF;
	p2 =	slt.u32 s8, $0xFFFFF086  }
0x1c: {  	p1 =	slt.u32 s9, $0xF7A;
	s5 =	simm.s32 @!p2 $0x0  }
0x1d: {  	s5 =	simm.s32 @p1 $0x1;
	p0 =	seq.s32 s7, s2  }
0x1e: {  	s7 =	smul.u32 @!p0 $0xF7A, s2;
	p2 =	seq.s32 @!p0 s5, $0x0  }
0x1f: {  	s9 =	smul.u32 $0xF7A, s1;
	s8 =	simm.s32 @!p0 $0x1BF5;
	p2 =	por !p2, p0  }
0x20: {  	[sflag:s8] =	ssyncset.s32 @!p0 $0xFFFFF086;
	s6 =	sadd.s32 @!p0 s3, s7;
	s7 =	simm.s32 @!p0 $0x108  }
0x21: {  	s3 =	sadd.s32 s3, s9;
	s6 =	sadd.s32 @!p0 $0x88, s6;
	s7 =	simm.s32 @p2 $0x1082  }
0x22: {  	[simem:s7], [sflag:s8] =	dma.local @!p0 [hbm:s6], $0xF7A  }
0x23: {  	s9 =	sor.u32 $0xD0000000, s2;
	s6 =	simm.s32 $0x108;
	_ =	swait.ge @!p0 [sflag:s8], $0x0  }
0x24: {  	s3 =	sadd.s32 $0x88, s3;
	s6 =	simm.s32 @!p1 $0x1082;
	[sflag:s4] =	ssyncset.s32 $0xFFFFF086  }
0x25: {  	[simem:s6], [sflag:s4] =	dma.local [hbm:s3], $0xF7A  }
0x26: {  	[smem:$0x3F97] =	sst s1;
	(tag) =	ssettag s2;
	_ =	strace s9  }
0x27: {  	s1 =	sld [smem:$0x3FA7]  }
0x28: {  	s2 =	sld [smem:$0x3FA8]  }
0x29: {  	s4 =	sld [smem:$0x3FAA]  }
0x2a: {  	p0 =	seq.s32 s5, $0x0;
	s5 =	sld [smem:$0x3FAB]  }
0x2b: {  	s6 =	sld [smem:$0x3FAC]  }
0x2c: {  	s7 =	sld [smem:$0x3FAD]  }
0x2d: {  	s3 =	simm.s32 $0x108;
	s8 =	sld [smem:$0x3FAE]  }
0x2e: {  	s3 =	simm.s32 @!p0 $0x1082;
	s9 =	sld [smem:$0x3FAF]  }
0x2f: {  	lr =	sadd.s32 s0, s3;
	s0 =	sld [smem:$0x3FA6]  }
0x30: {  	s3 =	sld [smem:$0x3FA9]  }
0x31: {  	[smem:$0x3FB2] =	sst s10  }
0x32: {  	s10 =	sld [smem:$0x3FB0];
	_ =	sdelay $0x3  }
0x33: {  	p0 =	seq.s32 s10, $0x1;
	s10 =	sld [smem:$0x3FB2];
	_ =	sdelay $0x3  }
0x34: {  	[smem:$0x3FB2] =	sst s10  }
0x35: {  	s10 =	sld [smem:$0x3FB1];
	_ =	sdelay $0x3  }
0x36: {  	p1 =	seq.s32 s10, $0x1;
	s10 =	sld [smem:$0x3FB2];
	_ =	sdelay $0x3  }
0x37: {  	[smem:$0x3FB2] =	sst s10  }
0x38: {  	s10 =	sld [smem:$0x3FB3]  }
0x39: {  	_ = 	snop;
	(pc) =	sbr.ind lr, $3  }
0x3a: {  	_ = 	snop  }
0x3b: {  	_ = 	snop  }
0x3c: {  	p2 =	seq.s32 s10, $0x1;
	s10 =	sld [smem:$0x3FB2]  }
0x3d: {  	_ =	shalt  }
0x3e: {  	_ =	shalt  }
0x3f: {  	_ =	shalt  }
0x40: {  	_ =	shalt  }
0x41: {  	_ =	shalt  }
0x42: {  	_ =	shalt  }
0x43: {  	_ =	shalt  }
0x44: {  	_ =	shalt  }
0x45: {  	_ =	shalt  }
0x46: {  	_ =	shalt  }
0x47: {  	_ =	shalt  }
0x48: {  	_ =	shalt  }
0x49: {  	_ =	shalt  }
0x4a: {  	_ =	shalt  }
0x4b: {  	_ =	shalt  }
0x4c: {  	_ =	shalt  }
0x4d: {  	_ =	shalt  }
0x4e: {  	_ =	shalt  }
0x4f: {  	_ =	shalt  }
0x50: {  	_ =	shalt  }
0x51: {  	_ =	shalt  }
0x52: {  	_ =	shalt  }
0x53: {  	_ =	shalt  }
0x54: {  	_ =	shalt  }
0x55: {  	_ =	shalt  }
0x56: {  	_ =	shalt  }
0x57: {  	_ =	shalt  }
0x58: {  	_ =	shalt  }
0x59: {  	_ =	shalt  }
0x5a: {  	_ =	shalt  }
0x5b: {  	_ =	shalt  }
0x5c: {  	_ =	shalt  }
0x5d: {  	_ =	shalt  }
0x5e: {  	_ =	shalt  }
0x5f: {  	_ =	shalt  }
0x60: {  	_ =	shalt  }
0x61: {  	_ =	shalt  }
0x62: {  	_ =	shalt  }
0x63: {  	_ =	shalt  }
0x64: {  	_ =	shalt  }
0x65: {  	_ =	shalt  }
0x66: {  	_ =	shalt  }
0x67: {  	_ =	shalt  }
0x68: {  	_ =	shalt  }
0x69: {  	_ =	shalt  }
0x6a: {  	_ =	shalt  }
0x6b: {  	_ =	shalt  }
0x6c: {  	_ =	shalt  }
0x6d: {  	_ =	shalt  }
0x6e: {  	_ =	shalt  }
0x6f: {  	_ =	shalt  }
0x70: {  	_ =	shalt  }
0x71: {  	_ =	shalt  }
0x72: {  	_ =	shalt  }
0x73: {  	_ =	shalt  }
0x74: {  	_ =	shalt  }
0x75: {  	_ =	shalt  }
0x76: {  	_ =	shalt  }
0x77: {  	_ =	shalt  }
0x78: {  	_ =	shalt  }
0x79: {  	_ =	shalt  }
0x7a: {  	_ =	shalt  }
0x7b: {  	_ =	shalt  }
0x7c: {  	_ =	shalt  }
0x7d: {  	_ =	shalt  }
0x7e: {  	_ =	shalt  }
0x7f: {  	_ =	shalt  }
0x80: {  	_ =	shalt  }
0x81: {  	_ =	shalt  }
0x82: {  	_ =	shalt  }
0x83: {  	_ =	shalt  }
0x84: {  	_ =	shalt  }
0x85: {  	_ =	shalt  }
0x86: {  	_ =	shalt  }
0x87: {  	_ =	shalt  }
.Lfunc_end0:
.L_simem_size_0:
called_computation_lowered:
.L_overlay_start_0:
0x88: {  	s2 =	sld [smem:$0x3FD9]  }
0x89: {  	s3 =	sld [smem:$0x3FFE];
	_ =	sdelay $0x1  }
0x8a: {  	s1 =	srdreg.scid  }
0x8b: {  	s0 =	sand.u32 $0x1, s1  }
0x8c: {  	s16 =	sshll.u32 s0, $0xA;
	s2 =	sadd.s32 s3, s2  }
0x8d: {  	s2 =	sadd.s32 s2, s16  }
0x8e: {  	[smem:$0x3FBE] =	sst s2  }
0x8f: {  	_ = 	snop  }
0x90: {  	(tm) =	ssettm $0x1  }
0x91: {  	s17 =	sld [smem:$0x3FFB];
	_ =	sdelay $0x3  }
0x92: {  	_ =	strace s17  }
0x93: {  	s2 =	sld [smem:$0x3FFC];
	_ =	sdelay $0x3  }
0x94: {  	_ =	strace s2  }
0x95: {  	s2 =	sld [smem:$0x3FFD];
	_ =	sdelay $0x3  }
0x96: {  	_ =	strace s2  }
0x97: {  	_ =	strace $0x8FFFFFFF  }
0x98: {  	s18 =	sld [smem:$0x3FDB];
	_ =	sdelay $0x1  }
0x99: {  	s19 =	simm.s32 $_scs_section_size  }
0x9a: {  	s4 =	simm.s32 $_size__tile_overlayer_lowered;
	s5 =	simm.s32 $_tile_overlayer_lowered  }
0x9b: {  	s22 =	simm.s32 $0x1BFF;
	s21 =	sshll.u32 s5, $0x1;
	s2 =	sadd.s32 s19, s18  }
0x9c: {  	s6 =	simm.s32 $0x0;
	s20 =	sshll.u32 s4, $0x1;
	s4 =	sadd.s32 s21, s2  }
0x9d: {  	[timem:s6], [sflag:s22] =	dma.local [hbm:s4], s20  }
0x9e: {  	_ =	swait.ge [sflag:s22], s20  }
0x9f: {  	s3 =	ssub.s32 $0x0, s20;
	[sflag:s22] =	ssyncset.done $0x0  }
0xa0: {  	[sflag:s22] =	ssyncadd.s32 s3;
	_ =	sdelay $0x1  }
0xa1: {  	s23 =	simm.s32 $0x1B8B  }
0xa2: {  	_ =	swait.ge [sflag:s23], $0x1  }
0xa3: {  	[sflag:s23] =	ssyncset.done $0x0  }
0xa4: {  	s25 =	simm.s32 $0x1B8E;
	s24 =	sld [smem:$0x3FFE];
	[sflag:s23] =	ssyncadd.s32 $0xFFFFFFFF  }
0xa5: {  	s26 =	simm.s32 $execute0_lowered;
	[smem:$0x3FD2] =	sst s25  }
0xa6: {  	s4 =	sshll.u32 s26, $0x1;
	_ =	strace $0x80000046;
	[dreg:$0x1] =	wrdreg $0xFFFFFFFF  }
0xa7: {  	s28 =	simm.s32 $_size_execute0_lowered;
	s2 =	sadd.s32 s2, s4;
	[dreg:$0x0] =	wrdreg $0x0  }
0xa8: {  	s4 =	sshll.u32 s28, $0x1;
	[dreg:$0x2] =	wrdreg s2  }
0xa9: {  	[dreg:$0x3] =	wrdreg s4  }
0xaa: {  	[dreg:$0x4] =	wrdreg $0xC0  }
0xab: {  	_ =	task [dreg:s6], $0x5FFFF  }
0xac: {  	[dreg:$0x1] =	wrdreg $0xFFFFFFFF  }
0xad: {  	[dreg:$0x0] =	wrdreg $0x60  }
0xae: {  	[dreg:$0x2] =	wrdreg s24  }
0xaf: {  	[dreg:$0x3] =	wrdreg $0x9  }
0xb0: {  	_ =	task.clear_ibuf [dreg:s6], $0x4FFFF;
	_ =	strace $0x90000046  }
0xb1: {  	s29 =	simm.s32 $0x9;
	_ =	strace $0x80000048  }
0xb2: {  	_ =	swait.ge [sflag:s29], $0x1  }
0xb3: {  	[sflag:s29] =	ssyncadd.s32 $0xFFFFFFFF  }
0xb4: {  	_ =	strace $0x90000048  }
0xb5: {  	_ =	sfence  }
0xb6: {  	s30 =	sld [smem:$0x0];
	_ =	sdelay $0x2  }
0xb7: {  	s31 =	sshll.u32 s1, $0xD;
	s1 =	sshrl.u32 s1, $0x2  }
0xb8: {  	s3 =	sand.u32 $0x4000, s31;
	s1 =	sadd.s32 s1, s30  }
0xb9: {  	s0 =	sor.u32 s3, s0;
	s1 =	sshll.u32 s1, $0x11  }
0xba: {  	s0 =	sor.u32 s1, s0  }
0xbb: {  	s0 =	sadd.s32 $0x8F2B, s0  }
0xbc: {  	[sflag:s0] =	ssyncadd.remote.s32 $0x1  }
0xbd: {  	_ =	sfence.sel $0xFFFF  }
0xbe: {  	[dreg:$0x0] =	wrdreg $0xFFFFFFFF;
	(pc) =	sbr.abs _section_cstart, $3  }
0xbf: {  	[dreg:$0x1] =	wrdreg $0xFFFFFFFF  }
0xc0: {  	_ =	task.clear_ibuf [dreg:s6], $0x2FFFF;
	_ =	strace $0x9FFFFFFF  }
0xc1: {  	(tm) =	ssettm $0x7FFFFFFF  }
tec
execute0_lowered:
.L_overlay_start_1:
0x0: {  	(tag) =	ssettag $0x1  }
0x1: {  	s4 =	rddreg [dreg:$0x0]  }
0x2: {  	s0 =	rddreg [dreg:$0x1]  }
0x3: {  	s2 =	simm.s32 $0x0;
	s3 =	srdreg.scid;
	s1 =	stileid.u32  }
0x4: {  	s16 =	simm.s32 $0x5980;
	s17 =	simm.s32 $0x0;
	[smem:$0x7FF] =	sst s2  }
0x5: {  	s5 =	sand.u32 $0x1, s3;
	s6 =	sshll.u32 s1, $0x1;
	s3 =	sadd.s32 $0x43600, s4  }
0x6: {  	s7 =	sadd.s32 $0x5F600, s4;
	s8 =	sadd.s32 $0x53600, s4;
	s6 =	sor.u32 s5, s6  }
0x7: {  	s12 =	sadd.s32 $0x60200, s4;
	_ =	strace $0x80000047;
	s9 =	smul.u32 $0x60, s6  }
0x8: {  	s5 =	ssub.s32 $0x2, s5;
	s10 =	smul.u32 $0x600, s6;
	s11 =	sshllo.u32 s6, $0x1  }
0x9: {  	s30 =	sshrl.u32 s5, $0x1;
	s6 =	sshll.u32 s6, $0xC;
	s13 =	smul.u32 $0x30, s11  }
0xa: {  	s14 =	ssub.s32 s5, s30;
	s15 =	smul.u32 $0x300, s11;
	s6 =	sadd.s32 s12, s6  }
0xb: {  	s31 =	sshll.u32 s11, $0xB;
	s11 =	simm.s32 $0x2;
	s4 =	sadd.s32 s7, s9  }
0xc: {  	s5 =	sadd.s32 s8, s10;
	s9 =	sadd.s32 s12, s31;
	s10 =	smax.u32 s14, $0x1  }
0xd: {  	s12 =	simm.s32 $0x80;
	s14 =	simm.s32 $0x1;
	s7 =	sadd.s32 s7, s13  }
0xe: {  	s8 =	sadd.s32 s8, s15;
	s13 =	simm.s32 $0x1980;
	s15 =	simm.s32 $0x100  }
.LBB2_1:
0xf: {  	[tilespmem:s2], [sflag:$0x2] =	stream.linear.gather [hbm4b:s4+s2], $0x180, $0x38;
	[tilespmem:$0x9980] =	vst v63  }
0x10: {  	_ =	swait.ge [sflag:s11], $0x180  }
0x11: {  	[sflag:s11] =	ssyncset.done $0x0  }
0x12: {  	s19 =	simm.s32 $0x180;
	[sflag:s11] =	ssyncadd.s32 $0xFFFFFE80  }
0x13: {  	[tilespmem:s19], [sflag:$0x2] =	stream.linear.gather [hbm4b:s5+s2], $0x1800, $0x38;
	[tilespmem:$0x9980] =	vst v63  }
0x14: {  	_ =	swait.ge [sflag:s11], $0x1800  }
0x15: {  	[sflag:s11] =	ssyncset.done $0x0  }
0x16: {  	[sflag:s11] =	ssyncadd.s32 $0xFFFFE800  }
0x17: {  	[tilespmem:s13], [sflag:$0x1] =	stream.indirect.gather [hbm4b:s3+s12], $0x80, s2, s12, $0xb8;
	[tilespmem:$0x9980] =	vst v63  }
0x18: {  	_ =	swait.ge [sflag:s14], $0x4000  }
0x19: {  	[sflag:s14] =	ssyncset.done $0x0  }
0x1a: {  	s18 =	simm.s32 $0x0;
	[sflag:s14] =	ssyncadd.s32 $0xFFFFC000  }
0x1b: {  	v0 =	vld [tilespmem:s18+$0x1980]  }
0x1c: {  	v1 =	vld [tilespmem:s18+$0x1990]  }
0x1d: {  	v2 =	vld [tilespmem:s18+$0x19A0]  }
0x1e: {  	v4 =	vld [tilespmem:s18+$0x19B0]  }
0x1f: {  	s20 =	simm.s32 $0x200;
	v3 =	vld [tilespmem:s18+$0x19C0]  }
.LBB2_2:
0x20: {  	p0 =	sne.s32 s20, $0xFE00;
	v5 =	vld [tilespmem:s19+$0x0]  }
0x21: {  	v6 =	vld [tilespmem:s18+$0x19D0]  }
0x22: {  	v7 =	vld [tilespmem:s18+$0x19E0]  }
0x23: {  	v8 =	vld [tilespmem:s18+$0x19F0];
	_ =	sdelay $0x1  }
0x24: {  	v0 =	vmul.f32 v0, v5;
	v1 =	vmul.f32 v1, v5  }
0x25: {  	v2 =	vmul.f32 v2, v5;
	v4 =	vmul.f32 v4, v5  }
0x26: {  	v3 =	vmul.f32 v3, v5;
	v6 =	vmul.f32 v6, v5;
	[tilespmem:s18+$0x5980] =	vst v0  }
0x27: {  	v7 =	vmul.f32 v7, v5;
	[tilespmem:s18+$0x5990] =	vst v1;
	v5 =	vmul.f32 v8, v5  }
0x28: {  	s21 =	sshra.s32 s20, $0x2;
	[tilespmem:s18+$0x59A0] =	vst v2  }
.Ltmp0:
0x29: {  	v0 =	vld [tilespmem:s21+$0x1980];
	[tilespmem:s18+$0x59B0] =	vst v4;
	(pc) =	sbr.rel @p0 .LBB2_2-.Ltmp0, $4  }
0x2a: {  	v1 =	vld [tilespmem:s21+$0x1990];
	[tilespmem:s18+$0x59C0] =	vst v3  }
0x2b: {  	v2 =	vld [tilespmem:s21+$0x19A0];
	[tilespmem:s18+$0x59D0] =	vst v6  }
0x2c: {  	v4 =	vld [tilespmem:s21+$0x19B0];
	[tilespmem:s18+$0x59E0] =	vst v7  }
0x2d: {  	s20 =	sadd.s32 $0x200, s20;
	s19 =	sadd.s32 $0x30, s19;
	v3 =	vld [tilespmem:s21+$0x19C0];
	[tilespmem:s18+$0x59F0] =	vst v5;
	s18 =	smov.u32 s21  }
0x2e: {  	v5 =	vld [tilespmem:s19+$0x0];
	_ =	sdelay $0x4  }
0x2f: {  	v6 =	vld [tilespmem:s18+$0x19D0];
	v0 =	vmul.f32 v0, v5  }
0x30: {  	v7 =	vld [tilespmem:s18+$0x19E0];
	v1 =	vmul.f32 v1, v5  }
0x31: {  	v8 =	vld [tilespmem:s18+$0x19F0];
	v2 =	vmul.f32 v2, v5;
	[tilespmem:s18+$0x5980] =	vst v0  }
0x32: {  	v0 =	vmul.f32 v4, v5;
	[tilespmem:s18+$0x5990] =	vst v1  }
0x33: {  	v1 =	vmul.f32 v3, v5;
	[tilespmem:s18+$0x59A0] =	vst v2  }
0x34: {  	v2 =	vmul.f32 v6, v5;
	[tilespmem:s18+$0x59B0] =	vst v0  }
0x35: {  	v0 =	vmul.f32 v7, v5;
	[tilespmem:s18+$0x59C0] =	vst v1  }
0x36: {  	v1 =	vmul.f32 v8, v5;
	[tilespmem:s18+$0x59D0] =	vst v2  }
0x37: {  	[tilespmem:s18+$0x59E0] =	vst v0  }
0x38: {  	[tilespmem:s18+$0x59F0] =	vst v1  }
0x39: {  	[tilespmem:s13], [sflag:$0x1] =	stream.indirect.gather [hbm4b:s3+s12], $0x80, s12, s12, $0xb8;
	[tilespmem:$0x9980] =	vst v63  }
0x3a: {  	_ =	swait.ge [sflag:s14], $0x4000  }
0x3b: {  	[sflag:s14] =	ssyncset.done $0x0  }
0x3c: {  	s18 =	simm.s32 $0x0;
	[sflag:s14] =	ssyncadd.s32 $0xFFFFC000  }
0x3d: {  	v0 =	vld [tilespmem:s18+$0x19F0]  }
0x3e: {  	v2 =	vld [tilespmem:s18+$0x19E0]  }
0x3f: {  	v8 =	vld [tilespmem:s18+$0x19D0]  }
0x40: {  	v1 =	vld [tilespmem:s18+$0x19C0]  }
0x41: {  	v7 =	vld [tilespmem:s18+$0x59D0]  }
0x42: {  	v6 =	vld [tilespmem:s18+$0x59F0]  }
0x43: {  	v11 =	vld [tilespmem:s18+$0x19B0]  }
0x44: {  	v3 =	vld [tilespmem:s18+$0x1990]  }
0x45: {  	v5 =	vld [tilespmem:s18+$0x59A0]  }
0x46: {  	v13 =	vld [tilespmem:s18+$0x1980]  }
0x47: {  	s19 =	simm.s32 $0x190;
	v12 =	vld [tilespmem:s18+$0x19A0]  }
0x48: {  	v9 =	vld [tilespmem:s19+$0x0]  }
0x49: {  	v4 =	vld [tilespmem:s18+$0x59C0]  }
0x4a: {  	v10 =	vld [tilespmem:s18+$0x59E0]  }
0x4b: {  	v14 =	vld [tilespmem:s18+$0x5980]  }
0x4c: {  	s20 =	simm.s32 $0x200;
	v15 =	vld [tilespmem:s18+$0x59B0]  }
.LBB2_4:
0x4d: {  	s22 =	smov.u32 s20  }
0x4e: {  	s21 =	sshra.s32 s20, $0x2;
	v16 =	vld [tilespmem:s18+$0x5990];
	v8 =	vmul.f32 v8, v9;
	s19 =	sadd.s32 $0x30, s19;
	s22 =	sadd.s32 $0x200, s20  }
0x4f: {  	p0 =	sne.s32 s20, $0xFE00;
	v13 =	vmul.f32 v13, v9;
	v17 =	vmul.f32 v0, v9;
	v0 =	vld [tilespmem:s21+$0x19F0]  }
0x50: {  	v11 =	vmul.f32 v11, v9;
	v7 =	vadd.f32 v8, v7;
	v18 =	vld [tilespmem:s21+$0x19E0]  }
0x51: {  	v6 =	vadd.f32 v17, v6;
	v13 =	vadd.f32 v13, v14;
	v8 =	vld [tilespmem:s21+$0x19D0]  }
0x52: {  	v12 =	vmul.f32 v12, v9;
	v11 =	vadd.f32 v11, v15;
	v14 =	vld [tilespmem:s21+$0x19C0];
	[tilespmem:s18+$0x59D0] =	vst v7  }
0x53: {  	v17 =	vmul.f32 v2, v9;
	v7 =	vld [tilespmem:s21+$0x59D0];
	[tilespmem:s18+$0x59F0] =	vst v6  }
0x54: {  	v5 =	vadd.f32 v12, v5;
	v12 =	vmul.f32 v1, v9;
	v15 =	vmul.f32 v3, v9;
	v6 =	vld [tilespmem:s21+$0x59F0];
	[tilespmem:s18+$0x59B0] =	vst v11  }
0x55: {  	v9 =	vadd.f32 v17, v10;
	v11 =	vld [tilespmem:s21+$0x19B0];
	[tilespmem:s18+$0x5980] =	vst v13;
	v2 =	vmov v18  }
0x56: {  	v4 =	vadd.f32 v12, v4;
	v10 =	vadd.f32 v15, v16;
	v3 =	vld [tilespmem:s21+$0x1990];
	[tilespmem:s18+$0x59A0] =	vst v5  }
0x57: {  	v5 =	vld [tilespmem:s21+$0x59A0];
	[tilespmem:s18+$0x59E0] =	vst v9;
	v1 =	vmov v14  }
0x58: {  	v13 =	vld [tilespmem:s21+$0x1980];
	[tilespmem:s18+$0x5990] =	vst v10  }
0x59: {  	v12 =	vld [tilespmem:s21+$0x19A0];
	[tilespmem:s18+$0x59C0] =	vst v4;
	s18 =	smov.u32 s21  }
.Ltmp1:
0x5a: {  	v9 =	vld [tilespmem:s19+$0x0];
	(pc) =	sbr.rel @p0 .LBB2_4-.Ltmp1, $4  }
0x5b: {  	v4 =	vld [tilespmem:s18+$0x59C0]  }
0x5c: {  	v10 =	vld [tilespmem:s18+$0x59E0]  }
0x5d: {  	v14 =	vld [tilespmem:s18+$0x5980]  }
0x5e: {  	s20 =	smov.u32 s22;
	v15 =	vld [tilespmem:s18+$0x59B0]  }
0x5f: {  	v8 =	vmul.f32 v8, v9  }
0x60: {  	v0 =	vmul.f32 v0, v9  }
0x61: {  	v2 =	vmul.f32 v2, v9;
	v7 =	vadd.f32 v8, v7  }
0x62: {  	v1 =	vmul.f32 v1, v9;
	v0 =	vadd.f32 v0, v6  }
0x63: {  	v11 =	vmul.f32 v11, v9;
	v8 =	vld [tilespmem:s18+$0x5990];
	v2 =	vadd.f32 v2, v10;
	[tilespmem:s18+$0x59D0] =	vst v7  }
0x64: {  	v13 =	vmul.f32 v13, v9;
	v1 =	vadd.f32 v1, v4;
	[tilespmem:s18+$0x59F0] =	vst v0  }
0x65: {  	v6 =	vmul.f32 v12, v9;
	v11 =	vadd.f32 v11, v15;
	[tilespmem:s18+$0x59E0] =	vst v2  }
0x66: {  	v7 =	vadd.f32 v13, v14;
	v0 =	vmul.f32 v3, v9;
	[tilespmem:s18+$0x59C0] =	vst v1  }
0x67: {  	v3 =	vadd.f32 v6, v5;
	[tilespmem:s18+$0x59B0] =	vst v11  }
0x68: {  	[tilespmem:s18+$0x5980] =	vst v7;
	v0 =	vadd.f32 v0, v8  }
0x69: {  	[tilespmem:s18+$0x59A0] =	vst v3  }
0x6a: {  	[tilespmem:s18+$0x5990] =	vst v0  }
0x6b: {  	[tilespmem:s13], [sflag:$0x1] =	stream.indirect.gather [hbm4b:s3+s12], $0x80, s15, s12, $0xb8;
	[tilespmem:$0x9980] =	vst v63  }
0x6c: {  	_ =	swait.ge [sflag:s14], $0x4000  }
0x6d: {  	[sflag:s14] =	ssyncset.done $0x0  }
0x6e: {  	s18 =	simm.s32 $0x0;
	[sflag:s14] =	ssyncadd.s32 $0xFFFFC000  }
0x6f: {  	v0 =	vld [tilespmem:s18+$0x19F0]  }
0x70: {  	v2 =	vld [tilespmem:s18+$0x19E0]  }
0x71: {  	v8 =	vld [tilespmem:s18+$0x19D0]  }
0x72: {  	v1 =	vld [tilespmem:s18+$0x19C0]  }
0x73: {  	v7 =	vld [tilespmem:s18+$0x59D0]  }
0x74: {  	v6 =	vld [tilespmem:s18+$0x59F0]  }
0x75: {  	v11 =	vld [tilespmem:s18+$0x19B0]  }
0x76: {  	v3 =	vld [tilespmem:s18+$0x1990]  }
0x77: {  	v5 =	vld [tilespmem:s18+$0x59A0]  }
0x78: {  	v13 =	vld [tilespmem:s18+$0x1980]  }
0x79: {  	s19 =	simm.s32 $0x1A0;
	v12 =	vld [tilespmem:s18+$0x19A0]  }
0x7a: {  	v9 =	vld [tilespmem:s19+$0x0]  }
0x7b: {  	v4 =	vld [tilespmem:s18+$0x59C0]  }
0x7c: {  	v10 =	vld [tilespmem:s18+$0x59E0]  }
0x7d: {  	v14 =	vld [tilespmem:s18+$0x5980]  }
0x7e: {  	s20 =	simm.s32 $0x200;
	v15 =	vld [tilespmem:s18+$0x59B0]  }
.LBB2_6:
0x7f: {  	s22 =	smov.u32 s20  }
0x80: {  	s21 =	sshra.s32 s20, $0x2;
	v16 =	vld [tilespmem:s18+$0x5990];
	v8 =	vmul.f32 v8, v9;
	s19 =	sadd.s32 $0x30, s19;
	s22 =	sadd.s32 $0x200, s20  }
0x81: {  	p0 =	sne.s32 s20, $0xFE00;
	v13 =	vmul.f32 v13, v9;
	v17 =	vmul.f32 v0, v9;
	v0 =	vld [tilespmem:s21+$0x19F0]  }
0x82: {  	v11 =	vmul.f32 v11, v9;
	v7 =	vadd.f32 v8, v7;
	v18 =	vld [tilespmem:s21+$0x19E0]  }
0x83: {  	v6 =	vadd.f32 v17, v6;
	v13 =	vadd.f32 v13, v14;
	v8 =	vld [tilespmem:s21+$0x19D0]  }
0x84: {  	v12 =	vmul.f32 v12, v9;
	v11 =	vadd.f32 v11, v15;
	v14 =	vld [tilespmem:s21+$0x19C0];
	[tilespmem:s18+$0x59D0] =	vst v7  }
0x85: {  	v17 =	vmul.f32 v2, v9;
	v7 =	vld [tilespmem:s21+$0x59D0];
	[tilespmem:s18+$0x59F0] =	vst v6  }
0x86: {  	v5 =	vadd.f32 v12, v5;
	v12 =	vmul.f32 v1, v9;
	v15 =	vmul.f32 v3, v9;
	v6 =	vld [tilespmem:s21+$0x59F0];
	[tilespmem:s18+$0x59B0] =	vst v11  }
0x87: {  	v9 =	vadd.f32 v17, v10;
	v11 =	vld [tilespmem:s21+$0x19B0];
	[tilespmem:s18+$0x5980] =	vst v13;
	v2 =	vmov v18  }
0x88: {  	v4 =	vadd.f32 v12, v4;
	v10 =	vadd.f32 v15, v16;
	v3 =	vld [tilespmem:s21+$0x1990];
	[tilespmem:s18+$0x59A0] =	vst v5  }
0x89: {  	v5 =	vld [tilespmem:s21+$0x59A0];
	[tilespmem:s18+$0x59E0] =	vst v9;
	v1 =	vmov v14  }
0x8a: {  	v13 =	vld [tilespmem:s21+$0x1980];
	[tilespmem:s18+$0x5990] =	vst v10  }
0x8b: {  	v12 =	vld [tilespmem:s21+$0x19A0];
	[tilespmem:s18+$0x59C0] =	vst v4;
	s18 =	smov.u32 s21  }
.Ltmp2:
0x8c: {  	v9 =	vld [tilespmem:s19+$0x0];
	(pc) =	sbr.rel @p0 .LBB2_6-.Ltmp2, $4  }
0x8d: {  	v4 =	vld [tilespmem:s18+$0x59C0]  }
0x8e: {  	v10 =	vld [tilespmem:s18+$0x59E0]  }
0x8f: {  	v14 =	vld [tilespmem:s18+$0x5980]  }
0x90: {  	s20 =	smov.u32 s22;
	v15 =	vld [tilespmem:s18+$0x59B0]  }
0x91: {  	v8 =	vmul.f32 v8, v9  }
0x92: {  	v0 =	vmul.f32 v0, v9  }
0x93: {  	v2 =	vmul.f32 v2, v9;
	v7 =	vadd.f32 v8, v7  }
0x94: {  	v1 =	vmul.f32 v1, v9;
	v0 =	vadd.f32 v0, v6  }
0x95: {  	v11 =	vmul.f32 v11, v9;
	v63 =	vld [tilespmem:s18+$0x5990];
	v2 =	vadd.f32 v2, v10;
	[tilespmem:s18+$0x59D0] =	vst v7  }
0x96: {  	v13 =	vmul.f32 v13, v9;
	v1 =	vadd.f32 v1, v4;
	[tilespmem:s18+$0x59F0] =	vst v0  }
0x97: {  	v6 =	vmul.f32 v12, v9;
	v11 =	vadd.f32 v11, v15;
	[tilespmem:s18+$0x59E0] =	vst v2  }
0x98: {  	v7 =	vadd.f32 v13, v14;
	v0 =	vmul.f32 v3, v9;
	[tilespmem:s18+$0x59C0] =	vst v1  }
0x99: {  	v3 =	vadd.f32 v6, v5;
	[tilespmem:s18+$0x59B0] =	vst v11  }
0x9a: {  	[tilespmem:s18+$0x5980] =	vst v7;
	v0 =	vadd.f32 v0, v63  }
0x9b: {  	[tilespmem:s18+$0x59A0] =	vst v3  }
0x9c: {  	s31 =	simm.s32 $0x0;
	[tilespmem:s18+$0x5990] =	vst v0  }
0x9d: {  	[hbm4b:s6+s31] =	stream.linear.scatter [tilespmem:s16], [sflag:$0x2], $0x4000, $0x38;
	[tilespmem:$0x9980] =	vst v63  }
0x9e: {  	_ =	swait.ge [sflag:s11], $0x4000  }
0x9f: {  	[sflag:s11] =	ssyncset.done $0x0  }
0xa0: {  	[sflag:s11] =	ssyncadd.s32 $0xFFFFC000  }
0xa1: {  	[tilespmem:s31], [sflag:$0x2] =	stream.linear.gather [hbm4b:s7+s31], $0x180, $0x38;
	[tilespmem:$0x9980] =	vst v63  }
0xa2: {  	_ =	swait.ge [sflag:s11], $0x180  }
0xa3: {  	[sflag:s11] =	ssyncset.done $0x0  }
0xa4: {  	s19 =	simm.s32 $0x180;
	[sflag:s11] =	ssyncadd.s32 $0xFFFFFE80  }
0xa5: {  	[tilespmem:s19], [sflag:$0x2] =	stream.linear.gather [hbm4b:s8+s31], $0x1800, $0x38;
	[tilespmem:$0x9980] =	vst v63  }
0xa6: {  	_ =	swait.ge [sflag:s11], $0x1800  }
0xa7: {  	[sflag:s11] =	ssyncset.done $0x0  }
0xa8: {  	[sflag:s11] =	ssyncadd.s32 $0xFFFFE800  }
0xa9: {  	[tilespmem:s13], [sflag:$0x1] =	stream.indirect.gather [hbm4b:s3+s12], $0x80, s31, s12, $0xb8;
	[tilespmem:$0x9980] =	vst v63  }
0xaa: {  	_ =	swait.ge [sflag:s14], $0x4000  }
0xab: {  	[sflag:s14] =	ssyncset.done $0x0  }
0xac: {  	s18 =	simm.s32 $0x0;
	[sflag:s14] =	ssyncadd.s32 $0xFFFFC000  }
0xad: {  	v0 =	vld [tilespmem:s18+$0x1980]  }
0xae: {  	v1 =	vld [tilespmem:s18+$0x1990]  }
0xaf: {  	v2 =	vld [tilespmem:s18+$0x19A0]  }
0xb0: {  	v4 =	vld [tilespmem:s18+$0x19B0]  }
0xb1: {  	s20 =	simm.s32 $0x200;
	v3 =	vld [tilespmem:s18+$0x19C0]  }
.LBB2_8:
0xb2: {  	p0 =	sne.s32 s20, $0xFE00;
	v5 =	vld [tilespmem:s19+$0x0]  }
0xb3: {  	v6 =	vld [tilespmem:s18+$0x19D0]  }
0xb4: {  	v7 =	vld [tilespmem:s18+$0x19E0]  }
0xb5: {  	v8 =	vld [tilespmem:s18+$0x19F0];
	_ =	sdelay $0x1  }
0xb6: {  	v0 =	vmul.f32 v0, v5;
	v1 =	vmul.f32 v1, v5  }
0xb7: {  	v2 =	vmul.f32 v2, v5;
	v4 =	vmul.f32 v4, v5  }
0xb8: {  	v3 =	vmul.f32 v3, v5;
	v6 =	vmul.f32 v6, v5;
	[tilespmem:s18+$0x5980] =	vst v0  }
0xb9: {  	v7 =	vmul.f32 v7, v5;
	[tilespmem:s18+$0x5990] =	vst v1;
	v5 =	vmul.f32 v8, v5  }
0xba: {  	s21 =	sshra.s32 s20, $0x2;
	[tilespmem:s18+$0x59A0] =	vst v2  }
.Ltmp3:
0xbb: {  	v0 =	vld [tilespmem:s21+$0x1980];
	[tilespmem:s18+$0x59B0] =	vst v4;
	(pc) =	sbr.rel @p0 .LBB2_8-.Ltmp3, $4  }
0xbc: {  	v1 =	vld [tilespmem:s21+$0x1990];
	[tilespmem:s18+$0x59C0] =	vst v3  }
0xbd: {  	v2 =	vld [tilespmem:s21+$0x19A0];
	[tilespmem:s18+$0x59D0] =	vst v6  }
0xbe: {  	v4 =	vld [tilespmem:s21+$0x19B0];
	[tilespmem:s18+$0x59E0] =	vst v7  }
0xbf: {  	s20 =	sadd.s32 $0x200, s20;
	s19 =	sadd.s32 $0x30, s19;
	v3 =	vld [tilespmem:s21+$0x19C0];
	[tilespmem:s18+$0x59F0] =	vst v5;
	s18 =	smov.u32 s21  }
0xc0: {  	v5 =	vld [tilespmem:s19+$0x0];
	_ =	sdelay $0x4  }
0xc1: {  	v6 =	vld [tilespmem:s18+$0x19D0];
	v0 =	vmul.f32 v0, v5  }
0xc2: {  	v7 =	vld [tilespmem:s18+$0x19E0];
	v1 =	vmul.f32 v1, v5  }
0xc3: {  	v8 =	vld [tilespmem:s18+$0x19F0];
	v2 =	vmul.f32 v2, v5;
	[tilespmem:s18+$0x5980] =	vst v0  }
0xc4: {  	v0 =	vmul.f32 v4, v5;
	[tilespmem:s18+$0x5990] =	vst v1  }
0xc5: {  	v1 =	vmul.f32 v3, v5;
	[tilespmem:s18+$0x59A0] =	vst v2  }
0xc6: {  	v2 =	vmul.f32 v6, v5;
	[tilespmem:s18+$0x59B0] =	vst v0  }
0xc7: {  	v0 =	vmul.f32 v7, v5;
	[tilespmem:s18+$0x59C0] =	vst v1  }
0xc8: {  	v1 =	vmul.f32 v8, v5;
	[tilespmem:s18+$0x59D0] =	vst v2  }
0xc9: {  	[tilespmem:s18+$0x59E0] =	vst v0  }
0xca: {  	[tilespmem:s18+$0x59F0] =	vst v1  }
0xcb: {  	[tilespmem:s13], [sflag:$0x1] =	stream.indirect.gather [hbm4b:s3+s12], $0x80, s12, s12, $0xb8;
	[tilespmem:$0x9980] =	vst v63  }
0xcc: {  	_ =	swait.ge [sflag:s14], $0x4000  }
0xcd: {  	[sflag:s14] =	ssyncset.done $0x0  }
0xce: {  	s18 =	simm.s32 $0x0;
	[sflag:s14] =	ssyncadd.s32 $0xFFFFC000  }
0xcf: {  	v0 =	vld [tilespmem:s18+$0x19F0]  }
0xd0: {  	v2 =	vld [tilespmem:s18+$0x19E0]  }
0xd1: {  	v8 =	vld [tilespmem:s18+$0x19D0]  }
0xd2: {  	v1 =	vld [tilespmem:s18+$0x19C0]  }
0xd3: {  	v7 =	vld [tilespmem:s18+$0x59D0]  }
0xd4: {  	v6 =	vld [tilespmem:s18+$0x59F0]  }
0xd5: {  	v11 =	vld [tilespmem:s18+$0x19B0]  }
0xd6: {  	v3 =	vld [tilespmem:s18+$0x1990]  }
0xd7: {  	v5 =	vld [tilespmem:s18+$0x59A0]  }
0xd8: {  	v13 =	vld [tilespmem:s18+$0x1980]  }
0xd9: {  	s19 =	simm.s32 $0x190;
	v12 =	vld [tilespmem:s18+$0x19A0]  }
0xda: {  	v9 =	vld [tilespmem:s19+$0x0]  }
0xdb: {  	v4 =	vld [tilespmem:s18+$0x59C0]  }
0xdc: {  	v10 =	vld [tilespmem:s18+$0x59E0]  }
0xdd: {  	v14 =	vld [tilespmem:s18+$0x5980]  }
0xde: {  	s20 =	simm.s32 $0x200;
	v15 =	vld [tilespmem:s18+$0x59B0]  }
.LBB2_10:
0xdf: {  	s22 =	smov.u32 s20  }
0xe0: {  	s21 =	sshra.s32 s20, $0x2;
	v16 =	vld [tilespmem:s18+$0x5990];
	v8 =	vmul.f32 v8, v9;
	s19 =	sadd.s32 $0x30, s19;
	s22 =	sadd.s32 $0x200, s20  }
0xe1: {  	p0 =	sne.s32 s20, $0xFE00;
	v13 =	vmul.f32 v13, v9;
	v17 =	vmul.f32 v0, v9;
	v0 =	vld [tilespmem:s21+$0x19F0]  }
0xe2: {  	v11 =	vmul.f32 v11, v9;
	v7 =	vadd.f32 v8, v7;
	v18 =	vld [tilespmem:s21+$0x19E0]  }
0xe3: {  	v6 =	vadd.f32 v17, v6;
	v13 =	vadd.f32 v13, v14;
	v8 =	vld [tilespmem:s21+$0x19D0]  }
0xe4: {  	v12 =	vmul.f32 v12, v9;
	v11 =	vadd.f32 v11, v15;
	v14 =	vld [tilespmem:s21+$0x19C0];
	[tilespmem:s18+$0x59D0] =	vst v7  }
0xe5: {  	v17 =	vmul.f32 v2, v9;
	v7 =	vld [tilespmem:s21+$0x59D0];
	[tilespmem:s18+$0x59F0] =	vst v6  }
0xe6: {  	v5 =	vadd.f32 v12, v5;
	v12 =	vmul.f32 v1, v9;
	v15 =	vmul.f32 v3, v9;
	v6 =	vld [tilespmem:s21+$0x59F0];
	[tilespmem:s18+$0x59B0] =	vst v11  }
0xe7: {  	v9 =	vadd.f32 v17, v10;
	v11 =	vld [tilespmem:s21+$0x19B0];
	[tilespmem:s18+$0x5980] =	vst v13;
	v2 =	vmov v18  }
0xe8: {  	v4 =	vadd.f32 v12, v4;
	v10 =	vadd.f32 v15, v16;
	v3 =	vld [tilespmem:s21+$0x1990];
	[tilespmem:s18+$0x59A0] =	vst v5  }
0xe9: {  	v5 =	vld [tilespmem:s21+$0x59A0];
	[tilespmem:s18+$0x59E0] =	vst v9;
	v1 =	vmov v14  }
0xea: {  	v13 =	vld [tilespmem:s21+$0x1980];
	[tilespmem:s18+$0x5990] =	vst v10  }
0xeb: {  	v12 =	vld [tilespmem:s21+$0x19A0];
	[tilespmem:s18+$0x59C0] =	vst v4;
	s18 =	smov.u32 s21  }
.Ltmp4:
0xec: {  	v9 =	vld [tilespmem:s19+$0x0];
	(pc) =	sbr.rel @p0 .LBB2_10-.Ltmp4, $4  }
0xed: {  	v4 =	vld [tilespmem:s18+$0x59C0]  }
0xee: {  	v10 =	vld [tilespmem:s18+$0x59E0]  }
0xef: {  	v14 =	vld [tilespmem:s18+$0x5980]  }
0xf0: {  	s20 =	smov.u32 s22;
	v15 =	vld [tilespmem:s18+$0x59B0]  }
0xf1: {  	v8 =	vmul.f32 v8, v9  }
0xf2: {  	v0 =	vmul.f32 v0, v9  }
0xf3: {  	v2 =	vmul.f32 v2, v9;
	v7 =	vadd.f32 v8, v7  }
0xf4: {  	v1 =	vmul.f32 v1, v9;
	v0 =	vadd.f32 v0, v6  }
0xf5: {  	v11 =	vmul.f32 v11, v9;
	v8 =	vld [tilespmem:s18+$0x5990];
	v2 =	vadd.f32 v2, v10;
	[tilespmem:s18+$0x59D0] =	vst v7  }
0xf6: {  	v13 =	vmul.f32 v13, v9;
	v1 =	vadd.f32 v1, v4;
	[tilespmem:s18+$0x59F0] =	vst v0  }
0xf7: {  	v6 =	vmul.f32 v12, v9;
	v11 =	vadd.f32 v11, v15;
	[tilespmem:s18+$0x59E0] =	vst v2  }
0xf8: {  	v7 =	vadd.f32 v13, v14;
	v0 =	vmul.f32 v3, v9;
	[tilespmem:s18+$0x59C0] =	vst v1  }
0xf9: {  	v3 =	vadd.f32 v6, v5;
	[tilespmem:s18+$0x59B0] =	vst v11  }
0xfa: {  	[tilespmem:s18+$0x5980] =	vst v7;
	v0 =	vadd.f32 v0, v8  }
0xfb: {  	[tilespmem:s18+$0x59A0] =	vst v3  }
0xfc: {  	[tilespmem:s18+$0x5990] =	vst v0  }
0xfd: {  	[tilespmem:s13], [sflag:$0x1] =	stream.indirect.gather [hbm4b:s3+s12], $0x80, s15, s12, $0xb8;
	[tilespmem:$0x9980] =	vst v63  }
0xfe: {  	_ =	swait.ge [sflag:s14], $0x4000  }
0xff: {  	[sflag:s14] =	ssyncset.done $0x0  }
0x100: {  	s18 =	simm.s32 $0x0;
	[sflag:s14] =	ssyncadd.s32 $0xFFFFC000  }
0x101: {  	v0 =	vld [tilespmem:s18+$0x19F0]  }
0x102: {  	v2 =	vld [tilespmem:s18+$0x19E0]  }
0x103: {  	v8 =	vld [tilespmem:s18+$0x19D0]  }
0x104: {  	v1 =	vld [tilespmem:s18+$0x19C0]  }
0x105: {  	v7 =	vld [tilespmem:s18+$0x59D0]  }
0x106: {  	v6 =	vld [tilespmem:s18+$0x59F0]  }
0x107: {  	v11 =	vld [tilespmem:s18+$0x19B0]  }
0x108: {  	v3 =	vld [tilespmem:s18+$0x1990]  }
0x109: {  	v5 =	vld [tilespmem:s18+$0x59A0]  }
0x10a: {  	v13 =	vld [tilespmem:s18+$0x1980]  }
0x10b: {  	s19 =	simm.s32 $0x1A0;
	v12 =	vld [tilespmem:s18+$0x19A0]  }
0x10c: {  	v9 =	vld [tilespmem:s19+$0x0]  }
0x10d: {  	v4 =	vld [tilespmem:s18+$0x59C0]  }
0x10e: {  	v10 =	vld [tilespmem:s18+$0x59E0]  }
0x10f: {  	v14 =	vld [tilespmem:s18+$0x5980]  }
0x110: {  	s20 =	simm.s32 $0x200;
	v15 =	vld [tilespmem:s18+$0x59B0]  }
.LBB2_12:
0x111: {  	s22 =	smov.u32 s20  }
0x112: {  	s21 =	sshra.s32 s20, $0x2;
	v16 =	vld [tilespmem:s18+$0x5990];
	v8 =	vmul.f32 v8, v9;
	s19 =	sadd.s32 $0x30, s19;
	s22 =	sadd.s32 $0x200, s20  }
0x113: {  	p0 =	sne.s32 s20, $0xFE00;
	v13 =	vmul.f32 v13, v9;
	v17 =	vmul.f32 v0, v9;
	v0 =	vld [tilespmem:s21+$0x19F0]  }
0x114: {  	v11 =	vmul.f32 v11, v9;
	v7 =	vadd.f32 v8, v7;
	v18 =	vld [tilespmem:s21+$0x19E0]  }
0x115: {  	v6 =	vadd.f32 v17, v6;
	v13 =	vadd.f32 v13, v14;
	v8 =	vld [tilespmem:s21+$0x19D0]  }
0x116: {  	v12 =	vmul.f32 v12, v9;
	v11 =	vadd.f32 v11, v15;
	v14 =	vld [tilespmem:s21+$0x19C0];
	[tilespmem:s18+$0x59D0] =	vst v7  }
0x117: {  	v17 =	vmul.f32 v2, v9;
	v7 =	vld [tilespmem:s21+$0x59D0];
	[tilespmem:s18+$0x59F0] =	vst v6  }
0x118: {  	v5 =	vadd.f32 v12, v5;
	v12 =	vmul.f32 v1, v9;
	v15 =	vmul.f32 v3, v9;
	v6 =	vld [tilespmem:s21+$0x59F0];
	[tilespmem:s18+$0x59B0] =	vst v11  }
0x119: {  	v9 =	vadd.f32 v17, v10;
	v11 =	vld [tilespmem:s21+$0x19B0];
	[tilespmem:s18+$0x5980] =	vst v13;
	v2 =	vmov v18  }
0x11a: {  	v4 =	vadd.f32 v12, v4;
	v10 =	vadd.f32 v15, v16;
	v3 =	vld [tilespmem:s21+$0x1990];
	[tilespmem:s18+$0x59A0] =	vst v5  }
0x11b: {  	v5 =	vld [tilespmem:s21+$0x59A0];
	[tilespmem:s18+$0x59E0] =	vst v9;
	v1 =	vmov v14  }
0x11c: {  	v13 =	vld [tilespmem:s21+$0x1980];
	[tilespmem:s18+$0x5990] =	vst v10  }
0x11d: {  	v12 =	vld [tilespmem:s21+$0x19A0];
	[tilespmem:s18+$0x59C0] =	vst v4;
	s18 =	smov.u32 s21  }
.Ltmp5:
0x11e: {  	v9 =	vld [tilespmem:s19+$0x0];
	(pc) =	sbr.rel @p0 .LBB2_12-.Ltmp5, $4  }
0x11f: {  	v4 =	vld [tilespmem:s18+$0x59C0]  }
0x120: {  	v10 =	vld [tilespmem:s18+$0x59E0]  }
0x121: {  	v14 =	vld [tilespmem:s18+$0x5980]  }
0x122: {  	s20 =	smov.u32 s22;
	v15 =	vld [tilespmem:s18+$0x59B0]  }
0x123: {  	v8 =	vmul.f32 v8, v9  }
0x124: {  	v0 =	vmul.f32 v0, v9  }
0x125: {  	v60 =	vmul.f32 v12, v9;
	v7 =	vadd.f32 v8, v7  }
0x126: {  	v2 =	vmul.f32 v2, v9;
	v0 =	vadd.f32 v0, v6  }
0x127: {  	v59 =	vld [tilespmem:s18+$0x5990];
	v1 =	vmul.f32 v1, v9;
	v63 =	vadd.f32 v60, v5;
	[tilespmem:s18+$0x59D0] =	vst v7  }
0x128: {  	v13 =	vmul.f32 v13, v9;
	v2 =	vadd.f32 v2, v10;
	[tilespmem:s18+$0x59F0] =	vst v0  }
0x129: {  	v11 =	vmul.f32 v11, v9;
	v1 =	vadd.f32 v1, v4;
	[tilespmem:s18+$0x59A0] =	vst v63  }
0x12a: {  	v62 =	vmul.f32 v3, v9;
	v61 =	vadd.f32 v13, v14;
	[tilespmem:s18+$0x59E0] =	vst v2  }
0x12b: {  	v11 =	vadd.f32 v11, v15;
	[tilespmem:s18+$0x59C0] =	vst v1  }
0x12c: {  	s17 =	sadd.s32 $0x1, s17;
	[tilespmem:s18+$0x5980] =	vst v61;
	v0 =	vadd.f32 v62, v59  }
0x12d: {  	p0 =	sne.s32 s17, s10;
	[tilespmem:s18+$0x59B0] =	vst v11  }
.Ltmp6:
0x12e: {  	[tilespmem:s18+$0x5990] =	vst v0;
	(pc) =	sbr.rel @p0 .LBB2_1-.Ltmp6, $4  }
0x12f: {  	[hbm4b:s9+s2] =	stream.linear.scatter [tilespmem:s16], [sflag:$0x2], $0x4000, $0x38;
	[tilespmem:$0x9980] =	vst v63  }
0x130: {  	_ =	swait.ge [sflag:s11], $0x4000  }
0x131: {  	[sflag:s11] =	ssyncset.done $0x0  }
0x132: {  	[sflag:s11] =	ssyncadd.s32 $0xFFFFC000  }
0x133: {  	_ =	sfence.sel $0x180000  }
0x134: {  	[bflag:$0x0] =	sbarrier.arrive $0xFFFF  }
0x135: {  	p0 =	sne.s32 s1, $0x0;
	_ =	strace $0x90000047  }
0x136: {  	s0 =	sadd.s32 @!p0 $0x100000, s0;
	[bflag:$0x2] =	sbarrier.arrive $0xFFFF  }
0x137: {  	[sflag:s0] =	ssyncadd.tile.s32 @!p0 $0x1;
	_ =	shalt  }
.Lfunc_end2:
_tile_overlayer_lowered:
.L_overlay_start_2:
0x138: {  	(tag) =	ssettag $0x2  }
0x139: {  	s0 =	rddreg [dreg:$0x0];
	s2 =	stileid.u32  }
0x13a: {  	s1 =	rddreg [dreg:$0x1];
	p0 =	sne.s32 s2, $0x0  }
0x13b: {  	s3 =	rddreg [dreg:$0x2];
	[bflag:$0x3] =	sbarrier.arrive $0xFFFF;
	s2 =	simm.s32 @!p0 $0x1C02  }
0x13c: {  	[timem:s3], [sflag:s2] =	dma.local @!p0 [hbm:s0], s1  }
0x13d: {  	s0 =	simm.s32 @!p0 $0x2  }
0x13e: {  	_ =	swait.ge @!p0 [sflag:s0], s1  }
0x13f: {  	s1 =	ssub.s32 @!p0 $0x0, s1;
	[sflag:s0] =	ssyncset.done @!p0 $0x0  }
0x140: {  	[sflag:s0] =	ssyncadd.s32 @!p0 s1  }
0x141: {  	[bflag:$0x3] =	sbarrier.arrive $0xFFFF  }
0x142: {  	_ =	shalt  }

</sc_bundles>
